<compile_context>
chip_gen: v7x
topology: tpu7x:2x2x1
jax: 0.10.2.dev20260603
libtpu: 0.0.44.dev20260713+nightly
codegen_flags: <defaults>
</compile_context>

<pallas_src>
import jax
import jax.numpy as jnp
from jax import lax
from jax.experimental import pallas as pl
from jax.experimental.pallas import tpu as pltpu
from jax.experimental.pallas import tpu_sc as plsc

_B = 4
_T = 4096
_D = 1024

_SPLIT = 1536
_NW = 32
_R = 8
_NCH = _SPLIT // _NW // _R
_NV = _R * _D // 16
_NS = 3

_BT = 512
_TC_BLK0 = _SPLIT // _BT


def _sc_body(x2, pe2, out2,
             spe0, spe1, spe2, sxb0, sxb1, sxb2,
             si0, si1, si2, so0, so1, so2):
    spe = [spe0, spe1, spe2]
    sxb = [sxb0, sxb1, sxb2]
    si = [si0, si1, si2]
    so = [so0, so1, so2]

    wid = lax.axis_index("s") * 2 + lax.axis_index("c")
    base = wid * _NCH * _R

    def in_copies(j, s):
        row = base + j * _R
        cps = [pltpu.make_async_copy(pe2.at[pl.ds(row, _R)], spe[s], si[s])]
        for b in range(_B):
            cps.append(pltpu.make_async_copy(
                x2.at[pl.ds(b * _T + row, _R)], sxb[s].at[b], si[s]))
        return cps

    def out_copies(j, s):
        row = base + j * _R
        return [pltpu.make_async_copy(
            sxb[s].at[b], out2.at[pl.ds(b * _SPLIT + row, _R)], so[s])
            for b in range(_B)]

    for cp in in_copies(0, 0):
        cp.start()
    for cp in in_copies(1, 1):
        cp.start()
    for j in range(_NCH):
        s = j % _NS
        if j + 2 < _NCH:
            s2 = (j + 2) % _NS
            if j - 1 >= 0:
                for cp in out_copies(j - 1, s2):
                    cp.wait()
            for cp in in_copies(j + 2, s2):
                cp.start()
        for cp in in_copies(j, s):
            cp.wait()

        @plsc.parallel_loop(0, _NV, 1, unroll=8)
        def _(k):
            r = k // (_D // 16)
            sl = pl.ds((k % (_D // 16)) * 16, 16)
            pv = spe[s][r, sl]
            for b in range(_B):
                sxb[s][b, r, sl] = sxb[s][b, r, sl] + pv

        for cp in out_copies(j, s):
            cp.start()
    for j in (_NCH - 2, _NCH - 1):
        for cp in out_copies(j, j % _NS):
            cp.wait()


def _sc_add(x2, pe2):
    return pl.kernel(
        _sc_body,
        out_type=jax.ShapeDtypeStruct((_B * _SPLIT, _D), jnp.float32),
        mesh=plsc.VectorSubcoreMesh(core_axis_name="c", subcore_axis_name="s"),
        scratch_types=(
            [pltpu.VMEM((_R, _D), jnp.float32)] * _NS
            + [pltpu.VMEM((_B, _R, _D), jnp.float32)] * _NS
            + [pltpu.SemaphoreType.DMA] * (2 * _NS)
        ),
    )(x2, pe2)


def _tc_add_block(x_ref, pe_ref, o_ref):
    o_ref[...] = x_ref[...] + pe_ref[...]


def _tc_add(x, pe3):
    B, T, D = x.shape
    return pl.pallas_call(
        _tc_add_block,
        grid=((T - _SPLIT) // _BT, B),
        in_specs=[
            pl.BlockSpec((1, _BT, D), lambda i, b: (b, _TC_BLK0 + i, 0)),
            pl.BlockSpec((1, _BT, D), lambda i, b: (0, _TC_BLK0 + i, 0)),
        ],
        out_specs=pl.BlockSpec((1, _BT, D), lambda i, b: (b, _TC_BLK0 + i, 0)),
        out_shape=jax.ShapeDtypeStruct((B, T, D), x.dtype),
    )(x, pe3)


def kernel(x, pos_embed):
    B, T, D = x.shape
    sc_out = _sc_add(x.reshape(B * T, D), pos_embed)
    tc_out = _tc_add(x, pos_embed[None])
    return lax.dynamic_update_slice(
        tc_out, sc_out.reshape(B, _SPLIT, D), (0, 0, 0))

# --- scband reference (transcript-rebuilt; emitter-appended) ---
"""Pipeline reference for scband-learned-positional-encoding-22866405883913 (READ-ONLY COPY).

The authoritative reference and input builder live on the scoring server;
editing this copy changes nothing except your own understanding.
"""

import jax, jax.numpy as jnp
import numpy as np

SEQ_LEN = 4096
D_MODEL = 1024
BATCH = 4

def setup_inputs(seed: int = 0) -> dict:
    key = jax.random.key(seed)
    k1, k2 = jax.random.split(key)
    x = jax.random.normal(k1, (BATCH, SEQ_LEN, D_MODEL), dtype=jnp.float32)
    # learned positional embedding table, init like nn.Embedding (N(0,1))
    pos_embed = jax.random.normal(k2, (SEQ_LEN, D_MODEL), dtype=jnp.float32)
    return {"x": x, "pos_embed": pos_embed}

def reference(x, pos_embed):
    T = x.shape[1]
    pos = jnp.arange(T)
    # embedding lookup -> gather rows of the table
    pe = jnp.take(pos_embed, pos, axis=0)  # [T, d_model]
    out = x + pe[None, :, :]
    # dropout p=0.0 -> identity (eval-equivalent)
    return out

if __name__ == "__main__":
    import jax
    _d = setup_inputs()
    print(jax.jit(kernel)(*tuple(_d.values())))

</pallas_src>

<mosaic_0001>
#map = affine_map<(d0, d1) -> (0, 0)>
module attributes {stable_mosaic.version = 14 : i64} {
  func.func @_sc_body(%arg0: i32, %arg1: i32, %arg2: memref<16384x1024xf32, #tpu.memory_space<hbm>>, %arg3: memref<4096x1024xf32, #tpu.memory_space<hbm>>, %arg4: memref<6144x1024xf32, #tpu.memory_space<hbm>>, %arg5: memref<8x1024xf32, #tpu.memory_space<vmem>>, %arg6: memref<8x1024xf32, #tpu.memory_space<vmem>>, %arg7: memref<8x1024xf32, #tpu.memory_space<vmem>>, %arg8: memref<4x8x1024xf32, #tpu.memory_space<vmem>>, %arg9: memref<4x8x1024xf32, #tpu.memory_space<vmem>>, %arg10: memref<4x8x1024xf32, #tpu.memory_space<vmem>>, %arg11: memref<!tpu.dma_semaphore, #tpu.memory_space<semaphore_mem>>, %arg12: memref<!tpu.dma_semaphore, #tpu.memory_space<semaphore_mem>>, %arg13: memref<!tpu.dma_semaphore, #tpu.memory_space<semaphore_mem>>, %arg14: memref<!tpu.dma_semaphore, #tpu.memory_space<semaphore_mem>>, %arg15: memref<!tpu.dma_semaphore, #tpu.memory_space<semaphore_mem>>, %arg16: memref<!tpu.dma_semaphore, #tpu.memory_space<semaphore_mem>>) attributes {dimension_semantics = [#tpu.dimension_semantics<core_parallel>, #tpu.dimension_semantics<subcore_parallel>], iteration_bounds = array<i64: 2, 16>, scalar_prefetch = 0 : i64, scratch_operands = 12 : i64, tpu.core_type = #tpu.core_type<sc_vector_subcore>, window_params = [{transform_indices = #map}, {transform_indices = #map}, {transform_indices = #map}]} {
    %mul3A = arith.constant 2 : i32
    %mul3A_0 = arith.muli %arg1, %mul3A : i32
    %add3A = arith.addi %mul3A_0, %arg0 : i32
    %mul3A_1 = arith.constant 6 : i32
    %mul3A_2 = arith.muli %add3A, %mul3A_1 : i32
    %mul3A_3 = arith.constant 8 : i32
    %mul3A_4 = arith.muli %mul3A_2, %mul3A_3 : i32
    %add3A_5 = arith.constant 0 : i32
    %add3A_6 = arith.addi %mul3A_4, %add3A_5 : i32
    %add3A_7 = arith.constant 0 : i32
    %add3A_8 = arith.addi %add3A_7, %add3A_6 : i32
    %add3A_9 = arith.constant 4096 : i32
    %add3A_10 = arith.addi %add3A_9, %add3A_6 : i32
    %add3A_11 = arith.constant 8192 : i32
    %add3A_12 = arith.addi %add3A_11, %add3A_6 : i32
    %add3A_13 = arith.constant 12288 : i32
    %add3A_14 = arith.addi %add3A_13, %add3A_6 : i32
    %dma_start3A = arith.constant 0 : i32
    %dma_start3A_15 = tpu.memref_slice %arg3[%add3A_6, %dma_start3A] : memref<4096x1024xf32, #tpu.memory_space<hbm>> -> memref<8x1024xf32, #tpu.memory_space<hbm>>
    %dma_start3A_16 = arith.constant 0 : i32
    %dma_start3A_17 = tpu.memref_slice %arg3[%add3A_6, %dma_start3A_16] : memref<4096x1024xf32, #tpu.memory_space<hbm>> -> memref<8x1024xf32, #tpu.memory_space<hbm>>
    tpu.enqueue_dma source(%dma_start3A_17 : memref<8x1024xf32, #tpu.memory_space<hbm>>) target(%arg5 : memref<8x1024xf32, #tpu.memory_space<vmem>>) target_semaphore(%arg11 : memref<!tpu.dma_semaphore, #tpu.memory_space<semaphore_mem>>)
    %dma_start3A_18 = arith.constant 0 : i32
    %dma_start3A_19 = arith.constant 0 : i32
    %dma_start3A_20 = arith.constant 0 : i32
    %dma_start3A_21 = tpu.memref_slice %arg8[%dma_start3A_18, %dma_start3A_19, %dma_start3A_20] : memref<4x8x1024xf32, #tpu.memory_space<vmem>> -> memref<1x8x1024xf32, #tpu.memory_space<vmem>>
    %dma_start3A_22 = tpu.memref_squeeze %dma_start3A_21 : memref<1x8x1024xf32, #tpu.memory_space<vmem>> -> memref<8x1024xf32, #tpu.memory_space<vmem>>
    %dma_start3A_23 = arith.constant 0 : i32
    %dma_start3A_24 = tpu.memref_slice %arg2[%add3A_8, %dma_start3A_23] : memref<16384x1024xf32, #tpu.memory_space<hbm>> -> memref<8x1024xf32, #tpu.memory_space<hbm>>
    %dma_start3A_25 = arith.constant 0 : i32
    %dma_start3A_26 = arith.constant 0 : i32
    %dma_start3A_27 = tpu.memref_slice %arg8[%dma_start3A_18, %dma_start3A_25, %dma_start3A_26] : memref<4x8x1024xf32, #tpu.memory_space<vmem>> -> memref<1x8x1024xf32, #tpu.memory_space<vmem>>
    %dma_start3A_28 = tpu.memref_squeeze %dma_start3A_27 : memref<1x8x1024xf32, #tpu.memory_space<vmem>> -> memref<8x1024xf32, #tpu.memory_space<vmem>>
    %dma_start3A_29 = arith.constant 0 : i32
    %dma_start3A_30 = tpu.memref_slice %arg2[%add3A_8, %dma_start3A_29] : memref<16384x1024xf32, #tpu.memory_space<hbm>> -> memref<8x1024xf32, #tpu.memory_space<hbm>>
    tpu.enqueue_dma source(%dma_start3A_30 : memref<8x1024xf32, #tpu.memory_space<hbm>>) target(%dma_start3A_28 : memref<8x1024xf32, #tpu.memory_space<vmem>>) target_semaphore(%arg11 : memref<!tpu.dma_semaphore, #tpu.memory_space<semaphore_mem>>)
    %dma_start3A_31 = arith.constant 1 : i32
    %dma_start3A_32 = arith.constant 0 : i32
    %dma_start3A_33 = arith.constant 0 : i32
    %dma_start3A_34 = tpu.memref_slice %arg8[%dma_start3A_31, %dma_start3A_32, %dma_start3A_33] : memref<4x8x1024xf32, #tpu.memory_space<vmem>> -> memref<1x8x1024xf32, #tpu.memory_space<vmem>>
    %dma_start3A_35 = tpu.memref_squeeze %dma_start3A_34 : memref<1x8x1024xf32, #tpu.memory_space<vmem>> -> memref<8x1024xf32, #tpu.memory_space<vmem>>
    %dma_start3A_36 = arith.constant 0 : i32
    %dma_start3A_37 = tpu.memref_slice %arg2[%add3A_10, %dma_start3A_36] : memref<16384x1024xf32, #tpu.memory_space<hbm>> -> memref<8x1024xf32, #tpu.memory_space<hbm>>
    %dma_start3A_38 = arith.constant 0 : i32
    %dma_start3A_39 = arith.constant 0 : i32
    %dma_start3A_40 = tpu.memref_slice %arg8[%dma_start3A_31, %dma_start3A_38, %dma_start3A_39] : memref<4x8x1024xf32, #tpu.memory_space<vmem>> -> memref<1x8x1024xf32, #tpu.memory_space<vmem>>
    %dma_start3A_41 = tpu.memref_squeeze %dma_start3A_40 : memref<1x8x1024xf32, #tpu.memory_space<vmem>> -> memref<8x1024xf32, #tpu.memory_space<vmem>>
    %dma_start3A_42 = arith.constant 0 : i32
    %dma_start3A_43 = tpu.memref_slice %arg2[%add3A_10, %dma_start3A_42] : memref<16384x1024xf32, #tpu.memory_space<hbm>> -> memref<8x1024xf32, #tpu.memory_space<hbm>>
    tpu.enqueue_dma source(%dma_start3A_43 : memref<8x1024xf32, #tpu.memory_space<hbm>>) target(%dma_start3A_41 : memref<8x1024xf32, #tpu.memory_space<vmem>>) target_semaphore(%arg11 : memref<!tpu.dma_semaphore, #tpu.memory_space<semaphore_mem>>)
    %dma_start3A_44 = arith.constant 2 : i32
    %dma_start3A_45 = arith.constant 0 : i32
    %dma_start3A_46 = arith.constant 0 : i32
    %dma_start3A_47 = tpu.memref_slice %arg8[%dma_start3A_44, %dma_start3A_45, %dma_start3A_46] : memref<4x8x1024xf32, #tpu.memory_space<vmem>> -> memref<1x8x1024xf32, #tpu.memory_space<vmem>>
    %dma_start3A_48 = tpu.memref_squeeze %dma_start3A_47 : memref<1x8x1024xf32, #tpu.memory_space<vmem>> -> memref<8x1024xf32, #tpu.memory_space<vmem>>
    %dma_start3A_49 = arith.constant 0 : i32
    %dma_start3A_50 = tpu.memref_slice %arg2[%add3A_12, %dma_start3A_49] : memref<16384x1024xf32, #tpu.memory_space<hbm>> -> memref<8x1024xf32, #tpu.memory_space<hbm>>
    %dma_start3A_51 = arith.constant 0 : i32
    %dma_start3A_52 = arith.constant 0 : i32
    %dma_start3A_53 = tpu.memref_slice %arg8[%dma_start3A_44, %dma_start3A_51, %dma_start3A_52] : memref<4x8x1024xf32, #tpu.memory_space<vmem>> -> memref<1x8x1024xf32, #tpu.memory_space<vmem>>
    %dma_start3A_54 = tpu.memref_squeeze %dma_start3A_53 : memref<1x8x1024xf32, #tpu.memory_space<vmem>> -> memref<8x1024xf32, #tpu.memory_space<vmem>>
    %dma_start3A_55 = arith.constant 0 : i32
    %dma_start3A_56 = tpu.memref_slice %arg2[%add3A_12, %dma_start3A_55] : memref<16384x1024xf32, #tpu.memory_space<hbm>> -> memref<8x1024xf32, #tpu.memory_space<hbm>>
    tpu.enqueue_dma source(%dma_start3A_56 : memref<8x1024xf32, #tpu.memory_space<hbm>>) target(%dma_start3A_54 : memref<8x1024xf32, #tpu.memory_space<vmem>>) target_semaphore(%arg11 : memref<!tpu.dma_semaphore, #tpu.memory_space<semaphore_mem>>)
    %dma_start3A_57 = arith.constant 3 : i32
    %dma_start3A_58 = arith.constant 0 : i32
    %dma_start3A_59 = arith.constant 0 : i32
    %dma_start3A_60 = tpu.memref_slice %arg8[%dma_start3A_57, %dma_start3A_58, %dma_start3A_59] : memref<4x8x1024xf32, #tpu.memory_space<vmem>> -> memref<1x8x1024xf32, #tpu.memory_space<vmem>>
    %dma_start3A_61 = tpu.memref_squeeze %dma_start3A_60 : memref<1x8x1024xf32, #tpu.memory_space<vmem>> -> memref<8x1024xf32, #tpu.memory_space<vmem>>
    %dma_start3A_62 = arith.constant 0 : i32
    %dma_start3A_63 = tpu.memref_slice %arg2[%add3A_14, %dma_start3A_62] : memref<16384x1024xf32, #tpu.memory_space<hbm>> -> memref<8x1024xf32, #tpu.memory_space<hbm>>
    %dma_start3A_64 = arith.constant 0 : i32
    %dma_start3A_65 = arith.constant 0 : i32
    %dma_start3A_66 = tpu.memref_slice %arg8[%dma_start3A_57, %dma_start3A_64, %dma_start3A_65] : memref<4x8x1024xf32, #tpu.memory_space<vmem>> -> memref<1x8x1024xf32, #tpu.memory_space<vmem>>
    %dma_start3A_67 = tpu.memref_squeeze %dma_start3A_66 : memref<1x8x1024xf32, #tpu.memory_space<vmem>> -> memref<8x1024xf32, #tpu.memory_space<vmem>>
    %dma_start3A_68 = arith.constant 0 : i32
    %dma_start3A_69 = tpu.memref_slice %arg2[%add3A_14, %dma_start3A_68] : memref<16384x1024xf32, #tpu.memory_space<hbm>> -> memref<8x1024xf32, #tpu.memory_space<hbm>>
    tpu.enqueue_dma source(%dma_start3A_69 : memref<8x1024xf32, #tpu.memory_space<hbm>>) target(%dma_start3A_67 : memref<8x1024xf32, #tpu.memory_space<vmem>>) target_semaphore(%arg11 : memref<!tpu.dma_semaphore, #tpu.memory_space<semaphore_mem>>)
    %add3A_70 = arith.constant 8 : i32
    %add3A_71 = arith.addi %mul3A_4, %add3A_70 : i32
    %add3A_72 = arith.constant 0 : i32
    %add3A_73 = arith.addi %add3A_72, %add3A_71 : i32
    %add3A_74 = arith.constant 4096 : i32
    %add3A_75 = arith.addi %add3A_74, %add3A_71 : i32
    %add3A_76 = arith.constant 8192 : i32
    %add3A_77 = arith.addi %add3A_76, %add3A_71 : i32
    %add3A_78 = arith.constant 12288 : i32
    %add3A_79 = arith.addi %add3A_78, %add3A_71 : i32
    %dma_start3A_80 = arith.constant 0 : i32
    %dma_start3A_81 = tpu.memref_slice %arg3[%add3A_71, %dma_start3A_80] : memref<4096x1024xf32, #tpu.memory_space<hbm>> -> memref<8x1024xf32, #tpu.memory_space<hbm>>
    %dma_start3A_82 = arith.constant 0 : i32
    %dma_start3A_83 = tpu.memref_slice %arg3[%add3A_71, %dma_start3A_82] : memref<4096x1024xf32, #tpu.memory_space<hbm>> -> memref<8x1024xf32, #tpu.memory_space<hbm>>
    tpu.enqueue_dma source(%dma_start3A_83 : memref<8x1024xf32, #tpu.memory_space<hbm>>) target(%arg6 : memref<8x1024xf32, #tpu.memory_space<vmem>>) target_semaphore(%arg12 : memref<!tpu.dma_semaphore, #tpu.memory_space<semaphore_mem>>)
    %dma_start3A_84 = arith.constant 0 : i32
    %dma_start3A_85 = arith.constant 0 : i32
    %dma_start3A_86 = arith.constant 0 : i32
    %dma_start3A_87 = tpu.memref_slice %arg9[%dma_start3A_84, %dma_start3A_85, %dma_start3A_86] : memref<4x8x1024xf32, #tpu.memory_space<vmem>> -> memref<1x8x1024xf32, #tpu.memory_space<vmem>>
    %dma_start3A_88 = tpu.memref_squeeze %dma_start3A_87 : memref<1x8x1024xf32, #tpu.memory_space<vmem>> -> memref<8x1024xf32, #tpu.memory_space<vmem>>
    %dma_start3A_89 = arith.constant 0 : i32
    %dma_start3A_90 = tpu.memref_slice %arg2[%add3A_73, %dma_start3A_89] : memref<16384x1024xf32, #tpu.memory_space<hbm>> -> memref<8x1024xf32, #tpu.memory_space<hbm>>
    %dma_start3A_91 = arith.constant 0 : i32
    %dma_start3A_92 = arith.constant 0 : i32
    %dma_start3A_93 = tpu.memref_slice %arg9[%dma_start3A_84, %dma_start3A_91, %dma_start3A_92] : memref<4x8x1024xf32, #tpu.memory_space<vmem>> -> memref<1x8x1024xf32, #tpu.memory_space<vmem>>
    %dma_start3A_94 = tpu.memref_squeeze %dma_start3A_93 : memref<1x8x1024xf32, #tpu.memory_space<vmem>> -> memref<8x1024xf32, #tpu.memory_space<vmem>>
    %dma_start3A_95 = arith.constant 0 : i32
    %dma_start3A_96 = tpu.memref_slice %arg2[%add3A_73, %dma_start3A_95] : memref<16384x1024xf32, #tpu.memory_space<hbm>> -> memref<8x1024xf32, #tpu.memory_space<hbm>>
    tpu.enqueue_dma source(%dma_start3A_96 : memref<8x1024xf32, #tpu.memory_space<hbm>>) target(%dma_start3A_94 : memref<8x1024xf32, #tpu.memory_space<vmem>>) target_semaphore(%arg12 : memref<!tpu.dma_semaphore, #tpu.memory_space<semaphore_mem>>)
    %dma_start3A_97 = arith.constant 1 : i32
    %dma_start3A_98 = arith.constant 0 : i32
    %dma_start3A_99 = arith.constant 0 : i32
    %dma_start3A_100 = tpu.memref_slice %arg9[%dma_start3A_97, %dma_start3A_98, %dma_start3A_99] : memref<4x8x1024xf32, #tpu.memory_space<vmem>> -> memref<1x8x1024xf32, #tpu.memory_space<vmem>>
    %dma_start3A_101 = tpu.memref_squeeze %dma_start3A_100 : memref<1x8x1024xf32, #tpu.memory_space<vmem>> -> memref<8x1024xf32, #tpu.memory_space<vmem>>
    %dma_start3A_102 = arith.constant 0 : i32
    %dma_start3A_103 = tpu.memref_slice %arg2[%add3A_75, %dma_start3A_102] : memref<16384x1024xf32, #tpu.memory_space<hbm>> -> memref<8x1024xf32, #tpu.memory_space<hbm>>
    %dma_start3A_104 = arith.constant 0 : i32
    %dma_start3A_105 = arith.constant 0 : i32
    %dma_start3A_106 = tpu.memref_slice %arg9[%dma_start3A_97, %dma_start3A_104, %dma_start3A_105] : memref<4x8x1024xf32, #tpu.memory_space<vmem>> -> memref<1x8x1024xf32, #tpu.memory_space<vmem>>
    %dma_start3A_107 = tpu.memref_squeeze %dma_start3A_106 : memref<1x8x1024xf32, #tpu.memory_space<vmem>> -> memref<8x1024xf32, #tpu.memory_space<vmem>>
    %dma_start3A_108 = arith.constant 0 : i32
    %dma_start3A_109 = tpu.memref_slice %arg2[%add3A_75, %dma_start3A_108] : memref<16384x1024xf32, #tpu.memory_space<hbm>> -> memref<8x1024xf32, #tpu.memory_space<hbm>>
    tpu.enqueue_dma source(%dma_start3A_109 : memref<8x1024xf32, #tpu.memory_space<hbm>>) target(%dma_start3A_107 : memref<8x1024xf32, #tpu.memory_space<vmem>>) target_semaphore(%arg12 : memref<!tpu.dma_semaphore, #tpu.memory_space<semaphore_mem>>)
    %dma_start3A_110 = arith.constant 2 : i32
    %dma_start3A_111 = arith.constant 0 : i32
    %dma_start3A_112 = arith.constant 0 : i32
    %dma_start3A_113 = tpu.memref_slice %arg9[%dma_start3A_110, %dma_start3A_111, %dma_start3A_112] : memref<4x8x1024xf32, #tpu.memory_space<vmem>> -> memref<1x8x1024xf32, #tpu.memory_space<vmem>>
    %dma_start3A_114 = tpu.memref_squeeze %dma_start3A_113 : memref<1x8x1024xf32, #tpu.memory_space<vmem>> -> memref<8x1024xf32, #tpu.memory_space<vmem>>
    %dma_start3A_115 = arith.constant 0 : i32
    %dma_start3A_116 = tpu.memref_slice %arg2[%add3A_77, %dma_start3A_115] : memref<16384x1024xf32, #tpu.memory_space<hbm>> -> memref<8x1024xf32, #tpu.memory_space<hbm>>
    %dma_start3A_117 = arith.constant 0 : i32
    %dma_start3A_118 = arith.constant 0 : i32
    %dma_start3A_119 = tpu.memref_slice %arg9[%dma_start3A_110, %dma_start3A_117, %dma_start3A_118] : memref<4x8x1024xf32, #tpu.memory_space<vmem>> -> memref<1x8x1024xf32, #tpu.memory_space<vmem>>
    %dma_start3A_120 = tpu.memref_squeeze %dma_start3A_119 : memref<1x8x1024xf32, #tpu.memory_space<vmem>> -> memref<8x1024xf32, #tpu.memory_space<vmem>>
    %dma_start3A_121 = arith.constant 0 : i32
    %dma_start3A_122 = tpu.memref_slice %arg2[%add3A_77, %dma_start3A_121] : memref<16384x1024xf32, #tpu.memory_space<hbm>> -> memref<8x1024xf32, #tpu.memory_space<hbm>>
    tpu.enqueue_dma source(%dma_start3A_122 : memref<8x1024xf32, #tpu.memory_space<hbm>>) target(%dma_start3A_120 : memref<8x1024xf32, #tpu.memory_space<vmem>>) target_semaphore(%arg12 : memref<!tpu.dma_semaphore, #tpu.memory_space<semaphore_mem>>)
    %dma_start3A_123 = arith.constant 3 : i32
    %dma_start3A_124 = arith.constant 0 : i32
    %dma_start3A_125 = arith.constant 0 : i32
    %dma_start3A_126 = tpu.memref_slice %arg9[%dma_start3A_123, %dma_start3A_124, %dma_start3A_125] : memref<4x8x1024xf32, #tpu.memory_space<vmem>> -> memref<1x8x1024xf32, #tpu.memory_space<vmem>>
    %dma_start3A_127 = tpu.memref_squeeze %dma_start3A_126 : memref<1x8x1024xf32, #tpu.memory_space<vmem>> -> memref<8x1024xf32, #tpu.memory_space<vmem>>
    %dma_start3A_128 = arith.constant 0 : i32
    %dma_start3A_129 = tpu.memref_slice %arg2[%add3A_79, %dma_start3A_128] : memref<16384x1024xf32, #tpu.memory_space<hbm>> -> memref<8x1024xf32, #tpu.memory_space<hbm>>
    %dma_start3A_130 = arith.constant 0 : i32
    %dma_start3A_131 = arith.constant 0 : i32
    %dma_start3A_132 = tpu.memref_slice %arg9[%dma_start3A_123, %dma_start3A_130, %dma_start3A_131] : memref<4x8x1024xf32, #tpu.memory_space<vmem>> -> memref<1x8x1024xf32, #tpu.memory_space<vmem>>
    %dma_start3A_133 = tpu.memref_squeeze %dma_start3A_132 : memref<1x8x1024xf32, #tpu.memory_space<vmem>> -> memref<8x1024xf32, #tpu.memory_space<vmem>>
    %dma_start3A_134 = arith.constant 0 : i32
    %dma_start3A_135 = tpu.memref_slice %arg2[%add3A_79, %dma_start3A_134] : memref<16384x1024xf32, #tpu.memory_space<hbm>> -> memref<8x1024xf32, #tpu.memory_space<hbm>>
    tpu.enqueue_dma source(%dma_start3A_135 : memref<8x1024xf32, #tpu.memory_space<hbm>>) target(%dma_start3A_133 : memref<8x1024xf32, #tpu.memory_space<vmem>>) target_semaphore(%arg12 : memref<!tpu.dma_semaphore, #tpu.memory_space<semaphore_mem>>)
    %add3A_136 = arith.constant 16 : i32
    %add3A_137 = arith.addi %mul3A_4, %add3A_136 : i32
    %add3A_138 = arith.constant 0 : i32
    %add3A_139 = arith.addi %add3A_138, %add3A_137 : i32
    %add3A_140 = arith.constant 4096 : i32
    %add3A_141 = arith.addi %add3A_140, %add3A_137 : i32
    %add3A_142 = arith.constant 8192 : i32
    %add3A_143 = arith.addi %add3A_142, %add3A_137 : i32
    %add3A_144 = arith.constant 12288 : i32
    %add3A_145 = arith.addi %add3A_144, %add3A_137 : i32
    %dma_start3A_146 = arith.constant 0 : i32
    %dma_start3A_147 = tpu.memref_slice %arg3[%add3A_137, %dma_start3A_146] : memref<4096x1024xf32, #tpu.memory_space<hbm>> -> memref<8x1024xf32, #tpu.memory_space<hbm>>
    %dma_start3A_148 = arith.constant 0 : i32
    %dma_start3A_149 = tpu.memref_slice %arg3[%add3A_137, %dma_start3A_148] : memref<4096x1024xf32, #tpu.memory_space<hbm>> -> memref<8x1024xf32, #tpu.memory_space<hbm>>
    tpu.enqueue_dma source(%dma_start3A_149 : memref<8x1024xf32, #tpu.memory_space<hbm>>) target(%arg7 : memref<8x1024xf32, #tpu.memory_space<vmem>>) target_semaphore(%arg13 : memref<!tpu.dma_semaphore, #tpu.memory_space<semaphore_mem>>)
    %dma_start3A_150 = arith.constant 0 : i32
    %dma_start3A_151 = arith.constant 0 : i32
    %dma_start3A_152 = arith.constant 0 : i32
    %dma_start3A_153 = tpu.memref_slice %arg10[%dma_start3A_150, %dma_start3A_151, %dma_start3A_152] : memref<4x8x1024xf32, #tpu.memory_space<vmem>> -> memref<1x8x1024xf32, #tpu.memory_space<vmem>>
    %dma_start3A_154 = tpu.memref_squeeze %dma_start3A_153 : memref<1x8x1024xf32, #tpu.memory_space<vmem>> -> memref<8x1024xf32, #tpu.memory_space<vmem>>
    %dma_start3A_155 = arith.constant 0 : i32
    %dma_start3A_156 = tpu.memref_slice %arg2[%add3A_139, %dma_start3A_155] : memref<16384x1024xf32, #tpu.memory_space<hbm>> -> memref<8x1024xf32, #tpu.memory_space<hbm>>
    %dma_start3A_157 = arith.constant 0 : i32
    %dma_start3A_158 = arith.constant 0 : i32
    %dma_start3A_159 = tpu.memref_slice %arg10[%dma_start3A_150, %dma_start3A_157, %dma_start3A_158] : memref<4x8x1024xf32, #tpu.memory_space<vmem>> -> memref<1x8x1024xf32, #tpu.memory_space<vmem>>
    %dma_start3A_160 = tpu.memref_squeeze %dma_start3A_159 : memref<1x8x1024xf32, #tpu.memory_space<vmem>> -> memref<8x1024xf32, #tpu.memory_space<vmem>>
    %dma_start3A_161 = arith.constant 0 : i32
    %dma_start3A_162 = tpu.memref_slice %arg2[%add3A_139, %dma_start3A_161] : memref<16384x1024xf32, #tpu.memory_space<hbm>> -> memref<8x1024xf32, #tpu.memory_space<hbm>>
    tpu.enqueue_dma source(%dma_start3A_162 : memref<8x1024xf32, #tpu.memory_space<hbm>>) target(%dma_start3A_160 : memref<8x1024xf32, #tpu.memory_space<vmem>>) target_semaphore(%arg13 : memref<!tpu.dma_semaphore, #tpu.memory_space<semaphore_mem>>)
    %dma_start3A_163 = arith.constant 1 : i32
    %dma_start3A_164 = arith.constant 0 : i32
    %dma_start3A_165 = arith.constant 0 : i32
    %dma_start3A_166 = tpu.memref_slice %arg10[%dma_start3A_163, %dma_start3A_164, %dma_start3A_165] : memref<4x8x1024xf32, #tpu.memory_space<vmem>> -> memref<1x8x1024xf32, #tpu.memory_space<vmem>>
    %dma_start3A_167 = tpu.memref_squeeze %dma_start3A_166 : memref<1x8x1024xf32, #tpu.memory_space<vmem>> -> memref<8x1024xf32, #tpu.memory_space<vmem>>
    %dma_start3A_168 = arith.constant 0 : i32
    %dma_start3A_169 = tpu.memref_slice %arg2[%add3A_141, %dma_start3A_168] : memref<16384x1024xf32, #tpu.memory_space<hbm>> -> memref<8x1024xf32, #tpu.memory_space<hbm>>
    %dma_start3A_170 = arith.constant 0 : i32
    %dma_start3A_171 = arith.constant 0 : i32
    %dma_start3A_172 = tpu.memref_slice %arg10[%dma_start3A_163, %dma_start3A_170, %dma_start3A_171] : memref<4x8x1024xf32, #tpu.memory_space<vmem>> -> memref<1x8x1024xf32, #tpu.memory_space<vmem>>
    %dma_start3A_173 = tpu.memref_squeeze %dma_start3A_172 : memref<1x8x1024xf32, #tpu.memory_space<vmem>> -> memref<8x1024xf32, #tpu.memory_space<vmem>>
    %dma_start3A_174 = arith.constant 0 : i32
    %dma_start3A_175 = tpu.memref_slice %arg2[%add3A_141, %dma_start3A_174] : memref<16384x1024xf32, #tpu.memory_space<hbm>> -> memref<8x1024xf32, #tpu.memory_space<hbm>>
    tpu.enqueue_dma source(%dma_start3A_175 : memref<8x1024xf32, #tpu.memory_space<hbm>>) target(%dma_start3A_173 : memref<8x1024xf32, #tpu.memory_space<vmem>>) target_semaphore(%arg13 : memref<!tpu.dma_semaphore, #tpu.memory_space<semaphore_mem>>)
    %dma_start3A_176 = arith.constant 2 : i32
    %dma_start3A_177 = arith.constant 0 : i32
    %dma_start3A_178 = arith.constant 0 : i32
    %dma_start3A_179 = tpu.memref_slice %arg10[%dma_start3A_176, %dma_start3A_177, %dma_start3A_178] : memref<4x8x1024xf32, #tpu.memory_space<vmem>> -> memref<1x8x1024xf32, #tpu.memory_space<vmem>>
    %dma_start3A_180 = tpu.memref_squeeze %dma_start3A_179 : memref<1x8x1024xf32, #tpu.memory_space<vmem>> -> memref<8x1024xf32, #tpu.memory_space<vmem>>
    %dma_start3A_181 = arith.constant 0 : i32
    %dma_start3A_182 = tpu.memref_slice %arg2[%add3A_143, %dma_start3A_181] : memref<16384x1024xf32, #tpu.memory_space<hbm>> -> memref<8x1024xf32, #tpu.memory_space<hbm>>
    %dma_start3A_183 = arith.constant 0 : i32
    %dma_start3A_184 = arith.constant 0 : i32
    %dma_start3A_185 = tpu.memref_slice %arg10[%dma_start3A_176, %dma_start3A_183, %dma_start3A_184] : memref<4x8x1024xf32, #tpu.memory_space<vmem>> -> memref<1x8x1024xf32, #tpu.memory_space<vmem>>
    %dma_start3A_186 = tpu.memref_squeeze %dma_start3A_185 : memref<1x8x1024xf32, #tpu.memory_space<vmem>> -> memref<8x1024xf32, #tpu.memory_space<vmem>>
    %dma_start3A_187 = arith.constant 0 : i32
    %dma_start3A_188 = tpu.memref_slice %arg2[%add3A_143, %dma_start3A_187] : memref<16384x1024xf32, #tpu.memory_space<hbm>> -> memref<8x1024xf32, #tpu.memory_space<hbm>>
    tpu.enqueue_dma source(%dma_start3A_188 : memref<8x1024xf32, #tpu.memory_space<hbm>>) target(%dma_start3A_186 : memref<8x1024xf32, #tpu.memory_space<vmem>>) target_semaphore(%arg13 : memref<!tpu.dma_semaphore, #tpu.memory_space<semaphore_mem>>)
    %dma_start3A_189 = arith.constant 3 : i32
    %dma_start3A_190 = arith.constant 0 : i32
    %dma_start3A_191 = arith.constant 0 : i32
    %dma_start3A_192 = tpu.memref_slice %arg10[%dma_start3A_189, %dma_start3A_190, %dma_start3A_191] : memref<4x8x1024xf32, #tpu.memory_space<vmem>> -> memref<1x8x1024xf32, #tpu.memory_space<vmem>>
    %dma_start3A_193 = tpu.memref_squeeze %dma_start3A_192 : memref<1x8x1024xf32, #tpu.memory_space<vmem>> -> memref<8x1024xf32, #tpu.memory_space<vmem>>
    %dma_start3A_194 = arith.constant 0 : i32
    %dma_start3A_195 = tpu.memref_slice %arg2[%add3A_145, %dma_start3A_194] : memref<16384x1024xf32, #tpu.memory_space<hbm>> -> memref<8x1024xf32, #tpu.memory_space<hbm>>
    %dma_start3A_196 = arith.constant 0 : i32
    %dma_start3A_197 = arith.constant 0 : i32
    %dma_start3A_198 = tpu.memref_slice %arg10[%dma_start3A_189, %dma_start3A_196, %dma_start3A_197] : memref<4x8x1024xf32, #tpu.memory_space<vmem>> -> memref<1x8x1024xf32, #tpu.memory_space<vmem>>
    %dma_start3A_199 = tpu.memref_squeeze %dma_start3A_198 : memref<1x8x1024xf32, #tpu.memory_space<vmem>> -> memref<8x1024xf32, #tpu.memory_space<vmem>>
    %dma_start3A_200 = arith.constant 0 : i32
    %dma_start3A_201 = tpu.memref_slice %arg2[%add3A_145, %dma_start3A_200] : memref<16384x1024xf32, #tpu.memory_space<hbm>> -> memref<8x1024xf32, #tpu.memory_space<hbm>>
    tpu.enqueue_dma source(%dma_start3A_201 : memref<8x1024xf32, #tpu.memory_space<hbm>>) target(%dma_start3A_199 : memref<8x1024xf32, #tpu.memory_space<vmem>>) target_semaphore(%arg13 : memref<!tpu.dma_semaphore, #tpu.memory_space<semaphore_mem>>)
    %add3A_202 = arith.constant 0 : i32
    %add3A_203 = arith.addi %mul3A_4, %add3A_202 : i32
    %add3A_204 = arith.constant 0 : i32
    %add3A_205 = arith.addi %add3A_204, %add3A_203 : i32
    %add3A_206 = arith.constant 4096 : i32
    %add3A_207 = arith.addi %add3A_206, %add3A_203 : i32
    %add3A_208 = arith.constant 8192 : i32
    %add3A_209 = arith.addi %add3A_208, %add3A_203 : i32
    %add3A_210 = arith.constant 12288 : i32
    %add3A_211 = arith.addi %add3A_210, %add3A_203 : i32
    %dma_wait3A = arith.constant 0 : i32
    %dma_wait3A_212 = tpu.memref_slice %arg3[%add3A_203, %dma_wait3A] : memref<4096x1024xf32, #tpu.memory_space<hbm>> -> memref<8x1024xf32, #tpu.memory_space<hbm>>
    %dma_wait3A_213 = arith.constant 0 : i32
    %dma_wait3A_214 = tpu.memref_slice %arg3[%add3A_203, %dma_wait3A_213] : memref<4096x1024xf32, #tpu.memory_space<hbm>> -> memref<8x1024xf32, #tpu.memory_space<hbm>>
    tpu.wait_dma2 semaphore(%arg11 : memref<!tpu.dma_semaphore, #tpu.memory_space<semaphore_mem>>) src(%dma_wait3A_214 : memref<8x1024xf32, #tpu.memory_space<hbm>>) dst(%arg5 : memref<8x1024xf32, #tpu.memory_space<vmem>>)
    %dma_wait3A_215 = arith.constant 0 : i32
    %dma_wait3A_216 = arith.constant 0 : i32
    %dma_wait3A_217 = arith.constant 0 : i32
    %dma_wait3A_218 = tpu.memref_slice %arg8[%dma_wait3A_215, %dma_wait3A_216, %dma_wait3A_217] : memref<4x8x1024xf32, #tpu.memory_space<vmem>> -> memref<1x8x1024xf32, #tpu.memory_space<vmem>>
    %dma_wait3A_219 = tpu.memref_squeeze %dma_wait3A_218 : memref<1x8x1024xf32, #tpu.memory_space<vmem>> -> memref<8x1024xf32, #tpu.memory_space<vmem>>
    %dma_wait3A_220 = arith.constant 0 : i32
    %dma_wait3A_221 = tpu.memref_slice %arg2[%add3A_205, %dma_wait3A_220] : memref<16384x1024xf32, #tpu.memory_space<hbm>> -> memref<8x1024xf32, #tpu.memory_space<hbm>>
    %dma_wait3A_222 = arith.constant 0 : i32
    %dma_wait3A_223 = arith.constant 0 : i32
    %dma_wait3A_224 = tpu.memref_slice %arg8[%dma_wait3A_215, %dma_wait3A_222, %dma_wait3A_223] : memref<4x8x1024xf32, #tpu.memory_space<vmem>> -> memref<1x8x1024xf32, #tpu.memory_space<vmem>>
    %dma_wait3A_225 = tpu.memref_squeeze %dma_wait3A_224 : memref<1x8x1024xf32, #tpu.memory_space<vmem>> -> memref<8x1024xf32, #tpu.memory_space<vmem>>
    %dma_wait3A_226 = arith.constant 0 : i32
    %dma_wait3A_227 = tpu.memref_slice %arg2[%add3A_205, %dma_wait3A_226] : memref<16384x1024xf32, #tpu.memory_space<hbm>> -> memref<8x1024xf32, #tpu.memory_space<hbm>>
    tpu.wait_dma2 semaphore(%arg11 : memref<!tpu.dma_semaphore, #tpu.memory_space<semaphore_mem>>) src(%dma_wait3A_227 : memref<8x1024xf32, #tpu.memory_space<hbm>>) dst(%dma_wait3A_225 : memref<8x1024xf32, #tpu.memory_space<vmem>>)
    %dma_wait3A_228 = arith.constant 1 : i32
    %dma_wait3A_229 = arith.constant 0 : i32
    %dma_wait3A_230 = arith.constant 0 : i32
    %dma_wait3A_231 = tpu.memref_slice %arg8[%dma_wait3A_228, %dma_wait3A_229, %dma_wait3A_230] : memref<4x8x1024xf32, #tpu.memory_space<vmem>> -> memref<1x8x1024xf32, #tpu.memory_space<vmem>>
    %dma_wait3A_232 = tpu.memref_squeeze %dma_wait3A_231 : memref<1x8x1024xf32, #tpu.memory_space<vmem>> -> memref<8x1024xf32, #tpu.memory_space<vmem>>
    %dma_wait3A_233 = arith.constant 0 : i32
    %dma_wait3A_234 = tpu.memref_slice %arg2[%add3A_207, %dma_wait3A_233] : memref<16384x1024xf32, #tpu.memory_space<hbm>> -> memref<8x1024xf32, #tpu.memory_space<hbm>>
    %dma_wait3A_235 = arith.constant 0 : i32
    %dma_wait3A_236 = arith.constant 0 : i32
    %dma_wait3A_237 = tpu.memref_slice %arg8[%dma_wait3A_228, %dma_wait3A_235, %dma_wait3A_236] : memref<4x8x1024xf32, #tpu.memory_space<vmem>> -> memref<1x8x1024xf32, #tpu.memory_space<vmem>>
    %dma_wait3A_238 = tpu.memref_squeeze %dma_wait3A_237 : memref<1x8x1024xf32, #tpu.memory_space<vmem>> -> memref<8x1024xf32, #tpu.memory_space<vmem>>
    %dma_wait3A_239 = arith.constant 0 : i32
    %dma_wait3A_240 = tpu.memref_slice %arg2[%add3A_207, %dma_wait3A_239] : memref<16384x1024xf32, #tpu.memory_space<hbm>> -> memref<8x1024xf32, #tpu.memory_space<hbm>>
    tpu.wait_dma2 semaphore(%arg11 : memref<!tpu.dma_semaphore, #tpu.memory_space<semaphore_mem>>) src(%dma_wait3A_240 : memref<8x1024xf32, #tpu.memory_space<hbm>>) dst(%dma_wait3A_238 : memref<8x1024xf32, #tpu.memory_space<vmem>>)
    %dma_wait3A_241 = arith.constant 2 : i32
    %dma_wait3A_242 = arith.constant 0 : i32
    %dma_wait3A_243 = arith.constant 0 : i32
    %dma_wait3A_244 = tpu.memref_slice %arg8[%dma_wait3A_241, %dma_wait3A_242, %dma_wait3A_243] : memref<4x8x1024xf32, #tpu.memory_space<vmem>> -> memref<1x8x1024xf32, #tpu.memory_space<vmem>>
    %dma_wait3A_245 = tpu.memref_squeeze %dma_wait3A_244 : memref<1x8x1024xf32, #tpu.memory_space<vmem>> -> memref<8x1024xf32, #tpu.memory_space<vmem>>
    %dma_wait3A_246 = arith.constant 0 : i32
    %dma_wait3A_247 = tpu.memref_slice %arg2[%add3A_209, %dma_wait3A_246] : memref<16384x1024xf32, #tpu.memory_space<hbm>> -> memref<8x1024xf32, #tpu.memory_space<hbm>>
    %dma_wait3A_248 = arith.constant 0 : i32
    %dma_wait3A_249 = arith.constant 0 : i32
    %dma_wait3A_250 = tpu.memref_slice %arg8[%dma_wait3A_241, %dma_wait3A_248, %dma_wait3A_249] : memref<4x8x1024xf32, #tpu.memory_space<vmem>> -> memref<1x8x1024xf32, #tpu.memory_space<vmem>>
    %dma_wait3A_251 = tpu.memref_squeeze %dma_wait3A_250 : memref<1x8x1024xf32, #tpu.memory_space<vmem>> -> memref<8x1024xf32, #tpu.memory_space<vmem>>
    %dma_wait3A_252 = arith.constant 0 : i32
    %dma_wait3A_253 = tpu.memref_slice %arg2[%add3A_209, %dma_wait3A_252] : memref<16384x1024xf32, #tpu.memory_space<hbm>> -> memref<8x1024xf32, #tpu.memory_space<hbm>>
    tpu.wait_dma2 semaphore(%arg11 : memref<!tpu.dma_semaphore, #tpu.memory_space<semaphore_mem>>) src(%dma_wait3A_253 : memref<8x1024xf32, #tpu.memory_space<hbm>>) dst(%dma_wait3A_251 : memref<8x1024xf32, #tpu.memory_space<vmem>>)
    %dma_wait3A_254 = arith.constant 3 : i32
    %dma_wait3A_255 = arith.constant 0 : i32
    %dma_wait3A_256 = arith.constant 0 : i32
    %dma_wait3A_257 = tpu.memref_slice %arg8[%dma_wait3A_254, %dma_wait3A_255, %dma_wait3A_256] : memref<4x8x1024xf32, #tpu.memory_space<vmem>> -> memref<1x8x1024xf32, #tpu.memory_space<vmem>>
    %dma_wait3A_258 = tpu.memref_squeeze %dma_wait3A_257 : memref<1x8x1024xf32, #tpu.memory_space<vmem>> -> memref<8x1024xf32, #tpu.memory_space<vmem>>
    %dma_wait3A_259 = arith.constant 0 : i32
    %dma_wait3A_260 = tpu.memref_slice %arg2[%add3A_211, %dma_wait3A_259] : memref<16384x1024xf32, #tpu.memory_space<hbm>> -> memref<8x1024xf32, #tpu.memory_space<hbm>>
    %dma_wait3A_261 = arith.constant 0 : i32
    %dma_wait3A_262 = arith.constant 0 : i32
    %dma_wait3A_263 = tpu.memref_slice %arg8[%dma_wait3A_254, %dma_wait3A_261, %dma_wait3A_262] : memref<4x8x1024xf32, #tpu.memory_space<vmem>> -> memref<1x8x1024xf32, #tpu.memory_space<vmem>>
    %dma_wait3A_264 = tpu.memref_squeeze %dma_wait3A_263 : memref<1x8x1024xf32, #tpu.memory_space<vmem>> -> memref<8x1024xf32, #tpu.memory_space<vmem>>
    %dma_wait3A_265 = arith.constant 0 : i32
    %dma_wait3A_266 = tpu.memref_slice %arg2[%add3A_211, %dma_wait3A_265] : memref<16384x1024xf32, #tpu.memory_space<hbm>> -> memref<8x1024xf32, #tpu.memory_space<hbm>>
    tpu.wait_dma2 semaphore(%arg11 : memref<!tpu.dma_semaphore, #tpu.memory_space<semaphore_mem>>) src(%dma_wait3A_266 : memref<8x1024xf32, #tpu.memory_space<hbm>>) dst(%dma_wait3A_264 : memref<8x1024xf32, #tpu.memory_space<vmem>>)
    %parallel_loop3A = arith.constant 0 : i32
    %parallel_loop3A_267 = arith.constant 512 : i32
    %parallel_loop3A_268 = arith.constant 1 : i32
    scf.for %parallel_loop3A_1494 = %parallel_loop3A to %parallel_loop3A_267 step %parallel_loop3A_268  : i32 {
      %parallel_loop3A_1495 = arith.constant 64 : i32
      %parallel_loop3A_1496 = arith.divsi %parallel_loop3A_1494, %parallel_loop3A_1495 : i32
      %parallel_loop3A_1497 = arith.constant 0 : i32
      %parallel_loop3A_1498 = arith.cmpi sgt, %parallel_loop3A_1494, %parallel_loop3A_1497 : i32
      %parallel_loop3A_1499 = arith.extui %parallel_loop3A_1498 : i1 to i32
      %parallel_loop3A_1500 = arith.constant 0 : i32
      %parallel_loop3A_1501 = arith.cmpi slt, %parallel_loop3A_1494, %parallel_loop3A_1500 : i32
      %parallel_loop3A_1502 = arith.extui %parallel_loop3A_1501 : i1 to i32
      %parallel_loop3A_1503 = arith.subi %parallel_loop3A_1499, %parallel_loop3A_1502 : i32
      %parallel_loop3A_1504 = arith.constant 0 : i32
      %parallel_loop3A_1505 = arith.cmpi sgt, %parallel_loop3A_1495, %parallel_loop3A_1504 : i32
      %parallel_loop3A_1506 = arith.extui %parallel_loop3A_1505 : i1 to i32
      %parallel_loop3A_1507 = arith.constant 0 : i32
      %parallel_loop3A_1508 = arith.cmpi slt, %parallel_loop3A_1495, %parallel_loop3A_1507 : i32
      %parallel_loop3A_1509 = arith.extui %parallel_loop3A_1508 : i1 to i32
      %parallel_loop3A_1510 = arith.subi %parallel_loop3A_1506, %parallel_loop3A_1509 : i32
      %parallel_loop3A_1511 = arith.cmpi ne, %parallel_loop3A_1503, %parallel_loop3A_1510 : i32
      %parallel_loop3A_1512 = arith.remsi %parallel_loop3A_1494, %parallel_loop3A_1495 : i32
      %parallel_loop3A_1513 = arith.constant 0 : i32
      %parallel_loop3A_1514 = arith.cmpi ne, %parallel_loop3A_1512, %parallel_loop3A_1513 : i32
      %parallel_loop3A_1515 = arith.andi %parallel_loop3A_1511, %parallel_loop3A_1514 : i1
      %parallel_loop3A_1516 = arith.constant 1 : i32
      %parallel_loop3A_1517 = arith.subi %parallel_loop3A_1496, %parallel_loop3A_1516 : i32
      %parallel_loop3A_1518 = arith.select %parallel_loop3A_1515, %parallel_loop3A_1517, %parallel_loop3A_1496 : i32
      %parallel_loop3A_1519 = arith.constant 64 : i32
      %parallel_loop3A_1520 = arith.constant 0 : i32
      %parallel_loop3A_1521 = arith.cmpi eq, %parallel_loop3A_1519, %parallel_loop3A_1520 : i32
      %parallel_loop3A_1522 = arith.constant 1 : i32
      %parallel_loop3A_1523 = arith.select %parallel_loop3A_1521, %parallel_loop3A_1522, %parallel_loop3A_1519 : i32
      %parallel_loop3A_1524 = arith.remsi %parallel_loop3A_1494, %parallel_loop3A_1523 : i32
      %parallel_loop3A_1525 = arith.constant 0 : i32
      %parallel_loop3A_1526 = arith.cmpi ne, %parallel_loop3A_1524, %parallel_loop3A_1525 : i32
      %parallel_loop3A_1527 = arith.constant 0 : i32
      %parallel_loop3A_1528 = arith.cmpi slt, %parallel_loop3A_1524, %parallel_loop3A_1527 : i32
      %parallel_loop3A_1529 = arith.constant 0 : i32
      %parallel_loop3A_1530 = arith.cmpi slt, %parallel_loop3A_1523, %parallel_loop3A_1529 : i32
      %parallel_loop3A_1531 = arith.xori %parallel_loop3A_1528, %parallel_loop3A_1530 : i1
      %parallel_loop3A_1532 = arith.andi %parallel_loop3A_1531, %parallel_loop3A_1526 : i1
      %parallel_loop3A_1533 = arith.addi %parallel_loop3A_1524, %parallel_loop3A_1523 : i32
      %parallel_loop3A_1534 = arith.select %parallel_loop3A_1532, %parallel_loop3A_1533, %parallel_loop3A_1524 : i32
      %parallel_loop3A_1535 = arith.constant 16 : i32
      %parallel_loop3A_1536 = arith.muli %parallel_loop3A_1534, %parallel_loop3A_1535 : i32
      %parallel_loop3A_1537 = arith.index_cast %parallel_loop3A_1518 : i32 to index
      %parallel_loop3A_1538 = arith.index_cast %parallel_loop3A_1536 : i32 to index
      %parallel_loop3A_1539 = tpu.vector_load %arg5[%parallel_loop3A_1537, %parallel_loop3A_1538] {strides = array<i32>} : memref<8x1024xf32, #tpu.memory_space<vmem>>, vector<1x16xf32>,
      %parallel_loop3A_1540 = vector.shape_cast %parallel_loop3A_1539 : vector<1x16xf32> to vector<16xf32>
      %parallel_loop3A_1541 = arith.constant 0 : i32
      %parallel_loop3A_1542 = arith.index_cast %parallel_loop3A_1541 : i32 to index
      %parallel_loop3A_1543 = arith.index_cast %parallel_loop3A_1518 : i32 to index
      %parallel_loop3A_1544 = arith.index_cast %parallel_loop3A_1536 : i32 to index
      %parallel_loop3A_1545 = tpu.vector_load %arg8[%parallel_loop3A_1542, %parallel_loop3A_1543, %parallel_loop3A_1544] {strides = array<i32>} : memref<4x8x1024xf32, #tpu.memory_space<vmem>>, vector<1x1x16xf32>,
      %parallel_loop3A_1546 = vector.shape_cast %parallel_loop3A_1545 : vector<1x1x16xf32> to vector<16xf32>
      %parallel_loop3A_1547 = arith.addf %parallel_loop3A_1546, %parallel_loop3A_1540 : vector<16xf32>
      %parallel_loop3A_1548 = arith.constant 0 : i32
      %parallel_loop3A_1549 = arith.index_cast %parallel_loop3A_1548 : i32 to index
      %parallel_loop3A_1550 = arith.index_cast %parallel_loop3A_1518 : i32 to index
      %parallel_loop3A_1551 = arith.index_cast %parallel_loop3A_1536 : i32 to index
      %parallel_loop3A_1552 = tpu.vector_load %arg8[%parallel_loop3A_1549, %parallel_loop3A_1550, %parallel_loop3A_1551] {strides = array<i32>} : memref<4x8x1024xf32, #tpu.memory_space<vmem>>, vector<1x1x16xf32>,
      %parallel_loop3A_1553 = vector.shape_cast %parallel_loop3A_1552 : vector<1x1x16xf32> to vector<16xf32>
      %parallel_loop3A_1554 = vector.shape_cast %parallel_loop3A_1547 : vector<16xf32> to vector<1x1x16xf32>
      tpu.vector_store %arg8[%parallel_loop3A_1549, %parallel_loop3A_1550, %parallel_loop3A_1551], %parallel_loop3A_1554 {strides = array<i32>} : memref<4x8x1024xf32, #tpu.memory_space<vmem>>, vector<1x1x16xf32>,
      %parallel_loop3A_1555 = arith.constant 1 : i32
      %parallel_loop3A_1556 = arith.index_cast %parallel_loop3A_1555 : i32 to index
      %parallel_loop3A_1557 = arith.index_cast %parallel_loop3A_1518 : i32 to index
      %parallel_loop3A_1558 = arith.index_cast %parallel_loop3A_1536 : i32 to index
      %parallel_loop3A_1559 = tpu.vector_load %arg8[%parallel_loop3A_1556, %parallel_loop3A_1557, %parallel_loop3A_1558] {strides = array<i32>} : memref<4x8x1024xf32, #tpu.memory_space<vmem>>, vector<1x1x16xf32>,
      %parallel_loop3A_1560 = vector.shape_cast %parallel_loop3A_1559 : vector<1x1x16xf32> to vector<16xf32>
      %parallel_loop3A_1561 = arith.addf %parallel_loop3A_1560, %parallel_loop3A_1540 : vector<16xf32>
      %parallel_loop3A_1562 = arith.constant 1 : i32
      %parallel_loop3A_1563 = arith.index_cast %parallel_loop3A_1562 : i32 to index
      %parallel_loop3A_1564 = arith.index_cast %parallel_loop3A_1518 : i32 to index
      %parallel_loop3A_1565 = arith.index_cast %parallel_loop3A_1536 : i32 to index
      %parallel_loop3A_1566 = tpu.vector_load %arg8[%parallel_loop3A_1563, %parallel_loop3A_1564, %parallel_loop3A_1565] {strides = array<i32>} : memref<4x8x1024xf32, #tpu.memory_space<vmem>>, vector<1x1x16xf32>,
      %parallel_loop3A_1567 = vector.shape_cast %parallel_loop3A_1566 : vector<1x1x16xf32> to vector<16xf32>
      %parallel_loop3A_1568 = vector.shape_cast %parallel_loop3A_1561 : vector<16xf32> to vector<1x1x16xf32>
      tpu.vector_store %arg8[%parallel_loop3A_1563, %parallel_loop3A_1564, %parallel_loop3A_1565], %parallel_loop3A_1568 {strides = array<i32>} : memref<4x8x1024xf32, #tpu.memory_space<vmem>>, vector<1x1x16xf32>,
      %parallel_loop3A_1569 = arith.constant 2 : i32
      %parallel_loop3A_1570 = arith.index_cast %parallel_loop3A_1569 : i32 to index
      %parallel_loop3A_1571 = arith.index_cast %parallel_loop3A_1518 : i32 to index
      %parallel_loop3A_1572 = arith.index_cast %parallel_loop3A_1536 : i32 to index
      %parallel_loop3A_1573 = tpu.vector_load %arg8[%parallel_loop3A_1570, %parallel_loop3A_1571, %parallel_loop3A_1572] {strides = array<i32>} : memref<4x8x1024xf32, #tpu.memory_space<vmem>>, vector<1x1x16xf32>,
      %parallel_loop3A_1574 = vector.shape_cast %parallel_loop3A_1573 : vector<1x1x16xf32> to vector<16xf32>
      %parallel_loop3A_1575 = arith.addf %parallel_loop3A_1574, %parallel_loop3A_1540 : vector<16xf32>
      %parallel_loop3A_1576 = arith.constant 2 : i32
      %parallel_loop3A_1577 = arith.index_cast %parallel_loop3A_1576 : i32 to index
      %parallel_loop3A_1578 = arith.index_cast %parallel_loop3A_1518 : i32 to index
      %parallel_loop3A_1579 = arith.index_cast %parallel_loop3A_1536 : i32 to index
      %parallel_loop3A_1580 = tpu.vector_load %arg8[%parallel_loop3A_1577, %parallel_loop3A_1578, %parallel_loop3A_1579] {strides = array<i32>} : memref<4x8x1024xf32, #tpu.memory_space<vmem>>, vector<1x1x16xf32>,
      %parallel_loop3A_1581 = vector.shape_cast %parallel_loop3A_1580 : vector<1x1x16xf32> to vector<16xf32>
      %parallel_loop3A_1582 = vector.shape_cast %parallel_loop3A_1575 : vector<16xf32> to vector<1x1x16xf32>
      tpu.vector_store %arg8[%parallel_loop3A_1577, %parallel_loop3A_1578, %parallel_loop3A_1579], %parallel_loop3A_1582 {strides = array<i32>} : memref<4x8x1024xf32, #tpu.memory_space<vmem>>, vector<1x1x16xf32>,
      %parallel_loop3A_1583 = arith.constant 3 : i32
      %parallel_loop3A_1584 = arith.index_cast %parallel_loop3A_1583 : i32 to index
      %parallel_loop3A_1585 = arith.index_cast %parallel_loop3A_1518 : i32 to index
      %parallel_loop3A_1586 = arith.index_cast %parallel_loop3A_1536 : i32 to index
      %parallel_loop3A_1587 = tpu.vector_load %arg8[%parallel_loop3A_1584, %parallel_loop3A_1585, %parallel_loop3A_1586] {strides = array<i32>} : memref<4x8x1024xf32, #tpu.memory_space<vmem>>, vector<1x1x16xf32>,
      %parallel_loop3A_1588 = vector.shape_cast %parallel_loop3A_1587 : vector<1x1x16xf32> to vector<16xf32>
      %parallel_loop3A_1589 = arith.addf %parallel_loop3A_1588, %parallel_loop3A_1540 : vector<16xf32>
      %parallel_loop3A_1590 = arith.constant 3 : i32
      %parallel_loop3A_1591 = arith.index_cast %parallel_loop3A_1590 : i32 to index
      %parallel_loop3A_1592 = arith.index_cast %parallel_loop3A_1518 : i32 to index
      %parallel_loop3A_1593 = arith.index_cast %parallel_loop3A_1536 : i32 to index
      %parallel_loop3A_1594 = tpu.vector_load %arg8[%parallel_loop3A_1591, %parallel_loop3A_1592, %parallel_loop3A_1593] {strides = array<i32>} : memref<4x8x1024xf32, #tpu.memory_space<vmem>>, vector<1x1x16xf32>,
      %parallel_loop3A_1595 = vector.shape_cast %parallel_loop3A_1594 : vector<1x1x16xf32> to vector<16xf32>
      %parallel_loop3A_1596 = vector.shape_cast %parallel_loop3A_1589 : vector<16xf32> to vector<1x1x16xf32>
      tpu.vector_store %arg8[%parallel_loop3A_1591, %parallel_loop3A_1592, %parallel_loop3A_1593], %parallel_loop3A_1596 {strides = array<i32>} : memref<4x8x1024xf32, #tpu.memory_space<vmem>>, vector<1x1x16xf32>,
    } {sc.loop_unroll_factor = 8 : i64, sc.parallel_access}
    %add3A_269 = arith.constant 0 : i32
    %add3A_270 = arith.addi %mul3A_4, %add3A_269 : i32
    %add3A_271 = arith.constant 0 : i32
    %add3A_272 = arith.addi %add3A_271, %add3A_270 : i32
    %add3A_273 = arith.constant 1536 : i32
    %add3A_274 = arith.addi %add3A_273, %add3A_270 : i32
    %add3A_275 = arith.constant 3072 : i32
    %add3A_276 = arith.addi %add3A_275, %add3A_270 : i32
    %add3A_277 = arith.constant 4608 : i32
    %add3A_278 = arith.addi %add3A_277, %add3A_270 : i32
    %dma_start3A_279 = arith.constant 0 : i32
    %dma_start3A_280 = arith.constant 0 : i32
    %dma_start3A_281 = arith.constant 0 : i32
    %dma_start3A_282 = tpu.memref_slice %arg8[%dma_start3A_279, %dma_start3A_280, %dma_start3A_281] : memref<4x8x1024xf32, #tpu.memory_space<vmem>> -> memref<1x8x1024xf32, #tpu.memory_space<vmem>>
    %dma_start3A_283 = tpu.memref_squeeze %dma_start3A_282 : memref<1x8x1024xf32, #tpu.memory_space<vmem>> -> memref<8x1024xf32, #tpu.memory_space<vmem>>
    %dma_start3A_284 = arith.constant 0 : i32
    %dma_start3A_285 = tpu.memref_slice %arg4[%add3A_272, %dma_start3A_284] : memref<6144x1024xf32, #tpu.memory_space<hbm>> -> memref<8x1024xf32, #tpu.memory_space<hbm>>
    %dma_start3A_286 = arith.constant 0 : i32
    %dma_start3A_287 = tpu.memref_slice %arg4[%add3A_272, %dma_start3A_286] : memref<6144x1024xf32, #tpu.memory_space<hbm>> -> memref<8x1024xf32, #tpu.memory_space<hbm>>
    %dma_start3A_288 = arith.constant 0 : i32
    %dma_start3A_289 = arith.constant 0 : i32
    %dma_start3A_290 = tpu.memref_slice %arg8[%dma_start3A_279, %dma_start3A_288, %dma_start3A_289] : memref<4x8x1024xf32, #tpu.memory_space<vmem>> -> memref<1x8x1024xf32, #tpu.memory_space<vmem>>
    %dma_start3A_291 = tpu.memref_squeeze %dma_start3A_290 : memref<1x8x1024xf32, #tpu.memory_space<vmem>> -> memref<8x1024xf32, #tpu.memory_space<vmem>>
    tpu.enqueue_dma source(%dma_start3A_291 : memref<8x1024xf32, #tpu.memory_space<vmem>>) target(%dma_start3A_287 : memref<8x1024xf32, #tpu.memory_space<hbm>>) target_semaphore(%arg14 : memref<!tpu.dma_semaphore, #tpu.memory_space<semaphore_mem>>)
    %dma_start3A_292 = arith.constant 1 : i32
    %dma_start3A_293 = arith.constant 0 : i32
    %dma_start3A_294 = arith.constant 0 : i32
    %dma_start3A_295 = tpu.memref_slice %arg8[%dma_start3A_292, %dma_start3A_293, %dma_start3A_294] : memref<4x8x1024xf32, #tpu.memory_space<vmem>> -> memref<1x8x1024xf32, #tpu.memory_space<vmem>>
    %dma_start3A_296 = tpu.memref_squeeze %dma_start3A_295 : memref<1x8x1024xf32, #tpu.memory_space<vmem>> -> memref<8x1024xf32, #tpu.memory_space<vmem>>
    %dma_start3A_297 = arith.constant 0 : i32
    %dma_start3A_298 = tpu.memref_slice %arg4[%add3A_274, %dma_start3A_297] : memref<6144x1024xf32, #tpu.memory_space<hbm>> -> memref<8x1024xf32, #tpu.memory_space<hbm>>
    %dma_start3A_299 = arith.constant 0 : i32
    %dma_start3A_300 = tpu.memref_slice %arg4[%add3A_274, %dma_start3A_299] : memref<6144x1024xf32, #tpu.memory_space<hbm>> -> memref<8x1024xf32, #tpu.memory_space<hbm>>
    %dma_start3A_301 = arith.constant 0 : i32
    %dma_start3A_302 = arith.constant 0 : i32
    %dma_start3A_303 = tpu.memref_slice %arg8[%dma_start3A_292, %dma_start3A_301, %dma_start3A_302] : memref<4x8x1024xf32, #tpu.memory_space<vmem>> -> memref<1x8x1024xf32, #tpu.memory_space<vmem>>
    %dma_start3A_304 = tpu.memref_squeeze %dma_start3A_303 : memref<1x8x1024xf32, #tpu.memory_space<vmem>> -> memref<8x1024xf32, #tpu.memory_space<vmem>>
    tpu.enqueue_dma source(%dma_start3A_304 : memref<8x1024xf32, #tpu.memory_space<vmem>>) target(%dma_start3A_300 : memref<8x1024xf32, #tpu.memory_space<hbm>>) target_semaphore(%arg14 : memref<!tpu.dma_semaphore, #tpu.memory_space<semaphore_mem>>)
    %dma_start3A_305 = arith.constant 2 : i32
    %dma_start3A_306 = arith.constant 0 : i32
    %dma_start3A_307 = arith.constant 0 : i32
    %dma_start3A_308 = tpu.memref_slice %arg8[%dma_start3A_305, %dma_start3A_306, %dma_start3A_307] : memref<4x8x1024xf32, #tpu.memory_space<vmem>> -> memref<1x8x1024xf32, #tpu.memory_space<vmem>>
    %dma_start3A_309 = tpu.memref_squeeze %dma_start3A_308 : memref<1x8x1024xf32, #tpu.memory_space<vmem>> -> memref<8x1024xf32, #tpu.memory_space<vmem>>
    %dma_start3A_310 = arith.constant 0 : i32
    %dma_start3A_311 = tpu.memref_slice %arg4[%add3A_276, %dma_start3A_310] : memref<6144x1024xf32, #tpu.memory_space<hbm>> -> memref<8x1024xf32, #tpu.memory_space<hbm>>
    %dma_start3A_312 = arith.constant 0 : i32
    %dma_start3A_313 = tpu.memref_slice %arg4[%add3A_276, %dma_start3A_312] : memref<6144x1024xf32, #tpu.memory_space<hbm>> -> memref<8x1024xf32, #tpu.memory_space<hbm>>
    %dma_start3A_314 = arith.constant 0 : i32
    %dma_start3A_315 = arith.constant 0 : i32
    %dma_start3A_316 = tpu.memref_slice %arg8[%dma_start3A_305, %dma_start3A_314, %dma_start3A_315] : memref<4x8x1024xf32, #tpu.memory_space<vmem>> -> memref<1x8x1024xf32, #tpu.memory_space<vmem>>
    %dma_start3A_317 = tpu.memref_squeeze %dma_start3A_316 : memref<1x8x1024xf32, #tpu.memory_space<vmem>> -> memref<8x1024xf32, #tpu.memory_space<vmem>>
    tpu.enqueue_dma source(%dma_start3A_317 : memref<8x1024xf32, #tpu.memory_space<vmem>>) target(%dma_start3A_313 : memref<8x1024xf32, #tpu.memory_space<hbm>>) target_semaphore(%arg14 : memref<!tpu.dma_semaphore, #tpu.memory_space<semaphore_mem>>)
    %dma_start3A_318 = arith.constant 3 : i32
    %dma_start3A_319 = arith.constant 0 : i32
    %dma_start3A_320 = arith.constant 0 : i32
    %dma_start3A_321 = tpu.memref_slice %arg8[%dma_start3A_318, %dma_start3A_319, %dma_start3A_320] : memref<4x8x1024xf32, #tpu.memory_space<vmem>> -> memref<1x8x1024xf32, #tpu.memory_space<vmem>>
    %dma_start3A_322 = tpu.memref_squeeze %dma_start3A_321 : memref<1x8x1024xf32, #tpu.memory_space<vmem>> -> memref<8x1024xf32, #tpu.memory_space<vmem>>
    %dma_start3A_323 = arith.constant 0 : i32
    %dma_start3A_324 = tpu.memref_slice %arg4[%add3A_278, %dma_start3A_323] : memref<6144x1024xf32, #tpu.memory_space<hbm>> -> memref<8x1024xf32, #tpu.memory_space<hbm>>
    %dma_start3A_325 = arith.constant 0 : i32
    %dma_start3A_326 = tpu.memref_slice %arg4[%add3A_278, %dma_start3A_325] : memref<6144x1024xf32, #tpu.memory_space<hbm>> -> memref<8x1024xf32, #tpu.memory_space<hbm>>
    %dma_start3A_327 = arith.constant 0 : i32
    %dma_start3A_328 = arith.constant 0 : i32
    %dma_start3A_329 = tpu.memref_slice %arg8[%dma_start3A_318, %dma_start3A_327, %dma_start3A_328] : memref<4x8x1024xf32, #tpu.memory_space<vmem>> -> memref<1x8x1024xf32, #tpu.memory_space<vmem>>
    %dma_start3A_330 = tpu.memref_squeeze %dma_start3A_329 : memref<1x8x1024xf32, #tpu.memory_space<vmem>> -> memref<8x1024xf32, #tpu.memory_space<vmem>>
    tpu.enqueue_dma source(%dma_start3A_330 : memref<8x1024xf32, #tpu.memory_space<vmem>>) target(%dma_start3A_326 : memref<8x1024xf32, #tpu.memory_space<hbm>>) target_semaphore(%arg14 : memref<!tpu.dma_semaphore, #tpu.memory_space<semaphore_mem>>)
    %add3A_331 = arith.constant 0 : i32
    %add3A_332 = arith.addi %mul3A_4, %add3A_331 : i32
    %add3A_333 = arith.constant 0 : i32
    %add3A_334 = arith.addi %add3A_333, %add3A_332 : i32
    %add3A_335 = arith.constant 1536 : i32
    %add3A_336 = arith.addi %add3A_335, %add3A_332 : i32
    %add3A_337 = arith.constant 3072 : i32
    %add3A_338 = arith.addi %add3A_337, %add3A_332 : i32
    %add3A_339 = arith.constant 4608 : i32
    %add3A_340 = arith.addi %add3A_339, %add3A_332 : i32
    %dma_wait3A_341 = arith.constant 0 : i32
    %dma_wait3A_342 = arith.constant 0 : i32
    %dma_wait3A_343 = arith.constant 0 : i32
    %dma_wait3A_344 = tpu.memref_slice %arg8[%dma_wait3A_341, %dma_wait3A_342, %dma_wait3A_343] : memref<4x8x1024xf32, #tpu.memory_space<vmem>> -> memref<1x8x1024xf32, #tpu.memory_space<vmem>>
    %dma_wait3A_345 = tpu.memref_squeeze %dma_wait3A_344 : memref<1x8x1024xf32, #tpu.memory_space<vmem>> -> memref<8x1024xf32, #tpu.memory_space<vmem>>
    %dma_wait3A_346 = arith.constant 0 : i32
    %dma_wait3A_347 = tpu.memref_slice %arg4[%add3A_334, %dma_wait3A_346] : memref<6144x1024xf32, #tpu.memory_space<hbm>> -> memref<8x1024xf32, #tpu.memory_space<hbm>>
    %dma_wait3A_348 = arith.constant 0 : i32
    %dma_wait3A_349 = tpu.memref_slice %arg4[%add3A_334, %dma_wait3A_348] : memref<6144x1024xf32, #tpu.memory_space<hbm>> -> memref<8x1024xf32, #tpu.memory_space<hbm>>
    %dma_wait3A_350 = arith.constant 0 : i32
    %dma_wait3A_351 = arith.constant 0 : i32
    %dma_wait3A_352 = tpu.memref_slice %arg8[%dma_wait3A_341, %dma_wait3A_350, %dma_wait3A_351] : memref<4x8x1024xf32, #tpu.memory_space<vmem>> -> memref<1x8x1024xf32, #tpu.memory_space<vmem>>
    %dma_wait3A_353 = tpu.memref_squeeze %dma_wait3A_352 : memref<1x8x1024xf32, #tpu.memory_space<vmem>> -> memref<8x1024xf32, #tpu.memory_space<vmem>>
    tpu.wait_dma2 semaphore(%arg14 : memref<!tpu.dma_semaphore, #tpu.memory_space<semaphore_mem>>) src(%dma_wait3A_353 : memref<8x1024xf32, #tpu.memory_space<vmem>>) dst(%dma_wait3A_349 : memref<8x1024xf32, #tpu.memory_space<hbm>>)
    %dma_wait3A_354 = arith.constant 1 : i32
    %dma_wait3A_355 = arith.constant 0 : i32
    %dma_wait3A_356 = arith.constant 0 : i32
    %dma_wait3A_357 = tpu.memref_slice %arg8[%dma_wait3A_354, %dma_wait3A_355, %dma_wait3A_356] : memref<4x8x1024xf32, #tpu.memory_space<vmem>> -> memref<1x8x1024xf32, #tpu.memory_space<vmem>>
    %dma_wait3A_358 = tpu.memref_squeeze %dma_wait3A_357 : memref<1x8x1024xf32, #tpu.memory_space<vmem>> -> memref<8x1024xf32, #tpu.memory_space<vmem>>
    %dma_wait3A_359 = arith.constant 0 : i32
    %dma_wait3A_360 = tpu.memref_slice %arg4[%add3A_336, %dma_wait3A_359] : memref<6144x1024xf32, #tpu.memory_space<hbm>> -> memref<8x1024xf32, #tpu.memory_space<hbm>>
    %dma_wait3A_361 = arith.constant 0 : i32
    %dma_wait3A_362 = tpu.memref_slice %arg4[%add3A_336, %dma_wait3A_361] : memref<6144x1024xf32, #tpu.memory_space<hbm>> -> memref<8x1024xf32, #tpu.memory_space<hbm>>
    %dma_wait3A_363 = arith.constant 0 : i32
    %dma_wait3A_364 = arith.constant 0 : i32
    %dma_wait3A_365 = tpu.memref_slice %arg8[%dma_wait3A_354, %dma_wait3A_363, %dma_wait3A_364] : memref<4x8x1024xf32, #tpu.memory_space<vmem>> -> memref<1x8x1024xf32, #tpu.memory_space<vmem>>
    %dma_wait3A_366 = tpu.memref_squeeze %dma_wait3A_365 : memref<1x8x1024xf32, #tpu.memory_space<vmem>> -> memref<8x1024xf32, #tpu.memory_space<vmem>>
    tpu.wait_dma2 semaphore(%arg14 : memref<!tpu.dma_semaphore, #tpu.memory_space<semaphore_mem>>) src(%dma_wait3A_366 : memref<8x1024xf32, #tpu.memory_space<vmem>>) dst(%dma_wait3A_362 : memref<8x1024xf32, #tpu.memory_space<hbm>>)
    %dma_wait3A_367 = arith.constant 2 : i32
    %dma_wait3A_368 = arith.constant 0 : i32
    %dma_wait3A_369 = arith.constant 0 : i32
    %dma_wait3A_370 = tpu.memref_slice %arg8[%dma_wait3A_367, %dma_wait3A_368, %dma_wait3A_369] : memref<4x8x1024xf32, #tpu.memory_space<vmem>> -> memref<1x8x1024xf32, #tpu.memory_space<vmem>>
    %dma_wait3A_371 = tpu.memref_squeeze %dma_wait3A_370 : memref<1x8x1024xf32, #tpu.memory_space<vmem>> -> memref<8x1024xf32, #tpu.memory_space<vmem>>
    %dma_wait3A_372 = arith.constant 0 : i32
    %dma_wait3A_373 = tpu.memref_slice %arg4[%add3A_338, %dma_wait3A_372] : memref<6144x1024xf32, #tpu.memory_space<hbm>> -> memref<8x1024xf32, #tpu.memory_space<hbm>>
    %dma_wait3A_374 = arith.constant 0 : i32
    %dma_wait3A_375 = tpu.memref_slice %arg4[%add3A_338, %dma_wait3A_374] : memref<6144x1024xf32, #tpu.memory_space<hbm>> -> memref<8x1024xf32, #tpu.memory_space<hbm>>
    %dma_wait3A_376 = arith.constant 0 : i32
    %dma_wait3A_377 = arith.constant 0 : i32
    %dma_wait3A_378 = tpu.memref_slice %arg8[%dma_wait3A_367, %dma_wait3A_376, %dma_wait3A_377] : memref<4x8x1024xf32, #tpu.memory_space<vmem>> -> memref<1x8x1024xf32, #tpu.memory_space<vmem>>
    %dma_wait3A_379 = tpu.memref_squeeze %dma_wait3A_378 : memref<1x8x1024xf32, #tpu.memory_space<vmem>> -> memref<8x1024xf32, #tpu.memory_space<vmem>>
    tpu.wait_dma2 semaphore(%arg14 : memref<!tpu.dma_semaphore, #tpu.memory_space<semaphore_mem>>) src(%dma_wait3A_379 : memref<8x1024xf32, #tpu.memory_space<vmem>>) dst(%dma_wait3A_375 : memref<8x1024xf32, #tpu.memory_space<hbm>>)
    %dma_wait3A_380 = arith.constant 3 : i32
    %dma_wait3A_381 = arith.constant 0 : i32
    %dma_wait3A_382 = arith.constant 0 : i32
    %dma_wait3A_383 = tpu.memref_slice %arg8[%dma_wait3A_380, %dma_wait3A_381, %dma_wait3A_382] : memref<4x8x1024xf32, #tpu.memory_space<vmem>> -> memref<1x8x1024xf32, #tpu.memory_space<vmem>>
    %dma_wait3A_384 = tpu.memref_squeeze %dma_wait3A_383 : memref<1x8x1024xf32, #tpu.memory_space<vmem>> -> memref<8x1024xf32, #tpu.memory_space<vmem>>
    %dma_wait3A_385 = arith.constant 0 : i32
    %dma_wait3A_386 = tpu.memref_slice %arg4[%add3A_340, %dma_wait3A_385] : memref<6144x1024xf32, #tpu.memory_space<hbm>> -> memref<8x1024xf32, #tpu.memory_space<hbm>>
    %dma_wait3A_387 = arith.constant 0 : i32
    %dma_wait3A_388 = tpu.memref_slice %arg4[%add3A_340, %dma_wait3A_387] : memref<6144x1024xf32, #tpu.memory_space<hbm>> -> memref<8x1024xf32, #tpu.memory_space<hbm>>
    %dma_wait3A_389 = arith.constant 0 : i32
    %dma_wait3A_390 = arith.constant 0 : i32
    %dma_wait3A_391 = tpu.memref_slice %arg8[%dma_wait3A_380, %dma_wait3A_389, %dma_wait3A_390] : memref<4x8x1024xf32, #tpu.memory_space<vmem>> -> memref<1x8x1024xf32, #tpu.memory_space<vmem>>
    %dma_wait3A_392 = tpu.memref_squeeze %dma_wait3A_391 : memref<1x8x1024xf32, #tpu.memory_space<vmem>> -> memref<8x1024xf32, #tpu.memory_space<vmem>>
    tpu.wait_dma2 semaphore(%arg14 : memref<!tpu.dma_semaphore, #tpu.memory_space<semaphore_mem>>) src(%dma_wait3A_392 : memref<8x1024xf32, #tpu.memory_space<vmem>>) dst(%dma_wait3A_388 : memref<8x1024xf32, #tpu.memory_space<hbm>>)
    %add3A_393 = arith.constant 24 : i32
    %add3A_394 = arith.addi %mul3A_4, %add3A_393 : i32
    %add3A_395 = arith.constant 0 : i32
    %add3A_396 = arith.addi %add3A_395, %add3A_394 : i32
    %add3A_397 = arith.constant 4096 : i32
    %add3A_398 = arith.addi %add3A_397, %add3A_394 : i32
    %add3A_399 = arith.constant 8192 : i32
    %add3A_400 = arith.addi %add3A_399, %add3A_394 : i32
    %add3A_401 = arith.constant 12288 : i32
    %add3A_402 = arith.addi %add3A_401, %add3A_394 : i32
    %dma_start3A_403 = arith.constant 0 : i32
    %dma_start3A_404 = tpu.memref_slice %arg3[%add3A_394, %dma_start3A_403] : memref<4096x1024xf32, #tpu.memory_space<hbm>> -> memref<8x1024xf32, #tpu.memory_space<hbm>>
    %dma_start3A_405 = arith.constant 0 : i32
    %dma_start3A_406 = tpu.memref_slice %arg3[%add3A_394, %dma_start3A_405] : memref<4096x1024xf32, #tpu.memory_space<hbm>> -> memref<8x1024xf32, #tpu.memory_space<hbm>>
    tpu.enqueue_dma source(%dma_start3A_406 : memref<8x1024xf32, #tpu.memory_space<hbm>>) target(%arg5 : memref<8x1024xf32, #tpu.memory_space<vmem>>) target_semaphore(%arg11 : memref<!tpu.dma_semaphore, #tpu.memory_space<semaphore_mem>>)
    %dma_start3A_407 = arith.constant 0 : i32
    %dma_start3A_408 = arith.constant 0 : i32
    %dma_start3A_409 = arith.constant 0 : i32
    %dma_start3A_410 = tpu.memref_slice %arg8[%dma_start3A_407, %dma_start3A_408, %dma_start3A_409] : memref<4x8x1024xf32, #tpu.memory_space<vmem>> -> memref<1x8x1024xf32, #tpu.memory_space<vmem>>
    %dma_start3A_411 = tpu.memref_squeeze %dma_start3A_410 : memref<1x8x1024xf32, #tpu.memory_space<vmem>> -> memref<8x1024xf32, #tpu.memory_space<vmem>>
    %dma_start3A_412 = arith.constant 0 : i32
    %dma_start3A_413 = tpu.memref_slice %arg2[%add3A_396, %dma_start3A_412] : memref<16384x1024xf32, #tpu.memory_space<hbm>> -> memref<8x1024xf32, #tpu.memory_space<hbm>>
    %dma_start3A_414 = arith.constant 0 : i32
    %dma_start3A_415 = arith.constant 0 : i32
    %dma_start3A_416 = tpu.memref_slice %arg8[%dma_start3A_407, %dma_start3A_414, %dma_start3A_415] : memref<4x8x1024xf32, #tpu.memory_space<vmem>> -> memref<1x8x1024xf32, #tpu.memory_space<vmem>>
    %dma_start3A_417 = tpu.memref_squeeze %dma_start3A_416 : memref<1x8x1024xf32, #tpu.memory_space<vmem>> -> memref<8x1024xf32, #tpu.memory_space<vmem>>
    %dma_start3A_418 = arith.constant 0 : i32
    %dma_start3A_419 = tpu.memref_slice %arg2[%add3A_396, %dma_start3A_418] : memref<16384x1024xf32, #tpu.memory_space<hbm>> -> memref<8x1024xf32, #tpu.memory_space<hbm>>
    tpu.enqueue_dma source(%dma_start3A_419 : memref<8x1024xf32, #tpu.memory_space<hbm>>) target(%dma_start3A_417 : memref<8x1024xf32, #tpu.memory_space<vmem>>) target_semaphore(%arg11 : memref<!tpu.dma_semaphore, #tpu.memory_space<semaphore_mem>>)
    %dma_start3A_420 = arith.constant 1 : i32
    %dma_start3A_421 = arith.constant 0 : i32
    %dma_start3A_422 = arith.constant 0 : i32
    %dma_start3A_423 = tpu.memref_slice %arg8[%dma_start3A_420, %dma_start3A_421, %dma_start3A_422] : memref<4x8x1024xf32, #tpu.memory_space<vmem>> -> memref<1x8x1024xf32, #tpu.memory_space<vmem>>
    %dma_start3A_424 = tpu.memref_squeeze %dma_start3A_423 : memref<1x8x1024xf32, #tpu.memory_space<vmem>> -> memref<8x1024xf32, #tpu.memory_space<vmem>>
    %dma_start3A_425 = arith.constant 0 : i32
    %dma_start3A_426 = tpu.memref_slice %arg2[%add3A_398, %dma_start3A_425] : memref<16384x1024xf32, #tpu.memory_space<hbm>> -> memref<8x1024xf32, #tpu.memory_space<hbm>>
    %dma_start3A_427 = arith.constant 0 : i32
    %dma_start3A_428 = arith.constant 0 : i32
    %dma_start3A_429 = tpu.memref_slice %arg8[%dma_start3A_420, %dma_start3A_427, %dma_start3A_428] : memref<4x8x1024xf32, #tpu.memory_space<vmem>> -> memref<1x8x1024xf32, #tpu.memory_space<vmem>>
    %dma_start3A_430 = tpu.memref_squeeze %dma_start3A_429 : memref<1x8x1024xf32, #tpu.memory_space<vmem>> -> memref<8x1024xf32, #tpu.memory_space<vmem>>
    %dma_start3A_431 = arith.constant 0 : i32
    %dma_start3A_432 = tpu.memref_slice %arg2[%add3A_398, %dma_start3A_431] : memref<16384x1024xf32, #tpu.memory_space<hbm>> -> memref<8x1024xf32, #tpu.memory_space<hbm>>
    tpu.enqueue_dma source(%dma_start3A_432 : memref<8x1024xf32, #tpu.memory_space<hbm>>) target(%dma_start3A_430 : memref<8x1024xf32, #tpu.memory_space<vmem>>) target_semaphore(%arg11 : memref<!tpu.dma_semaphore, #tpu.memory_space<semaphore_mem>>)
    %dma_start3A_433 = arith.constant 2 : i32
    %dma_start3A_434 = arith.constant 0 : i32
    %dma_start3A_435 = arith.constant 0 : i32
    %dma_start3A_436 = tpu.memref_slice %arg8[%dma_start3A_433, %dma_start3A_434, %dma_start3A_435] : memref<4x8x1024xf32, #tpu.memory_space<vmem>> -> memref<1x8x1024xf32, #tpu.memory_space<vmem>>
    %dma_start3A_437 = tpu.memref_squeeze %dma_start3A_436 : memref<1x8x1024xf32, #tpu.memory_space<vmem>> -> memref<8x1024xf32, #tpu.memory_space<vmem>>
    %dma_start3A_438 = arith.constant 0 : i32
    %dma_start3A_439 = tpu.memref_slice %arg2[%add3A_400, %dma_start3A_438] : memref<16384x1024xf32, #tpu.memory_space<hbm>> -> memref<8x1024xf32, #tpu.memory_space<hbm>>
    %dma_start3A_440 = arith.constant 0 : i32
    %dma_start3A_441 = arith.constant 0 : i32
    %dma_start3A_442 = tpu.memref_slice %arg8[%dma_start3A_433, %dma_start3A_440, %dma_start3A_441] : memref<4x8x1024xf32, #tpu.memory_space<vmem>> -> memref<1x8x1024xf32, #tpu.memory_space<vmem>>
    %dma_start3A_443 = tpu.memref_squeeze %dma_start3A_442 : memref<1x8x1024xf32, #tpu.memory_space<vmem>> -> memref<8x1024xf32, #tpu.memory_space<vmem>>
    %dma_start3A_444 = arith.constant 0 : i32
    %dma_start3A_445 = tpu.memref_slice %arg2[%add3A_400, %dma_start3A_444] : memref<16384x1024xf32, #tpu.memory_space<hbm>> -> memref<8x1024xf32, #tpu.memory_space<hbm>>
    tpu.enqueue_dma source(%dma_start3A_445 : memref<8x1024xf32, #tpu.memory_space<hbm>>) target(%dma_start3A_443 : memref<8x1024xf32, #tpu.memory_space<vmem>>) target_semaphore(%arg11 : memref<!tpu.dma_semaphore, #tpu.memory_space<semaphore_mem>>)
    %dma_start3A_446 = arith.constant 3 : i32
    %dma_start3A_447 = arith.constant 0 : i32
    %dma_start3A_448 = arith.constant 0 : i32
    %dma_start3A_449 = tpu.memref_slice %arg8[%dma_start3A_446, %dma_start3A_447, %dma_start3A_448] : memref<4x8x1024xf32, #tpu.memory_space<vmem>> -> memref<1x8x1024xf32, #tpu.memory_space<vmem>>
    %dma_start3A_450 = tpu.memref_squeeze %dma_start3A_449 : memref<1x8x1024xf32, #tpu.memory_space<vmem>> -> memref<8x1024xf32, #tpu.memory_space<vmem>>
    %dma_start3A_451 = arith.constant 0 : i32
    %dma_start3A_452 = tpu.memref_slice %arg2[%add3A_402, %dma_start3A_451] : memref<16384x1024xf32, #tpu.memory_space<hbm>> -> memref<8x1024xf32, #tpu.memory_space<hbm>>
    %dma_start3A_453 = arith.constant 0 : i32
    %dma_start3A_454 = arith.constant 0 : i32
    %dma_start3A_455 = tpu.memref_slice %arg8[%dma_start3A_446, %dma_start3A_453, %dma_start3A_454] : memref<4x8x1024xf32, #tpu.memory_space<vmem>> -> memref<1x8x1024xf32, #tpu.memory_space<vmem>>
    %dma_start3A_456 = tpu.memref_squeeze %dma_start3A_455 : memref<1x8x1024xf32, #tpu.memory_space<vmem>> -> memref<8x1024xf32, #tpu.memory_space<vmem>>
    %dma_start3A_457 = arith.constant 0 : i32
    %dma_start3A_458 = tpu.memref_slice %arg2[%add3A_402, %dma_start3A_457] : memref<16384x1024xf32, #tpu.memory_space<hbm>> -> memref<8x1024xf32, #tpu.memory_space<hbm>>
    tpu.enqueue_dma source(%dma_start3A_458 : memref<8x1024xf32, #tpu.memory_space<hbm>>) target(%dma_start3A_456 : memref<8x1024xf32, #tpu.memory_space<vmem>>) target_semaphore(%arg11 : memref<!tpu.dma_semaphore, #tpu.memory_space<semaphore_mem>>)
    %add3A_459 = arith.constant 8 : i32
    %add3A_460 = arith.addi %mul3A_4, %add3A_459 : i32
    %add3A_461 = arith.constant 0 : i32
    %add3A_462 = arith.addi %add3A_461, %add3A_460 : i32
    %add3A_463 = arith.constant 4096 : i32
    %add3A_464 = arith.addi %add3A_463, %add3A_460 : i32
    %add3A_465 = arith.constant 8192 : i32
    %add3A_466 = arith.addi %add3A_465, %add3A_460 : i32
    %add3A_467 = arith.constant 12288 : i32
    %add3A_468 = arith.addi %add3A_467, %add3A_460 : i32
    %dma_wait3A_469 = arith.constant 0 : i32
    %dma_wait3A_470 = tpu.memref_slice %arg3[%add3A_460, %dma_wait3A_469] : memref<4096x1024xf32, #tpu.memory_space<hbm>> -> memref<8x1024xf32, #tpu.memory_space<hbm>>
    %dma_wait3A_471 = arith.constant 0 : i32
    %dma_wait3A_472 = tpu.memref_slice %arg3[%add3A_460, %dma_wait3A_471] : memref<4096x1024xf32, #tpu.memory_space<hbm>> -> memref<8x1024xf32, #tpu.memory_space<hbm>>
    tpu.wait_dma2 semaphore(%arg12 : memref<!tpu.dma_semaphore, #tpu.memory_space<semaphore_mem>>) src(%dma_wait3A_472 : memref<8x1024xf32, #tpu.memory_space<hbm>>) dst(%arg6 : memref<8x1024xf32, #tpu.memory_space<vmem>>)
    %dma_wait3A_473 = arith.constant 0 : i32
    %dma_wait3A_474 = arith.constant 0 : i32
    %dma_wait3A_475 = arith.constant 0 : i32
    %dma_wait3A_476 = tpu.memref_slice %arg9[%dma_wait3A_473, %dma_wait3A_474, %dma_wait3A_475] : memref<4x8x1024xf32, #tpu.memory_space<vmem>> -> memref<1x8x1024xf32, #tpu.memory_space<vmem>>
    %dma_wait3A_477 = tpu.memref_squeeze %dma_wait3A_476 : memref<1x8x1024xf32, #tpu.memory_space<vmem>> -> memref<8x1024xf32, #tpu.memory_space<vmem>>
    %dma_wait3A_478 = arith.constant 0 : i32
    %dma_wait3A_479 = tpu.memref_slice %arg2[%add3A_462, %dma_wait3A_478] : memref<16384x1024xf32, #tpu.memory_space<hbm>> -> memref<8x1024xf32, #tpu.memory_space<hbm>>
    %dma_wait3A_480 = arith.constant 0 : i32
    %dma_wait3A_481 = arith.constant 0 : i32
    %dma_wait3A_482 = tpu.memref_slice %arg9[%dma_wait3A_473, %dma_wait3A_480, %dma_wait3A_481] : memref<4x8x1024xf32, #tpu.memory_space<vmem>> -> memref<1x8x1024xf32, #tpu.memory_space<vmem>>
    %dma_wait3A_483 = tpu.memref_squeeze %dma_wait3A_482 : memref<1x8x1024xf32, #tpu.memory_space<vmem>> -> memref<8x1024xf32, #tpu.memory_space<vmem>>
    %dma_wait3A_484 = arith.constant 0 : i32
    %dma_wait3A_485 = tpu.memref_slice %arg2[%add3A_462, %dma_wait3A_484] : memref<16384x1024xf32, #tpu.memory_space<hbm>> -> memref<8x1024xf32, #tpu.memory_space<hbm>>
    tpu.wait_dma2 semaphore(%arg12 : memref<!tpu.dma_semaphore, #tpu.memory_space<semaphore_mem>>) src(%dma_wait3A_485 : memref<8x1024xf32, #tpu.memory_space<hbm>>) dst(%dma_wait3A_483 : memref<8x1024xf32, #tpu.memory_space<vmem>>)
    %dma_wait3A_486 = arith.constant 1 : i32
    %dma_wait3A_487 = arith.constant 0 : i32
    %dma_wait3A_488 = arith.constant 0 : i32
    %dma_wait3A_489 = tpu.memref_slice %arg9[%dma_wait3A_486, %dma_wait3A_487, %dma_wait3A_488] : memref<4x8x1024xf32, #tpu.memory_space<vmem>> -> memref<1x8x1024xf32, #tpu.memory_space<vmem>>
    %dma_wait3A_490 = tpu.memref_squeeze %dma_wait3A_489 : memref<1x8x1024xf32, #tpu.memory_space<vmem>> -> memref<8x1024xf32, #tpu.memory_space<vmem>>
    %dma_wait3A_491 = arith.constant 0 : i32
    %dma_wait3A_492 = tpu.memref_slice %arg2[%add3A_464, %dma_wait3A_491] : memref<16384x1024xf32, #tpu.memory_space<hbm>> -> memref<8x1024xf32, #tpu.memory_space<hbm>>
    %dma_wait3A_493 = arith.constant 0 : i32
    %dma_wait3A_494 = arith.constant 0 : i32
    %dma_wait3A_495 = tpu.memref_slice %arg9[%dma_wait3A_486, %dma_wait3A_493, %dma_wait3A_494] : memref<4x8x1024xf32, #tpu.memory_space<vmem>> -> memref<1x8x1024xf32, #tpu.memory_space<vmem>>
    %dma_wait3A_496 = tpu.memref_squeeze %dma_wait3A_495 : memref<1x8x1024xf32, #tpu.memory_space<vmem>> -> memref<8x1024xf32, #tpu.memory_space<vmem>>
    %dma_wait3A_497 = arith.constant 0 : i32
    %dma_wait3A_498 = tpu.memref_slice %arg2[%add3A_464, %dma_wait3A_497] : memref<16384x1024xf32, #tpu.memory_space<hbm>> -> memref<8x1024xf32, #tpu.memory_space<hbm>>
    tpu.wait_dma2 semaphore(%arg12 : memref<!tpu.dma_semaphore, #tpu.memory_space<semaphore_mem>>) src(%dma_wait3A_498 : memref<8x1024xf32, #tpu.memory_space<hbm>>) dst(%dma_wait3A_496 : memref<8x1024xf32, #tpu.memory_space<vmem>>)
    %dma_wait3A_499 = arith.constant 2 : i32
    %dma_wait3A_500 = arith.constant 0 : i32
    %dma_wait3A_501 = arith.constant 0 : i32
    %dma_wait3A_502 = tpu.memref_slice %arg9[%dma_wait3A_499, %dma_wait3A_500, %dma_wait3A_501] : memref<4x8x1024xf32, #tpu.memory_space<vmem>> -> memref<1x8x1024xf32, #tpu.memory_space<vmem>>
    %dma_wait3A_503 = tpu.memref_squeeze %dma_wait3A_502 : memref<1x8x1024xf32, #tpu.memory_space<vmem>> -> memref<8x1024xf32, #tpu.memory_space<vmem>>
    %dma_wait3A_504 = arith.constant 0 : i32
    %dma_wait3A_505 = tpu.memref_slice %arg2[%add3A_466, %dma_wait3A_504] : memref<16384x1024xf32, #tpu.memory_space<hbm>> -> memref<8x1024xf32, #tpu.memory_space<hbm>>
    %dma_wait3A_506 = arith.constant 0 : i32
    %dma_wait3A_507 = arith.constant 0 : i32
    %dma_wait3A_508 = tpu.memref_slice %arg9[%dma_wait3A_499, %dma_wait3A_506, %dma_wait3A_507] : memref<4x8x1024xf32, #tpu.memory_space<vmem>> -> memref<1x8x1024xf32, #tpu.memory_space<vmem>>
    %dma_wait3A_509 = tpu.memref_squeeze %dma_wait3A_508 : memref<1x8x1024xf32, #tpu.memory_space<vmem>> -> memref<8x1024xf32, #tpu.memory_space<vmem>>
    %dma_wait3A_510 = arith.constant 0 : i32
    %dma_wait3A_511 = tpu.memref_slice %arg2[%add3A_466, %dma_wait3A_510] : memref<16384x1024xf32, #tpu.memory_space<hbm>> -> memref<8x1024xf32, #tpu.memory_space<hbm>>
    tpu.wait_dma2 semaphore(%arg12 : memref<!tpu.dma_semaphore, #tpu.memory_space<semaphore_mem>>) src(%dma_wait3A_511 : memref<8x1024xf32, #tpu.memory_space<hbm>>) dst(%dma_wait3A_509 : memref<8x1024xf32, #tpu.memory_space<vmem>>)
    %dma_wait3A_512 = arith.constant 3 : i32
    %dma_wait3A_513 = arith.constant 0 : i32
    %dma_wait3A_514 = arith.constant 0 : i32
    %dma_wait3A_515 = tpu.memref_slice %arg9[%dma_wait3A_512, %dma_wait3A_513, %dma_wait3A_514] : memref<4x8x1024xf32, #tpu.memory_space<vmem>> -> memref<1x8x1024xf32, #tpu.memory_space<vmem>>
    %dma_wait3A_516 = tpu.memref_squeeze %dma_wait3A_515 : memref<1x8x1024xf32, #tpu.memory_space<vmem>> -> memref<8x1024xf32, #tpu.memory_space<vmem>>
    %dma_wait3A_517 = arith.constant 0 : i32
    %dma_wait3A_518 = tpu.memref_slice %arg2[%add3A_468, %dma_wait3A_517] : memref<16384x1024xf32, #tpu.memory_space<hbm>> -> memref<8x1024xf32, #tpu.memory_space<hbm>>
    %dma_wait3A_519 = arith.constant 0 : i32
    %dma_wait3A_520 = arith.constant 0 : i32
    %dma_wait3A_521 = tpu.memref_slice %arg9[%dma_wait3A_512, %dma_wait3A_519, %dma_wait3A_520] : memref<4x8x1024xf32, #tpu.memory_space<vmem>> -> memref<1x8x1024xf32, #tpu.memory_space<vmem>>
    %dma_wait3A_522 = tpu.memref_squeeze %dma_wait3A_521 : memref<1x8x1024xf32, #tpu.memory_space<vmem>> -> memref<8x1024xf32, #tpu.memory_space<vmem>>
    %dma_wait3A_523 = arith.constant 0 : i32
    %dma_wait3A_524 = tpu.memref_slice %arg2[%add3A_468, %dma_wait3A_523] : memref<16384x1024xf32, #tpu.memory_space<hbm>> -> memref<8x1024xf32, #tpu.memory_space<hbm>>
    tpu.wait_dma2 semaphore(%arg12 : memref<!tpu.dma_semaphore, #tpu.memory_space<semaphore_mem>>) src(%dma_wait3A_524 : memref<8x1024xf32, #tpu.memory_space<hbm>>) dst(%dma_wait3A_522 : memref<8x1024xf32, #tpu.memory_space<vmem>>)
    %parallel_loop3A_525 = arith.constant 0 : i32
    %parallel_loop3A_526 = arith.constant 512 : i32
    %parallel_loop3A_527 = arith.constant 1 : i32
    scf.for %parallel_loop3A_1494 = %parallel_loop3A_525 to %parallel_loop3A_526 step %parallel_loop3A_527  : i32 {
      %parallel_loop3A_1495 = arith.constant 64 : i32
      %parallel_loop3A_1496 = arith.divsi %parallel_loop3A_1494, %parallel_loop3A_1495 : i32
      %parallel_loop3A_1497 = arith.constant 0 : i32
      %parallel_loop3A_1498 = arith.cmpi sgt, %parallel_loop3A_1494, %parallel_loop3A_1497 : i32
      %parallel_loop3A_1499 = arith.extui %parallel_loop3A_1498 : i1 to i32
      %parallel_loop3A_1500 = arith.constant 0 : i32
      %parallel_loop3A_1501 = arith.cmpi slt, %parallel_loop3A_1494, %parallel_loop3A_1500 : i32
      %parallel_loop3A_1502 = arith.extui %parallel_loop3A_1501 : i1 to i32
      %parallel_loop3A_1503 = arith.subi %parallel_loop3A_1499, %parallel_loop3A_1502 : i32
      %parallel_loop3A_1504 = arith.constant 0 : i32
      %parallel_loop3A_1505 = arith.cmpi sgt, %parallel_loop3A_1495, %parallel_loop3A_1504 : i32
      %parallel_loop3A_1506 = arith.extui %parallel_loop3A_1505 : i1 to i32
      %parallel_loop3A_1507 = arith.constant 0 : i32
      %parallel_loop3A_1508 = arith.cmpi slt, %parallel_loop3A_1495, %parallel_loop3A_1507 : i32
      %parallel_loop3A_1509 = arith.extui %parallel_loop3A_1508 : i1 to i32
      %parallel_loop3A_1510 = arith.subi %parallel_loop3A_1506, %parallel_loop3A_1509 : i32
      %parallel_loop3A_1511 = arith.cmpi ne, %parallel_loop3A_1503, %parallel_loop3A_1510 : i32
      %parallel_loop3A_1512 = arith.remsi %parallel_loop3A_1494, %parallel_loop3A_1495 : i32
      %parallel_loop3A_1513 = arith.constant 0 : i32
      %parallel_loop3A_1514 = arith.cmpi ne, %parallel_loop3A_1512, %parallel_loop3A_1513 : i32
      %parallel_loop3A_1515 = arith.andi %parallel_loop3A_1511, %parallel_loop3A_1514 : i1
      %parallel_loop3A_1516 = arith.constant 1 : i32
      %parallel_loop3A_1517 = arith.subi %parallel_loop3A_1496, %parallel_loop3A_1516 : i32
      %parallel_loop3A_1518 = arith.select %parallel_loop3A_1515, %parallel_loop3A_1517, %parallel_loop3A_1496 : i32
      %parallel_loop3A_1519 = arith.constant 64 : i32
      %parallel_loop3A_1520 = arith.constant 0 : i32
      %parallel_loop3A_1521 = arith.cmpi eq, %parallel_loop3A_1519, %parallel_loop3A_1520 : i32
      %parallel_loop3A_1522 = arith.constant 1 : i32
      %parallel_loop3A_1523 = arith.select %parallel_loop3A_1521, %parallel_loop3A_1522, %parallel_loop3A_1519 : i32
      %parallel_loop3A_1524 = arith.remsi %parallel_loop3A_1494, %parallel_loop3A_1523 : i32
      %parallel_loop3A_1525 = arith.constant 0 : i32
      %parallel_loop3A_1526 = arith.cmpi ne, %parallel_loop3A_1524, %parallel_loop3A_1525 : i32
      %parallel_loop3A_1527 = arith.constant 0 : i32
      %parallel_loop3A_1528 = arith.cmpi slt, %parallel_loop3A_1524, %parallel_loop3A_1527 : i32
      %parallel_loop3A_1529 = arith.constant 0 : i32
      %parallel_loop3A_1530 = arith.cmpi slt, %parallel_loop3A_1523, %parallel_loop3A_1529 : i32
      %parallel_loop3A_1531 = arith.xori %parallel_loop3A_1528, %parallel_loop3A_1530 : i1
      %parallel_loop3A_1532 = arith.andi %parallel_loop3A_1531, %parallel_loop3A_1526 : i1
      %parallel_loop3A_1533 = arith.addi %parallel_loop3A_1524, %parallel_loop3A_1523 : i32
      %parallel_loop3A_1534 = arith.select %parallel_loop3A_1532, %parallel_loop3A_1533, %parallel_loop3A_1524 : i32
      %parallel_loop3A_1535 = arith.constant 16 : i32
      %parallel_loop3A_1536 = arith.muli %parallel_loop3A_1534, %parallel_loop3A_1535 : i32
      %parallel_loop3A_1537 = arith.index_cast %parallel_loop3A_1518 : i32 to index
      %parallel_loop3A_1538 = arith.index_cast %parallel_loop3A_1536 : i32 to index
      %parallel_loop3A_1539 = tpu.vector_load %arg6[%parallel_loop3A_1537, %parallel_loop3A_1538] {strides = array<i32>} : memref<8x1024xf32, #tpu.memory_space<vmem>>, vector<1x16xf32>,
      %parallel_loop3A_1540 = vector.shape_cast %parallel_loop3A_1539 : vector<1x16xf32> to vector<16xf32>
      %parallel_loop3A_1541 = arith.constant 0 : i32
      %parallel_loop3A_1542 = arith.index_cast %parallel_loop3A_1541 : i32 to index
      %parallel_loop3A_1543 = arith.index_cast %parallel_loop3A_1518 : i32 to index
      %parallel_loop3A_1544 = arith.index_cast %parallel_loop3A_1536 : i32 to index
      %parallel_loop3A_1545 = tpu.vector_load %arg9[%parallel_loop3A_1542, %parallel_loop3A_1543, %parallel_loop3A_1544] {strides = array<i32>} : memref<4x8x1024xf32, #tpu.memory_space<vmem>>, vector<1x1x16xf32>,
      %parallel_loop3A_1546 = vector.shape_cast %parallel_loop3A_1545 : vector<1x1x16xf32> to vector<16xf32>
      %parallel_loop3A_1547 = arith.addf %parallel_loop3A_1546, %parallel_loop3A_1540 : vector<16xf32>
      %parallel_loop3A_1548 = arith.constant 0 : i32
      %parallel_loop3A_1549 = arith.index_cast %parallel_loop3A_1548 : i32 to index
      %parallel_loop3A_1550 = arith.index_cast %parallel_loop3A_1518 : i32 to index
      %parallel_loop3A_1551 = arith.index_cast %parallel_loop3A_1536 : i32 to index
      %parallel_loop3A_1552 = tpu.vector_load %arg9[%parallel_loop3A_1549, %parallel_loop3A_1550, %parallel_loop3A_1551] {strides = array<i32>} : memref<4x8x1024xf32, #tpu.memory_space<vmem>>, vector<1x1x16xf32>,
      %parallel_loop3A_1553 = vector.shape_cast %parallel_loop3A_1552 : vector<1x1x16xf32> to vector<16xf32>
      %parallel_loop3A_1554 = vector.shape_cast %parallel_loop3A_1547 : vector<16xf32> to vector<1x1x16xf32>
      tpu.vector_store %arg9[%parallel_loop3A_1549, %parallel_loop3A_1550, %parallel_loop3A_1551], %parallel_loop3A_1554 {strides = array<i32>} : memref<4x8x1024xf32, #tpu.memory_space<vmem>>, vector<1x1x16xf32>,
      %parallel_loop3A_1555 = arith.constant 1 : i32
      %parallel_loop3A_1556 = arith.index_cast %parallel_loop3A_1555 : i32 to index
      %parallel_loop3A_1557 = arith.index_cast %parallel_loop3A_1518 : i32 to index
      %parallel_loop3A_1558 = arith.index_cast %parallel_loop3A_1536 : i32 to index
      %parallel_loop3A_1559 = tpu.vector_load %arg9[%parallel_loop3A_1556, %parallel_loop3A_1557, %parallel_loop3A_1558] {strides = array<i32>} : memref<4x8x1024xf32, #tpu.memory_space<vmem>>, vector<1x1x16xf32>,
      %parallel_loop3A_1560 = vector.shape_cast %parallel_loop3A_1559 : vector<1x1x16xf32> to vector<16xf32>
      %parallel_loop3A_1561 = arith.addf %parallel_loop3A_1560, %parallel_loop3A_1540 : vector<16xf32>
      %parallel_loop3A_1562 = arith.constant 1 : i32
      %parallel_loop3A_1563 = arith.index_cast %parallel_loop3A_1562 : i32 to index
      %parallel_loop3A_1564 = arith.index_cast %parallel_loop3A_1518 : i32 to index
      %parallel_loop3A_1565 = arith.index_cast %parallel_loop3A_1536 : i32 to index
      %parallel_loop3A_1566 = tpu.vector_load %arg9[%parallel_loop3A_1563, %parallel_loop3A_1564, %parallel_loop3A_1565] {strides = array<i32>} : memref<4x8x1024xf32, #tpu.memory_space<vmem>>, vector<1x1x16xf32>,
      %parallel_loop3A_1567 = vector.shape_cast %parallel_loop3A_1566 : vector<1x1x16xf32> to vector<16xf32>
      %parallel_loop3A_1568 = vector.shape_cast %parallel_loop3A_1561 : vector<16xf32> to vector<1x1x16xf32>
      tpu.vector_store %arg9[%parallel_loop3A_1563, %parallel_loop3A_1564, %parallel_loop3A_1565], %parallel_loop3A_1568 {strides = array<i32>} : memref<4x8x1024xf32, #tpu.memory_space<vmem>>, vector<1x1x16xf32>,
      %parallel_loop3A_1569 = arith.constant 2 : i32
      %parallel_loop3A_1570 = arith.index_cast %parallel_loop3A_1569 : i32 to index
      %parallel_loop3A_1571 = arith.index_cast %parallel_loop3A_1518 : i32 to index
      %parallel_loop3A_1572 = arith.index_cast %parallel_loop3A_1536 : i32 to index
      %parallel_loop3A_1573 = tpu.vector_load %arg9[%parallel_loop3A_1570, %parallel_loop3A_1571, %parallel_loop3A_1572] {strides = array<i32>} : memref<4x8x1024xf32, #tpu.memory_space<vmem>>, vector<1x1x16xf32>,
      %parallel_loop3A_1574 = vector.shape_cast %parallel_loop3A_1573 : vector<1x1x16xf32> to vector<16xf32>
      %parallel_loop3A_1575 = arith.addf %parallel_loop3A_1574, %parallel_loop3A_1540 : vector<16xf32>
      %parallel_loop3A_1576 = arith.constant 2 : i32
      %parallel_loop3A_1577 = arith.index_cast %parallel_loop3A_1576 : i32 to index
      %parallel_loop3A_1578 = arith.index_cast %parallel_loop3A_1518 : i32 to index
      %parallel_loop3A_1579 = arith.index_cast %parallel_loop3A_1536 : i32 to index
      %parallel_loop3A_1580 = tpu.vector_load %arg9[%parallel_loop3A_1577, %parallel_loop3A_1578, %parallel_loop3A_1579] {strides = array<i32>} : memref<4x8x1024xf32, #tpu.memory_space<vmem>>, vector<1x1x16xf32>,
      %parallel_loop3A_1581 = vector.shape_cast %parallel_loop3A_1580 : vector<1x1x16xf32> to vector<16xf32>
      %parallel_loop3A_1582 = vector.shape_cast %parallel_loop3A_1575 : vector<16xf32> to vector<1x1x16xf32>
      tpu.vector_store %arg9[%parallel_loop3A_1577, %parallel_loop3A_1578, %parallel_loop3A_1579], %parallel_loop3A_1582 {strides = array<i32>} : memref<4x8x1024xf32, #tpu.memory_space<vmem>>, vector<1x1x16xf32>,
      %parallel_loop3A_1583 = arith.constant 3 : i32
      %parallel_loop3A_1584 = arith.index_cast %parallel_loop3A_1583 : i32 to index
      %parallel_loop3A_1585 = arith.index_cast %parallel_loop3A_1518 : i32 to index
      %parallel_loop3A_1586 = arith.index_cast %parallel_loop3A_1536 : i32 to index
      %parallel_loop3A_1587 = tpu.vector_load %arg9[%parallel_loop3A_1584, %parallel_loop3A_1585, %parallel_loop3A_1586] {strides = array<i32>} : memref<4x8x1024xf32, #tpu.memory_space<vmem>>, vector<1x1x16xf32>,
      %parallel_loop3A_1588 = vector.shape_cast %parallel_loop3A_1587 : vector<1x1x16xf32> to vector<16xf32>
      %parallel_loop3A_1589 = arith.addf %parallel_loop3A_1588, %parallel_loop3A_1540 : vector<16xf32>
      %parallel_loop3A_1590 = arith.constant 3 : i32
      %parallel_loop3A_1591 = arith.index_cast %parallel_loop3A_1590 : i32 to index
      %parallel_loop3A_1592 = arith.index_cast %parallel_loop3A_1518 : i32 to index
      %parallel_loop3A_1593 = arith.index_cast %parallel_loop3A_1536 : i32 to index
      %parallel_loop3A_1594 = tpu.vector_load %arg9[%parallel_loop3A_1591, %parallel_loop3A_1592, %parallel_loop3A_1593] {strides = array<i32>} : memref<4x8x1024xf32, #tpu.memory_space<vmem>>, vector<1x1x16xf32>,
      %parallel_loop3A_1595 = vector.shape_cast %parallel_loop3A_1594 : vector<1x1x16xf32> to vector<16xf32>
      %parallel_loop3A_1596 = vector.shape_cast %parallel_loop3A_1589 : vector<16xf32> to vector<1x1x16xf32>
      tpu.vector_store %arg9[%parallel_loop3A_1591, %parallel_loop3A_1592, %parallel_loop3A_1593], %parallel_loop3A_1596 {strides = array<i32>} : memref<4x8x1024xf32, #tpu.memory_space<vmem>>, vector<1x1x16xf32>,
    } {sc.loop_unroll_factor = 8 : i64, sc.parallel_access}
    %add3A_528 = arith.constant 8 : i32
    %add3A_529 = arith.addi %mul3A_4, %add3A_528 : i32
    %add3A_530 = arith.constant 0 : i32
    %add3A_531 = arith.addi %add3A_530, %add3A_529 : i32
    %add3A_532 = arith.constant 1536 : i32
    %add3A_533 = arith.addi %add3A_532, %add3A_529 : i32
    %add3A_534 = arith.constant 3072 : i32
    %add3A_535 = arith.addi %add3A_534, %add3A_529 : i32
    %add3A_536 = arith.constant 4608 : i32
    %add3A_537 = arith.addi %add3A_536, %add3A_529 : i32
    %dma_start3A_538 = arith.constant 0 : i32
    %dma_start3A_539 = arith.constant 0 : i32
    %dma_start3A_540 = arith.constant 0 : i32
    %dma_start3A_541 = tpu.memref_slice %arg9[%dma_start3A_538, %dma_start3A_539, %dma_start3A_540] : memref<4x8x1024xf32, #tpu.memory_space<vmem>> -> memref<1x8x1024xf32, #tpu.memory_space<vmem>>
    %dma_start3A_542 = tpu.memref_squeeze %dma_start3A_541 : memref<1x8x1024xf32, #tpu.memory_space<vmem>> -> memref<8x1024xf32, #tpu.memory_space<vmem>>
    %dma_start3A_543 = arith.constant 0 : i32
    %dma_start3A_544 = tpu.memref_slice %arg4[%add3A_531, %dma_start3A_543] : memref<6144x1024xf32, #tpu.memory_space<hbm>> -> memref<8x1024xf32, #tpu.memory_space<hbm>>
    %dma_start3A_545 = arith.constant 0 : i32
    %dma_start3A_546 = tpu.memref_slice %arg4[%add3A_531, %dma_start3A_545] : memref<6144x1024xf32, #tpu.memory_space<hbm>> -> memref<8x1024xf32, #tpu.memory_space<hbm>>
    %dma_start3A_547 = arith.constant 0 : i32
    %dma_start3A_548 = arith.constant 0 : i32
    %dma_start3A_549 = tpu.memref_slice %arg9[%dma_start3A_538, %dma_start3A_547, %dma_start3A_548] : memref<4x8x1024xf32, #tpu.memory_space<vmem>> -> memref<1x8x1024xf32, #tpu.memory_space<vmem>>
    %dma_start3A_550 = tpu.memref_squeeze %dma_start3A_549 : memref<1x8x1024xf32, #tpu.memory_space<vmem>> -> memref<8x1024xf32, #tpu.memory_space<vmem>>
    tpu.enqueue_dma source(%dma_start3A_550 : memref<8x1024xf32, #tpu.memory_space<vmem>>) target(%dma_start3A_546 : memref<8x1024xf32, #tpu.memory_space<hbm>>) target_semaphore(%arg15 : memref<!tpu.dma_semaphore, #tpu.memory_space<semaphore_mem>>)
    %dma_start3A_551 = arith.constant 1 : i32
    %dma_start3A_552 = arith.constant 0 : i32
    %dma_start3A_553 = arith.constant 0 : i32
    %dma_start3A_554 = tpu.memref_slice %arg9[%dma_start3A_551, %dma_start3A_552, %dma_start3A_553] : memref<4x8x1024xf32, #tpu.memory_space<vmem>> -> memref<1x8x1024xf32, #tpu.memory_space<vmem>>
    %dma_start3A_555 = tpu.memref_squeeze %dma_start3A_554 : memref<1x8x1024xf32, #tpu.memory_space<vmem>> -> memref<8x1024xf32, #tpu.memory_space<vmem>>
    %dma_start3A_556 = arith.constant 0 : i32
    %dma_start3A_557 = tpu.memref_slice %arg4[%add3A_533, %dma_start3A_556] : memref<6144x1024xf32, #tpu.memory_space<hbm>> -> memref<8x1024xf32, #tpu.memory_space<hbm>>
    %dma_start3A_558 = arith.constant 0 : i32
    %dma_start3A_559 = tpu.memref_slice %arg4[%add3A_533, %dma_start3A_558] : memref<6144x1024xf32, #tpu.memory_space<hbm>> -> memref<8x1024xf32, #tpu.memory_space<hbm>>
    %dma_start3A_560 = arith.constant 0 : i32
    %dma_start3A_561 = arith.constant 0 : i32
    %dma_start3A_562 = tpu.memref_slice %arg9[%dma_start3A_551, %dma_start3A_560, %dma_start3A_561] : memref<4x8x1024xf32, #tpu.memory_space<vmem>> -> memref<1x8x1024xf32, #tpu.memory_space<vmem>>
    %dma_start3A_563 = tpu.memref_squeeze %dma_start3A_562 : memref<1x8x1024xf32, #tpu.memory_space<vmem>> -> memref<8x1024xf32, #tpu.memory_space<vmem>>
    tpu.enqueue_dma source(%dma_start3A_563 : memref<8x1024xf32, #tpu.memory_space<vmem>>) target(%dma_start3A_559 : memref<8x1024xf32, #tpu.memory_space<hbm>>) target_semaphore(%arg15 : memref<!tpu.dma_semaphore, #tpu.memory_space<semaphore_mem>>)
    %dma_start3A_564 = arith.constant 2 : i32
    %dma_start3A_565 = arith.constant 0 : i32
    %dma_start3A_566 = arith.constant 0 : i32
    %dma_start3A_567 = tpu.memref_slice %arg9[%dma_start3A_564, %dma_start3A_565, %dma_start3A_566] : memref<4x8x1024xf32, #tpu.memory_space<vmem>> -> memref<1x8x1024xf32, #tpu.memory_space<vmem>>
    %dma_start3A_568 = tpu.memref_squeeze %dma_start3A_567 : memref<1x8x1024xf32, #tpu.memory_space<vmem>> -> memref<8x1024xf32, #tpu.memory_space<vmem>>
    %dma_start3A_569 = arith.constant 0 : i32
    %dma_start3A_570 = tpu.memref_slice %arg4[%add3A_535, %dma_start3A_569] : memref<6144x1024xf32, #tpu.memory_space<hbm>> -> memref<8x1024xf32, #tpu.memory_space<hbm>>
    %dma_start3A_571 = arith.constant 0 : i32
    %dma_start3A_572 = tpu.memref_slice %arg4[%add3A_535, %dma_start3A_571] : memref<6144x1024xf32, #tpu.memory_space<hbm>> -> memref<8x1024xf32, #tpu.memory_space<hbm>>
    %dma_start3A_573 = arith.constant 0 : i32
    %dma_start3A_574 = arith.constant 0 : i32
    %dma_start3A_575 = tpu.memref_slice %arg9[%dma_start3A_564, %dma_start3A_573, %dma_start3A_574] : memref<4x8x1024xf32, #tpu.memory_space<vmem>> -> memref<1x8x1024xf32, #tpu.memory_space<vmem>>
    %dma_start3A_576 = tpu.memref_squeeze %dma_start3A_575 : memref<1x8x1024xf32, #tpu.memory_space<vmem>> -> memref<8x1024xf32, #tpu.memory_space<vmem>>
    tpu.enqueue_dma source(%dma_start3A_576 : memref<8x1024xf32, #tpu.memory_space<vmem>>) target(%dma_start3A_572 : memref<8x1024xf32, #tpu.memory_space<hbm>>) target_semaphore(%arg15 : memref<!tpu.dma_semaphore, #tpu.memory_space<semaphore_mem>>)
    %dma_start3A_577 = arith.constant 3 : i32
    %dma_start3A_578 = arith.constant 0 : i32
    %dma_start3A_579 = arith.constant 0 : i32
    %dma_start3A_580 = tpu.memref_slice %arg9[%dma_start3A_577, %dma_start3A_578, %dma_start3A_579] : memref<4x8x1024xf32, #tpu.memory_space<vmem>> -> memref<1x8x1024xf32, #tpu.memory_space<vmem>>
    %dma_start3A_581 = tpu.memref_squeeze %dma_start3A_580 : memref<1x8x1024xf32, #tpu.memory_space<vmem>> -> memref<8x1024xf32, #tpu.memory_space<vmem>>
    %dma_start3A_582 = arith.constant 0 : i32
    %dma_start3A_583 = tpu.memref_slice %arg4[%add3A_537, %dma_start3A_582] : memref<6144x1024xf32, #tpu.memory_space<hbm>> -> memref<8x1024xf32, #tpu.memory_space<hbm>>
    %dma_start3A_584 = arith.constant 0 : i32
    %dma_start3A_585 = tpu.memref_slice %arg4[%add3A_537, %dma_start3A_584] : memref<6144x1024xf32, #tpu.memory_space<hbm>> -> memref<8x1024xf32, #tpu.memory_space<hbm>>
    %dma_start3A_586 = arith.constant 0 : i32
    %dma_start3A_587 = arith.constant 0 : i32
    %dma_start3A_588 = tpu.memref_slice %arg9[%dma_start3A_577, %dma_start3A_586, %dma_start3A_587] : memref<4x8x1024xf32, #tpu.memory_space<vmem>> -> memref<1x8x1024xf32, #tpu.memory_space<vmem>>
    %dma_start3A_589 = tpu.memref_squeeze %dma_start3A_588 : memref<1x8x1024xf32, #tpu.memory_space<vmem>> -> memref<8x1024xf32, #tpu.memory_space<vmem>>
    tpu.enqueue_dma source(%dma_start3A_589 : memref<8x1024xf32, #tpu.memory_space<vmem>>) target(%dma_start3A_585 : memref<8x1024xf32, #tpu.memory_space<hbm>>) target_semaphore(%arg15 : memref<!tpu.dma_semaphore, #tpu.memory_space<semaphore_mem>>)
    %add3A_590 = arith.constant 8 : i32
    %add3A_591 = arith.addi %mul3A_4, %add3A_590 : i32
    %add3A_592 = arith.constant 0 : i32
    %add3A_593 = arith.addi %add3A_592, %add3A_591 : i32
    %add3A_594 = arith.constant 1536 : i32
    %add3A_595 = arith.addi %add3A_594, %add3A_591 : i32
    %add3A_596 = arith.constant 3072 : i32
    %add3A_597 = arith.addi %add3A_596, %add3A_591 : i32
    %add3A_598 = arith.constant 4608 : i32
    %add3A_599 = arith.addi %add3A_598, %add3A_591 : i32
    %dma_wait3A_600 = arith.constant 0 : i32
    %dma_wait3A_601 = arith.constant 0 : i32
    %dma_wait3A_602 = arith.constant 0 : i32
    %dma_wait3A_603 = tpu.memref_slice %arg9[%dma_wait3A_600, %dma_wait3A_601, %dma_wait3A_602] : memref<4x8x1024xf32, #tpu.memory_space<vmem>> -> memref<1x8x1024xf32, #tpu.memory_space<vmem>>
    %dma_wait3A_604 = tpu.memref_squeeze %dma_wait3A_603 : memref<1x8x1024xf32, #tpu.memory_space<vmem>> -> memref<8x1024xf32, #tpu.memory_space<vmem>>
    %dma_wait3A_605 = arith.constant 0 : i32
    %dma_wait3A_606 = tpu.memref_slice %arg4[%add3A_593, %dma_wait3A_605] : memref<6144x1024xf32, #tpu.memory_space<hbm>> -> memref<8x1024xf32, #tpu.memory_space<hbm>>
    %dma_wait3A_607 = arith.constant 0 : i32
    %dma_wait3A_608 = tpu.memref_slice %arg4[%add3A_593, %dma_wait3A_607] : memref<6144x1024xf32, #tpu.memory_space<hbm>> -> memref<8x1024xf32, #tpu.memory_space<hbm>>
    %dma_wait3A_609 = arith.constant 0 : i32
    %dma_wait3A_610 = arith.constant 0 : i32
    %dma_wait3A_611 = tpu.memref_slice %arg9[%dma_wait3A_600, %dma_wait3A_609, %dma_wait3A_610] : memref<4x8x1024xf32, #tpu.memory_space<vmem>> -> memref<1x8x1024xf32, #tpu.memory_space<vmem>>
    %dma_wait3A_612 = tpu.memref_squeeze %dma_wait3A_611 : memref<1x8x1024xf32, #tpu.memory_space<vmem>> -> memref<8x1024xf32, #tpu.memory_space<vmem>>
    tpu.wait_dma2 semaphore(%arg15 : memref<!tpu.dma_semaphore, #tpu.memory_space<semaphore_mem>>) src(%dma_wait3A_612 : memref<8x1024xf32, #tpu.memory_space<vmem>>) dst(%dma_wait3A_608 : memref<8x1024xf32, #tpu.memory_space<hbm>>)
    %dma_wait3A_613 = arith.constant 1 : i32
    %dma_wait3A_614 = arith.constant 0 : i32
    %dma_wait3A_615 = arith.constant 0 : i32
    %dma_wait3A_616 = tpu.memref_slice %arg9[%dma_wait3A_613, %dma_wait3A_614, %dma_wait3A_615] : memref<4x8x1024xf32, #tpu.memory_space<vmem>> -> memref<1x8x1024xf32, #tpu.memory_space<vmem>>
    %dma_wait3A_617 = tpu.memref_squeeze %dma_wait3A_616 : memref<1x8x1024xf32, #tpu.memory_space<vmem>> -> memref<8x1024xf32, #tpu.memory_space<vmem>>
    %dma_wait3A_618 = arith.constant 0 : i32
    %dma_wait3A_619 = tpu.memref_slice %arg4[%add3A_595, %dma_wait3A_618] : memref<6144x1024xf32, #tpu.memory_space<hbm>> -> memref<8x1024xf32, #tpu.memory_space<hbm>>
    %dma_wait3A_620 = arith.constant 0 : i32
    %dma_wait3A_621 = tpu.memref_slice %arg4[%add3A_595, %dma_wait3A_620] : memref<6144x1024xf32, #tpu.memory_space<hbm>> -> memref<8x1024xf32, #tpu.memory_space<hbm>>
    %dma_wait3A_622 = arith.constant 0 : i32
    %dma_wait3A_623 = arith.constant 0 : i32
    %dma_wait3A_624 = tpu.memref_slice %arg9[%dma_wait3A_613, %dma_wait3A_622, %dma_wait3A_623] : memref<4x8x1024xf32, #tpu.memory_space<vmem>> -> memref<1x8x1024xf32, #tpu.memory_space<vmem>>
    %dma_wait3A_625 = tpu.memref_squeeze %dma_wait3A_624 : memref<1x8x1024xf32, #tpu.memory_space<vmem>> -> memref<8x1024xf32, #tpu.memory_space<vmem>>
    tpu.wait_dma2 semaphore(%arg15 : memref<!tpu.dma_semaphore, #tpu.memory_space<semaphore_mem>>) src(%dma_wait3A_625 : memref<8x1024xf32, #tpu.memory_space<vmem>>) dst(%dma_wait3A_621 : memref<8x1024xf32, #tpu.memory_space<hbm>>)
    %dma_wait3A_626 = arith.constant 2 : i32
    %dma_wait3A_627 = arith.constant 0 : i32
    %dma_wait3A_628 = arith.constant 0 : i32
    %dma_wait3A_629 = tpu.memref_slice %arg9[%dma_wait3A_626, %dma_wait3A_627, %dma_wait3A_628] : memref<4x8x1024xf32, #tpu.memory_space<vmem>> -> memref<1x8x1024xf32, #tpu.memory_space<vmem>>
    %dma_wait3A_630 = tpu.memref_squeeze %dma_wait3A_629 : memref<1x8x1024xf32, #tpu.memory_space<vmem>> -> memref<8x1024xf32, #tpu.memory_space<vmem>>
    %dma_wait3A_631 = arith.constant 0 : i32
    %dma_wait3A_632 = tpu.memref_slice %arg4[%add3A_597, %dma_wait3A_631] : memref<6144x1024xf32, #tpu.memory_space<hbm>> -> memref<8x1024xf32, #tpu.memory_space<hbm>>
    %dma_wait3A_633 = arith.constant 0 : i32
    %dma_wait3A_634 = tpu.memref_slice %arg4[%add3A_597, %dma_wait3A_633] : memref<6144x1024xf32, #tpu.memory_space<hbm>> -> memref<8x1024xf32, #tpu.memory_space<hbm>>
    %dma_wait3A_635 = arith.constant 0 : i32
    %dma_wait3A_636 = arith.constant 0 : i32
    %dma_wait3A_637 = tpu.memref_slice %arg9[%dma_wait3A_626, %dma_wait3A_635, %dma_wait3A_636] : memref<4x8x1024xf32, #tpu.memory_space<vmem>> -> memref<1x8x1024xf32, #tpu.memory_space<vmem>>
    %dma_wait3A_638 = tpu.memref_squeeze %dma_wait3A_637 : memref<1x8x1024xf32, #tpu.memory_space<vmem>> -> memref<8x1024xf32, #tpu.memory_space<vmem>>
    tpu.wait_dma2 semaphore(%arg15 : memref<!tpu.dma_semaphore, #tpu.memory_space<semaphore_mem>>) src(%dma_wait3A_638 : memref<8x1024xf32, #tpu.memory_space<vmem>>) dst(%dma_wait3A_634 : memref<8x1024xf32, #tpu.memory_space<hbm>>)
    %dma_wait3A_639 = arith.constant 3 : i32
    %dma_wait3A_640 = arith.constant 0 : i32
    %dma_wait3A_641 = arith.constant 0 : i32
    %dma_wait3A_642 = tpu.memref_slice %arg9[%dma_wait3A_639, %dma_wait3A_640, %dma_wait3A_641] : memref<4x8x1024xf32, #tpu.memory_space<vmem>> -> memref<1x8x1024xf32, #tpu.memory_space<vmem>>
    %dma_wait3A_643 = tpu.memref_squeeze %dma_wait3A_642 : memref<1x8x1024xf32, #tpu.memory_space<vmem>> -> memref<8x1024xf32, #tpu.memory_space<vmem>>
    %dma_wait3A_644 = arith.constant 0 : i32
    %dma_wait3A_645 = tpu.memref_slice %arg4[%add3A_599, %dma_wait3A_644] : memref<6144x1024xf32, #tpu.memory_space<hbm>> -> memref<8x1024xf32, #tpu.memory_space<hbm>>
    %dma_wait3A_646 = arith.constant 0 : i32
    %dma_wait3A_647 = tpu.memref_slice %arg4[%add3A_599, %dma_wait3A_646] : memref<6144x1024xf32, #tpu.memory_space<hbm>> -> memref<8x1024xf32, #tpu.memory_space<hbm>>
    %dma_wait3A_648 = arith.constant 0 : i32
    %dma_wait3A_649 = arith.constant 0 : i32
    %dma_wait3A_650 = tpu.memref_slice %arg9[%dma_wait3A_639, %dma_wait3A_648, %dma_wait3A_649] : memref<4x8x1024xf32, #tpu.memory_space<vmem>> -> memref<1x8x1024xf32, #tpu.memory_space<vmem>>
    %dma_wait3A_651 = tpu.memref_squeeze %dma_wait3A_650 : memref<1x8x1024xf32, #tpu.memory_space<vmem>> -> memref<8x1024xf32, #tpu.memory_space<vmem>>
    tpu.wait_dma2 semaphore(%arg15 : memref<!tpu.dma_semaphore, #tpu.memory_space<semaphore_mem>>) src(%dma_wait3A_651 : memref<8x1024xf32, #tpu.memory_space<vmem>>) dst(%dma_wait3A_647 : memref<8x1024xf32, #tpu.memory_space<hbm>>)
    %add3A_652 = arith.constant 32 : i32
    %add3A_653 = arith.addi %mul3A_4, %add3A_652 : i32
    %add3A_654 = arith.constant 0 : i32
    %add3A_655 = arith.addi %add3A_654, %add3A_653 : i32
    %add3A_656 = arith.constant 4096 : i32
    %add3A_657 = arith.addi %add3A_656, %add3A_653 : i32
    %add3A_658 = arith.constant 8192 : i32
    %add3A_659 = arith.addi %add3A_658, %add3A_653 : i32
    %add3A_660 = arith.constant 12288 : i32
    %add3A_661 = arith.addi %add3A_660, %add3A_653 : i32
    %dma_start3A_662 = arith.constant 0 : i32
    %dma_start3A_663 = tpu.memref_slice %arg3[%add3A_653, %dma_start3A_662] : memref<4096x1024xf32, #tpu.memory_space<hbm>> -> memref<8x1024xf32, #tpu.memory_space<hbm>>
    %dma_start3A_664 = arith.constant 0 : i32
    %dma_start3A_665 = tpu.memref_slice %arg3[%add3A_653, %dma_start3A_664] : memref<4096x1024xf32, #tpu.memory_space<hbm>> -> memref<8x1024xf32, #tpu.memory_space<hbm>>
    tpu.enqueue_dma source(%dma_start3A_665 : memref<8x1024xf32, #tpu.memory_space<hbm>>) target(%arg6 : memref<8x1024xf32, #tpu.memory_space<vmem>>) target_semaphore(%arg12 : memref<!tpu.dma_semaphore, #tpu.memory_space<semaphore_mem>>)
    %dma_start3A_666 = arith.constant 0 : i32
    %dma_start3A_667 = arith.constant 0 : i32
    %dma_start3A_668 = arith.constant 0 : i32
    %dma_start3A_669 = tpu.memref_slice %arg9[%dma_start3A_666, %dma_start3A_667, %dma_start3A_668] : memref<4x8x1024xf32, #tpu.memory_space<vmem>> -> memref<1x8x1024xf32, #tpu.memory_space<vmem>>
    %dma_start3A_670 = tpu.memref_squeeze %dma_start3A_669 : memref<1x8x1024xf32, #tpu.memory_space<vmem>> -> memref<8x1024xf32, #tpu.memory_space<vmem>>
    %dma_start3A_671 = arith.constant 0 : i32
    %dma_start3A_672 = tpu.memref_slice %arg2[%add3A_655, %dma_start3A_671] : memref<16384x1024xf32, #tpu.memory_space<hbm>> -> memref<8x1024xf32, #tpu.memory_space<hbm>>
    %dma_start3A_673 = arith.constant 0 : i32
    %dma_start3A_674 = arith.constant 0 : i32
    %dma_start3A_675 = tpu.memref_slice %arg9[%dma_start3A_666, %dma_start3A_673, %dma_start3A_674] : memref<4x8x1024xf32, #tpu.memory_space<vmem>> -> memref<1x8x1024xf32, #tpu.memory_space<vmem>>
    %dma_start3A_676 = tpu.memref_squeeze %dma_start3A_675 : memref<1x8x1024xf32, #tpu.memory_space<vmem>> -> memref<8x1024xf32, #tpu.memory_space<vmem>>
    %dma_start3A_677 = arith.constant 0 : i32
    %dma_start3A_678 = tpu.memref_slice %arg2[%add3A_655, %dma_start3A_677] : memref<16384x1024xf32, #tpu.memory_space<hbm>> -> memref<8x1024xf32, #tpu.memory_space<hbm>>
    tpu.enqueue_dma source(%dma_start3A_678 : memref<8x1024xf32, #tpu.memory_space<hbm>>) target(%dma_start3A_676 : memref<8x1024xf32, #tpu.memory_space<vmem>>) target_semaphore(%arg12 : memref<!tpu.dma_semaphore, #tpu.memory_space<semaphore_mem>>)
    %dma_start3A_679 = arith.constant 1 : i32
    %dma_start3A_680 = arith.constant 0 : i32
    %dma_start3A_681 = arith.constant 0 : i32
    %dma_start3A_682 = tpu.memref_slice %arg9[%dma_start3A_679, %dma_start3A_680, %dma_start3A_681] : memref<4x8x1024xf32, #tpu.memory_space<vmem>> -> memref<1x8x1024xf32, #tpu.memory_space<vmem>>
    %dma_start3A_683 = tpu.memref_squeeze %dma_start3A_682 : memref<1x8x1024xf32, #tpu.memory_space<vmem>> -> memref<8x1024xf32, #tpu.memory_space<vmem>>
    %dma_start3A_684 = arith.constant 0 : i32
    %dma_start3A_685 = tpu.memref_slice %arg2[%add3A_657, %dma_start3A_684] : memref<16384x1024xf32, #tpu.memory_space<hbm>> -> memref<8x1024xf32, #tpu.memory_space<hbm>>
    %dma_start3A_686 = arith.constant 0 : i32
    %dma_start3A_687 = arith.constant 0 : i32
    %dma_start3A_688 = tpu.memref_slice %arg9[%dma_start3A_679, %dma_start3A_686, %dma_start3A_687] : memref<4x8x1024xf32, #tpu.memory_space<vmem>> -> memref<1x8x1024xf32, #tpu.memory_space<vmem>>
    %dma_start3A_689 = tpu.memref_squeeze %dma_start3A_688 : memref<1x8x1024xf32, #tpu.memory_space<vmem>> -> memref<8x1024xf32, #tpu.memory_space<vmem>>
    %dma_start3A_690 = arith.constant 0 : i32
    %dma_start3A_691 = tpu.memref_slice %arg2[%add3A_657, %dma_start3A_690] : memref<16384x1024xf32, #tpu.memory_space<hbm>> -> memref<8x1024xf32, #tpu.memory_space<hbm>>
    tpu.enqueue_dma source(%dma_start3A_691 : memref<8x1024xf32, #tpu.memory_space<hbm>>) target(%dma_start3A_689 : memref<8x1024xf32, #tpu.memory_space<vmem>>) target_semaphore(%arg12 : memref<!tpu.dma_semaphore, #tpu.memory_space<semaphore_mem>>)
    %dma_start3A_692 = arith.constant 2 : i32
    %dma_start3A_693 = arith.constant 0 : i32
    %dma_start3A_694 = arith.constant 0 : i32
    %dma_start3A_695 = tpu.memref_slice %arg9[%dma_start3A_692, %dma_start3A_693, %dma_start3A_694] : memref<4x8x1024xf32, #tpu.memory_space<vmem>> -> memref<1x8x1024xf32, #tpu.memory_space<vmem>>
    %dma_start3A_696 = tpu.memref_squeeze %dma_start3A_695 : memref<1x8x1024xf32, #tpu.memory_space<vmem>> -> memref<8x1024xf32, #tpu.memory_space<vmem>>
    %dma_start3A_697 = arith.constant 0 : i32
    %dma_start3A_698 = tpu.memref_slice %arg2[%add3A_659, %dma_start3A_697] : memref<16384x1024xf32, #tpu.memory_space<hbm>> -> memref<8x1024xf32, #tpu.memory_space<hbm>>
    %dma_start3A_699 = arith.constant 0 : i32
    %dma_start3A_700 = arith.constant 0 : i32
    %dma_start3A_701 = tpu.memref_slice %arg9[%dma_start3A_692, %dma_start3A_699, %dma_start3A_700] : memref<4x8x1024xf32, #tpu.memory_space<vmem>> -> memref<1x8x1024xf32, #tpu.memory_space<vmem>>
    %dma_start3A_702 = tpu.memref_squeeze %dma_start3A_701 : memref<1x8x1024xf32, #tpu.memory_space<vmem>> -> memref<8x1024xf32, #tpu.memory_space<vmem>>
    %dma_start3A_703 = arith.constant 0 : i32
    %dma_start3A_704 = tpu.memref_slice %arg2[%add3A_659, %dma_start3A_703] : memref<16384x1024xf32, #tpu.memory_space<hbm>> -> memref<8x1024xf32, #tpu.memory_space<hbm>>
    tpu.enqueue_dma source(%dma_start3A_704 : memref<8x1024xf32, #tpu.memory_space<hbm>>) target(%dma_start3A_702 : memref<8x1024xf32, #tpu.memory_space<vmem>>) target_semaphore(%arg12 : memref<!tpu.dma_semaphore, #tpu.memory_space<semaphore_mem>>)
    %dma_start3A_705 = arith.constant 3 : i32
    %dma_start3A_706 = arith.constant 0 : i32
    %dma_start3A_707 = arith.constant 0 : i32
    %dma_start3A_708 = tpu.memref_slice %arg9[%dma_start3A_705, %dma_start3A_706, %dma_start3A_707] : memref<4x8x1024xf32, #tpu.memory_space<vmem>> -> memref<1x8x1024xf32, #tpu.memory_space<vmem>>
    %dma_start3A_709 = tpu.memref_squeeze %dma_start3A_708 : memref<1x8x1024xf32, #tpu.memory_space<vmem>> -> memref<8x1024xf32, #tpu.memory_space<vmem>>
    %dma_start3A_710 = arith.constant 0 : i32
    %dma_start3A_711 = tpu.memref_slice %arg2[%add3A_661, %dma_start3A_710] : memref<16384x1024xf32, #tpu.memory_space<hbm>> -> memref<8x1024xf32, #tpu.memory_space<hbm>>
    %dma_start3A_712 = arith.constant 0 : i32
    %dma_start3A_713 = arith.constant 0 : i32
    %dma_start3A_714 = tpu.memref_slice %arg9[%dma_start3A_705, %dma_start3A_712, %dma_start3A_713] : memref<4x8x1024xf32, #tpu.memory_space<vmem>> -> memref<1x8x1024xf32, #tpu.memory_space<vmem>>
    %dma_start3A_715 = tpu.memref_squeeze %dma_start3A_714 : memref<1x8x1024xf32, #tpu.memory_space<vmem>> -> memref<8x1024xf32, #tpu.memory_space<vmem>>
    %dma_start3A_716 = arith.constant 0 : i32
    %dma_start3A_717 = tpu.memref_slice %arg2[%add3A_661, %dma_start3A_716] : memref<16384x1024xf32, #tpu.memory_space<hbm>> -> memref<8x1024xf32, #tpu.memory_space<hbm>>
    tpu.enqueue_dma source(%dma_start3A_717 : memref<8x1024xf32, #tpu.memory_space<hbm>>) target(%dma_start3A_715 : memref<8x1024xf32, #tpu.memory_space<vmem>>) target_semaphore(%arg12 : memref<!tpu.dma_semaphore, #tpu.memory_space<semaphore_mem>>)
    %add3A_718 = arith.constant 16 : i32
    %add3A_719 = arith.addi %mul3A_4, %add3A_718 : i32
    %add3A_720 = arith.constant 0 : i32
    %add3A_721 = arith.addi %add3A_720, %add3A_719 : i32
    %add3A_722 = arith.constant 4096 : i32
    %add3A_723 = arith.addi %add3A_722, %add3A_719 : i32
    %add3A_724 = arith.constant 8192 : i32
    %add3A_725 = arith.addi %add3A_724, %add3A_719 : i32
    %add3A_726 = arith.constant 12288 : i32
    %add3A_727 = arith.addi %add3A_726, %add3A_719 : i32
    %dma_wait3A_728 = arith.constant 0 : i32
    %dma_wait3A_729 = tpu.memref_slice %arg3[%add3A_719, %dma_wait3A_728] : memref<4096x1024xf32, #tpu.memory_space<hbm>> -> memref<8x1024xf32, #tpu.memory_space<hbm>>
    %dma_wait3A_730 = arith.constant 0 : i32
    %dma_wait3A_731 = tpu.memref_slice %arg3[%add3A_719, %dma_wait3A_730] : memref<4096x1024xf32, #tpu.memory_space<hbm>> -> memref<8x1024xf32, #tpu.memory_space<hbm>>
    tpu.wait_dma2 semaphore(%arg13 : memref<!tpu.dma_semaphore, #tpu.memory_space<semaphore_mem>>) src(%dma_wait3A_731 : memref<8x1024xf32, #tpu.memory_space<hbm>>) dst(%arg7 : memref<8x1024xf32, #tpu.memory_space<vmem>>)
    %dma_wait3A_732 = arith.constant 0 : i32
    %dma_wait3A_733 = arith.constant 0 : i32
    %dma_wait3A_734 = arith.constant 0 : i32
    %dma_wait3A_735 = tpu.memref_slice %arg10[%dma_wait3A_732, %dma_wait3A_733, %dma_wait3A_734] : memref<4x8x1024xf32, #tpu.memory_space<vmem>> -> memref<1x8x1024xf32, #tpu.memory_space<vmem>>
    %dma_wait3A_736 = tpu.memref_squeeze %dma_wait3A_735 : memref<1x8x1024xf32, #tpu.memory_space<vmem>> -> memref<8x1024xf32, #tpu.memory_space<vmem>>
    %dma_wait3A_737 = arith.constant 0 : i32
    %dma_wait3A_738 = tpu.memref_slice %arg2[%add3A_721, %dma_wait3A_737] : memref<16384x1024xf32, #tpu.memory_space<hbm>> -> memref<8x1024xf32, #tpu.memory_space<hbm>>
    %dma_wait3A_739 = arith.constant 0 : i32
    %dma_wait3A_740 = arith.constant 0 : i32
    %dma_wait3A_741 = tpu.memref_slice %arg10[%dma_wait3A_732, %dma_wait3A_739, %dma_wait3A_740] : memref<4x8x1024xf32, #tpu.memory_space<vmem>> -> memref<1x8x1024xf32, #tpu.memory_space<vmem>>
    %dma_wait3A_742 = tpu.memref_squeeze %dma_wait3A_741 : memref<1x8x1024xf32, #tpu.memory_space<vmem>> -> memref<8x1024xf32, #tpu.memory_space<vmem>>
    %dma_wait3A_743 = arith.constant 0 : i32
    %dma_wait3A_744 = tpu.memref_slice %arg2[%add3A_721, %dma_wait3A_743] : memref<16384x1024xf32, #tpu.memory_space<hbm>> -> memref<8x1024xf32, #tpu.memory_space<hbm>>
    tpu.wait_dma2 semaphore(%arg13 : memref<!tpu.dma_semaphore, #tpu.memory_space<semaphore_mem>>) src(%dma_wait3A_744 : memref<8x1024xf32, #tpu.memory_space<hbm>>) dst(%dma_wait3A_742 : memref<8x1024xf32, #tpu.memory_space<vmem>>)
    %dma_wait3A_745 = arith.constant 1 : i32
    %dma_wait3A_746 = arith.constant 0 : i32
    %dma_wait3A_747 = arith.constant 0 : i32
    %dma_wait3A_748 = tpu.memref_slice %arg10[%dma_wait3A_745, %dma_wait3A_746, %dma_wait3A_747] : memref<4x8x1024xf32, #tpu.memory_space<vmem>> -> memref<1x8x1024xf32, #tpu.memory_space<vmem>>
    %dma_wait3A_749 = tpu.memref_squeeze %dma_wait3A_748 : memref<1x8x1024xf32, #tpu.memory_space<vmem>> -> memref<8x1024xf32, #tpu.memory_space<vmem>>
    %dma_wait3A_750 = arith.constant 0 : i32
    %dma_wait3A_751 = tpu.memref_slice %arg2[%add3A_723, %dma_wait3A_750] : memref<16384x1024xf32, #tpu.memory_space<hbm>> -> memref<8x1024xf32, #tpu.memory_space<hbm>>
    %dma_wait3A_752 = arith.constant 0 : i32
    %dma_wait3A_753 = arith.constant 0 : i32
    %dma_wait3A_754 = tpu.memref_slice %arg10[%dma_wait3A_745, %dma_wait3A_752, %dma_wait3A_753] : memref<4x8x1024xf32, #tpu.memory_space<vmem>> -> memref<1x8x1024xf32, #tpu.memory_space<vmem>>
    %dma_wait3A_755 = tpu.memref_squeeze %dma_wait3A_754 : memref<1x8x1024xf32, #tpu.memory_space<vmem>> -> memref<8x1024xf32, #tpu.memory_space<vmem>>
    %dma_wait3A_756 = arith.constant 0 : i32
    %dma_wait3A_757 = tpu.memref_slice %arg2[%add3A_723, %dma_wait3A_756] : memref<16384x1024xf32, #tpu.memory_space<hbm>> -> memref<8x1024xf32, #tpu.memory_space<hbm>>
    tpu.wait_dma2 semaphore(%arg13 : memref<!tpu.dma_semaphore, #tpu.memory_space<semaphore_mem>>) src(%dma_wait3A_757 : memref<8x1024xf32, #tpu.memory_space<hbm>>) dst(%dma_wait3A_755 : memref<8x1024xf32, #tpu.memory_space<vmem>>)
    %dma_wait3A_758 = arith.constant 2 : i32
    %dma_wait3A_759 = arith.constant 0 : i32
    %dma_wait3A_760 = arith.constant 0 : i32
    %dma_wait3A_761 = tpu.memref_slice %arg10[%dma_wait3A_758, %dma_wait3A_759, %dma_wait3A_760] : memref<4x8x1024xf32, #tpu.memory_space<vmem>> -> memref<1x8x1024xf32, #tpu.memory_space<vmem>>
    %dma_wait3A_762 = tpu.memref_squeeze %dma_wait3A_761 : memref<1x8x1024xf32, #tpu.memory_space<vmem>> -> memref<8x1024xf32, #tpu.memory_space<vmem>>
    %dma_wait3A_763 = arith.constant 0 : i32
    %dma_wait3A_764 = tpu.memref_slice %arg2[%add3A_725, %dma_wait3A_763] : memref<16384x1024xf32, #tpu.memory_space<hbm>> -> memref<8x1024xf32, #tpu.memory_space<hbm>>
    %dma_wait3A_765 = arith.constant 0 : i32
    %dma_wait3A_766 = arith.constant 0 : i32
    %dma_wait3A_767 = tpu.memref_slice %arg10[%dma_wait3A_758, %dma_wait3A_765, %dma_wait3A_766] : memref<4x8x1024xf32, #tpu.memory_space<vmem>> -> memref<1x8x1024xf32, #tpu.memory_space<vmem>>
    %dma_wait3A_768 = tpu.memref_squeeze %dma_wait3A_767 : memref<1x8x1024xf32, #tpu.memory_space<vmem>> -> memref<8x1024xf32, #tpu.memory_space<vmem>>
    %dma_wait3A_769 = arith.constant 0 : i32
    %dma_wait3A_770 = tpu.memref_slice %arg2[%add3A_725, %dma_wait3A_769] : memref<16384x1024xf32, #tpu.memory_space<hbm>> -> memref<8x1024xf32, #tpu.memory_space<hbm>>
    tpu.wait_dma2 semaphore(%arg13 : memref<!tpu.dma_semaphore, #tpu.memory_space<semaphore_mem>>) src(%dma_wait3A_770 : memref<8x1024xf32, #tpu.memory_space<hbm>>) dst(%dma_wait3A_768 : memref<8x1024xf32, #tpu.memory_space<vmem>>)
    %dma_wait3A_771 = arith.constant 3 : i32
    %dma_wait3A_772 = arith.constant 0 : i32
    %dma_wait3A_773 = arith.constant 0 : i32
    %dma_wait3A_774 = tpu.memref_slice %arg10[%dma_wait3A_771, %dma_wait3A_772, %dma_wait3A_773] : memref<4x8x1024xf32, #tpu.memory_space<vmem>> -> memref<1x8x1024xf32, #tpu.memory_space<vmem>>
    %dma_wait3A_775 = tpu.memref_squeeze %dma_wait3A_774 : memref<1x8x1024xf32, #tpu.memory_space<vmem>> -> memref<8x1024xf32, #tpu.memory_space<vmem>>
    %dma_wait3A_776 = arith.constant 0 : i32
    %dma_wait3A_777 = tpu.memref_slice %arg2[%add3A_727, %dma_wait3A_776] : memref<16384x1024xf32, #tpu.memory_space<hbm>> -> memref<8x1024xf32, #tpu.memory_space<hbm>>
    %dma_wait3A_778 = arith.constant 0 : i32
    %dma_wait3A_779 = arith.constant 0 : i32
    %dma_wait3A_780 = tpu.memref_slice %arg10[%dma_wait3A_771, %dma_wait3A_778, %dma_wait3A_779] : memref<4x8x1024xf32, #tpu.memory_space<vmem>> -> memref<1x8x1024xf32, #tpu.memory_space<vmem>>
    %dma_wait3A_781 = tpu.memref_squeeze %dma_wait3A_780 : memref<1x8x1024xf32, #tpu.memory_space<vmem>> -> memref<8x1024xf32, #tpu.memory_space<vmem>>
    %dma_wait3A_782 = arith.constant 0 : i32
    %dma_wait3A_783 = tpu.memref_slice %arg2[%add3A_727, %dma_wait3A_782] : memref<16384x1024xf32, #tpu.memory_space<hbm>> -> memref<8x1024xf32, #tpu.memory_space<hbm>>
    tpu.wait_dma2 semaphore(%arg13 : memref<!tpu.dma_semaphore, #tpu.memory_space<semaphore_mem>>) src(%dma_wait3A_783 : memref<8x1024xf32, #tpu.memory_space<hbm>>) dst(%dma_wait3A_781 : memref<8x1024xf32, #tpu.memory_space<vmem>>)
    %parallel_loop3A_784 = arith.constant 0 : i32
    %parallel_loop3A_785 = arith.constant 512 : i32
    %parallel_loop3A_786 = arith.constant 1 : i32
    scf.for %parallel_loop3A_1494 = %parallel_loop3A_784 to %parallel_loop3A_785 step %parallel_loop3A_786  : i32 {
      %parallel_loop3A_1495 = arith.constant 64 : i32
      %parallel_loop3A_1496 = arith.divsi %parallel_loop3A_1494, %parallel_loop3A_1495 : i32
      %parallel_loop3A_1497 = arith.constant 0 : i32
      %parallel_loop3A_1498 = arith.cmpi sgt, %parallel_loop3A_1494, %parallel_loop3A_1497 : i32
      %parallel_loop3A_1499 = arith.extui %parallel_loop3A_1498 : i1 to i32
      %parallel_loop3A_1500 = arith.constant 0 : i32
      %parallel_loop3A_1501 = arith.cmpi slt, %parallel_loop3A_1494, %parallel_loop3A_1500 : i32
      %parallel_loop3A_1502 = arith.extui %parallel_loop3A_1501 : i1 to i32
      %parallel_loop3A_1503 = arith.subi %parallel_loop3A_1499, %parallel_loop3A_1502 : i32
      %parallel_loop3A_1504 = arith.constant 0 : i32
      %parallel_loop3A_1505 = arith.cmpi sgt, %parallel_loop3A_1495, %parallel_loop3A_1504 : i32
      %parallel_loop3A_1506 = arith.extui %parallel_loop3A_1505 : i1 to i32
      %parallel_loop3A_1507 = arith.constant 0 : i32
      %parallel_loop3A_1508 = arith.cmpi slt, %parallel_loop3A_1495, %parallel_loop3A_1507 : i32
      %parallel_loop3A_1509 = arith.extui %parallel_loop3A_1508 : i1 to i32
      %parallel_loop3A_1510 = arith.subi %parallel_loop3A_1506, %parallel_loop3A_1509 : i32
      %parallel_loop3A_1511 = arith.cmpi ne, %parallel_loop3A_1503, %parallel_loop3A_1510 : i32
      %parallel_loop3A_1512 = arith.remsi %parallel_loop3A_1494, %parallel_loop3A_1495 : i32
      %parallel_loop3A_1513 = arith.constant 0 : i32
      %parallel_loop3A_1514 = arith.cmpi ne, %parallel_loop3A_1512, %parallel_loop3A_1513 : i32
      %parallel_loop3A_1515 = arith.andi %parallel_loop3A_1511, %parallel_loop3A_1514 : i1
      %parallel_loop3A_1516 = arith.constant 1 : i32
      %parallel_loop3A_1517 = arith.subi %parallel_loop3A_1496, %parallel_loop3A_1516 : i32
      %parallel_loop3A_1518 = arith.select %parallel_loop3A_1515, %parallel_loop3A_1517, %parallel_loop3A_1496 : i32
      %parallel_loop3A_1519 = arith.constant 64 : i32
      %parallel_loop3A_1520 = arith.constant 0 : i32
      %parallel_loop3A_1521 = arith.cmpi eq, %parallel_loop3A_1519, %parallel_loop3A_1520 : i32
      %parallel_loop3A_1522 = arith.constant 1 : i32
      %parallel_loop3A_1523 = arith.select %parallel_loop3A_1521, %parallel_loop3A_1522, %parallel_loop3A_1519 : i32
      %parallel_loop3A_1524 = arith.remsi %parallel_loop3A_1494, %parallel_loop3A_1523 : i32
      %parallel_loop3A_1525 = arith.constant 0 : i32
      %parallel_loop3A_1526 = arith.cmpi ne, %parallel_loop3A_1524, %parallel_loop3A_1525 : i32
      %parallel_loop3A_1527 = arith.constant 0 : i32
      %parallel_loop3A_1528 = arith.cmpi slt, %parallel_loop3A_1524, %parallel_loop3A_1527 : i32
      %parallel_loop3A_1529 = arith.constant 0 : i32
      %parallel_loop3A_1530 = arith.cmpi slt, %parallel_loop3A_1523, %parallel_loop3A_1529 : i32
      %parallel_loop3A_1531 = arith.xori %parallel_loop3A_1528, %parallel_loop3A_1530 : i1
      %parallel_loop3A_1532 = arith.andi %parallel_loop3A_1531, %parallel_loop3A_1526 : i1
      %parallel_loop3A_1533 = arith.addi %parallel_loop3A_1524, %parallel_loop3A_1523 : i32
      %parallel_loop3A_1534 = arith.select %parallel_loop3A_1532, %parallel_loop3A_1533, %parallel_loop3A_1524 : i32
      %parallel_loop3A_1535 = arith.constant 16 : i32
      %parallel_loop3A_1536 = arith.muli %parallel_loop3A_1534, %parallel_loop3A_1535 : i32
      %parallel_loop3A_1537 = arith.index_cast %parallel_loop3A_1518 : i32 to index
      %parallel_loop3A_1538 = arith.index_cast %parallel_loop3A_1536 : i32 to index
      %parallel_loop3A_1539 = tpu.vector_load %arg7[%parallel_loop3A_1537, %parallel_loop3A_1538] {strides = array<i32>} : memref<8x1024xf32, #tpu.memory_space<vmem>>, vector<1x16xf32>,
      %parallel_loop3A_1540 = vector.shape_cast %parallel_loop3A_1539 : vector<1x16xf32> to vector<16xf32>
      %parallel_loop3A_1541 = arith.constant 0 : i32
      %parallel_loop3A_1542 = arith.index_cast %parallel_loop3A_1541 : i32 to index
      %parallel_loop3A_1543 = arith.index_cast %parallel_loop3A_1518 : i32 to index
      %parallel_loop3A_1544 = arith.index_cast %parallel_loop3A_1536 : i32 to index
      %parallel_loop3A_1545 = tpu.vector_load %arg10[%parallel_loop3A_1542, %parallel_loop3A_1543, %parallel_loop3A_1544] {strides = array<i32>} : memref<4x8x1024xf32, #tpu.memory_space<vmem>>, vector<1x1x16xf32>,
      %parallel_loop3A_1546 = vector.shape_cast %parallel_loop3A_1545 : vector<1x1x16xf32> to vector<16xf32>
      %parallel_loop3A_1547 = arith.addf %parallel_loop3A_1546, %parallel_loop3A_1540 : vector<16xf32>
      %parallel_loop3A_1548 = arith.constant 0 : i32
      %parallel_loop3A_1549 = arith.index_cast %parallel_loop3A_1548 : i32 to index
      %parallel_loop3A_1550 = arith.index_cast %parallel_loop3A_1518 : i32 to index
      %parallel_loop3A_1551 = arith.index_cast %parallel_loop3A_1536 : i32 to index
      %parallel_loop3A_1552 = tpu.vector_load %arg10[%parallel_loop3A_1549, %parallel_loop3A_1550, %parallel_loop3A_1551] {strides = array<i32>} : memref<4x8x1024xf32, #tpu.memory_space<vmem>>, vector<1x1x16xf32>,
      %parallel_loop3A_1553 = vector.shape_cast %parallel_loop3A_1552 : vector<1x1x16xf32> to vector<16xf32>
      %parallel_loop3A_1554 = vector.shape_cast %parallel_loop3A_1547 : vector<16xf32> to vector<1x1x16xf32>
      tpu.vector_store %arg10[%parallel_loop3A_1549, %parallel_loop3A_1550, %parallel_loop3A_1551], %parallel_loop3A_1554 {strides = array<i32>} : memref<4x8x1024xf32, #tpu.memory_space<vmem>>, vector<1x1x16xf32>,
      %parallel_loop3A_1555 = arith.constant 1 : i32
      %parallel_loop3A_1556 = arith.index_cast %parallel_loop3A_1555 : i32 to index
      %parallel_loop3A_1557 = arith.index_cast %parallel_loop3A_1518 : i32 to index
      %parallel_loop3A_1558 = arith.index_cast %parallel_loop3A_1536 : i32 to index
      %parallel_loop3A_1559 = tpu.vector_load %arg10[%parallel_loop3A_1556, %parallel_loop3A_1557, %parallel_loop3A_1558] {strides = array<i32>} : memref<4x8x1024xf32, #tpu.memory_space<vmem>>, vector<1x1x16xf32>,
      %parallel_loop3A_1560 = vector.shape_cast %parallel_loop3A_1559 : vector<1x1x16xf32> to vector<16xf32>
      %parallel_loop3A_1561 = arith.addf %parallel_loop3A_1560, %parallel_loop3A_1540 : vector<16xf32>
      %parallel_loop3A_1562 = arith.constant 1 : i32
      %parallel_loop3A_1563 = arith.index_cast %parallel_loop3A_1562 : i32 to index
      %parallel_loop3A_1564 = arith.index_cast %parallel_loop3A_1518 : i32 to index
      %parallel_loop3A_1565 = arith.index_cast %parallel_loop3A_1536 : i32 to index
      %parallel_loop3A_1566 = tpu.vector_load %arg10[%parallel_loop3A_1563, %parallel_loop3A_1564, %parallel_loop3A_1565] {strides = array<i32>} : memref<4x8x1024xf32, #tpu.memory_space<vmem>>, vector<1x1x16xf32>,
      %parallel_loop3A_1567 = vector.shape_cast %parallel_loop3A_1566 : vector<1x1x16xf32> to vector<16xf32>
      %parallel_loop3A_1568 = vector.shape_cast %parallel_loop3A_1561 : vector<16xf32> to vector<1x1x16xf32>
      tpu.vector_store %arg10[%parallel_loop3A_1563, %parallel_loop3A_1564, %parallel_loop3A_1565], %parallel_loop3A_1568 {strides = array<i32>} : memref<4x8x1024xf32, #tpu.memory_space<vmem>>, vector<1x1x16xf32>,
      %parallel_loop3A_1569 = arith.constant 2 : i32
      %parallel_loop3A_1570 = arith.index_cast %parallel_loop3A_1569 : i32 to index
      %parallel_loop3A_1571 = arith.index_cast %parallel_loop3A_1518 : i32 to index
      %parallel_loop3A_1572 = arith.index_cast %parallel_loop3A_1536 : i32 to index
      %parallel_loop3A_1573 = tpu.vector_load %arg10[%parallel_loop3A_1570, %parallel_loop3A_1571, %parallel_loop3A_1572] {strides = array<i32>} : memref<4x8x1024xf32, #tpu.memory_space<vmem>>, vector<1x1x16xf32>,
      %parallel_loop3A_1574 = vector.shape_cast %parallel_loop3A_1573 : vector<1x1x16xf32> to vector<16xf32>
      %parallel_loop3A_1575 = arith.addf %parallel_loop3A_1574, %parallel_loop3A_1540 : vector<16xf32>
      %parallel_loop3A_1576 = arith.constant 2 : i32
      %parallel_loop3A_1577 = arith.index_cast %parallel_loop3A_1576 : i32 to index
      %parallel_loop3A_1578 = arith.index_cast %parallel_loop3A_1518 : i32 to index
      %parallel_loop3A_1579 = arith.index_cast %parallel_loop3A_1536 : i32 to index
      %parallel_loop3A_1580 = tpu.vector_load %arg10[%parallel_loop3A_1577, %parallel_loop3A_1578, %parallel_loop3A_1579] {strides = array<i32>} : memref<4x8x1024xf32, #tpu.memory_space<vmem>>, vector<1x1x16xf32>,
      %parallel_loop3A_1581 = vector.shape_cast %parallel_loop3A_1580 : vector<1x1x16xf32> to vector<16xf32>
      %parallel_loop3A_1582 = vector.shape_cast %parallel_loop3A_1575 : vector<16xf32> to vector<1x1x16xf32>
      tpu.vector_store %arg10[%parallel_loop3A_1577, %parallel_loop3A_1578, %parallel_loop3A_1579], %parallel_loop3A_1582 {strides = array<i32>} : memref<4x8x1024xf32, #tpu.memory_space<vmem>>, vector<1x1x16xf32>,
      %parallel_loop3A_1583 = arith.constant 3 : i32
      %parallel_loop3A_1584 = arith.index_cast %parallel_loop3A_1583 : i32 to index
      %parallel_loop3A_1585 = arith.index_cast %parallel_loop3A_1518 : i32 to index
      %parallel_loop3A_1586 = arith.index_cast %parallel_loop3A_1536 : i32 to index
      %parallel_loop3A_1587 = tpu.vector_load %arg10[%parallel_loop3A_1584, %parallel_loop3A_1585, %parallel_loop3A_1586] {strides = array<i32>} : memref<4x8x1024xf32, #tpu.memory_space<vmem>>, vector<1x1x16xf32>,
      %parallel_loop3A_1588 = vector.shape_cast %parallel_loop3A_1587 : vector<1x1x16xf32> to vector<16xf32>
      %parallel_loop3A_1589 = arith.addf %parallel_loop3A_1588, %parallel_loop3A_1540 : vector<16xf32>
      %parallel_loop3A_1590 = arith.constant 3 : i32
      %parallel_loop3A_1591 = arith.index_cast %parallel_loop3A_1590 : i32 to index
      %parallel_loop3A_1592 = arith.index_cast %parallel_loop3A_1518 : i32 to index
      %parallel_loop3A_1593 = arith.index_cast %parallel_loop3A_1536 : i32 to index
      %parallel_loop3A_1594 = tpu.vector_load %arg10[%parallel_loop3A_1591, %parallel_loop3A_1592, %parallel_loop3A_1593] {strides = array<i32>} : memref<4x8x1024xf32, #tpu.memory_space<vmem>>, vector<1x1x16xf32>,
      %parallel_loop3A_1595 = vector.shape_cast %parallel_loop3A_1594 : vector<1x1x16xf32> to vector<16xf32>
      %parallel_loop3A_1596 = vector.shape_cast %parallel_loop3A_1589 : vector<16xf32> to vector<1x1x16xf32>
      tpu.vector_store %arg10[%parallel_loop3A_1591, %parallel_loop3A_1592, %parallel_loop3A_1593], %parallel_loop3A_1596 {strides = array<i32>} : memref<4x8x1024xf32, #tpu.memory_space<vmem>>, vector<1x1x16xf32>,
    } {sc.loop_unroll_factor = 8 : i64, sc.parallel_access}
    %add3A_787 = arith.constant 16 : i32
    %add3A_788 = arith.addi %mul3A_4, %add3A_787 : i32
    %add3A_789 = arith.constant 0 : i32
    %add3A_790 = arith.addi %add3A_789, %add3A_788 : i32
    %add3A_791 = arith.constant 1536 : i32
    %add3A_792 = arith.addi %add3A_791, %add3A_788 : i32
    %add3A_793 = arith.constant 3072 : i32
    %add3A_794 = arith.addi %add3A_793, %add3A_788 : i32
    %add3A_795 = arith.constant 4608 : i32
    %add3A_796 = arith.addi %add3A_795, %add3A_788 : i32
    %dma_start3A_797 = arith.constant 0 : i32
    %dma_start3A_798 = arith.constant 0 : i32
    %dma_start3A_799 = arith.constant 0 : i32
    %dma_start3A_800 = tpu.memref_slice %arg10[%dma_start3A_797, %dma_start3A_798, %dma_start3A_799] : memref<4x8x1024xf32, #tpu.memory_space<vmem>> -> memref<1x8x1024xf32, #tpu.memory_space<vmem>>
    %dma_start3A_801 = tpu.memref_squeeze %dma_start3A_800 : memref<1x8x1024xf32, #tpu.memory_space<vmem>> -> memref<8x1024xf32, #tpu.memory_space<vmem>>
    %dma_start3A_802 = arith.constant 0 : i32
    %dma_start3A_803 = tpu.memref_slice %arg4[%add3A_790, %dma_start3A_802] : memref<6144x1024xf32, #tpu.memory_space<hbm>> -> memref<8x1024xf32, #tpu.memory_space<hbm>>
    %dma_start3A_804 = arith.constant 0 : i32
    %dma_start3A_805 = tpu.memref_slice %arg4[%add3A_790, %dma_start3A_804] : memref<6144x1024xf32, #tpu.memory_space<hbm>> -> memref<8x1024xf32, #tpu.memory_space<hbm>>
    %dma_start3A_806 = arith.constant 0 : i32
    %dma_start3A_807 = arith.constant 0 : i32
    %dma_start3A_808 = tpu.memref_slice %arg10[%dma_start3A_797, %dma_start3A_806, %dma_start3A_807] : memref<4x8x1024xf32, #tpu.memory_space<vmem>> -> memref<1x8x1024xf32, #tpu.memory_space<vmem>>
    %dma_start3A_809 = tpu.memref_squeeze %dma_start3A_808 : memref<1x8x1024xf32, #tpu.memory_space<vmem>> -> memref<8x1024xf32, #tpu.memory_space<vmem>>
    tpu.enqueue_dma source(%dma_start3A_809 : memref<8x1024xf32, #tpu.memory_space<vmem>>) target(%dma_start3A_805 : memref<8x1024xf32, #tpu.memory_space<hbm>>) target_semaphore(%arg16 : memref<!tpu.dma_semaphore, #tpu.memory_space<semaphore_mem>>)
    %dma_start3A_810 = arith.constant 1 : i32
    %dma_start3A_811 = arith.constant 0 : i32
    %dma_start3A_812 = arith.constant 0 : i32
    %dma_start3A_813 = tpu.memref_slice %arg10[%dma_start3A_810, %dma_start3A_811, %dma_start3A_812] : memref<4x8x1024xf32, #tpu.memory_space<vmem>> -> memref<1x8x1024xf32, #tpu.memory_space<vmem>>
    %dma_start3A_814 = tpu.memref_squeeze %dma_start3A_813 : memref<1x8x1024xf32, #tpu.memory_space<vmem>> -> memref<8x1024xf32, #tpu.memory_space<vmem>>
    %dma_start3A_815 = arith.constant 0 : i32
    %dma_start3A_816 = tpu.memref_slice %arg4[%add3A_792, %dma_start3A_815] : memref<6144x1024xf32, #tpu.memory_space<hbm>> -> memref<8x1024xf32, #tpu.memory_space<hbm>>
    %dma_start3A_817 = arith.constant 0 : i32
    %dma_start3A_818 = tpu.memref_slice %arg4[%add3A_792, %dma_start3A_817] : memref<6144x1024xf32, #tpu.memory_space<hbm>> -> memref<8x1024xf32, #tpu.memory_space<hbm>>
    %dma_start3A_819 = arith.constant 0 : i32
    %dma_start3A_820 = arith.constant 0 : i32
    %dma_start3A_821 = tpu.memref_slice %arg10[%dma_start3A_810, %dma_start3A_819, %dma_start3A_820] : memref<4x8x1024xf32, #tpu.memory_space<vmem>> -> memref<1x8x1024xf32, #tpu.memory_space<vmem>>
    %dma_start3A_822 = tpu.memref_squeeze %dma_start3A_821 : memref<1x8x1024xf32, #tpu.memory_space<vmem>> -> memref<8x1024xf32, #tpu.memory_space<vmem>>
    tpu.enqueue_dma source(%dma_start3A_822 : memref<8x1024xf32, #tpu.memory_space<vmem>>) target(%dma_start3A_818 : memref<8x1024xf32, #tpu.memory_space<hbm>>) target_semaphore(%arg16 : memref<!tpu.dma_semaphore, #tpu.memory_space<semaphore_mem>>)
    %dma_start3A_823 = arith.constant 2 : i32
    %dma_start3A_824 = arith.constant 0 : i32
    %dma_start3A_825 = arith.constant 0 : i32
    %dma_start3A_826 = tpu.memref_slice %arg10[%dma_start3A_823, %dma_start3A_824, %dma_start3A_825] : memref<4x8x1024xf32, #tpu.memory_space<vmem>> -> memref<1x8x1024xf32, #tpu.memory_space<vmem>>
    %dma_start3A_827 = tpu.memref_squeeze %dma_start3A_826 : memref<1x8x1024xf32, #tpu.memory_space<vmem>> -> memref<8x1024xf32, #tpu.memory_space<vmem>>
    %dma_start3A_828 = arith.constant 0 : i32
    %dma_start3A_829 = tpu.memref_slice %arg4[%add3A_794, %dma_start3A_828] : memref<6144x1024xf32, #tpu.memory_space<hbm>> -> memref<8x1024xf32, #tpu.memory_space<hbm>>
    %dma_start3A_830 = arith.constant 0 : i32
    %dma_start3A_831 = tpu.memref_slice %arg4[%add3A_794, %dma_start3A_830] : memref<6144x1024xf32, #tpu.memory_space<hbm>> -> memref<8x1024xf32, #tpu.memory_space<hbm>>
    %dma_start3A_832 = arith.constant 0 : i32
    %dma_start3A_833 = arith.constant 0 : i32
    %dma_start3A_834 = tpu.memref_slice %arg10[%dma_start3A_823, %dma_start3A_832, %dma_start3A_833] : memref<4x8x1024xf32, #tpu.memory_space<vmem>> -> memref<1x8x1024xf32, #tpu.memory_space<vmem>>
    %dma_start3A_835 = tpu.memref_squeeze %dma_start3A_834 : memref<1x8x1024xf32, #tpu.memory_space<vmem>> -> memref<8x1024xf32, #tpu.memory_space<vmem>>
    tpu.enqueue_dma source(%dma_start3A_835 : memref<8x1024xf32, #tpu.memory_space<vmem>>) target(%dma_start3A_831 : memref<8x1024xf32, #tpu.memory_space<hbm>>) target_semaphore(%arg16 : memref<!tpu.dma_semaphore, #tpu.memory_space<semaphore_mem>>)
    %dma_start3A_836 = arith.constant 3 : i32
    %dma_start3A_837 = arith.constant 0 : i32
    %dma_start3A_838 = arith.constant 0 : i32
    %dma_start3A_839 = tpu.memref_slice %arg10[%dma_start3A_836, %dma_start3A_837, %dma_start3A_838] : memref<4x8x1024xf32, #tpu.memory_space<vmem>> -> memref<1x8x1024xf32, #tpu.memory_space<vmem>>
    %dma_start3A_840 = tpu.memref_squeeze %dma_start3A_839 : memref<1x8x1024xf32, #tpu.memory_space<vmem>> -> memref<8x1024xf32, #tpu.memory_space<vmem>>
    %dma_start3A_841 = arith.constant 0 : i32
    %dma_start3A_842 = tpu.memref_slice %arg4[%add3A_796, %dma_start3A_841] : memref<6144x1024xf32, #tpu.memory_space<hbm>> -> memref<8x1024xf32, #tpu.memory_space<hbm>>
    %dma_start3A_843 = arith.constant 0 : i32
    %dma_start3A_844 = tpu.memref_slice %arg4[%add3A_796, %dma_start3A_843] : memref<6144x1024xf32, #tpu.memory_space<hbm>> -> memref<8x1024xf32, #tpu.memory_space<hbm>>
    %dma_start3A_845 = arith.constant 0 : i32
    %dma_start3A_846 = arith.constant 0 : i32
    %dma_start3A_847 = tpu.memref_slice %arg10[%dma_start3A_836, %dma_start3A_845, %dma_start3A_846] : memref<4x8x1024xf32, #tpu.memory_space<vmem>> -> memref<1x8x1024xf32, #tpu.memory_space<vmem>>
    %dma_start3A_848 = tpu.memref_squeeze %dma_start3A_847 : memref<1x8x1024xf32, #tpu.memory_space<vmem>> -> memref<8x1024xf32, #tpu.memory_space<vmem>>
    tpu.enqueue_dma source(%dma_start3A_848 : memref<8x1024xf32, #tpu.memory_space<vmem>>) target(%dma_start3A_844 : memref<8x1024xf32, #tpu.memory_space<hbm>>) target_semaphore(%arg16 : memref<!tpu.dma_semaphore, #tpu.memory_space<semaphore_mem>>)
    %add3A_849 = arith.constant 16 : i32
    %add3A_850 = arith.addi %mul3A_4, %add3A_849 : i32
    %add3A_851 = arith.constant 0 : i32
    %add3A_852 = arith.addi %add3A_851, %add3A_850 : i32
    %add3A_853 = arith.constant 1536 : i32
    %add3A_854 = arith.addi %add3A_853, %add3A_850 : i32
    %add3A_855 = arith.constant 3072 : i32
    %add3A_856 = arith.addi %add3A_855, %add3A_850 : i32
    %add3A_857 = arith.constant 4608 : i32
    %add3A_858 = arith.addi %add3A_857, %add3A_850 : i32
    %dma_wait3A_859 = arith.constant 0 : i32
    %dma_wait3A_860 = arith.constant 0 : i32
    %dma_wait3A_861 = arith.constant 0 : i32
    %dma_wait3A_862 = tpu.memref_slice %arg10[%dma_wait3A_859, %dma_wait3A_860, %dma_wait3A_861] : memref<4x8x1024xf32, #tpu.memory_space<vmem>> -> memref<1x8x1024xf32, #tpu.memory_space<vmem>>
    %dma_wait3A_863 = tpu.memref_squeeze %dma_wait3A_862 : memref<1x8x1024xf32, #tpu.memory_space<vmem>> -> memref<8x1024xf32, #tpu.memory_space<vmem>>
    %dma_wait3A_864 = arith.constant 0 : i32
    %dma_wait3A_865 = tpu.memref_slice %arg4[%add3A_852, %dma_wait3A_864] : memref<6144x1024xf32, #tpu.memory_space<hbm>> -> memref<8x1024xf32, #tpu.memory_space<hbm>>
    %dma_wait3A_866 = arith.constant 0 : i32
    %dma_wait3A_867 = tpu.memref_slice %arg4[%add3A_852, %dma_wait3A_866] : memref<6144x1024xf32, #tpu.memory_space<hbm>> -> memref<8x1024xf32, #tpu.memory_space<hbm>>
    %dma_wait3A_868 = arith.constant 0 : i32
    %dma_wait3A_869 = arith.constant 0 : i32
    %dma_wait3A_870 = tpu.memref_slice %arg10[%dma_wait3A_859, %dma_wait3A_868, %dma_wait3A_869] : memref<4x8x1024xf32, #tpu.memory_space<vmem>> -> memref<1x8x1024xf32, #tpu.memory_space<vmem>>
    %dma_wait3A_871 = tpu.memref_squeeze %dma_wait3A_870 : memref<1x8x1024xf32, #tpu.memory_space<vmem>> -> memref<8x1024xf32, #tpu.memory_space<vmem>>
    tpu.wait_dma2 semaphore(%arg16 : memref<!tpu.dma_semaphore, #tpu.memory_space<semaphore_mem>>) src(%dma_wait3A_871 : memref<8x1024xf32, #tpu.memory_space<vmem>>) dst(%dma_wait3A_867 : memref<8x1024xf32, #tpu.memory_space<hbm>>)
    %dma_wait3A_872 = arith.constant 1 : i32
    %dma_wait3A_873 = arith.constant 0 : i32
    %dma_wait3A_874 = arith.constant 0 : i32
    %dma_wait3A_875 = tpu.memref_slice %arg10[%dma_wait3A_872, %dma_wait3A_873, %dma_wait3A_874] : memref<4x8x1024xf32, #tpu.memory_space<vmem>> -> memref<1x8x1024xf32, #tpu.memory_space<vmem>>
    %dma_wait3A_876 = tpu.memref_squeeze %dma_wait3A_875 : memref<1x8x1024xf32, #tpu.memory_space<vmem>> -> memref<8x1024xf32, #tpu.memory_space<vmem>>
    %dma_wait3A_877 = arith.constant 0 : i32
    %dma_wait3A_878 = tpu.memref_slice %arg4[%add3A_854, %dma_wait3A_877] : memref<6144x1024xf32, #tpu.memory_space<hbm>> -> memref<8x1024xf32, #tpu.memory_space<hbm>>
    %dma_wait3A_879 = arith.constant 0 : i32
    %dma_wait3A_880 = tpu.memref_slice %arg4[%add3A_854, %dma_wait3A_879] : memref<6144x1024xf32, #tpu.memory_space<hbm>> -> memref<8x1024xf32, #tpu.memory_space<hbm>>
    %dma_wait3A_881 = arith.constant 0 : i32
    %dma_wait3A_882 = arith.constant 0 : i32
    %dma_wait3A_883 = tpu.memref_slice %arg10[%dma_wait3A_872, %dma_wait3A_881, %dma_wait3A_882] : memref<4x8x1024xf32, #tpu.memory_space<vmem>> -> memref<1x8x1024xf32, #tpu.memory_space<vmem>>
    %dma_wait3A_884 = tpu.memref_squeeze %dma_wait3A_883 : memref<1x8x1024xf32, #tpu.memory_space<vmem>> -> memref<8x1024xf32, #tpu.memory_space<vmem>>
    tpu.wait_dma2 semaphore(%arg16 : memref<!tpu.dma_semaphore, #tpu.memory_space<semaphore_mem>>) src(%dma_wait3A_884 : memref<8x1024xf32, #tpu.memory_space<vmem>>) dst(%dma_wait3A_880 : memref<8x1024xf32, #tpu.memory_space<hbm>>)
    %dma_wait3A_885 = arith.constant 2 : i32
    %dma_wait3A_886 = arith.constant 0 : i32
    %dma_wait3A_887 = arith.constant 0 : i32
    %dma_wait3A_888 = tpu.memref_slice %arg10[%dma_wait3A_885, %dma_wait3A_886, %dma_wait3A_887] : memref<4x8x1024xf32, #tpu.memory_space<vmem>> -> memref<1x8x1024xf32, #tpu.memory_space<vmem>>
    %dma_wait3A_889 = tpu.memref_squeeze %dma_wait3A_888 : memref<1x8x1024xf32, #tpu.memory_space<vmem>> -> memref<8x1024xf32, #tpu.memory_space<vmem>>
    %dma_wait3A_890 = arith.constant 0 : i32
    %dma_wait3A_891 = tpu.memref_slice %arg4[%add3A_856, %dma_wait3A_890] : memref<6144x1024xf32, #tpu.memory_space<hbm>> -> memref<8x1024xf32, #tpu.memory_space<hbm>>
    %dma_wait3A_892 = arith.constant 0 : i32
    %dma_wait3A_893 = tpu.memref_slice %arg4[%add3A_856, %dma_wait3A_892] : memref<6144x1024xf32, #tpu.memory_space<hbm>> -> memref<8x1024xf32, #tpu.memory_space<hbm>>
    %dma_wait3A_894 = arith.constant 0 : i32
    %dma_wait3A_895 = arith.constant 0 : i32
    %dma_wait3A_896 = tpu.memref_slice %arg10[%dma_wait3A_885, %dma_wait3A_894, %dma_wait3A_895] : memref<4x8x1024xf32, #tpu.memory_space<vmem>> -> memref<1x8x1024xf32, #tpu.memory_space<vmem>>
    %dma_wait3A_897 = tpu.memref_squeeze %dma_wait3A_896 : memref<1x8x1024xf32, #tpu.memory_space<vmem>> -> memref<8x1024xf32, #tpu.memory_space<vmem>>
    tpu.wait_dma2 semaphore(%arg16 : memref<!tpu.dma_semaphore, #tpu.memory_space<semaphore_mem>>) src(%dma_wait3A_897 : memref<8x1024xf32, #tpu.memory_space<vmem>>) dst(%dma_wait3A_893 : memref<8x1024xf32, #tpu.memory_space<hbm>>)
    %dma_wait3A_898 = arith.constant 3 : i32
    %dma_wait3A_899 = arith.constant 0 : i32
    %dma_wait3A_900 = arith.constant 0 : i32
    %dma_wait3A_901 = tpu.memref_slice %arg10[%dma_wait3A_898, %dma_wait3A_899, %dma_wait3A_900] : memref<4x8x1024xf32, #tpu.memory_space<vmem>> -> memref<1x8x1024xf32, #tpu.memory_space<vmem>>
    %dma_wait3A_902 = tpu.memref_squeeze %dma_wait3A_901 : memref<1x8x1024xf32, #tpu.memory_space<vmem>> -> memref<8x1024xf32, #tpu.memory_space<vmem>>
    %dma_wait3A_903 = arith.constant 0 : i32
    %dma_wait3A_904 = tpu.memref_slice %arg4[%add3A_858, %dma_wait3A_903] : memref<6144x1024xf32, #tpu.memory_space<hbm>> -> memref<8x1024xf32, #tpu.memory_space<hbm>>
    %dma_wait3A_905 = arith.constant 0 : i32
    %dma_wait3A_906 = tpu.memref_slice %arg4[%add3A_858, %dma_wait3A_905] : memref<6144x1024xf32, #tpu.memory_space<hbm>> -> memref<8x1024xf32, #tpu.memory_space<hbm>>
    %dma_wait3A_907 = arith.constant 0 : i32
    %dma_wait3A_908 = arith.constant 0 : i32
    %dma_wait3A_909 = tpu.memref_slice %arg10[%dma_wait3A_898, %dma_wait3A_907, %dma_wait3A_908] : memref<4x8x1024xf32, #tpu.memory_space<vmem>> -> memref<1x8x1024xf32, #tpu.memory_space<vmem>>
    %dma_wait3A_910 = tpu.memref_squeeze %dma_wait3A_909 : memref<1x8x1024xf32, #tpu.memory_space<vmem>> -> memref<8x1024xf32, #tpu.memory_space<vmem>>
    tpu.wait_dma2 semaphore(%arg16 : memref<!tpu.dma_semaphore, #tpu.memory_space<semaphore_mem>>) src(%dma_wait3A_910 : memref<8x1024xf32, #tpu.memory_space<vmem>>) dst(%dma_wait3A_906 : memref<8x1024xf32, #tpu.memory_space<hbm>>)
    %add3A_911 = arith.constant 40 : i32
    %add3A_912 = arith.addi %mul3A_4, %add3A_911 : i32
    %add3A_913 = arith.constant 0 : i32
    %add3A_914 = arith.addi %add3A_913, %add3A_912 : i32
    %add3A_915 = arith.constant 4096 : i32
    %add3A_916 = arith.addi %add3A_915, %add3A_912 : i32
    %add3A_917 = arith.constant 8192 : i32
    %add3A_918 = arith.addi %add3A_917, %add3A_912 : i32
    %add3A_919 = arith.constant 12288 : i32
    %add3A_920 = arith.addi %add3A_919, %add3A_912 : i32
    %dma_start3A_921 = arith.constant 0 : i32
    %dma_start3A_922 = tpu.memref_slice %arg3[%add3A_912, %dma_start3A_921] : memref<4096x1024xf32, #tpu.memory_space<hbm>> -> memref<8x1024xf32, #tpu.memory_space<hbm>>
    %dma_start3A_923 = arith.constant 0 : i32
    %dma_start3A_924 = tpu.memref_slice %arg3[%add3A_912, %dma_start3A_923] : memref<4096x1024xf32, #tpu.memory_space<hbm>> -> memref<8x1024xf32, #tpu.memory_space<hbm>>
    tpu.enqueue_dma source(%dma_start3A_924 : memref<8x1024xf32, #tpu.memory_space<hbm>>) target(%arg7 : memref<8x1024xf32, #tpu.memory_space<vmem>>) target_semaphore(%arg13 : memref<!tpu.dma_semaphore, #tpu.memory_space<semaphore_mem>>)
    %dma_start3A_925 = arith.constant 0 : i32
    %dma_start3A_926 = arith.constant 0 : i32
    %dma_start3A_927 = arith.constant 0 : i32
    %dma_start3A_928 = tpu.memref_slice %arg10[%dma_start3A_925, %dma_start3A_926, %dma_start3A_927] : memref<4x8x1024xf32, #tpu.memory_space<vmem>> -> memref<1x8x1024xf32, #tpu.memory_space<vmem>>
    %dma_start3A_929 = tpu.memref_squeeze %dma_start3A_928 : memref<1x8x1024xf32, #tpu.memory_space<vmem>> -> memref<8x1024xf32, #tpu.memory_space<vmem>>
    %dma_start3A_930 = arith.constant 0 : i32
    %dma_start3A_931 = tpu.memref_slice %arg2[%add3A_914, %dma_start3A_930] : memref<16384x1024xf32, #tpu.memory_space<hbm>> -> memref<8x1024xf32, #tpu.memory_space<hbm>>
    %dma_start3A_932 = arith.constant 0 : i32
    %dma_start3A_933 = arith.constant 0 : i32
    %dma_start3A_934 = tpu.memref_slice %arg10[%dma_start3A_925, %dma_start3A_932, %dma_start3A_933] : memref<4x8x1024xf32, #tpu.memory_space<vmem>> -> memref<1x8x1024xf32, #tpu.memory_space<vmem>>
    %dma_start3A_935 = tpu.memref_squeeze %dma_start3A_934 : memref<1x8x1024xf32, #tpu.memory_space<vmem>> -> memref<8x1024xf32, #tpu.memory_space<vmem>>
    %dma_start3A_936 = arith.constant 0 : i32
    %dma_start3A_937 = tpu.memref_slice %arg2[%add3A_914, %dma_start3A_936] : memref<16384x1024xf32, #tpu.memory_space<hbm>> -> memref<8x1024xf32, #tpu.memory_space<hbm>>
    tpu.enqueue_dma source(%dma_start3A_937 : memref<8x1024xf32, #tpu.memory_space<hbm>>) target(%dma_start3A_935 : memref<8x1024xf32, #tpu.memory_space<vmem>>) target_semaphore(%arg13 : memref<!tpu.dma_semaphore, #tpu.memory_space<semaphore_mem>>)
    %dma_start3A_938 = arith.constant 1 : i32
    %dma_start3A_939 = arith.constant 0 : i32
    %dma_start3A_940 = arith.constant 0 : i32
    %dma_start3A_941 = tpu.memref_slice %arg10[%dma_start3A_938, %dma_start3A_939, %dma_start3A_940] : memref<4x8x1024xf32, #tpu.memory_space<vmem>> -> memref<1x8x1024xf32, #tpu.memory_space<vmem>>
    %dma_start3A_942 = tpu.memref_squeeze %dma_start3A_941 : memref<1x8x1024xf32, #tpu.memory_space<vmem>> -> memref<8x1024xf32, #tpu.memory_space<vmem>>
    %dma_start3A_943 = arith.constant 0 : i32
    %dma_start3A_944 = tpu.memref_slice %arg2[%add3A_916, %dma_start3A_943] : memref<16384x1024xf32, #tpu.memory_space<hbm>> -> memref<8x1024xf32, #tpu.memory_space<hbm>>
    %dma_start3A_945 = arith.constant 0 : i32
    %dma_start3A_946 = arith.constant 0 : i32
    %dma_start3A_947 = tpu.memref_slice %arg10[%dma_start3A_938, %dma_start3A_945, %dma_start3A_946] : memref<4x8x1024xf32, #tpu.memory_space<vmem>> -> memref<1x8x1024xf32, #tpu.memory_space<vmem>>
    %dma_start3A_948 = tpu.memref_squeeze %dma_start3A_947 : memref<1x8x1024xf32, #tpu.memory_space<vmem>> -> memref<8x1024xf32, #tpu.memory_space<vmem>>
    %dma_start3A_949 = arith.constant 0 : i32
    %dma_start3A_950 = tpu.memref_slice %arg2[%add3A_916, %dma_start3A_949] : memref<16384x1024xf32, #tpu.memory_space<hbm>> -> memref<8x1024xf32, #tpu.memory_space<hbm>>
    tpu.enqueue_dma source(%dma_start3A_950 : memref<8x1024xf32, #tpu.memory_space<hbm>>) target(%dma_start3A_948 : memref<8x1024xf32, #tpu.memory_space<vmem>>) target_semaphore(%arg13 : memref<!tpu.dma_semaphore, #tpu.memory_space<semaphore_mem>>)
    %dma_start3A_951 = arith.constant 2 : i32
    %dma_start3A_952 = arith.constant 0 : i32
    %dma_start3A_953 = arith.constant 0 : i32
    %dma_start3A_954 = tpu.memref_slice %arg10[%dma_start3A_951, %dma_start3A_952, %dma_start3A_953] : memref<4x8x1024xf32, #tpu.memory_space<vmem>> -> memref<1x8x1024xf32, #tpu.memory_space<vmem>>
    %dma_start3A_955 = tpu.memref_squeeze %dma_start3A_954 : memref<1x8x1024xf32, #tpu.memory_space<vmem>> -> memref<8x1024xf32, #tpu.memory_space<vmem>>
    %dma_start3A_956 = arith.constant 0 : i32
    %dma_start3A_957 = tpu.memref_slice %arg2[%add3A_918, %dma_start3A_956] : memref<16384x1024xf32, #tpu.memory_space<hbm>> -> memref<8x1024xf32, #tpu.memory_space<hbm>>
    %dma_start3A_958 = arith.constant 0 : i32
    %dma_start3A_959 = arith.constant 0 : i32
    %dma_start3A_960 = tpu.memref_slice %arg10[%dma_start3A_951, %dma_start3A_958, %dma_start3A_959] : memref<4x8x1024xf32, #tpu.memory_space<vmem>> -> memref<1x8x1024xf32, #tpu.memory_space<vmem>>
    %dma_start3A_961 = tpu.memref_squeeze %dma_start3A_960 : memref<1x8x1024xf32, #tpu.memory_space<vmem>> -> memref<8x1024xf32, #tpu.memory_space<vmem>>
    %dma_start3A_962 = arith.constant 0 : i32
    %dma_start3A_963 = tpu.memref_slice %arg2[%add3A_918, %dma_start3A_962] : memref<16384x1024xf32, #tpu.memory_space<hbm>> -> memref<8x1024xf32, #tpu.memory_space<hbm>>
    tpu.enqueue_dma source(%dma_start3A_963 : memref<8x1024xf32, #tpu.memory_space<hbm>>) target(%dma_start3A_961 : memref<8x1024xf32, #tpu.memory_space<vmem>>) target_semaphore(%arg13 : memref<!tpu.dma_semaphore, #tpu.memory_space<semaphore_mem>>)
    %dma_start3A_964 = arith.constant 3 : i32
    %dma_start3A_965 = arith.constant 0 : i32
    %dma_start3A_966 = arith.constant 0 : i32
    %dma_start3A_967 = tpu.memref_slice %arg10[%dma_start3A_964, %dma_start3A_965, %dma_start3A_966] : memref<4x8x1024xf32, #tpu.memory_space<vmem>> -> memref<1x8x1024xf32, #tpu.memory_space<vmem>>
    %dma_start3A_968 = tpu.memref_squeeze %dma_start3A_967 : memref<1x8x1024xf32, #tpu.memory_space<vmem>> -> memref<8x1024xf32, #tpu.memory_space<vmem>>
    %dma_start3A_969 = arith.constant 0 : i32
    %dma_start3A_970 = tpu.memref_slice %arg2[%add3A_920, %dma_start3A_969] : memref<16384x1024xf32, #tpu.memory_space<hbm>> -> memref<8x1024xf32, #tpu.memory_space<hbm>>
    %dma_start3A_971 = arith.constant 0 : i32
    %dma_start3A_972 = arith.constant 0 : i32
    %dma_start3A_973 = tpu.memref_slice %arg10[%dma_start3A_964, %dma_start3A_971, %dma_start3A_972] : memref<4x8x1024xf32, #tpu.memory_space<vmem>> -> memref<1x8x1024xf32, #tpu.memory_space<vmem>>
    %dma_start3A_974 = tpu.memref_squeeze %dma_start3A_973 : memref<1x8x1024xf32, #tpu.memory_space<vmem>> -> memref<8x1024xf32, #tpu.memory_space<vmem>>
    %dma_start3A_975 = arith.constant 0 : i32
    %dma_start3A_976 = tpu.memref_slice %arg2[%add3A_920, %dma_start3A_975] : memref<16384x1024xf32, #tpu.memory_space<hbm>> -> memref<8x1024xf32, #tpu.memory_space<hbm>>
    tpu.enqueue_dma source(%dma_start3A_976 : memref<8x1024xf32, #tpu.memory_space<hbm>>) target(%dma_start3A_974 : memref<8x1024xf32, #tpu.memory_space<vmem>>) target_semaphore(%arg13 : memref<!tpu.dma_semaphore, #tpu.memory_space<semaphore_mem>>)
    %add3A_977 = arith.constant 24 : i32
    %add3A_978 = arith.addi %mul3A_4, %add3A_977 : i32
    %add3A_979 = arith.constant 0 : i32
    %add3A_980 = arith.addi %add3A_979, %add3A_978 : i32
    %add3A_981 = arith.constant 4096 : i32
    %add3A_982 = arith.addi %add3A_981, %add3A_978 : i32
    %add3A_983 = arith.constant 8192 : i32
    %add3A_984 = arith.addi %add3A_983, %add3A_978 : i32
    %add3A_985 = arith.constant 12288 : i32
    %add3A_986 = arith.addi %add3A_985, %add3A_978 : i32
    %dma_wait3A_987 = arith.constant 0 : i32
    %dma_wait3A_988 = tpu.memref_slice %arg3[%add3A_978, %dma_wait3A_987] : memref<4096x1024xf32, #tpu.memory_space<hbm>> -> memref<8x1024xf32, #tpu.memory_space<hbm>>
    %dma_wait3A_989 = arith.constant 0 : i32
    %dma_wait3A_990 = tpu.memref_slice %arg3[%add3A_978, %dma_wait3A_989] : memref<4096x1024xf32, #tpu.memory_space<hbm>> -> memref<8x1024xf32, #tpu.memory_space<hbm>>
    tpu.wait_dma2 semaphore(%arg11 : memref<!tpu.dma_semaphore, #tpu.memory_space<semaphore_mem>>) src(%dma_wait3A_990 : memref<8x1024xf32, #tpu.memory_space<hbm>>) dst(%arg5 : memref<8x1024xf32, #tpu.memory_space<vmem>>)
    %dma_wait3A_991 = arith.constant 0 : i32
    %dma_wait3A_992 = arith.constant 0 : i32
    %dma_wait3A_993 = arith.constant 0 : i32
    %dma_wait3A_994 = tpu.memref_slice %arg8[%dma_wait3A_991, %dma_wait3A_992, %dma_wait3A_993] : memref<4x8x1024xf32, #tpu.memory_space<vmem>> -> memref<1x8x1024xf32, #tpu.memory_space<vmem>>
    %dma_wait3A_995 = tpu.memref_squeeze %dma_wait3A_994 : memref<1x8x1024xf32, #tpu.memory_space<vmem>> -> memref<8x1024xf32, #tpu.memory_space<vmem>>
    %dma_wait3A_996 = arith.constant 0 : i32
    %dma_wait3A_997 = tpu.memref_slice %arg2[%add3A_980, %dma_wait3A_996] : memref<16384x1024xf32, #tpu.memory_space<hbm>> -> memref<8x1024xf32, #tpu.memory_space<hbm>>
    %dma_wait3A_998 = arith.constant 0 : i32
    %dma_wait3A_999 = arith.constant 0 : i32
    %dma_wait3A_1000 = tpu.memref_slice %arg8[%dma_wait3A_991, %dma_wait3A_998, %dma_wait3A_999] : memref<4x8x1024xf32, #tpu.memory_space<vmem>> -> memref<1x8x1024xf32, #tpu.memory_space<vmem>>
    %dma_wait3A_1001 = tpu.memref_squeeze %dma_wait3A_1000 : memref<1x8x1024xf32, #tpu.memory_space<vmem>> -> memref<8x1024xf32, #tpu.memory_space<vmem>>
    %dma_wait3A_1002 = arith.constant 0 : i32
    %dma_wait3A_1003 = tpu.memref_slice %arg2[%add3A_980, %dma_wait3A_1002] : memref<16384x1024xf32, #tpu.memory_space<hbm>> -> memref<8x1024xf32, #tpu.memory_space<hbm>>
    tpu.wait_dma2 semaphore(%arg11 : memref<!tpu.dma_semaphore, #tpu.memory_space<semaphore_mem>>) src(%dma_wait3A_1003 : memref<8x1024xf32, #tpu.memory_space<hbm>>) dst(%dma_wait3A_1001 : memref<8x1024xf32, #tpu.memory_space<vmem>>)
    %dma_wait3A_1004 = arith.constant 1 : i32
    %dma_wait3A_1005 = arith.constant 0 : i32
    %dma_wait3A_1006 = arith.constant 0 : i32
    %dma_wait3A_1007 = tpu.memref_slice %arg8[%dma_wait3A_1004, %dma_wait3A_1005, %dma_wait3A_1006] : memref<4x8x1024xf32, #tpu.memory_space<vmem>> -> memref<1x8x1024xf32, #tpu.memory_space<vmem>>
    %dma_wait3A_1008 = tpu.memref_squeeze %dma_wait3A_1007 : memref<1x8x1024xf32, #tpu.memory_space<vmem>> -> memref<8x1024xf32, #tpu.memory_space<vmem>>
    %dma_wait3A_1009 = arith.constant 0 : i32
    %dma_wait3A_1010 = tpu.memref_slice %arg2[%add3A_982, %dma_wait3A_1009] : memref<16384x1024xf32, #tpu.memory_space<hbm>> -> memref<8x1024xf32, #tpu.memory_space<hbm>>
    %dma_wait3A_1011 = arith.constant 0 : i32
    %dma_wait3A_1012 = arith.constant 0 : i32
    %dma_wait3A_1013 = tpu.memref_slice %arg8[%dma_wait3A_1004, %dma_wait3A_1011, %dma_wait3A_1012] : memref<4x8x1024xf32, #tpu.memory_space<vmem>> -> memref<1x8x1024xf32, #tpu.memory_space<vmem>>
    %dma_wait3A_1014 = tpu.memref_squeeze %dma_wait3A_1013 : memref<1x8x1024xf32, #tpu.memory_space<vmem>> -> memref<8x1024xf32, #tpu.memory_space<vmem>>
    %dma_wait3A_1015 = arith.constant 0 : i32
    %dma_wait3A_1016 = tpu.memref_slice %arg2[%add3A_982, %dma_wait3A_1015] : memref<16384x1024xf32, #tpu.memory_space<hbm>> -> memref<8x1024xf32, #tpu.memory_space<hbm>>
    tpu.wait_dma2 semaphore(%arg11 : memref<!tpu.dma_semaphore, #tpu.memory_space<semaphore_mem>>) src(%dma_wait3A_1016 : memref<8x1024xf32, #tpu.memory_space<hbm>>) dst(%dma_wait3A_1014 : memref<8x1024xf32, #tpu.memory_space<vmem>>)
    %dma_wait3A_1017 = arith.constant 2 : i32
    %dma_wait3A_1018 = arith.constant 0 : i32
    %dma_wait3A_1019 = arith.constant 0 : i32
    %dma_wait3A_1020 = tpu.memref_slice %arg8[%dma_wait3A_1017, %dma_wait3A_1018, %dma_wait3A_1019] : memref<4x8x1024xf32, #tpu.memory_space<vmem>> -> memref<1x8x1024xf32, #tpu.memory_space<vmem>>
    %dma_wait3A_1021 = tpu.memref_squeeze %dma_wait3A_1020 : memref<1x8x1024xf32, #tpu.memory_space<vmem>> -> memref<8x1024xf32, #tpu.memory_space<vmem>>
    %dma_wait3A_1022 = arith.constant 0 : i32
    %dma_wait3A_1023 = tpu.memref_slice %arg2[%add3A_984, %dma_wait3A_1022] : memref<16384x1024xf32, #tpu.memory_space<hbm>> -> memref<8x1024xf32, #tpu.memory_space<hbm>>
    %dma_wait3A_1024 = arith.constant 0 : i32
    %dma_wait3A_1025 = arith.constant 0 : i32
    %dma_wait3A_1026 = tpu.memref_slice %arg8[%dma_wait3A_1017, %dma_wait3A_1024, %dma_wait3A_1025] : memref<4x8x1024xf32, #tpu.memory_space<vmem>> -> memref<1x8x1024xf32, #tpu.memory_space<vmem>>
    %dma_wait3A_1027 = tpu.memref_squeeze %dma_wait3A_1026 : memref<1x8x1024xf32, #tpu.memory_space<vmem>> -> memref<8x1024xf32, #tpu.memory_space<vmem>>
    %dma_wait3A_1028 = arith.constant 0 : i32
    %dma_wait3A_1029 = tpu.memref_slice %arg2[%add3A_984, %dma_wait3A_1028] : memref<16384x1024xf32, #tpu.memory_space<hbm>> -> memref<8x1024xf32, #tpu.memory_space<hbm>>
    tpu.wait_dma2 semaphore(%arg11 : memref<!tpu.dma_semaphore, #tpu.memory_space<semaphore_mem>>) src(%dma_wait3A_1029 : memref<8x1024xf32, #tpu.memory_space<hbm>>) dst(%dma_wait3A_1027 : memref<8x1024xf32, #tpu.memory_space<vmem>>)
    %dma_wait3A_1030 = arith.constant 3 : i32
    %dma_wait3A_1031 = arith.constant 0 : i32
    %dma_wait3A_1032 = arith.constant 0 : i32
    %dma_wait3A_1033 = tpu.memref_slice %arg8[%dma_wait3A_1030, %dma_wait3A_1031, %dma_wait3A_1032] : memref<4x8x1024xf32, #tpu.memory_space<vmem>> -> memref<1x8x1024xf32, #tpu.memory_space<vmem>>
    %dma_wait3A_1034 = tpu.memref_squeeze %dma_wait3A_1033 : memref<1x8x1024xf32, #tpu.memory_space<vmem>> -> memref<8x1024xf32, #tpu.memory_space<vmem>>
    %dma_wait3A_1035 = arith.constant 0 : i32
    %dma_wait3A_1036 = tpu.memref_slice %arg2[%add3A_986, %dma_wait3A_1035] : memref<16384x1024xf32, #tpu.memory_space<hbm>> -> memref<8x1024xf32, #tpu.memory_space<hbm>>
    %dma_wait3A_1037 = arith.constant 0 : i32
    %dma_wait3A_1038 = arith.constant 0 : i32
    %dma_wait3A_1039 = tpu.memref_slice %arg8[%dma_wait3A_1030, %dma_wait3A_1037, %dma_wait3A_1038] : memref<4x8x1024xf32, #tpu.memory_space<vmem>> -> memref<1x8x1024xf32, #tpu.memory_space<vmem>>
    %dma_wait3A_1040 = tpu.memref_squeeze %dma_wait3A_1039 : memref<1x8x1024xf32, #tpu.memory_space<vmem>> -> memref<8x1024xf32, #tpu.memory_space<vmem>>
    %dma_wait3A_1041 = arith.constant 0 : i32
    %dma_wait3A_1042 = tpu.memref_slice %arg2[%add3A_986, %dma_wait3A_1041] : memref<16384x1024xf32, #tpu.memory_space<hbm>> -> memref<8x1024xf32, #tpu.memory_space<hbm>>
    tpu.wait_dma2 semaphore(%arg11 : memref<!tpu.dma_semaphore, #tpu.memory_space<semaphore_mem>>) src(%dma_wait3A_1042 : memref<8x1024xf32, #tpu.memory_space<hbm>>) dst(%dma_wait3A_1040 : memref<8x1024xf32, #tpu.memory_space<vmem>>)
    %parallel_loop3A_1043 = arith.constant 0 : i32
    %parallel_loop3A_1044 = arith.constant 512 : i32
    %parallel_loop3A_1045 = arith.constant 1 : i32
    scf.for %parallel_loop3A_1494 = %parallel_loop3A_1043 to %parallel_loop3A_1044 step %parallel_loop3A_1045  : i32 {
      %parallel_loop3A_1495 = arith.constant 64 : i32
      %parallel_loop3A_1496 = arith.divsi %parallel_loop3A_1494, %parallel_loop3A_1495 : i32
      %parallel_loop3A_1497 = arith.constant 0 : i32
      %parallel_loop3A_1498 = arith.cmpi sgt, %parallel_loop3A_1494, %parallel_loop3A_1497 : i32
      %parallel_loop3A_1499 = arith.extui %parallel_loop3A_1498 : i1 to i32
      %parallel_loop3A_1500 = arith.constant 0 : i32
      %parallel_loop3A_1501 = arith.cmpi slt, %parallel_loop3A_1494, %parallel_loop3A_1500 : i32
      %parallel_loop3A_1502 = arith.extui %parallel_loop3A_1501 : i1 to i32
      %parallel_loop3A_1503 = arith.subi %parallel_loop3A_1499, %parallel_loop3A_1502 : i32
      %parallel_loop3A_1504 = arith.constant 0 : i32
      %parallel_loop3A_1505 = arith.cmpi sgt, %parallel_loop3A_1495, %parallel_loop3A_1504 : i32
      %parallel_loop3A_1506 = arith.extui %parallel_loop3A_1505 : i1 to i32
      %parallel_loop3A_1507 = arith.constant 0 : i32
      %parallel_loop3A_1508 = arith.cmpi slt, %parallel_loop3A_1495, %parallel_loop3A_1507 : i32
      %parallel_loop3A_1509 = arith.extui %parallel_loop3A_1508 : i1 to i32
      %parallel_loop3A_1510 = arith.subi %parallel_loop3A_1506, %parallel_loop3A_1509 : i32
      %parallel_loop3A_1511 = arith.cmpi ne, %parallel_loop3A_1503, %parallel_loop3A_1510 : i32
      %parallel_loop3A_1512 = arith.remsi %parallel_loop3A_1494, %parallel_loop3A_1495 : i32
      %parallel_loop3A_1513 = arith.constant 0 : i32
      %parallel_loop3A_1514 = arith.cmpi ne, %parallel_loop3A_1512, %parallel_loop3A_1513 : i32
      %parallel_loop3A_1515 = arith.andi %parallel_loop3A_1511, %parallel_loop3A_1514 : i1
      %parallel_loop3A_1516 = arith.constant 1 : i32
      %parallel_loop3A_1517 = arith.subi %parallel_loop3A_1496, %parallel_loop3A_1516 : i32
      %parallel_loop3A_1518 = arith.select %parallel_loop3A_1515, %parallel_loop3A_1517, %parallel_loop3A_1496 : i32
      %parallel_loop3A_1519 = arith.constant 64 : i32
      %parallel_loop3A_1520 = arith.constant 0 : i32
      %parallel_loop3A_1521 = arith.cmpi eq, %parallel_loop3A_1519, %parallel_loop3A_1520 : i32
      %parallel_loop3A_1522 = arith.constant 1 : i32
      %parallel_loop3A_1523 = arith.select %parallel_loop3A_1521, %parallel_loop3A_1522, %parallel_loop3A_1519 : i32
      %parallel_loop3A_1524 = arith.remsi %parallel_loop3A_1494, %parallel_loop3A_1523 : i32
      %parallel_loop3A_1525 = arith.constant 0 : i32
      %parallel_loop3A_1526 = arith.cmpi ne, %parallel_loop3A_1524, %parallel_loop3A_1525 : i32
      %parallel_loop3A_1527 = arith.constant 0 : i32
      %parallel_loop3A_1528 = arith.cmpi slt, %parallel_loop3A_1524, %parallel_loop3A_1527 : i32
      %parallel_loop3A_1529 = arith.constant 0 : i32
      %parallel_loop3A_1530 = arith.cmpi slt, %parallel_loop3A_1523, %parallel_loop3A_1529 : i32
      %parallel_loop3A_1531 = arith.xori %parallel_loop3A_1528, %parallel_loop3A_1530 : i1
      %parallel_loop3A_1532 = arith.andi %parallel_loop3A_1531, %parallel_loop3A_1526 : i1
      %parallel_loop3A_1533 = arith.addi %parallel_loop3A_1524, %parallel_loop3A_1523 : i32
      %parallel_loop3A_1534 = arith.select %parallel_loop3A_1532, %parallel_loop3A_1533, %parallel_loop3A_1524 : i32
      %parallel_loop3A_1535 = arith.constant 16 : i32
      %parallel_loop3A_1536 = arith.muli %parallel_loop3A_1534, %parallel_loop3A_1535 : i32
      %parallel_loop3A_1537 = arith.index_cast %parallel_loop3A_1518 : i32 to index
      %parallel_loop3A_1538 = arith.index_cast %parallel_loop3A_1536 : i32 to index
      %parallel_loop3A_1539 = tpu.vector_load %arg5[%parallel_loop3A_1537, %parallel_loop3A_1538] {strides = array<i32>} : memref<8x1024xf32, #tpu.memory_space<vmem>>, vector<1x16xf32>,
      %parallel_loop3A_1540 = vector.shape_cast %parallel_loop3A_1539 : vector<1x16xf32> to vector<16xf32>
      %parallel_loop3A_1541 = arith.constant 0 : i32
      %parallel_loop3A_1542 = arith.index_cast %parallel_loop3A_1541 : i32 to index
      %parallel_loop3A_1543 = arith.index_cast %parallel_loop3A_1518 : i32 to index
      %parallel_loop3A_1544 = arith.index_cast %parallel_loop3A_1536 : i32 to index
      %parallel_loop3A_1545 = tpu.vector_load %arg8[%parallel_loop3A_1542, %parallel_loop3A_1543, %parallel_loop3A_1544] {strides = array<i32>} : memref<4x8x1024xf32, #tpu.memory_space<vmem>>, vector<1x1x16xf32>,
      %parallel_loop3A_1546 = vector.shape_cast %parallel_loop3A_1545 : vector<1x1x16xf32> to vector<16xf32>
      %parallel_loop3A_1547 = arith.addf %parallel_loop3A_1546, %parallel_loop3A_1540 : vector<16xf32>
      %parallel_loop3A_1548 = arith.constant 0 : i32
      %parallel_loop3A_1549 = arith.index_cast %parallel_loop3A_1548 : i32 to index
      %parallel_loop3A_1550 = arith.index_cast %parallel_loop3A_1518 : i32 to index
      %parallel_loop3A_1551 = arith.index_cast %parallel_loop3A_1536 : i32 to index
      %parallel_loop3A_1552 = tpu.vector_load %arg8[%parallel_loop3A_1549, %parallel_loop3A_1550, %parallel_loop3A_1551] {strides = array<i32>} : memref<4x8x1024xf32, #tpu.memory_space<vmem>>, vector<1x1x16xf32>,
      %parallel_loop3A_1553 = vector.shape_cast %parallel_loop3A_1552 : vector<1x1x16xf32> to vector<16xf32>
      %parallel_loop3A_1554 = vector.shape_cast %parallel_loop3A_1547 : vector<16xf32> to vector<1x1x16xf32>
      tpu.vector_store %arg8[%parallel_loop3A_1549, %parallel_loop3A_1550, %parallel_loop3A_1551], %parallel_loop3A_1554 {strides = array<i32>} : memref<4x8x1024xf32, #tpu.memory_space<vmem>>, vector<1x1x16xf32>,
      %parallel_loop3A_1555 = arith.constant 1 : i32
      %parallel_loop3A_1556 = arith.index_cast %parallel_loop3A_1555 : i32 to index
      %parallel_loop3A_1557 = arith.index_cast %parallel_loop3A_1518 : i32 to index
      %parallel_loop3A_1558 = arith.index_cast %parallel_loop3A_1536 : i32 to index
      %parallel_loop3A_1559 = tpu.vector_load %arg8[%parallel_loop3A_1556, %parallel_loop3A_1557, %parallel_loop3A_1558] {strides = array<i32>} : memref<4x8x1024xf32, #tpu.memory_space<vmem>>, vector<1x1x16xf32>,
      %parallel_loop3A_1560 = vector.shape_cast %parallel_loop3A_1559 : vector<1x1x16xf32> to vector<16xf32>
      %parallel_loop3A_1561 = arith.addf %parallel_loop3A_1560, %parallel_loop3A_1540 : vector<16xf32>
      %parallel_loop3A_1562 = arith.constant 1 : i32
      %parallel_loop3A_1563 = arith.index_cast %parallel_loop3A_1562 : i32 to index
      %parallel_loop3A_1564 = arith.index_cast %parallel_loop3A_1518 : i32 to index
      %parallel_loop3A_1565 = arith.index_cast %parallel_loop3A_1536 : i32 to index
      %parallel_loop3A_1566 = tpu.vector_load %arg8[%parallel_loop3A_1563, %parallel_loop3A_1564, %parallel_loop3A_1565] {strides = array<i32>} : memref<4x8x1024xf32, #tpu.memory_space<vmem>>, vector<1x1x16xf32>,
      %parallel_loop3A_1567 = vector.shape_cast %parallel_loop3A_1566 : vector<1x1x16xf32> to vector<16xf32>
      %parallel_loop3A_1568 = vector.shape_cast %parallel_loop3A_1561 : vector<16xf32> to vector<1x1x16xf32>
      tpu.vector_store %arg8[%parallel_loop3A_1563, %parallel_loop3A_1564, %parallel_loop3A_1565], %parallel_loop3A_1568 {strides = array<i32>} : memref<4x8x1024xf32, #tpu.memory_space<vmem>>, vector<1x1x16xf32>,
      %parallel_loop3A_1569 = arith.constant 2 : i32
      %parallel_loop3A_1570 = arith.index_cast %parallel_loop3A_1569 : i32 to index
      %parallel_loop3A_1571 = arith.index_cast %parallel_loop3A_1518 : i32 to index
      %parallel_loop3A_1572 = arith.index_cast %parallel_loop3A_1536 : i32 to index
      %parallel_loop3A_1573 = tpu.vector_load %arg8[%parallel_loop3A_1570, %parallel_loop3A_1571, %parallel_loop3A_1572] {strides = array<i32>} : memref<4x8x1024xf32, #tpu.memory_space<vmem>>, vector<1x1x16xf32>,
      %parallel_loop3A_1574 = vector.shape_cast %parallel_loop3A_1573 : vector<1x1x16xf32> to vector<16xf32>
      %parallel_loop3A_1575 = arith.addf %parallel_loop3A_1574, %parallel_loop3A_1540 : vector<16xf32>
      %parallel_loop3A_1576 = arith.constant 2 : i32
      %parallel_loop3A_1577 = arith.index_cast %parallel_loop3A_1576 : i32 to index
      %parallel_loop3A_1578 = arith.index_cast %parallel_loop3A_1518 : i32 to index
      %parallel_loop3A_1579 = arith.index_cast %parallel_loop3A_1536 : i32 to index
      %parallel_loop3A_1580 = tpu.vector_load %arg8[%parallel_loop3A_1577, %parallel_loop3A_1578, %parallel_loop3A_1579] {strides = array<i32>} : memref<4x8x1024xf32, #tpu.memory_space<vmem>>, vector<1x1x16xf32>,
      %parallel_loop3A_1581 = vector.shape_cast %parallel_loop3A_1580 : vector<1x1x16xf32> to vector<16xf32>
      %parallel_loop3A_1582 = vector.shape_cast %parallel_loop3A_1575 : vector<16xf32> to vector<1x1x16xf32>
      tpu.vector_store %arg8[%parallel_loop3A_1577, %parallel_loop3A_1578, %parallel_loop3A_1579], %parallel_loop3A_1582 {strides = array<i32>} : memref<4x8x1024xf32, #tpu.memory_space<vmem>>, vector<1x1x16xf32>,
      %parallel_loop3A_1583 = arith.constant 3 : i32
      %parallel_loop3A_1584 = arith.index_cast %parallel_loop3A_1583 : i32 to index
      %parallel_loop3A_1585 = arith.index_cast %parallel_loop3A_1518 : i32 to index
      %parallel_loop3A_1586 = arith.index_cast %parallel_loop3A_1536 : i32 to index
      %parallel_loop3A_1587 = tpu.vector_load %arg8[%parallel_loop3A_1584, %parallel_loop3A_1585, %parallel_loop3A_1586] {strides = array<i32>} : memref<4x8x1024xf32, #tpu.memory_space<vmem>>, vector<1x1x16xf32>,
      %parallel_loop3A_1588 = vector.shape_cast %parallel_loop3A_1587 : vector<1x1x16xf32> to vector<16xf32>
      %parallel_loop3A_1589 = arith.addf %parallel_loop3A_1588, %parallel_loop3A_1540 : vector<16xf32>
      %parallel_loop3A_1590 = arith.constant 3 : i32
      %parallel_loop3A_1591 = arith.index_cast %parallel_loop3A_1590 : i32 to index
      %parallel_loop3A_1592 = arith.index_cast %parallel_loop3A_1518 : i32 to index
      %parallel_loop3A_1593 = arith.index_cast %parallel_loop3A_1536 : i32 to index
      %parallel_loop3A_1594 = tpu.vector_load %arg8[%parallel_loop3A_1591, %parallel_loop3A_1592, %parallel_loop3A_1593] {strides = array<i32>} : memref<4x8x1024xf32, #tpu.memory_space<vmem>>, vector<1x1x16xf32>,
      %parallel_loop3A_1595 = vector.shape_cast %parallel_loop3A_1594 : vector<1x1x16xf32> to vector<16xf32>
      %parallel_loop3A_1596 = vector.shape_cast %parallel_loop3A_1589 : vector<16xf32> to vector<1x1x16xf32>
      tpu.vector_store %arg8[%parallel_loop3A_1591, %parallel_loop3A_1592, %parallel_loop3A_1593], %parallel_loop3A_1596 {strides = array<i32>} : memref<4x8x1024xf32, #tpu.memory_space<vmem>>, vector<1x1x16xf32>,
    } {sc.loop_unroll_factor = 8 : i64, sc.parallel_access}
    %add3A_1046 = arith.constant 24 : i32
    %add3A_1047 = arith.addi %mul3A_4, %add3A_1046 : i32
    %add3A_1048 = arith.constant 0 : i32
    %add3A_1049 = arith.addi %add3A_1048, %add3A_1047 : i32
    %add3A_1050 = arith.constant 1536 : i32
    %add3A_1051 = arith.addi %add3A_1050, %add3A_1047 : i32
    %add3A_1052 = arith.constant 3072 : i32
    %add3A_1053 = arith.addi %add3A_1052, %add3A_1047 : i32
    %add3A_1054 = arith.constant 4608 : i32
    %add3A_1055 = arith.addi %add3A_1054, %add3A_1047 : i32
    %dma_start3A_1056 = arith.constant 0 : i32
    %dma_start3A_1057 = arith.constant 0 : i32
    %dma_start3A_1058 = arith.constant 0 : i32
    %dma_start3A_1059 = tpu.memref_slice %arg8[%dma_start3A_1056, %dma_start3A_1057, %dma_start3A_1058] : memref<4x8x1024xf32, #tpu.memory_space<vmem>> -> memref<1x8x1024xf32, #tpu.memory_space<vmem>>
    %dma_start3A_1060 = tpu.memref_squeeze %dma_start3A_1059 : memref<1x8x1024xf32, #tpu.memory_space<vmem>> -> memref<8x1024xf32, #tpu.memory_space<vmem>>
    %dma_start3A_1061 = arith.constant 0 : i32
    %dma_start3A_1062 = tpu.memref_slice %arg4[%add3A_1049, %dma_start3A_1061] : memref<6144x1024xf32, #tpu.memory_space<hbm>> -> memref<8x1024xf32, #tpu.memory_space<hbm>>
    %dma_start3A_1063 = arith.constant 0 : i32
    %dma_start3A_1064 = tpu.memref_slice %arg4[%add3A_1049, %dma_start3A_1063] : memref<6144x1024xf32, #tpu.memory_space<hbm>> -> memref<8x1024xf32, #tpu.memory_space<hbm>>
    %dma_start3A_1065 = arith.constant 0 : i32
    %dma_start3A_1066 = arith.constant 0 : i32
    %dma_start3A_1067 = tpu.memref_slice %arg8[%dma_start3A_1056, %dma_start3A_1065, %dma_start3A_1066] : memref<4x8x1024xf32, #tpu.memory_space<vmem>> -> memref<1x8x1024xf32, #tpu.memory_space<vmem>>
    %dma_start3A_1068 = tpu.memref_squeeze %dma_start3A_1067 : memref<1x8x1024xf32, #tpu.memory_space<vmem>> -> memref<8x1024xf32, #tpu.memory_space<vmem>>
    tpu.enqueue_dma source(%dma_start3A_1068 : memref<8x1024xf32, #tpu.memory_space<vmem>>) target(%dma_start3A_1064 : memref<8x1024xf32, #tpu.memory_space<hbm>>) target_semaphore(%arg14 : memref<!tpu.dma_semaphore, #tpu.memory_space<semaphore_mem>>)
    %dma_start3A_1069 = arith.constant 1 : i32
    %dma_start3A_1070 = arith.constant 0 : i32
    %dma_start3A_1071 = arith.constant 0 : i32
    %dma_start3A_1072 = tpu.memref_slice %arg8[%dma_start3A_1069, %dma_start3A_1070, %dma_start3A_1071] : memref<4x8x1024xf32, #tpu.memory_space<vmem>> -> memref<1x8x1024xf32, #tpu.memory_space<vmem>>
    %dma_start3A_1073 = tpu.memref_squeeze %dma_start3A_1072 : memref<1x8x1024xf32, #tpu.memory_space<vmem>> -> memref<8x1024xf32, #tpu.memory_space<vmem>>
    %dma_start3A_1074 = arith.constant 0 : i32
    %dma_start3A_1075 = tpu.memref_slice %arg4[%add3A_1051, %dma_start3A_1074] : memref<6144x1024xf32, #tpu.memory_space<hbm>> -> memref<8x1024xf32, #tpu.memory_space<hbm>>
    %dma_start3A_1076 = arith.constant 0 : i32
    %dma_start3A_1077 = tpu.memref_slice %arg4[%add3A_1051, %dma_start3A_1076] : memref<6144x1024xf32, #tpu.memory_space<hbm>> -> memref<8x1024xf32, #tpu.memory_space<hbm>>
    %dma_start3A_1078 = arith.constant 0 : i32
    %dma_start3A_1079 = arith.constant 0 : i32
    %dma_start3A_1080 = tpu.memref_slice %arg8[%dma_start3A_1069, %dma_start3A_1078, %dma_start3A_1079] : memref<4x8x1024xf32, #tpu.memory_space<vmem>> -> memref<1x8x1024xf32, #tpu.memory_space<vmem>>
    %dma_start3A_1081 = tpu.memref_squeeze %dma_start3A_1080 : memref<1x8x1024xf32, #tpu.memory_space<vmem>> -> memref<8x1024xf32, #tpu.memory_space<vmem>>
    tpu.enqueue_dma source(%dma_start3A_1081 : memref<8x1024xf32, #tpu.memory_space<vmem>>) target(%dma_start3A_1077 : memref<8x1024xf32, #tpu.memory_space<hbm>>) target_semaphore(%arg14 : memref<!tpu.dma_semaphore, #tpu.memory_space<semaphore_mem>>)
    %dma_start3A_1082 = arith.constant 2 : i32
    %dma_start3A_1083 = arith.constant 0 : i32
    %dma_start3A_1084 = arith.constant 0 : i32
    %dma_start3A_1085 = tpu.memref_slice %arg8[%dma_start3A_1082, %dma_start3A_1083, %dma_start3A_1084] : memref<4x8x1024xf32, #tpu.memory_space<vmem>> -> memref<1x8x1024xf32, #tpu.memory_space<vmem>>
    %dma_start3A_1086 = tpu.memref_squeeze %dma_start3A_1085 : memref<1x8x1024xf32, #tpu.memory_space<vmem>> -> memref<8x1024xf32, #tpu.memory_space<vmem>>
    %dma_start3A_1087 = arith.constant 0 : i32
    %dma_start3A_1088 = tpu.memref_slice %arg4[%add3A_1053, %dma_start3A_1087] : memref<6144x1024xf32, #tpu.memory_space<hbm>> -> memref<8x1024xf32, #tpu.memory_space<hbm>>
    %dma_start3A_1089 = arith.constant 0 : i32
    %dma_start3A_1090 = tpu.memref_slice %arg4[%add3A_1053, %dma_start3A_1089] : memref<6144x1024xf32, #tpu.memory_space<hbm>> -> memref<8x1024xf32, #tpu.memory_space<hbm>>
    %dma_start3A_1091 = arith.constant 0 : i32
    %dma_start3A_1092 = arith.constant 0 : i32
    %dma_start3A_1093 = tpu.memref_slice %arg8[%dma_start3A_1082, %dma_start3A_1091, %dma_start3A_1092] : memref<4x8x1024xf32, #tpu.memory_space<vmem>> -> memref<1x8x1024xf32, #tpu.memory_space<vmem>>
    %dma_start3A_1094 = tpu.memref_squeeze %dma_start3A_1093 : memref<1x8x1024xf32, #tpu.memory_space<vmem>> -> memref<8x1024xf32, #tpu.memory_space<vmem>>
    tpu.enqueue_dma source(%dma_start3A_1094 : memref<8x1024xf32, #tpu.memory_space<vmem>>) target(%dma_start3A_1090 : memref<8x1024xf32, #tpu.memory_space<hbm>>) target_semaphore(%arg14 : memref<!tpu.dma_semaphore, #tpu.memory_space<semaphore_mem>>)
    %dma_start3A_1095 = arith.constant 3 : i32
    %dma_start3A_1096 = arith.constant 0 : i32
    %dma_start3A_1097 = arith.constant 0 : i32
    %dma_start3A_1098 = tpu.memref_slice %arg8[%dma_start3A_1095, %dma_start3A_1096, %dma_start3A_1097] : memref<4x8x1024xf32, #tpu.memory_space<vmem>> -> memref<1x8x1024xf32, #tpu.memory_space<vmem>>
    %dma_start3A_1099 = tpu.memref_squeeze %dma_start3A_1098 : memref<1x8x1024xf32, #tpu.memory_space<vmem>> -> memref<8x1024xf32, #tpu.memory_space<vmem>>
    %dma_start3A_1100 = arith.constant 0 : i32
    %dma_start3A_1101 = tpu.memref_slice %arg4[%add3A_1055, %dma_start3A_1100] : memref<6144x1024xf32, #tpu.memory_space<hbm>> -> memref<8x1024xf32, #tpu.memory_space<hbm>>
    %dma_start3A_1102 = arith.constant 0 : i32
    %dma_start3A_1103 = tpu.memref_slice %arg4[%add3A_1055, %dma_start3A_1102] : memref<6144x1024xf32, #tpu.memory_space<hbm>> -> memref<8x1024xf32, #tpu.memory_space<hbm>>
    %dma_start3A_1104 = arith.constant 0 : i32
    %dma_start3A_1105 = arith.constant 0 : i32
    %dma_start3A_1106 = tpu.memref_slice %arg8[%dma_start3A_1095, %dma_start3A_1104, %dma_start3A_1105] : memref<4x8x1024xf32, #tpu.memory_space<vmem>> -> memref<1x8x1024xf32, #tpu.memory_space<vmem>>
    %dma_start3A_1107 = tpu.memref_squeeze %dma_start3A_1106 : memref<1x8x1024xf32, #tpu.memory_space<vmem>> -> memref<8x1024xf32, #tpu.memory_space<vmem>>
    tpu.enqueue_dma source(%dma_start3A_1107 : memref<8x1024xf32, #tpu.memory_space<vmem>>) target(%dma_start3A_1103 : memref<8x1024xf32, #tpu.memory_space<hbm>>) target_semaphore(%arg14 : memref<!tpu.dma_semaphore, #tpu.memory_space<semaphore_mem>>)
    %add3A_1108 = arith.constant 32 : i32
    %add3A_1109 = arith.addi %mul3A_4, %add3A_1108 : i32
    %add3A_1110 = arith.constant 0 : i32
    %add3A_1111 = arith.addi %add3A_1110, %add3A_1109 : i32
    %add3A_1112 = arith.constant 4096 : i32
    %add3A_1113 = arith.addi %add3A_1112, %add3A_1109 : i32
    %add3A_1114 = arith.constant 8192 : i32
    %add3A_1115 = arith.addi %add3A_1114, %add3A_1109 : i32
    %add3A_1116 = arith.constant 12288 : i32
    %add3A_1117 = arith.addi %add3A_1116, %add3A_1109 : i32
    %dma_wait3A_1118 = arith.constant 0 : i32
    %dma_wait3A_1119 = tpu.memref_slice %arg3[%add3A_1109, %dma_wait3A_1118] : memref<4096x1024xf32, #tpu.memory_space<hbm>> -> memref<8x1024xf32, #tpu.memory_space<hbm>>
    %dma_wait3A_1120 = arith.constant 0 : i32
    %dma_wait3A_1121 = tpu.memref_slice %arg3[%add3A_1109, %dma_wait3A_1120] : memref<4096x1024xf32, #tpu.memory_space<hbm>> -> memref<8x1024xf32, #tpu.memory_space<hbm>>
    tpu.wait_dma2 semaphore(%arg12 : memref<!tpu.dma_semaphore, #tpu.memory_space<semaphore_mem>>) src(%dma_wait3A_1121 : memref<8x1024xf32, #tpu.memory_space<hbm>>) dst(%arg6 : memref<8x1024xf32, #tpu.memory_space<vmem>>)
    %dma_wait3A_1122 = arith.constant 0 : i32
    %dma_wait3A_1123 = arith.constant 0 : i32
    %dma_wait3A_1124 = arith.constant 0 : i32
    %dma_wait3A_1125 = tpu.memref_slice %arg9[%dma_wait3A_1122, %dma_wait3A_1123, %dma_wait3A_1124] : memref<4x8x1024xf32, #tpu.memory_space<vmem>> -> memref<1x8x1024xf32, #tpu.memory_space<vmem>>
    %dma_wait3A_1126 = tpu.memref_squeeze %dma_wait3A_1125 : memref<1x8x1024xf32, #tpu.memory_space<vmem>> -> memref<8x1024xf32, #tpu.memory_space<vmem>>
    %dma_wait3A_1127 = arith.constant 0 : i32
    %dma_wait3A_1128 = tpu.memref_slice %arg2[%add3A_1111, %dma_wait3A_1127] : memref<16384x1024xf32, #tpu.memory_space<hbm>> -> memref<8x1024xf32, #tpu.memory_space<hbm>>
    %dma_wait3A_1129 = arith.constant 0 : i32
    %dma_wait3A_1130 = arith.constant 0 : i32
    %dma_wait3A_1131 = tpu.memref_slice %arg9[%dma_wait3A_1122, %dma_wait3A_1129, %dma_wait3A_1130] : memref<4x8x1024xf32, #tpu.memory_space<vmem>> -> memref<1x8x1024xf32, #tpu.memory_space<vmem>>
    %dma_wait3A_1132 = tpu.memref_squeeze %dma_wait3A_1131 : memref<1x8x1024xf32, #tpu.memory_space<vmem>> -> memref<8x1024xf32, #tpu.memory_space<vmem>>
    %dma_wait3A_1133 = arith.constant 0 : i32
    %dma_wait3A_1134 = tpu.memref_slice %arg2[%add3A_1111, %dma_wait3A_1133] : memref<16384x1024xf32, #tpu.memory_space<hbm>> -> memref<8x1024xf32, #tpu.memory_space<hbm>>
    tpu.wait_dma2 semaphore(%arg12 : memref<!tpu.dma_semaphore, #tpu.memory_space<semaphore_mem>>) src(%dma_wait3A_1134 : memref<8x1024xf32, #tpu.memory_space<hbm>>) dst(%dma_wait3A_1132 : memref<8x1024xf32, #tpu.memory_space<vmem>>)
    %dma_wait3A_1135 = arith.constant 1 : i32
    %dma_wait3A_1136 = arith.constant 0 : i32
    %dma_wait3A_1137 = arith.constant 0 : i32
    %dma_wait3A_1138 = tpu.memref_slice %arg9[%dma_wait3A_1135, %dma_wait3A_1136, %dma_wait3A_1137] : memref<4x8x1024xf32, #tpu.memory_space<vmem>> -> memref<1x8x1024xf32, #tpu.memory_space<vmem>>
    %dma_wait3A_1139 = tpu.memref_squeeze %dma_wait3A_1138 : memref<1x8x1024xf32, #tpu.memory_space<vmem>> -> memref<8x1024xf32, #tpu.memory_space<vmem>>
    %dma_wait3A_1140 = arith.constant 0 : i32
    %dma_wait3A_1141 = tpu.memref_slice %arg2[%add3A_1113, %dma_wait3A_1140] : memref<16384x1024xf32, #tpu.memory_space<hbm>> -> memref<8x1024xf32, #tpu.memory_space<hbm>>
    %dma_wait3A_1142 = arith.constant 0 : i32
    %dma_wait3A_1143 = arith.constant 0 : i32
    %dma_wait3A_1144 = tpu.memref_slice %arg9[%dma_wait3A_1135, %dma_wait3A_1142, %dma_wait3A_1143] : memref<4x8x1024xf32, #tpu.memory_space<vmem>> -> memref<1x8x1024xf32, #tpu.memory_space<vmem>>
    %dma_wait3A_1145 = tpu.memref_squeeze %dma_wait3A_1144 : memref<1x8x1024xf32, #tpu.memory_space<vmem>> -> memref<8x1024xf32, #tpu.memory_space<vmem>>
    %dma_wait3A_1146 = arith.constant 0 : i32
    %dma_wait3A_1147 = tpu.memref_slice %arg2[%add3A_1113, %dma_wait3A_1146] : memref<16384x1024xf32, #tpu.memory_space<hbm>> -> memref<8x1024xf32, #tpu.memory_space<hbm>>
    tpu.wait_dma2 semaphore(%arg12 : memref<!tpu.dma_semaphore, #tpu.memory_space<semaphore_mem>>) src(%dma_wait3A_1147 : memref<8x1024xf32, #tpu.memory_space<hbm>>) dst(%dma_wait3A_1145 : memref<8x1024xf32, #tpu.memory_space<vmem>>)
    %dma_wait3A_1148 = arith.constant 2 : i32
    %dma_wait3A_1149 = arith.constant 0 : i32
    %dma_wait3A_1150 = arith.constant 0 : i32
    %dma_wait3A_1151 = tpu.memref_slice %arg9[%dma_wait3A_1148, %dma_wait3A_1149, %dma_wait3A_1150] : memref<4x8x1024xf32, #tpu.memory_space<vmem>> -> memref<1x8x1024xf32, #tpu.memory_space<vmem>>
    %dma_wait3A_1152 = tpu.memref_squeeze %dma_wait3A_1151 : memref<1x8x1024xf32, #tpu.memory_space<vmem>> -> memref<8x1024xf32, #tpu.memory_space<vmem>>
    %dma_wait3A_1153 = arith.constant 0 : i32
    %dma_wait3A_1154 = tpu.memref_slice %arg2[%add3A_1115, %dma_wait3A_1153] : memref<16384x1024xf32, #tpu.memory_space<hbm>> -> memref<8x1024xf32, #tpu.memory_space<hbm>>
    %dma_wait3A_1155 = arith.constant 0 : i32
    %dma_wait3A_1156 = arith.constant 0 : i32
    %dma_wait3A_1157 = tpu.memref_slice %arg9[%dma_wait3A_1148, %dma_wait3A_1155, %dma_wait3A_1156] : memref<4x8x1024xf32, #tpu.memory_space<vmem>> -> memref<1x8x1024xf32, #tpu.memory_space<vmem>>
    %dma_wait3A_1158 = tpu.memref_squeeze %dma_wait3A_1157 : memref<1x8x1024xf32, #tpu.memory_space<vmem>> -> memref<8x1024xf32, #tpu.memory_space<vmem>>
    %dma_wait3A_1159 = arith.constant 0 : i32
    %dma_wait3A_1160 = tpu.memref_slice %arg2[%add3A_1115, %dma_wait3A_1159] : memref<16384x1024xf32, #tpu.memory_space<hbm>> -> memref<8x1024xf32, #tpu.memory_space<hbm>>
    tpu.wait_dma2 semaphore(%arg12 : memref<!tpu.dma_semaphore, #tpu.memory_space<semaphore_mem>>) src(%dma_wait3A_1160 : memref<8x1024xf32, #tpu.memory_space<hbm>>) dst(%dma_wait3A_1158 : memref<8x1024xf32, #tpu.memory_space<vmem>>)
    %dma_wait3A_1161 = arith.constant 3 : i32
    %dma_wait3A_1162 = arith.constant 0 : i32
    %dma_wait3A_1163 = arith.constant 0 : i32
    %dma_wait3A_1164 = tpu.memref_slice %arg9[%dma_wait3A_1161, %dma_wait3A_1162, %dma_wait3A_1163] : memref<4x8x1024xf32, #tpu.memory_space<vmem>> -> memref<1x8x1024xf32, #tpu.memory_space<vmem>>
    %dma_wait3A_1165 = tpu.memref_squeeze %dma_wait3A_1164 : memref<1x8x1024xf32, #tpu.memory_space<vmem>> -> memref<8x1024xf32, #tpu.memory_space<vmem>>
    %dma_wait3A_1166 = arith.constant 0 : i32
    %dma_wait3A_1167 = tpu.memref_slice %arg2[%add3A_1117, %dma_wait3A_1166] : memref<16384x1024xf32, #tpu.memory_space<hbm>> -> memref<8x1024xf32, #tpu.memory_space<hbm>>
    %dma_wait3A_1168 = arith.constant 0 : i32
    %dma_wait3A_1169 = arith.constant 0 : i32
    %dma_wait3A_1170 = tpu.memref_slice %arg9[%dma_wait3A_1161, %dma_wait3A_1168, %dma_wait3A_1169] : memref<4x8x1024xf32, #tpu.memory_space<vmem>> -> memref<1x8x1024xf32, #tpu.memory_space<vmem>>
    %dma_wait3A_1171 = tpu.memref_squeeze %dma_wait3A_1170 : memref<1x8x1024xf32, #tpu.memory_space<vmem>> -> memref<8x1024xf32, #tpu.memory_space<vmem>>
    %dma_wait3A_1172 = arith.constant 0 : i32
    %dma_wait3A_1173 = tpu.memref_slice %arg2[%add3A_1117, %dma_wait3A_1172] : memref<16384x1024xf32, #tpu.memory_space<hbm>> -> memref<8x1024xf32, #tpu.memory_space<hbm>>
    tpu.wait_dma2 semaphore(%arg12 : memref<!tpu.dma_semaphore, #tpu.memory_space<semaphore_mem>>) src(%dma_wait3A_1173 : memref<8x1024xf32, #tpu.memory_space<hbm>>) dst(%dma_wait3A_1171 : memref<8x1024xf32, #tpu.memory_space<vmem>>)
    %parallel_loop3A_1174 = arith.constant 0 : i32
    %parallel_loop3A_1175 = arith.constant 512 : i32
    %parallel_loop3A_1176 = arith.constant 1 : i32
    scf.for %parallel_loop3A_1494 = %parallel_loop3A_1174 to %parallel_loop3A_1175 step %parallel_loop3A_1176  : i32 {
      %parallel_loop3A_1495 = arith.constant 64 : i32
      %parallel_loop3A_1496 = arith.divsi %parallel_loop3A_1494, %parallel_loop3A_1495 : i32
      %parallel_loop3A_1497 = arith.constant 0 : i32
      %parallel_loop3A_1498 = arith.cmpi sgt, %parallel_loop3A_1494, %parallel_loop3A_1497 : i32
      %parallel_loop3A_1499 = arith.extui %parallel_loop3A_1498 : i1 to i32
      %parallel_loop3A_1500 = arith.constant 0 : i32
      %parallel_loop3A_1501 = arith.cmpi slt, %parallel_loop3A_1494, %parallel_loop3A_1500 : i32
      %parallel_loop3A_1502 = arith.extui %parallel_loop3A_1501 : i1 to i32
      %parallel_loop3A_1503 = arith.subi %parallel_loop3A_1499, %parallel_loop3A_1502 : i32
      %parallel_loop3A_1504 = arith.constant 0 : i32
      %parallel_loop3A_1505 = arith.cmpi sgt, %parallel_loop3A_1495, %parallel_loop3A_1504 : i32
      %parallel_loop3A_1506 = arith.extui %parallel_loop3A_1505 : i1 to i32
      %parallel_loop3A_1507 = arith.constant 0 : i32
      %parallel_loop3A_1508 = arith.cmpi slt, %parallel_loop3A_1495, %parallel_loop3A_1507 : i32
      %parallel_loop3A_1509 = arith.extui %parallel_loop3A_1508 : i1 to i32
      %parallel_loop3A_1510 = arith.subi %parallel_loop3A_1506, %parallel_loop3A_1509 : i32
      %parallel_loop3A_1511 = arith.cmpi ne, %parallel_loop3A_1503, %parallel_loop3A_1510 : i32
      %parallel_loop3A_1512 = arith.remsi %parallel_loop3A_1494, %parallel_loop3A_1495 : i32
      %parallel_loop3A_1513 = arith.constant 0 : i32
      %parallel_loop3A_1514 = arith.cmpi ne, %parallel_loop3A_1512, %parallel_loop3A_1513 : i32
      %parallel_loop3A_1515 = arith.andi %parallel_loop3A_1511, %parallel_loop3A_1514 : i1
      %parallel_loop3A_1516 = arith.constant 1 : i32
      %parallel_loop3A_1517 = arith.subi %parallel_loop3A_1496, %parallel_loop3A_1516 : i32
      %parallel_loop3A_1518 = arith.select %parallel_loop3A_1515, %parallel_loop3A_1517, %parallel_loop3A_1496 : i32
      %parallel_loop3A_1519 = arith.constant 64 : i32
      %parallel_loop3A_1520 = arith.constant 0 : i32
      %parallel_loop3A_1521 = arith.cmpi eq, %parallel_loop3A_1519, %parallel_loop3A_1520 : i32
      %parallel_loop3A_1522 = arith.constant 1 : i32
      %parallel_loop3A_1523 = arith.select %parallel_loop3A_1521, %parallel_loop3A_1522, %parallel_loop3A_1519 : i32
      %parallel_loop3A_1524 = arith.remsi %parallel_loop3A_1494, %parallel_loop3A_1523 : i32
      %parallel_loop3A_1525 = arith.constant 0 : i32
      %parallel_loop3A_1526 = arith.cmpi ne, %parallel_loop3A_1524, %parallel_loop3A_1525 : i32
      %parallel_loop3A_1527 = arith.constant 0 : i32
      %parallel_loop3A_1528 = arith.cmpi slt, %parallel_loop3A_1524, %parallel_loop3A_1527 : i32
      %parallel_loop3A_1529 = arith.constant 0 : i32
      %parallel_loop3A_1530 = arith.cmpi slt, %parallel_loop3A_1523, %parallel_loop3A_1529 : i32
      %parallel_loop3A_1531 = arith.xori %parallel_loop3A_1528, %parallel_loop3A_1530 : i1
      %parallel_loop3A_1532 = arith.andi %parallel_loop3A_1531, %parallel_loop3A_1526 : i1
      %parallel_loop3A_1533 = arith.addi %parallel_loop3A_1524, %parallel_loop3A_1523 : i32
      %parallel_loop3A_1534 = arith.select %parallel_loop3A_1532, %parallel_loop3A_1533, %parallel_loop3A_1524 : i32
      %parallel_loop3A_1535 = arith.constant 16 : i32
      %parallel_loop3A_1536 = arith.muli %parallel_loop3A_1534, %parallel_loop3A_1535 : i32
      %parallel_loop3A_1537 = arith.index_cast %parallel_loop3A_1518 : i32 to index
      %parallel_loop3A_1538 = arith.index_cast %parallel_loop3A_1536 : i32 to index
      %parallel_loop3A_1539 = tpu.vector_load %arg6[%parallel_loop3A_1537, %parallel_loop3A_1538] {strides = array<i32>} : memref<8x1024xf32, #tpu.memory_space<vmem>>, vector<1x16xf32>,
      %parallel_loop3A_1540 = vector.shape_cast %parallel_loop3A_1539 : vector<1x16xf32> to vector<16xf32>
      %parallel_loop3A_1541 = arith.constant 0 : i32
      %parallel_loop3A_1542 = arith.index_cast %parallel_loop3A_1541 : i32 to index
      %parallel_loop3A_1543 = arith.index_cast %parallel_loop3A_1518 : i32 to index
      %parallel_loop3A_1544 = arith.index_cast %parallel_loop3A_1536 : i32 to index
      %parallel_loop3A_1545 = tpu.vector_load %arg9[%parallel_loop3A_1542, %parallel_loop3A_1543, %parallel_loop3A_1544] {strides = array<i32>} : memref<4x8x1024xf32, #tpu.memory_space<vmem>>, vector<1x1x16xf32>,
      %parallel_loop3A_1546 = vector.shape_cast %parallel_loop3A_1545 : vector<1x1x16xf32> to vector<16xf32>
      %parallel_loop3A_1547 = arith.addf %parallel_loop3A_1546, %parallel_loop3A_1540 : vector<16xf32>
      %parallel_loop3A_1548 = arith.constant 0 : i32
      %parallel_loop3A_1549 = arith.index_cast %parallel_loop3A_1548 : i32 to index
      %parallel_loop3A_1550 = arith.index_cast %parallel_loop3A_1518 : i32 to index
      %parallel_loop3A_1551 = arith.index_cast %parallel_loop3A_1536 : i32 to index
      %parallel_loop3A_1552 = tpu.vector_load %arg9[%parallel_loop3A_1549, %parallel_loop3A_1550, %parallel_loop3A_1551] {strides = array<i32>} : memref<4x8x1024xf32, #tpu.memory_space<vmem>>, vector<1x1x16xf32>,
      %parallel_loop3A_1553 = vector.shape_cast %parallel_loop3A_1552 : vector<1x1x16xf32> to vector<16xf32>
      %parallel_loop3A_1554 = vector.shape_cast %parallel_loop3A_1547 : vector<16xf32> to vector<1x1x16xf32>
      tpu.vector_store %arg9[%parallel_loop3A_1549, %parallel_loop3A_1550, %parallel_loop3A_1551], %parallel_loop3A_1554 {strides = array<i32>} : memref<4x8x1024xf32, #tpu.memory_space<vmem>>, vector<1x1x16xf32>,
      %parallel_loop3A_1555 = arith.constant 1 : i32
      %parallel_loop3A_1556 = arith.index_cast %parallel_loop3A_1555 : i32 to index
      %parallel_loop3A_1557 = arith.index_cast %parallel_loop3A_1518 : i32 to index
      %parallel_loop3A_1558 = arith.index_cast %parallel_loop3A_1536 : i32 to index
      %parallel_loop3A_1559 = tpu.vector_load %arg9[%parallel_loop3A_1556, %parallel_loop3A_1557, %parallel_loop3A_1558] {strides = array<i32>} : memref<4x8x1024xf32, #tpu.memory_space<vmem>>, vector<1x1x16xf32>,
      %parallel_loop3A_1560 = vector.shape_cast %parallel_loop3A_1559 : vector<1x1x16xf32> to vector<16xf32>
      %parallel_loop3A_1561 = arith.addf %parallel_loop3A_1560, %parallel_loop3A_1540 : vector<16xf32>
      %parallel_loop3A_1562 = arith.constant 1 : i32
      %parallel_loop3A_1563 = arith.index_cast %parallel_loop3A_1562 : i32 to index
      %parallel_loop3A_1564 = arith.index_cast %parallel_loop3A_1518 : i32 to index
      %parallel_loop3A_1565 = arith.index_cast %parallel_loop3A_1536 : i32 to index
      %parallel_loop3A_1566 = tpu.vector_load %arg9[%parallel_loop3A_1563, %parallel_loop3A_1564, %parallel_loop3A_1565] {strides = array<i32>} : memref<4x8x1024xf32, #tpu.memory_space<vmem>>, vector<1x1x16xf32>,
      %parallel_loop3A_1567 = vector.shape_cast %parallel_loop3A_1566 : vector<1x1x16xf32> to vector<16xf32>
      %parallel_loop3A_1568 = vector.shape_cast %parallel_loop3A_1561 : vector<16xf32> to vector<1x1x16xf32>
      tpu.vector_store %arg9[%parallel_loop3A_1563, %parallel_loop3A_1564, %parallel_loop3A_1565], %parallel_loop3A_1568 {strides = array<i32>} : memref<4x8x1024xf32, #tpu.memory_space<vmem>>, vector<1x1x16xf32>,
      %parallel_loop3A_1569 = arith.constant 2 : i32
      %parallel_loop3A_1570 = arith.index_cast %parallel_loop3A_1569 : i32 to index
      %parallel_loop3A_1571 = arith.index_cast %parallel_loop3A_1518 : i32 to index
      %parallel_loop3A_1572 = arith.index_cast %parallel_loop3A_1536 : i32 to index
      %parallel_loop3A_1573 = tpu.vector_load %arg9[%parallel_loop3A_1570, %parallel_loop3A_1571, %parallel_loop3A_1572] {strides = array<i32>} : memref<4x8x1024xf32, #tpu.memory_space<vmem>>, vector<1x1x16xf32>,
      %parallel_loop3A_1574 = vector.shape_cast %parallel_loop3A_1573 : vector<1x1x16xf32> to vector<16xf32>
      %parallel_loop3A_1575 = arith.addf %parallel_loop3A_1574, %parallel_loop3A_1540 : vector<16xf32>
      %parallel_loop3A_1576 = arith.constant 2 : i32
      %parallel_loop3A_1577 = arith.index_cast %parallel_loop3A_1576 : i32 to index
      %parallel_loop3A_1578 = arith.index_cast %parallel_loop3A_1518 : i32 to index
      %parallel_loop3A_1579 = arith.index_cast %parallel_loop3A_1536 : i32 to index
      %parallel_loop3A_1580 = tpu.vector_load %arg9[%parallel_loop3A_1577, %parallel_loop3A_1578, %parallel_loop3A_1579] {strides = array<i32>} : memref<4x8x1024xf32, #tpu.memory_space<vmem>>, vector<1x1x16xf32>,
      %parallel_loop3A_1581 = vector.shape_cast %parallel_loop3A_1580 : vector<1x1x16xf32> to vector<16xf32>
      %parallel_loop3A_1582 = vector.shape_cast %parallel_loop3A_1575 : vector<16xf32> to vector<1x1x16xf32>
      tpu.vector_store %arg9[%parallel_loop3A_1577, %parallel_loop3A_1578, %parallel_loop3A_1579], %parallel_loop3A_1582 {strides = array<i32>} : memref<4x8x1024xf32, #tpu.memory_space<vmem>>, vector<1x1x16xf32>,
      %parallel_loop3A_1583 = arith.constant 3 : i32
      %parallel_loop3A_1584 = arith.index_cast %parallel_loop3A_1583 : i32 to index
      %parallel_loop3A_1585 = arith.index_cast %parallel_loop3A_1518 : i32 to index
      %parallel_loop3A_1586 = arith.index_cast %parallel_loop3A_1536 : i32 to index
      %parallel_loop3A_1587 = tpu.vector_load %arg9[%parallel_loop3A_1584, %parallel_loop3A_1585, %parallel_loop3A_1586] {strides = array<i32>} : memref<4x8x1024xf32, #tpu.memory_space<vmem>>, vector<1x1x16xf32>,
      %parallel_loop3A_1588 = vector.shape_cast %parallel_loop3A_1587 : vector<1x1x16xf32> to vector<16xf32>
      %parallel_loop3A_1589 = arith.addf %parallel_loop3A_1588, %parallel_loop3A_1540 : vector<16xf32>
      %parallel_loop3A_1590 = arith.constant 3 : i32
      %parallel_loop3A_1591 = arith.index_cast %parallel_loop3A_1590 : i32 to index
      %parallel_loop3A_1592 = arith.index_cast %parallel_loop3A_1518 : i32 to index
      %parallel_loop3A_1593 = arith.index_cast %parallel_loop3A_1536 : i32 to index
      %parallel_loop3A_1594 = tpu.vector_load %arg9[%parallel_loop3A_1591, %parallel_loop3A_1592, %parallel_loop3A_1593] {strides = array<i32>} : memref<4x8x1024xf32, #tpu.memory_space<vmem>>, vector<1x1x16xf32>,
      %parallel_loop3A_1595 = vector.shape_cast %parallel_loop3A_1594 : vector<1x1x16xf32> to vector<16xf32>
      %parallel_loop3A_1596 = vector.shape_cast %parallel_loop3A_1589 : vector<16xf32> to vector<1x1x16xf32>
      tpu.vector_store %arg9[%parallel_loop3A_1591, %parallel_loop3A_1592, %parallel_loop3A_1593], %parallel_loop3A_1596 {strides = array<i32>} : memref<4x8x1024xf32, #tpu.memory_space<vmem>>, vector<1x1x16xf32>,
    } {sc.loop_unroll_factor = 8 : i64, sc.parallel_access}
    %add3A_1177 = arith.constant 32 : i32
    %add3A_1178 = arith.addi %mul3A_4, %add3A_1177 : i32
    %add3A_1179 = arith.constant 0 : i32
    %add3A_1180 = arith.addi %add3A_1179, %add3A_1178 : i32
    %add3A_1181 = arith.constant 1536 : i32
    %add3A_1182 = arith.addi %add3A_1181, %add3A_1178 : i32
    %add3A_1183 = arith.constant 3072 : i32
    %add3A_1184 = arith.addi %add3A_1183, %add3A_1178 : i32
    %add3A_1185 = arith.constant 4608 : i32
    %add3A_1186 = arith.addi %add3A_1185, %add3A_1178 : i32
    %dma_start3A_1187 = arith.constant 0 : i32
    %dma_start3A_1188 = arith.constant 0 : i32
    %dma_start3A_1189 = arith.constant 0 : i32
    %dma_start3A_1190 = tpu.memref_slice %arg9[%dma_start3A_1187, %dma_start3A_1188, %dma_start3A_1189] : memref<4x8x1024xf32, #tpu.memory_space<vmem>> -> memref<1x8x1024xf32, #tpu.memory_space<vmem>>
    %dma_start3A_1191 = tpu.memref_squeeze %dma_start3A_1190 : memref<1x8x1024xf32, #tpu.memory_space<vmem>> -> memref<8x1024xf32, #tpu.memory_space<vmem>>
    %dma_start3A_1192 = arith.constant 0 : i32
    %dma_start3A_1193 = tpu.memref_slice %arg4[%add3A_1180, %dma_start3A_1192] : memref<6144x1024xf32, #tpu.memory_space<hbm>> -> memref<8x1024xf32, #tpu.memory_space<hbm>>
    %dma_start3A_1194 = arith.constant 0 : i32
    %dma_start3A_1195 = tpu.memref_slice %arg4[%add3A_1180, %dma_start3A_1194] : memref<6144x1024xf32, #tpu.memory_space<hbm>> -> memref<8x1024xf32, #tpu.memory_space<hbm>>
    %dma_start3A_1196 = arith.constant 0 : i32
    %dma_start3A_1197 = arith.constant 0 : i32
    %dma_start3A_1198 = tpu.memref_slice %arg9[%dma_start3A_1187, %dma_start3A_1196, %dma_start3A_1197] : memref<4x8x1024xf32, #tpu.memory_space<vmem>> -> memref<1x8x1024xf32, #tpu.memory_space<vmem>>
    %dma_start3A_1199 = tpu.memref_squeeze %dma_start3A_1198 : memref<1x8x1024xf32, #tpu.memory_space<vmem>> -> memref<8x1024xf32, #tpu.memory_space<vmem>>
    tpu.enqueue_dma source(%dma_start3A_1199 : memref<8x1024xf32, #tpu.memory_space<vmem>>) target(%dma_start3A_1195 : memref<8x1024xf32, #tpu.memory_space<hbm>>) target_semaphore(%arg15 : memref<!tpu.dma_semaphore, #tpu.memory_space<semaphore_mem>>)
    %dma_start3A_1200 = arith.constant 1 : i32
    %dma_start3A_1201 = arith.constant 0 : i32
    %dma_start3A_1202 = arith.constant 0 : i32
    %dma_start3A_1203 = tpu.memref_slice %arg9[%dma_start3A_1200, %dma_start3A_1201, %dma_start3A_1202] : memref<4x8x1024xf32, #tpu.memory_space<vmem>> -> memref<1x8x1024xf32, #tpu.memory_space<vmem>>
    %dma_start3A_1204 = tpu.memref_squeeze %dma_start3A_1203 : memref<1x8x1024xf32, #tpu.memory_space<vmem>> -> memref<8x1024xf32, #tpu.memory_space<vmem>>
    %dma_start3A_1205 = arith.constant 0 : i32
    %dma_start3A_1206 = tpu.memref_slice %arg4[%add3A_1182, %dma_start3A_1205] : memref<6144x1024xf32, #tpu.memory_space<hbm>> -> memref<8x1024xf32, #tpu.memory_space<hbm>>
    %dma_start3A_1207 = arith.constant 0 : i32
    %dma_start3A_1208 = tpu.memref_slice %arg4[%add3A_1182, %dma_start3A_1207] : memref<6144x1024xf32, #tpu.memory_space<hbm>> -> memref<8x1024xf32, #tpu.memory_space<hbm>>
    %dma_start3A_1209 = arith.constant 0 : i32
    %dma_start3A_1210 = arith.constant 0 : i32
    %dma_start3A_1211 = tpu.memref_slice %arg9[%dma_start3A_1200, %dma_start3A_1209, %dma_start3A_1210] : memref<4x8x1024xf32, #tpu.memory_space<vmem>> -> memref<1x8x1024xf32, #tpu.memory_space<vmem>>
    %dma_start3A_1212 = tpu.memref_squeeze %dma_start3A_1211 : memref<1x8x1024xf32, #tpu.memory_space<vmem>> -> memref<8x1024xf32, #tpu.memory_space<vmem>>
    tpu.enqueue_dma source(%dma_start3A_1212 : memref<8x1024xf32, #tpu.memory_space<vmem>>) target(%dma_start3A_1208 : memref<8x1024xf32, #tpu.memory_space<hbm>>) target_semaphore(%arg15 : memref<!tpu.dma_semaphore, #tpu.memory_space<semaphore_mem>>)
    %dma_start3A_1213 = arith.constant 2 : i32
    %dma_start3A_1214 = arith.constant 0 : i32
    %dma_start3A_1215 = arith.constant 0 : i32
    %dma_start3A_1216 = tpu.memref_slice %arg9[%dma_start3A_1213, %dma_start3A_1214, %dma_start3A_1215] : memref<4x8x1024xf32, #tpu.memory_space<vmem>> -> memref<1x8x1024xf32, #tpu.memory_space<vmem>>
    %dma_start3A_1217 = tpu.memref_squeeze %dma_start3A_1216 : memref<1x8x1024xf32, #tpu.memory_space<vmem>> -> memref<8x1024xf32, #tpu.memory_space<vmem>>
    %dma_start3A_1218 = arith.constant 0 : i32
    %dma_start3A_1219 = tpu.memref_slice %arg4[%add3A_1184, %dma_start3A_1218] : memref<6144x1024xf32, #tpu.memory_space<hbm>> -> memref<8x1024xf32, #tpu.memory_space<hbm>>
    %dma_start3A_1220 = arith.constant 0 : i32
    %dma_start3A_1221 = tpu.memref_slice %arg4[%add3A_1184, %dma_start3A_1220] : memref<6144x1024xf32, #tpu.memory_space<hbm>> -> memref<8x1024xf32, #tpu.memory_space<hbm>>
    %dma_start3A_1222 = arith.constant 0 : i32
    %dma_start3A_1223 = arith.constant 0 : i32
    %dma_start3A_1224 = tpu.memref_slice %arg9[%dma_start3A_1213, %dma_start3A_1222, %dma_start3A_1223] : memref<4x8x1024xf32, #tpu.memory_space<vmem>> -> memref<1x8x1024xf32, #tpu.memory_space<vmem>>
    %dma_start3A_1225 = tpu.memref_squeeze %dma_start3A_1224 : memref<1x8x1024xf32, #tpu.memory_space<vmem>> -> memref<8x1024xf32, #tpu.memory_space<vmem>>
    tpu.enqueue_dma source(%dma_start3A_1225 : memref<8x1024xf32, #tpu.memory_space<vmem>>) target(%dma_start3A_1221 : memref<8x1024xf32, #tpu.memory_space<hbm>>) target_semaphore(%arg15 : memref<!tpu.dma_semaphore, #tpu.memory_space<semaphore_mem>>)
    %dma_start3A_1226 = arith.constant 3 : i32
    %dma_start3A_1227 = arith.constant 0 : i32
    %dma_start3A_1228 = arith.constant 0 : i32
    %dma_start3A_1229 = tpu.memref_slice %arg9[%dma_start3A_1226, %dma_start3A_1227, %dma_start3A_1228] : memref<4x8x1024xf32, #tpu.memory_space<vmem>> -> memref<1x8x1024xf32, #tpu.memory_space<vmem>>
    %dma_start3A_1230 = tpu.memref_squeeze %dma_start3A_1229 : memref<1x8x1024xf32, #tpu.memory_space<vmem>> -> memref<8x1024xf32, #tpu.memory_space<vmem>>
    %dma_start3A_1231 = arith.constant 0 : i32
    %dma_start3A_1232 = tpu.memref_slice %arg4[%add3A_1186, %dma_start3A_1231] : memref<6144x1024xf32, #tpu.memory_space<hbm>> -> memref<8x1024xf32, #tpu.memory_space<hbm>>
    %dma_start3A_1233 = arith.constant 0 : i32
    %dma_start3A_1234 = tpu.memref_slice %arg4[%add3A_1186, %dma_start3A_1233] : memref<6144x1024xf32, #tpu.memory_space<hbm>> -> memref<8x1024xf32, #tpu.memory_space<hbm>>
    %dma_start3A_1235 = arith.constant 0 : i32
    %dma_start3A_1236 = arith.constant 0 : i32
    %dma_start3A_1237 = tpu.memref_slice %arg9[%dma_start3A_1226, %dma_start3A_1235, %dma_start3A_1236] : memref<4x8x1024xf32, #tpu.memory_space<vmem>> -> memref<1x8x1024xf32, #tpu.memory_space<vmem>>
    %dma_start3A_1238 = tpu.memref_squeeze %dma_start3A_1237 : memref<1x8x1024xf32, #tpu.memory_space<vmem>> -> memref<8x1024xf32, #tpu.memory_space<vmem>>
    tpu.enqueue_dma source(%dma_start3A_1238 : memref<8x1024xf32, #tpu.memory_space<vmem>>) target(%dma_start3A_1234 : memref<8x1024xf32, #tpu.memory_space<hbm>>) target_semaphore(%arg15 : memref<!tpu.dma_semaphore, #tpu.memory_space<semaphore_mem>>)
    %add3A_1239 = arith.constant 40 : i32
    %add3A_1240 = arith.addi %mul3A_4, %add3A_1239 : i32
    %add3A_1241 = arith.constant 0 : i32
    %add3A_1242 = arith.addi %add3A_1241, %add3A_1240 : i32
    %add3A_1243 = arith.constant 4096 : i32
    %add3A_1244 = arith.addi %add3A_1243, %add3A_1240 : i32
    %add3A_1245 = arith.constant 8192 : i32
    %add3A_1246 = arith.addi %add3A_1245, %add3A_1240 : i32
    %add3A_1247 = arith.constant 12288 : i32
    %add3A_1248 = arith.addi %add3A_1247, %add3A_1240 : i32
    %dma_wait3A_1249 = arith.constant 0 : i32
    %dma_wait3A_1250 = tpu.memref_slice %arg3[%add3A_1240, %dma_wait3A_1249] : memref<4096x1024xf32, #tpu.memory_space<hbm>> -> memref<8x1024xf32, #tpu.memory_space<hbm>>
    %dma_wait3A_1251 = arith.constant 0 : i32
    %dma_wait3A_1252 = tpu.memref_slice %arg3[%add3A_1240, %dma_wait3A_1251] : memref<4096x1024xf32, #tpu.memory_space<hbm>> -> memref<8x1024xf32, #tpu.memory_space<hbm>>
    tpu.wait_dma2 semaphore(%arg13 : memref<!tpu.dma_semaphore, #tpu.memory_space<semaphore_mem>>) src(%dma_wait3A_1252 : memref<8x1024xf32, #tpu.memory_space<hbm>>) dst(%arg7 : memref<8x1024xf32, #tpu.memory_space<vmem>>)
    %dma_wait3A_1253 = arith.constant 0 : i32
    %dma_wait3A_1254 = arith.constant 0 : i32
    %dma_wait3A_1255 = arith.constant 0 : i32
    %dma_wait3A_1256 = tpu.memref_slice %arg10[%dma_wait3A_1253, %dma_wait3A_1254, %dma_wait3A_1255] : memref<4x8x1024xf32, #tpu.memory_space<vmem>> -> memref<1x8x1024xf32, #tpu.memory_space<vmem>>
    %dma_wait3A_1257 = tpu.memref_squeeze %dma_wait3A_1256 : memref<1x8x1024xf32, #tpu.memory_space<vmem>> -> memref<8x1024xf32, #tpu.memory_space<vmem>>
    %dma_wait3A_1258 = arith.constant 0 : i32
    %dma_wait3A_1259 = tpu.memref_slice %arg2[%add3A_1242, %dma_wait3A_1258] : memref<16384x1024xf32, #tpu.memory_space<hbm>> -> memref<8x1024xf32, #tpu.memory_space<hbm>>
    %dma_wait3A_1260 = arith.constant 0 : i32
    %dma_wait3A_1261 = arith.constant 0 : i32
    %dma_wait3A_1262 = tpu.memref_slice %arg10[%dma_wait3A_1253, %dma_wait3A_1260, %dma_wait3A_1261] : memref<4x8x1024xf32, #tpu.memory_space<vmem>> -> memref<1x8x1024xf32, #tpu.memory_space<vmem>>
    %dma_wait3A_1263 = tpu.memref_squeeze %dma_wait3A_1262 : memref<1x8x1024xf32, #tpu.memory_space<vmem>> -> memref<8x1024xf32, #tpu.memory_space<vmem>>
    %dma_wait3A_1264 = arith.constant 0 : i32
    %dma_wait3A_1265 = tpu.memref_slice %arg2[%add3A_1242, %dma_wait3A_1264] : memref<16384x1024xf32, #tpu.memory_space<hbm>> -> memref<8x1024xf32, #tpu.memory_space<hbm>>
    tpu.wait_dma2 semaphore(%arg13 : memref<!tpu.dma_semaphore, #tpu.memory_space<semaphore_mem>>) src(%dma_wait3A_1265 : memref<8x1024xf32, #tpu.memory_space<hbm>>) dst(%dma_wait3A_1263 : memref<8x1024xf32, #tpu.memory_space<vmem>>)
    %dma_wait3A_1266 = arith.constant 1 : i32
    %dma_wait3A_1267 = arith.constant 0 : i32
    %dma_wait3A_1268 = arith.constant 0 : i32
    %dma_wait3A_1269 = tpu.memref_slice %arg10[%dma_wait3A_1266, %dma_wait3A_1267, %dma_wait3A_1268] : memref<4x8x1024xf32, #tpu.memory_space<vmem>> -> memref<1x8x1024xf32, #tpu.memory_space<vmem>>
    %dma_wait3A_1270 = tpu.memref_squeeze %dma_wait3A_1269 : memref<1x8x1024xf32, #tpu.memory_space<vmem>> -> memref<8x1024xf32, #tpu.memory_space<vmem>>
    %dma_wait3A_1271 = arith.constant 0 : i32
    %dma_wait3A_1272 = tpu.memref_slice %arg2[%add3A_1244, %dma_wait3A_1271] : memref<16384x1024xf32, #tpu.memory_space<hbm>> -> memref<8x1024xf32, #tpu.memory_space<hbm>>
    %dma_wait3A_1273 = arith.constant 0 : i32
    %dma_wait3A_1274 = arith.constant 0 : i32
    %dma_wait3A_1275 = tpu.memref_slice %arg10[%dma_wait3A_1266, %dma_wait3A_1273, %dma_wait3A_1274] : memref<4x8x1024xf32, #tpu.memory_space<vmem>> -> memref<1x8x1024xf32, #tpu.memory_space<vmem>>
    %dma_wait3A_1276 = tpu.memref_squeeze %dma_wait3A_1275 : memref<1x8x1024xf32, #tpu.memory_space<vmem>> -> memref<8x1024xf32, #tpu.memory_space<vmem>>
    %dma_wait3A_1277 = arith.constant 0 : i32
    %dma_wait3A_1278 = tpu.memref_slice %arg2[%add3A_1244, %dma_wait3A_1277] : memref<16384x1024xf32, #tpu.memory_space<hbm>> -> memref<8x1024xf32, #tpu.memory_space<hbm>>
    tpu.wait_dma2 semaphore(%arg13 : memref<!tpu.dma_semaphore, #tpu.memory_space<semaphore_mem>>) src(%dma_wait3A_1278 : memref<8x1024xf32, #tpu.memory_space<hbm>>) dst(%dma_wait3A_1276 : memref<8x1024xf32, #tpu.memory_space<vmem>>)
    %dma_wait3A_1279 = arith.constant 2 : i32
    %dma_wait3A_1280 = arith.constant 0 : i32
    %dma_wait3A_1281 = arith.constant 0 : i32
    %dma_wait3A_1282 = tpu.memref_slice %arg10[%dma_wait3A_1279, %dma_wait3A_1280, %dma_wait3A_1281] : memref<4x8x1024xf32, #tpu.memory_space<vmem>> -> memref<1x8x1024xf32, #tpu.memory_space<vmem>>
    %dma_wait3A_1283 = tpu.memref_squeeze %dma_wait3A_1282 : memref<1x8x1024xf32, #tpu.memory_space<vmem>> -> memref<8x1024xf32, #tpu.memory_space<vmem>>
    %dma_wait3A_1284 = arith.constant 0 : i32
    %dma_wait3A_1285 = tpu.memref_slice %arg2[%add3A_1246, %dma_wait3A_1284] : memref<16384x1024xf32, #tpu.memory_space<hbm>> -> memref<8x1024xf32, #tpu.memory_space<hbm>>
    %dma_wait3A_1286 = arith.constant 0 : i32
    %dma_wait3A_1287 = arith.constant 0 : i32
    %dma_wait3A_1288 = tpu.memref_slice %arg10[%dma_wait3A_1279, %dma_wait3A_1286, %dma_wait3A_1287] : memref<4x8x1024xf32, #tpu.memory_space<vmem>> -> memref<1x8x1024xf32, #tpu.memory_space<vmem>>
    %dma_wait3A_1289 = tpu.memref_squeeze %dma_wait3A_1288 : memref<1x8x1024xf32, #tpu.memory_space<vmem>> -> memref<8x1024xf32, #tpu.memory_space<vmem>>
    %dma_wait3A_1290 = arith.constant 0 : i32
    %dma_wait3A_1291 = tpu.memref_slice %arg2[%add3A_1246, %dma_wait3A_1290] : memref<16384x1024xf32, #tpu.memory_space<hbm>> -> memref<8x1024xf32, #tpu.memory_space<hbm>>
    tpu.wait_dma2 semaphore(%arg13 : memref<!tpu.dma_semaphore, #tpu.memory_space<semaphore_mem>>) src(%dma_wait3A_1291 : memref<8x1024xf32, #tpu.memory_space<hbm>>) dst(%dma_wait3A_1289 : memref<8x1024xf32, #tpu.memory_space<vmem>>)
    %dma_wait3A_1292 = arith.constant 3 : i32
    %dma_wait3A_1293 = arith.constant 0 : i32
    %dma_wait3A_1294 = arith.constant 0 : i32
    %dma_wait3A_1295 = tpu.memref_slice %arg10[%dma_wait3A_1292, %dma_wait3A_1293, %dma_wait3A_1294] : memref<4x8x1024xf32, #tpu.memory_space<vmem>> -> memref<1x8x1024xf32, #tpu.memory_space<vmem>>
    %dma_wait3A_1296 = tpu.memref_squeeze %dma_wait3A_1295 : memref<1x8x1024xf32, #tpu.memory_space<vmem>> -> memref<8x1024xf32, #tpu.memory_space<vmem>>
    %dma_wait3A_1297 = arith.constant 0 : i32
    %dma_wait3A_1298 = tpu.memref_slice %arg2[%add3A_1248, %dma_wait3A_1297] : memref<16384x1024xf32, #tpu.memory_space<hbm>> -> memref<8x1024xf32, #tpu.memory_space<hbm>>
    %dma_wait3A_1299 = arith.constant 0 : i32
    %dma_wait3A_1300 = arith.constant 0 : i32
    %dma_wait3A_1301 = tpu.memref_slice %arg10[%dma_wait3A_1292, %dma_wait3A_1299, %dma_wait3A_1300] : memref<4x8x1024xf32, #tpu.memory_space<vmem>> -> memref<1x8x1024xf32, #tpu.memory_space<vmem>>
    %dma_wait3A_1302 = tpu.memref_squeeze %dma_wait3A_1301 : memref<1x8x1024xf32, #tpu.memory_space<vmem>> -> memref<8x1024xf32, #tpu.memory_space<vmem>>
    %dma_wait3A_1303 = arith.constant 0 : i32
    %dma_wait3A_1304 = tpu.memref_slice %arg2[%add3A_1248, %dma_wait3A_1303] : memref<16384x1024xf32, #tpu.memory_space<hbm>> -> memref<8x1024xf32, #tpu.memory_space<hbm>>
    tpu.wait_dma2 semaphore(%arg13 : memref<!tpu.dma_semaphore, #tpu.memory_space<semaphore_mem>>) src(%dma_wait3A_1304 : memref<8x1024xf32, #tpu.memory_space<hbm>>) dst(%dma_wait3A_1302 : memref<8x1024xf32, #tpu.memory_space<vmem>>)
    %parallel_loop3A_1305 = arith.constant 0 : i32
    %parallel_loop3A_1306 = arith.constant 512 : i32
    %parallel_loop3A_1307 = arith.constant 1 : i32
    scf.for %parallel_loop3A_1494 = %parallel_loop3A_1305 to %parallel_loop3A_1306 step %parallel_loop3A_1307  : i32 {
      %parallel_loop3A_1495 = arith.constant 64 : i32
      %parallel_loop3A_1496 = arith.divsi %parallel_loop3A_1494, %parallel_loop3A_1495 : i32
      %parallel_loop3A_1497 = arith.constant 0 : i32
      %parallel_loop3A_1498 = arith.cmpi sgt, %parallel_loop3A_1494, %parallel_loop3A_1497 : i32
      %parallel_loop3A_1499 = arith.extui %parallel_loop3A_1498 : i1 to i32
      %parallel_loop3A_1500 = arith.constant 0 : i32
      %parallel_loop3A_1501 = arith.cmpi slt, %parallel_loop3A_1494, %parallel_loop3A_1500 : i32
      %parallel_loop3A_1502 = arith.extui %parallel_loop3A_1501 : i1 to i32
      %parallel_loop3A_1503 = arith.subi %parallel_loop3A_1499, %parallel_loop3A_1502 : i32
      %parallel_loop3A_1504 = arith.constant 0 : i32
      %parallel_loop3A_1505 = arith.cmpi sgt, %parallel_loop3A_1495, %parallel_loop3A_1504 : i32
      %parallel_loop3A_1506 = arith.extui %parallel_loop3A_1505 : i1 to i32
      %parallel_loop3A_1507 = arith.constant 0 : i32
      %parallel_loop3A_1508 = arith.cmpi slt, %parallel_loop3A_1495, %parallel_loop3A_1507 : i32
      %parallel_loop3A_1509 = arith.extui %parallel_loop3A_1508 : i1 to i32
      %parallel_loop3A_1510 = arith.subi %parallel_loop3A_1506, %parallel_loop3A_1509 : i32
      %parallel_loop3A_1511 = arith.cmpi ne, %parallel_loop3A_1503, %parallel_loop3A_1510 : i32
      %parallel_loop3A_1512 = arith.remsi %parallel_loop3A_1494, %parallel_loop3A_1495 : i32
      %parallel_loop3A_1513 = arith.constant 0 : i32
      %parallel_loop3A_1514 = arith.cmpi ne, %parallel_loop3A_1512, %parallel_loop3A_1513 : i32
      %parallel_loop3A_1515 = arith.andi %parallel_loop3A_1511, %parallel_loop3A_1514 : i1
      %parallel_loop3A_1516 = arith.constant 1 : i32
      %parallel_loop3A_1517 = arith.subi %parallel_loop3A_1496, %parallel_loop3A_1516 : i32
      %parallel_loop3A_1518 = arith.select %parallel_loop3A_1515, %parallel_loop3A_1517, %parallel_loop3A_1496 : i32
      %parallel_loop3A_1519 = arith.constant 64 : i32
      %parallel_loop3A_1520 = arith.constant 0 : i32
      %parallel_loop3A_1521 = arith.cmpi eq, %parallel_loop3A_1519, %parallel_loop3A_1520 : i32
      %parallel_loop3A_1522 = arith.constant 1 : i32
      %parallel_loop3A_1523 = arith.select %parallel_loop3A_1521, %parallel_loop3A_1522, %parallel_loop3A_1519 : i32
      %parallel_loop3A_1524 = arith.remsi %parallel_loop3A_1494, %parallel_loop3A_1523 : i32
      %parallel_loop3A_1525 = arith.constant 0 : i32
      %parallel_loop3A_1526 = arith.cmpi ne, %parallel_loop3A_1524, %parallel_loop3A_1525 : i32
      %parallel_loop3A_1527 = arith.constant 0 : i32
      %parallel_loop3A_1528 = arith.cmpi slt, %parallel_loop3A_1524, %parallel_loop3A_1527 : i32
      %parallel_loop3A_1529 = arith.constant 0 : i32
      %parallel_loop3A_1530 = arith.cmpi slt, %parallel_loop3A_1523, %parallel_loop3A_1529 : i32
      %parallel_loop3A_1531 = arith.xori %parallel_loop3A_1528, %parallel_loop3A_1530 : i1
      %parallel_loop3A_1532 = arith.andi %parallel_loop3A_1531, %parallel_loop3A_1526 : i1
      %parallel_loop3A_1533 = arith.addi %parallel_loop3A_1524, %parallel_loop3A_1523 : i32
      %parallel_loop3A_1534 = arith.select %parallel_loop3A_1532, %parallel_loop3A_1533, %parallel_loop3A_1524 : i32
      %parallel_loop3A_1535 = arith.constant 16 : i32
      %parallel_loop3A_1536 = arith.muli %parallel_loop3A_1534, %parallel_loop3A_1535 : i32
      %parallel_loop3A_1537 = arith.index_cast %parallel_loop3A_1518 : i32 to index
      %parallel_loop3A_1538 = arith.index_cast %parallel_loop3A_1536 : i32 to index
      %parallel_loop3A_1539 = tpu.vector_load %arg7[%parallel_loop3A_1537, %parallel_loop3A_1538] {strides = array<i32>} : memref<8x1024xf32, #tpu.memory_space<vmem>>, vector<1x16xf32>,
      %parallel_loop3A_1540 = vector.shape_cast %parallel_loop3A_1539 : vector<1x16xf32> to vector<16xf32>
      %parallel_loop3A_1541 = arith.constant 0 : i32
      %parallel_loop3A_1542 = arith.index_cast %parallel_loop3A_1541 : i32 to index
      %parallel_loop3A_1543 = arith.index_cast %parallel_loop3A_1518 : i32 to index
      %parallel_loop3A_1544 = arith.index_cast %parallel_loop3A_1536 : i32 to index
      %parallel_loop3A_1545 = tpu.vector_load %arg10[%parallel_loop3A_1542, %parallel_loop3A_1543, %parallel_loop3A_1544] {strides = array<i32>} : memref<4x8x1024xf32, #tpu.memory_space<vmem>>, vector<1x1x16xf32>,
      %parallel_loop3A_1546 = vector.shape_cast %parallel_loop3A_1545 : vector<1x1x16xf32> to vector<16xf32>
      %parallel_loop3A_1547 = arith.addf %parallel_loop3A_1546, %parallel_loop3A_1540 : vector<16xf32>
      %parallel_loop3A_1548 = arith.constant 0 : i32
      %parallel_loop3A_1549 = arith.index_cast %parallel_loop3A_1548 : i32 to index
      %parallel_loop3A_1550 = arith.index_cast %parallel_loop3A_1518 : i32 to index
      %parallel_loop3A_1551 = arith.index_cast %parallel_loop3A_1536 : i32 to index
      %parallel_loop3A_1552 = tpu.vector_load %arg10[%parallel_loop3A_1549, %parallel_loop3A_1550, %parallel_loop3A_1551] {strides = array<i32>} : memref<4x8x1024xf32, #tpu.memory_space<vmem>>, vector<1x1x16xf32>,
      %parallel_loop3A_1553 = vector.shape_cast %parallel_loop3A_1552 : vector<1x1x16xf32> to vector<16xf32>
      %parallel_loop3A_1554 = vector.shape_cast %parallel_loop3A_1547 : vector<16xf32> to vector<1x1x16xf32>
      tpu.vector_store %arg10[%parallel_loop3A_1549, %parallel_loop3A_1550, %parallel_loop3A_1551], %parallel_loop3A_1554 {strides = array<i32>} : memref<4x8x1024xf32, #tpu.memory_space<vmem>>, vector<1x1x16xf32>,
      %parallel_loop3A_1555 = arith.constant 1 : i32
      %parallel_loop3A_1556 = arith.index_cast %parallel_loop3A_1555 : i32 to index
      %parallel_loop3A_1557 = arith.index_cast %parallel_loop3A_1518 : i32 to index
      %parallel_loop3A_1558 = arith.index_cast %parallel_loop3A_1536 : i32 to index
      %parallel_loop3A_1559 = tpu.vector_load %arg10[%parallel_loop3A_1556, %parallel_loop3A_1557, %parallel_loop3A_1558] {strides = array<i32>} : memref<4x8x1024xf32, #tpu.memory_space<vmem>>, vector<1x1x16xf32>,
      %parallel_loop3A_1560 = vector.shape_cast %parallel_loop3A_1559 : vector<1x1x16xf32> to vector<16xf32>
      %parallel_loop3A_1561 = arith.addf %parallel_loop3A_1560, %parallel_loop3A_1540 : vector<16xf32>
      %parallel_loop3A_1562 = arith.constant 1 : i32
      %parallel_loop3A_1563 = arith.index_cast %parallel_loop3A_1562 : i32 to index
      %parallel_loop3A_1564 = arith.index_cast %parallel_loop3A_1518 : i32 to index
      %parallel_loop3A_1565 = arith.index_cast %parallel_loop3A_1536 : i32 to index
      %parallel_loop3A_1566 = tpu.vector_load %arg10[%parallel_loop3A_1563, %parallel_loop3A_1564, %parallel_loop3A_1565] {strides = array<i32>} : memref<4x8x1024xf32, #tpu.memory_space<vmem>>, vector<1x1x16xf32>,
      %parallel_loop3A_1567 = vector.shape_cast %parallel_loop3A_1566 : vector<1x1x16xf32> to vector<16xf32>
      %parallel_loop3A_1568 = vector.shape_cast %parallel_loop3A_1561 : vector<16xf32> to vector<1x1x16xf32>
      tpu.vector_store %arg10[%parallel_loop3A_1563, %parallel_loop3A_1564, %parallel_loop3A_1565], %parallel_loop3A_1568 {strides = array<i32>} : memref<4x8x1024xf32, #tpu.memory_space<vmem>>, vector<1x1x16xf32>,
      %parallel_loop3A_1569 = arith.constant 2 : i32
      %parallel_loop3A_1570 = arith.index_cast %parallel_loop3A_1569 : i32 to index
      %parallel_loop3A_1571 = arith.index_cast %parallel_loop3A_1518 : i32 to index
      %parallel_loop3A_1572 = arith.index_cast %parallel_loop3A_1536 : i32 to index
      %parallel_loop3A_1573 = tpu.vector_load %arg10[%parallel_loop3A_1570, %parallel_loop3A_1571, %parallel_loop3A_1572] {strides = array<i32>} : memref<4x8x1024xf32, #tpu.memory_space<vmem>>, vector<1x1x16xf32>,
      %parallel_loop3A_1574 = vector.shape_cast %parallel_loop3A_1573 : vector<1x1x16xf32> to vector<16xf32>
      %parallel_loop3A_1575 = arith.addf %parallel_loop3A_1574, %parallel_loop3A_1540 : vector<16xf32>
      %parallel_loop3A_1576 = arith.constant 2 : i32
      %parallel_loop3A_1577 = arith.index_cast %parallel_loop3A_1576 : i32 to index
      %parallel_loop3A_1578 = arith.index_cast %parallel_loop3A_1518 : i32 to index
      %parallel_loop3A_1579 = arith.index_cast %parallel_loop3A_1536 : i32 to index
      %parallel_loop3A_1580 = tpu.vector_load %arg10[%parallel_loop3A_1577, %parallel_loop3A_1578, %parallel_loop3A_1579] {strides = array<i32>} : memref<4x8x1024xf32, #tpu.memory_space<vmem>>, vector<1x1x16xf32>,
      %parallel_loop3A_1581 = vector.shape_cast %parallel_loop3A_1580 : vector<1x1x16xf32> to vector<16xf32>
      %parallel_loop3A_1582 = vector.shape_cast %parallel_loop3A_1575 : vector<16xf32> to vector<1x1x16xf32>
      tpu.vector_store %arg10[%parallel_loop3A_1577, %parallel_loop3A_1578, %parallel_loop3A_1579], %parallel_loop3A_1582 {strides = array<i32>} : memref<4x8x1024xf32, #tpu.memory_space<vmem>>, vector<1x1x16xf32>,
      %parallel_loop3A_1583 = arith.constant 3 : i32
      %parallel_loop3A_1584 = arith.index_cast %parallel_loop3A_1583 : i32 to index
      %parallel_loop3A_1585 = arith.index_cast %parallel_loop3A_1518 : i32 to index
      %parallel_loop3A_1586 = arith.index_cast %parallel_loop3A_1536 : i32 to index
      %parallel_loop3A_1587 = tpu.vector_load %arg10[%parallel_loop3A_1584, %parallel_loop3A_1585, %parallel_loop3A_1586] {strides = array<i32>} : memref<4x8x1024xf32, #tpu.memory_space<vmem>>, vector<1x1x16xf32>,
      %parallel_loop3A_1588 = vector.shape_cast %parallel_loop3A_1587 : vector<1x1x16xf32> to vector<16xf32>
      %parallel_loop3A_1589 = arith.addf %parallel_loop3A_1588, %parallel_loop3A_1540 : vector<16xf32>
      %parallel_loop3A_1590 = arith.constant 3 : i32
      %parallel_loop3A_1591 = arith.index_cast %parallel_loop3A_1590 : i32 to index
      %parallel_loop3A_1592 = arith.index_cast %parallel_loop3A_1518 : i32 to index
      %parallel_loop3A_1593 = arith.index_cast %parallel_loop3A_1536 : i32 to index
      %parallel_loop3A_1594 = tpu.vector_load %arg10[%parallel_loop3A_1591, %parallel_loop3A_1592, %parallel_loop3A_1593] {strides = array<i32>} : memref<4x8x1024xf32, #tpu.memory_space<vmem>>, vector<1x1x16xf32>,
      %parallel_loop3A_1595 = vector.shape_cast %parallel_loop3A_1594 : vector<1x1x16xf32> to vector<16xf32>
      %parallel_loop3A_1596 = vector.shape_cast %parallel_loop3A_1589 : vector<16xf32> to vector<1x1x16xf32>
      tpu.vector_store %arg10[%parallel_loop3A_1591, %parallel_loop3A_1592, %parallel_loop3A_1593], %parallel_loop3A_1596 {strides = array<i32>} : memref<4x8x1024xf32, #tpu.memory_space<vmem>>, vector<1x1x16xf32>,
    } {sc.loop_unroll_factor = 8 : i64, sc.parallel_access}
    %add3A_1308 = arith.constant 40 : i32
    %add3A_1309 = arith.addi %mul3A_4, %add3A_1308 : i32
    %add3A_1310 = arith.constant 0 : i32
    %add3A_1311 = arith.addi %add3A_1310, %add3A_1309 : i32
    %add3A_1312 = arith.constant 1536 : i32
    %add3A_1313 = arith.addi %add3A_1312, %add3A_1309 : i32
    %add3A_1314 = arith.constant 3072 : i32
    %add3A_1315 = arith.addi %add3A_1314, %add3A_1309 : i32
    %add3A_1316 = arith.constant 4608 : i32
    %add3A_1317 = arith.addi %add3A_1316, %add3A_1309 : i32
    %dma_start3A_1318 = arith.constant 0 : i32
    %dma_start3A_1319 = arith.constant 0 : i32
    %dma_start3A_1320 = arith.constant 0 : i32
    %dma_start3A_1321 = tpu.memref_slice %arg10[%dma_start3A_1318, %dma_start3A_1319, %dma_start3A_1320] : memref<4x8x1024xf32, #tpu.memory_space<vmem>> -> memref<1x8x1024xf32, #tpu.memory_space<vmem>>
    %dma_start3A_1322 = tpu.memref_squeeze %dma_start3A_1321 : memref<1x8x1024xf32, #tpu.memory_space<vmem>> -> memref<8x1024xf32, #tpu.memory_space<vmem>>
    %dma_start3A_1323 = arith.constant 0 : i32
    %dma_start3A_1324 = tpu.memref_slice %arg4[%add3A_1311, %dma_start3A_1323] : memref<6144x1024xf32, #tpu.memory_space<hbm>> -> memref<8x1024xf32, #tpu.memory_space<hbm>>
    %dma_start3A_1325 = arith.constant 0 : i32
    %dma_start3A_1326 = tpu.memref_slice %arg4[%add3A_1311, %dma_start3A_1325] : memref<6144x1024xf32, #tpu.memory_space<hbm>> -> memref<8x1024xf32, #tpu.memory_space<hbm>>
    %dma_start3A_1327 = arith.constant 0 : i32
    %dma_start3A_1328 = arith.constant 0 : i32
    %dma_start3A_1329 = tpu.memref_slice %arg10[%dma_start3A_1318, %dma_start3A_1327, %dma_start3A_1328] : memref<4x8x1024xf32, #tpu.memory_space<vmem>> -> memref<1x8x1024xf32, #tpu.memory_space<vmem>>
    %dma_start3A_1330 = tpu.memref_squeeze %dma_start3A_1329 : memref<1x8x1024xf32, #tpu.memory_space<vmem>> -> memref<8x1024xf32, #tpu.memory_space<vmem>>
    tpu.enqueue_dma source(%dma_start3A_1330 : memref<8x1024xf32, #tpu.memory_space<vmem>>) target(%dma_start3A_1326 : memref<8x1024xf32, #tpu.memory_space<hbm>>) target_semaphore(%arg16 : memref<!tpu.dma_semaphore, #tpu.memory_space<semaphore_mem>>)
    %dma_start3A_1331 = arith.constant 1 : i32
    %dma_start3A_1332 = arith.constant 0 : i32
    %dma_start3A_1333 = arith.constant 0 : i32
    %dma_start3A_1334 = tpu.memref_slice %arg10[%dma_start3A_1331, %dma_start3A_1332, %dma_start3A_1333] : memref<4x8x1024xf32, #tpu.memory_space<vmem>> -> memref<1x8x1024xf32, #tpu.memory_space<vmem>>
    %dma_start3A_1335 = tpu.memref_squeeze %dma_start3A_1334 : memref<1x8x1024xf32, #tpu.memory_space<vmem>> -> memref<8x1024xf32, #tpu.memory_space<vmem>>
    %dma_start3A_1336 = arith.constant 0 : i32
    %dma_start3A_1337 = tpu.memref_slice %arg4[%add3A_1313, %dma_start3A_1336] : memref<6144x1024xf32, #tpu.memory_space<hbm>> -> memref<8x1024xf32, #tpu.memory_space<hbm>>
    %dma_start3A_1338 = arith.constant 0 : i32
    %dma_start3A_1339 = tpu.memref_slice %arg4[%add3A_1313, %dma_start3A_1338] : memref<6144x1024xf32, #tpu.memory_space<hbm>> -> memref<8x1024xf32, #tpu.memory_space<hbm>>
    %dma_start3A_1340 = arith.constant 0 : i32
    %dma_start3A_1341 = arith.constant 0 : i32
    %dma_start3A_1342 = tpu.memref_slice %arg10[%dma_start3A_1331, %dma_start3A_1340, %dma_start3A_1341] : memref<4x8x1024xf32, #tpu.memory_space<vmem>> -> memref<1x8x1024xf32, #tpu.memory_space<vmem>>
    %dma_start3A_1343 = tpu.memref_squeeze %dma_start3A_1342 : memref<1x8x1024xf32, #tpu.memory_space<vmem>> -> memref<8x1024xf32, #tpu.memory_space<vmem>>
    tpu.enqueue_dma source(%dma_start3A_1343 : memref<8x1024xf32, #tpu.memory_space<vmem>>) target(%dma_start3A_1339 : memref<8x1024xf32, #tpu.memory_space<hbm>>) target_semaphore(%arg16 : memref<!tpu.dma_semaphore, #tpu.memory_space<semaphore_mem>>)
    %dma_start3A_1344 = arith.constant 2 : i32
    %dma_start3A_1345 = arith.constant 0 : i32
    %dma_start3A_1346 = arith.constant 0 : i32
    %dma_start3A_1347 = tpu.memref_slice %arg10[%dma_start3A_1344, %dma_start3A_1345, %dma_start3A_1346] : memref<4x8x1024xf32, #tpu.memory_space<vmem>> -> memref<1x8x1024xf32, #tpu.memory_space<vmem>>
    %dma_start3A_1348 = tpu.memref_squeeze %dma_start3A_1347 : memref<1x8x1024xf32, #tpu.memory_space<vmem>> -> memref<8x1024xf32, #tpu.memory_space<vmem>>
    %dma_start3A_1349 = arith.constant 0 : i32
    %dma_start3A_1350 = tpu.memref_slice %arg4[%add3A_1315, %dma_start3A_1349] : memref<6144x1024xf32, #tpu.memory_space<hbm>> -> memref<8x1024xf32, #tpu.memory_space<hbm>>
    %dma_start3A_1351 = arith.constant 0 : i32
    %dma_start3A_1352 = tpu.memref_slice %arg4[%add3A_1315, %dma_start3A_1351] : memref<6144x1024xf32, #tpu.memory_space<hbm>> -> memref<8x1024xf32, #tpu.memory_space<hbm>>
    %dma_start3A_1353 = arith.constant 0 : i32
    %dma_start3A_1354 = arith.constant 0 : i32
    %dma_start3A_1355 = tpu.memref_slice %arg10[%dma_start3A_1344, %dma_start3A_1353, %dma_start3A_1354] : memref<4x8x1024xf32, #tpu.memory_space<vmem>> -> memref<1x8x1024xf32, #tpu.memory_space<vmem>>
    %dma_start3A_1356 = tpu.memref_squeeze %dma_start3A_1355 : memref<1x8x1024xf32, #tpu.memory_space<vmem>> -> memref<8x1024xf32, #tpu.memory_space<vmem>>
    tpu.enqueue_dma source(%dma_start3A_1356 : memref<8x1024xf32, #tpu.memory_space<vmem>>) target(%dma_start3A_1352 : memref<8x1024xf32, #tpu.memory_space<hbm>>) target_semaphore(%arg16 : memref<!tpu.dma_semaphore, #tpu.memory_space<semaphore_mem>>)
    %dma_start3A_1357 = arith.constant 3 : i32
    %dma_start3A_1358 = arith.constant 0 : i32
    %dma_start3A_1359 = arith.constant 0 : i32
    %dma_start3A_1360 = tpu.memref_slice %arg10[%dma_start3A_1357, %dma_start3A_1358, %dma_start3A_1359] : memref<4x8x1024xf32, #tpu.memory_space<vmem>> -> memref<1x8x1024xf32, #tpu.memory_space<vmem>>
    %dma_start3A_1361 = tpu.memref_squeeze %dma_start3A_1360 : memref<1x8x1024xf32, #tpu.memory_space<vmem>> -> memref<8x1024xf32, #tpu.memory_space<vmem>>
    %dma_start3A_1362 = arith.constant 0 : i32
    %dma_start3A_1363 = tpu.memref_slice %arg4[%add3A_1317, %dma_start3A_1362] : memref<6144x1024xf32, #tpu.memory_space<hbm>> -> memref<8x1024xf32, #tpu.memory_space<hbm>>
    %dma_start3A_1364 = arith.constant 0 : i32
    %dma_start3A_1365 = tpu.memref_slice %arg4[%add3A_1317, %dma_start3A_1364] : memref<6144x1024xf32, #tpu.memory_space<hbm>> -> memref<8x1024xf32, #tpu.memory_space<hbm>>
    %dma_start3A_1366 = arith.constant 0 : i32
    %dma_start3A_1367 = arith.constant 0 : i32
    %dma_start3A_1368 = tpu.memref_slice %arg10[%dma_start3A_1357, %dma_start3A_1366, %dma_start3A_1367] : memref<4x8x1024xf32, #tpu.memory_space<vmem>> -> memref<1x8x1024xf32, #tpu.memory_space<vmem>>
    %dma_start3A_1369 = tpu.memref_squeeze %dma_start3A_1368 : memref<1x8x1024xf32, #tpu.memory_space<vmem>> -> memref<8x1024xf32, #tpu.memory_space<vmem>>
    tpu.enqueue_dma source(%dma_start3A_1369 : memref<8x1024xf32, #tpu.memory_space<vmem>>) target(%dma_start3A_1365 : memref<8x1024xf32, #tpu.memory_space<hbm>>) target_semaphore(%arg16 : memref<!tpu.dma_semaphore, #tpu.memory_space<semaphore_mem>>)
    %add3A_1370 = arith.constant 32 : i32
    %add3A_1371 = arith.addi %mul3A_4, %add3A_1370 : i32
    %add3A_1372 = arith.constant 0 : i32
    %add3A_1373 = arith.addi %add3A_1372, %add3A_1371 : i32
    %add3A_1374 = arith.constant 1536 : i32
    %add3A_1375 = arith.addi %add3A_1374, %add3A_1371 : i32
    %add3A_1376 = arith.constant 3072 : i32
    %add3A_1377 = arith.addi %add3A_1376, %add3A_1371 : i32
    %add3A_1378 = arith.constant 4608 : i32
    %add3A_1379 = arith.addi %add3A_1378, %add3A_1371 : i32
    %dma_wait3A_1380 = arith.constant 0 : i32
    %dma_wait3A_1381 = arith.constant 0 : i32
    %dma_wait3A_1382 = arith.constant 0 : i32
    %dma_wait3A_1383 = tpu.memref_slice %arg9[%dma_wait3A_1380, %dma_wait3A_1381, %dma_wait3A_1382] : memref<4x8x1024xf32, #tpu.memory_space<vmem>> -> memref<1x8x1024xf32, #tpu.memory_space<vmem>>
    %dma_wait3A_1384 = tpu.memref_squeeze %dma_wait3A_1383 : memref<1x8x1024xf32, #tpu.memory_space<vmem>> -> memref<8x1024xf32, #tpu.memory_space<vmem>>
    %dma_wait3A_1385 = arith.constant 0 : i32
    %dma_wait3A_1386 = tpu.memref_slice %arg4[%add3A_1373, %dma_wait3A_1385] : memref<6144x1024xf32, #tpu.memory_space<hbm>> -> memref<8x1024xf32, #tpu.memory_space<hbm>>
    %dma_wait3A_1387 = arith.constant 0 : i32
    %dma_wait3A_1388 = tpu.memref_slice %arg4[%add3A_1373, %dma_wait3A_1387] : memref<6144x1024xf32, #tpu.memory_space<hbm>> -> memref<8x1024xf32, #tpu.memory_space<hbm>>
    %dma_wait3A_1389 = arith.constant 0 : i32
    %dma_wait3A_1390 = arith.constant 0 : i32
    %dma_wait3A_1391 = tpu.memref_slice %arg9[%dma_wait3A_1380, %dma_wait3A_1389, %dma_wait3A_1390] : memref<4x8x1024xf32, #tpu.memory_space<vmem>> -> memref<1x8x1024xf32, #tpu.memory_space<vmem>>
    %dma_wait3A_1392 = tpu.memref_squeeze %dma_wait3A_1391 : memref<1x8x1024xf32, #tpu.memory_space<vmem>> -> memref<8x1024xf32, #tpu.memory_space<vmem>>
    tpu.wait_dma2 semaphore(%arg15 : memref<!tpu.dma_semaphore, #tpu.memory_space<semaphore_mem>>) src(%dma_wait3A_1392 : memref<8x1024xf32, #tpu.memory_space<vmem>>) dst(%dma_wait3A_1388 : memref<8x1024xf32, #tpu.memory_space<hbm>>)
    %dma_wait3A_1393 = arith.constant 1 : i32
    %dma_wait3A_1394 = arith.constant 0 : i32
    %dma_wait3A_1395 = arith.constant 0 : i32
    %dma_wait3A_1396 = tpu.memref_slice %arg9[%dma_wait3A_1393, %dma_wait3A_1394, %dma_wait3A_1395] : memref<4x8x1024xf32, #tpu.memory_space<vmem>> -> memref<1x8x1024xf32, #tpu.memory_space<vmem>>
    %dma_wait3A_1397 = tpu.memref_squeeze %dma_wait3A_1396 : memref<1x8x1024xf32, #tpu.memory_space<vmem>> -> memref<8x1024xf32, #tpu.memory_space<vmem>>
    %dma_wait3A_1398 = arith.constant 0 : i32
    %dma_wait3A_1399 = tpu.memref_slice %arg4[%add3A_1375, %dma_wait3A_1398] : memref<6144x1024xf32, #tpu.memory_space<hbm>> -> memref<8x1024xf32, #tpu.memory_space<hbm>>
    %dma_wait3A_1400 = arith.constant 0 : i32
    %dma_wait3A_1401 = tpu.memref_slice %arg4[%add3A_1375, %dma_wait3A_1400] : memref<6144x1024xf32, #tpu.memory_space<hbm>> -> memref<8x1024xf32, #tpu.memory_space<hbm>>
    %dma_wait3A_1402 = arith.constant 0 : i32
    %dma_wait3A_1403 = arith.constant 0 : i32
    %dma_wait3A_1404 = tpu.memref_slice %arg9[%dma_wait3A_1393, %dma_wait3A_1402, %dma_wait3A_1403] : memref<4x8x1024xf32, #tpu.memory_space<vmem>> -> memref<1x8x1024xf32, #tpu.memory_space<vmem>>
    %dma_wait3A_1405 = tpu.memref_squeeze %dma_wait3A_1404 : memref<1x8x1024xf32, #tpu.memory_space<vmem>> -> memref<8x1024xf32, #tpu.memory_space<vmem>>
    tpu.wait_dma2 semaphore(%arg15 : memref<!tpu.dma_semaphore, #tpu.memory_space<semaphore_mem>>) src(%dma_wait3A_1405 : memref<8x1024xf32, #tpu.memory_space<vmem>>) dst(%dma_wait3A_1401 : memref<8x1024xf32, #tpu.memory_space<hbm>>)
    %dma_wait3A_1406 = arith.constant 2 : i32
    %dma_wait3A_1407 = arith.constant 0 : i32
    %dma_wait3A_1408 = arith.constant 0 : i32
    %dma_wait3A_1409 = tpu.memref_slice %arg9[%dma_wait3A_1406, %dma_wait3A_1407, %dma_wait3A_1408] : memref<4x8x1024xf32, #tpu.memory_space<vmem>> -> memref<1x8x1024xf32, #tpu.memory_space<vmem>>
    %dma_wait3A_1410 = tpu.memref_squeeze %dma_wait3A_1409 : memref<1x8x1024xf32, #tpu.memory_space<vmem>> -> memref<8x1024xf32, #tpu.memory_space<vmem>>
    %dma_wait3A_1411 = arith.constant 0 : i32
    %dma_wait3A_1412 = tpu.memref_slice %arg4[%add3A_1377, %dma_wait3A_1411] : memref<6144x1024xf32, #tpu.memory_space<hbm>> -> memref<8x1024xf32, #tpu.memory_space<hbm>>
    %dma_wait3A_1413 = arith.constant 0 : i32
    %dma_wait3A_1414 = tpu.memref_slice %arg4[%add3A_1377, %dma_wait3A_1413] : memref<6144x1024xf32, #tpu.memory_space<hbm>> -> memref<8x1024xf32, #tpu.memory_space<hbm>>
    %dma_wait3A_1415 = arith.constant 0 : i32
    %dma_wait3A_1416 = arith.constant 0 : i32
    %dma_wait3A_1417 = tpu.memref_slice %arg9[%dma_wait3A_1406, %dma_wait3A_1415, %dma_wait3A_1416] : memref<4x8x1024xf32, #tpu.memory_space<vmem>> -> memref<1x8x1024xf32, #tpu.memory_space<vmem>>
    %dma_wait3A_1418 = tpu.memref_squeeze %dma_wait3A_1417 : memref<1x8x1024xf32, #tpu.memory_space<vmem>> -> memref<8x1024xf32, #tpu.memory_space<vmem>>
    tpu.wait_dma2 semaphore(%arg15 : memref<!tpu.dma_semaphore, #tpu.memory_space<semaphore_mem>>) src(%dma_wait3A_1418 : memref<8x1024xf32, #tpu.memory_space<vmem>>) dst(%dma_wait3A_1414 : memref<8x1024xf32, #tpu.memory_space<hbm>>)
    %dma_wait3A_1419 = arith.constant 3 : i32
    %dma_wait3A_1420 = arith.constant 0 : i32
    %dma_wait3A_1421 = arith.constant 0 : i32
    %dma_wait3A_1422 = tpu.memref_slice %arg9[%dma_wait3A_1419, %dma_wait3A_1420, %dma_wait3A_1421] : memref<4x8x1024xf32, #tpu.memory_space<vmem>> -> memref<1x8x1024xf32, #tpu.memory_space<vmem>>
    %dma_wait3A_1423 = tpu.memref_squeeze %dma_wait3A_1422 : memref<1x8x1024xf32, #tpu.memory_space<vmem>> -> memref<8x1024xf32, #tpu.memory_space<vmem>>
    %dma_wait3A_1424 = arith.constant 0 : i32
    %dma_wait3A_1425 = tpu.memref_slice %arg4[%add3A_1379, %dma_wait3A_1424] : memref<6144x1024xf32, #tpu.memory_space<hbm>> -> memref<8x1024xf32, #tpu.memory_space<hbm>>
    %dma_wait3A_1426 = arith.constant 0 : i32
    %dma_wait3A_1427 = tpu.memref_slice %arg4[%add3A_1379, %dma_wait3A_1426] : memref<6144x1024xf32, #tpu.memory_space<hbm>> -> memref<8x1024xf32, #tpu.memory_space<hbm>>
    %dma_wait3A_1428 = arith.constant 0 : i32
    %dma_wait3A_1429 = arith.constant 0 : i32
    %dma_wait3A_1430 = tpu.memref_slice %arg9[%dma_wait3A_1419, %dma_wait3A_1428, %dma_wait3A_1429] : memref<4x8x1024xf32, #tpu.memory_space<vmem>> -> memref<1x8x1024xf32, #tpu.memory_space<vmem>>
    %dma_wait3A_1431 = tpu.memref_squeeze %dma_wait3A_1430 : memref<1x8x1024xf32, #tpu.memory_space<vmem>> -> memref<8x1024xf32, #tpu.memory_space<vmem>>
    tpu.wait_dma2 semaphore(%arg15 : memref<!tpu.dma_semaphore, #tpu.memory_space<semaphore_mem>>) src(%dma_wait3A_1431 : memref<8x1024xf32, #tpu.memory_space<vmem>>) dst(%dma_wait3A_1427 : memref<8x1024xf32, #tpu.memory_space<hbm>>)
    %add3A_1432 = arith.constant 40 : i32
    %add3A_1433 = arith.addi %mul3A_4, %add3A_1432 : i32
    %add3A_1434 = arith.constant 0 : i32
    %add3A_1435 = arith.addi %add3A_1434, %add3A_1433 : i32
    %add3A_1436 = arith.constant 1536 : i32
    %add3A_1437 = arith.addi %add3A_1436, %add3A_1433 : i32
    %add3A_1438 = arith.constant 3072 : i32
    %add3A_1439 = arith.addi %add3A_1438, %add3A_1433 : i32
    %add3A_1440 = arith.constant 4608 : i32
    %add3A_1441 = arith.addi %add3A_1440, %add3A_1433 : i32
    %dma_wait3A_1442 = arith.constant 0 : i32
    %dma_wait3A_1443 = arith.constant 0 : i32
    %dma_wait3A_1444 = arith.constant 0 : i32
    %dma_wait3A_1445 = tpu.memref_slice %arg10[%dma_wait3A_1442, %dma_wait3A_1443, %dma_wait3A_1444] : memref<4x8x1024xf32, #tpu.memory_space<vmem>> -> memref<1x8x1024xf32, #tpu.memory_space<vmem>>
    %dma_wait3A_1446 = tpu.memref_squeeze %dma_wait3A_1445 : memref<1x8x1024xf32, #tpu.memory_space<vmem>> -> memref<8x1024xf32, #tpu.memory_space<vmem>>
    %dma_wait3A_1447 = arith.constant 0 : i32
    %dma_wait3A_1448 = tpu.memref_slice %arg4[%add3A_1435, %dma_wait3A_1447] : memref<6144x1024xf32, #tpu.memory_space<hbm>> -> memref<8x1024xf32, #tpu.memory_space<hbm>>
    %dma_wait3A_1449 = arith.constant 0 : i32
    %dma_wait3A_1450 = tpu.memref_slice %arg4[%add3A_1435, %dma_wait3A_1449] : memref<6144x1024xf32, #tpu.memory_space<hbm>> -> memref<8x1024xf32, #tpu.memory_space<hbm>>
    %dma_wait3A_1451 = arith.constant 0 : i32
    %dma_wait3A_1452 = arith.constant 0 : i32
    %dma_wait3A_1453 = tpu.memref_slice %arg10[%dma_wait3A_1442, %dma_wait3A_1451, %dma_wait3A_1452] : memref<4x8x1024xf32, #tpu.memory_space<vmem>> -> memref<1x8x1024xf32, #tpu.memory_space<vmem>>
    %dma_wait3A_1454 = tpu.memref_squeeze %dma_wait3A_1453 : memref<1x8x1024xf32, #tpu.memory_space<vmem>> -> memref<8x1024xf32, #tpu.memory_space<vmem>>
    tpu.wait_dma2 semaphore(%arg16 : memref<!tpu.dma_semaphore, #tpu.memory_space<semaphore_mem>>) src(%dma_wait3A_1454 : memref<8x1024xf32, #tpu.memory_space<vmem>>) dst(%dma_wait3A_1450 : memref<8x1024xf32, #tpu.memory_space<hbm>>)
    %dma_wait3A_1455 = arith.constant 1 : i32
    %dma_wait3A_1456 = arith.constant 0 : i32
    %dma_wait3A_1457 = arith.constant 0 : i32
    %dma_wait3A_1458 = tpu.memref_slice %arg10[%dma_wait3A_1455, %dma_wait3A_1456, %dma_wait3A_1457] : memref<4x8x1024xf32, #tpu.memory_space<vmem>> -> memref<1x8x1024xf32, #tpu.memory_space<vmem>>
    %dma_wait3A_1459 = tpu.memref_squeeze %dma_wait3A_1458 : memref<1x8x1024xf32, #tpu.memory_space<vmem>> -> memref<8x1024xf32, #tpu.memory_space<vmem>>
    %dma_wait3A_1460 = arith.constant 0 : i32
    %dma_wait3A_1461 = tpu.memref_slice %arg4[%add3A_1437, %dma_wait3A_1460] : memref<6144x1024xf32, #tpu.memory_space<hbm>> -> memref<8x1024xf32, #tpu.memory_space<hbm>>
    %dma_wait3A_1462 = arith.constant 0 : i32
    %dma_wait3A_1463 = tpu.memref_slice %arg4[%add3A_1437, %dma_wait3A_1462] : memref<6144x1024xf32, #tpu.memory_space<hbm>> -> memref<8x1024xf32, #tpu.memory_space<hbm>>
    %dma_wait3A_1464 = arith.constant 0 : i32
    %dma_wait3A_1465 = arith.constant 0 : i32
    %dma_wait3A_1466 = tpu.memref_slice %arg10[%dma_wait3A_1455, %dma_wait3A_1464, %dma_wait3A_1465] : memref<4x8x1024xf32, #tpu.memory_space<vmem>> -> memref<1x8x1024xf32, #tpu.memory_space<vmem>>
    %dma_wait3A_1467 = tpu.memref_squeeze %dma_wait3A_1466 : memref<1x8x1024xf32, #tpu.memory_space<vmem>> -> memref<8x1024xf32, #tpu.memory_space<vmem>>
    tpu.wait_dma2 semaphore(%arg16 : memref<!tpu.dma_semaphore, #tpu.memory_space<semaphore_mem>>) src(%dma_wait3A_1467 : memref<8x1024xf32, #tpu.memory_space<vmem>>) dst(%dma_wait3A_1463 : memref<8x1024xf32, #tpu.memory_space<hbm>>)
    %dma_wait3A_1468 = arith.constant 2 : i32
    %dma_wait3A_1469 = arith.constant 0 : i32
    %dma_wait3A_1470 = arith.constant 0 : i32
    %dma_wait3A_1471 = tpu.memref_slice %arg10[%dma_wait3A_1468, %dma_wait3A_1469, %dma_wait3A_1470] : memref<4x8x1024xf32, #tpu.memory_space<vmem>> -> memref<1x8x1024xf32, #tpu.memory_space<vmem>>
    %dma_wait3A_1472 = tpu.memref_squeeze %dma_wait3A_1471 : memref<1x8x1024xf32, #tpu.memory_space<vmem>> -> memref<8x1024xf32, #tpu.memory_space<vmem>>
    %dma_wait3A_1473 = arith.constant 0 : i32
    %dma_wait3A_1474 = tpu.memref_slice %arg4[%add3A_1439, %dma_wait3A_1473] : memref<6144x1024xf32, #tpu.memory_space<hbm>> -> memref<8x1024xf32, #tpu.memory_space<hbm>>
    %dma_wait3A_1475 = arith.constant 0 : i32
    %dma_wait3A_1476 = tpu.memref_slice %arg4[%add3A_1439, %dma_wait3A_1475] : memref<6144x1024xf32, #tpu.memory_space<hbm>> -> memref<8x1024xf32, #tpu.memory_space<hbm>>
    %dma_wait3A_1477 = arith.constant 0 : i32
    %dma_wait3A_1478 = arith.constant 0 : i32
    %dma_wait3A_1479 = tpu.memref_slice %arg10[%dma_wait3A_1468, %dma_wait3A_1477, %dma_wait3A_1478] : memref<4x8x1024xf32, #tpu.memory_space<vmem>> -> memref<1x8x1024xf32, #tpu.memory_space<vmem>>
    %dma_wait3A_1480 = tpu.memref_squeeze %dma_wait3A_1479 : memref<1x8x1024xf32, #tpu.memory_space<vmem>> -> memref<8x1024xf32, #tpu.memory_space<vmem>>
    tpu.wait_dma2 semaphore(%arg16 : memref<!tpu.dma_semaphore, #tpu.memory_space<semaphore_mem>>) src(%dma_wait3A_1480 : memref<8x1024xf32, #tpu.memory_space<vmem>>) dst(%dma_wait3A_1476 : memref<8x1024xf32, #tpu.memory_space<hbm>>)
    %dma_wait3A_1481 = arith.constant 3 : i32
    %dma_wait3A_1482 = arith.constant 0 : i32
    %dma_wait3A_1483 = arith.constant 0 : i32
    %dma_wait3A_1484 = tpu.memref_slice %arg10[%dma_wait3A_1481, %dma_wait3A_1482, %dma_wait3A_1483] : memref<4x8x1024xf32, #tpu.memory_space<vmem>> -> memref<1x8x1024xf32, #tpu.memory_space<vmem>>
    %dma_wait3A_1485 = tpu.memref_squeeze %dma_wait3A_1484 : memref<1x8x1024xf32, #tpu.memory_space<vmem>> -> memref<8x1024xf32, #tpu.memory_space<vmem>>
    %dma_wait3A_1486 = arith.constant 0 : i32
    %dma_wait3A_1487 = tpu.memref_slice %arg4[%add3A_1441, %dma_wait3A_1486] : memref<6144x1024xf32, #tpu.memory_space<hbm>> -> memref<8x1024xf32, #tpu.memory_space<hbm>>
    %dma_wait3A_1488 = arith.constant 0 : i32
    %dma_wait3A_1489 = tpu.memref_slice %arg4[%add3A_1441, %dma_wait3A_1488] : memref<6144x1024xf32, #tpu.memory_space<hbm>> -> memref<8x1024xf32, #tpu.memory_space<hbm>>
    %dma_wait3A_1490 = arith.constant 0 : i32
    %dma_wait3A_1491 = arith.constant 0 : i32
    %dma_wait3A_1492 = tpu.memref_slice %arg10[%dma_wait3A_1481, %dma_wait3A_1490, %dma_wait3A_1491] : memref<4x8x1024xf32, #tpu.memory_space<vmem>> -> memref<1x8x1024xf32, #tpu.memory_space<vmem>>
    %dma_wait3A_1493 = tpu.memref_squeeze %dma_wait3A_1492 : memref<1x8x1024xf32, #tpu.memory_space<vmem>> -> memref<8x1024xf32, #tpu.memory_space<vmem>>
    tpu.wait_dma2 semaphore(%arg16 : memref<!tpu.dma_semaphore, #tpu.memory_space<semaphore_mem>>) src(%dma_wait3A_1493 : memref<8x1024xf32, #tpu.memory_space<vmem>>) dst(%dma_wait3A_1489 : memref<8x1024xf32, #tpu.memory_space<hbm>>)
    return
  }
}

module attributes {stable_mosaic.version = 14 : i64} {
  func.func @_tc_add_block(%arg0: i32, %arg1: i32, %arg2: memref<1x512x1024xf32, #tpu.memory_space<vmem>>, %arg3: memref<1x512x1024xf32, #tpu.memory_space<vmem>>, %arg4: memref<1x512x1024xf32, #tpu.memory_space<vmem>>) attributes {dimension_semantics = [#tpu.dimension_semantics<arbitrary>, #tpu.dimension_semantics<arbitrary>], iteration_bounds = array<i64: 5, 4>, scalar_prefetch = 0 : i64, scratch_operands = 0 : i64, tpu.core_type = #tpu.core_type<tc>, window_params = [{transform_indices = @transform_0, window_bounds = array<i64: 1, 512, 1024>}, {transform_indices = @transform_1, window_bounds = array<i64: 1, 512, 1024>}, {transform_indices = @transform_2, window_bounds = array<i64: 1, 512, 1024>}]} {
    %get3A = arith.constant 0 : index
    %get3A_0 = arith.constant 0 : index
    %get3A_1 = arith.constant 0 : index
    %get3A_2 = vector.load %arg2[%get3A, %get3A_0, %get3A_1] : memref<1x512x1024xf32, #tpu.memory_space<vmem>>, vector<1x512x1024xf32>
    %get3A_3 = arith.constant 0 : index
    %get3A_4 = arith.constant 0 : index
    %get3A_5 = arith.constant 0 : index
    %get3A_6 = vector.load %arg3[%get3A_3, %get3A_4, %get3A_5] : memref<1x512x1024xf32, #tpu.memory_space<vmem>>, vector<1x512x1024xf32>
    %add3A = arith.addf %get3A_2, %get3A_6 : vector<1x512x1024xf32>
    %swap3A = arith.constant 0 : index
    %swap3A_7 = arith.constant 0 : index
    %swap3A_8 = arith.constant 0 : index
    %swap3A_9 = vector.load %arg4[%swap3A, %swap3A_7, %swap3A_8] : memref<1x512x1024xf32, #tpu.memory_space<vmem>>, vector<1x512x1024xf32>
    tpu.vector_store %arg4[%swap3A, %swap3A_7, %swap3A_8], %add3A {strides = array<i32>} : memref<1x512x1024xf32, #tpu.memory_space<vmem>>, vector<1x512x1024xf32>,
    return
  }
  func.func @transform_0(%arg0: i32, %arg1: i32) -> (i32, i32, i32) {
    %add3A = arith.constant 3 : i32
    %add3A_0 = arith.addi %add3A, %arg0 : i32
    %c0_i32 = arith.constant 0 : i32
    %c0_i32_1 = arith.constant 0 : i32
    return %arg1, %add3A_0, %c0_i32 : i32, i32, i32
  }
  func.func @transform_1(%arg0: i32, %arg1: i32) -> (i32, i32, i32) {
    %add3A = arith.constant 3 : i32
    %add3A_0 = arith.addi %add3A, %arg0 : i32
    %c0_i32 = arith.constant 0 : i32
    %c0_i32_1 = arith.constant 0 : i32
    %c0_i32_2 = arith.constant 0 : i32
    return %c0_i32, %add3A_0, %c0_i32_1 : i32, i32, i32
  }
  func.func @transform_2(%arg0: i32, %arg1: i32) -> (i32, i32, i32) {
    %add3A = arith.constant 3 : i32
    %add3A_0 = arith.addi %add3A, %arg0 : i32
    %c0_i32 = arith.constant 0 : i32
    %c0_i32_1 = arith.constant 0 : i32
    return %arg1, %add3A_0, %c0_i32 : i32, i32, i32
  }
}

</mosaic_0001>

<sc_bundles>
// kernel: kernel.4.cloned.1.call-start
scs
__scs_entry_jumppad:
0x0: {  	(pc) =	sbr.rel $0x88, $3  }
0x1: {  	(tag) =	ssettag $0x0;
	lr =	simm.s32 $0x1  }
0x2: {  	[smem:$0x3F9F] =	sst lr;
	_ =	strace $0xD0000000  }
0x3: {  	_ = 	snop  }
0x4: {  	_ = 	snop  }
0x5: {  	_ = 	snop  }
0x6: {  	_ = 	snop  }
0x7: {  	_ = 	snop  }
__scs_overlays_trampoline_lowered:
0x8: {  	[smem:$0x3FAE] =	sst s0  }
0x9: {  	[smem:$0x3FAF] =	sst s1  }
0xa: {  	[smem:$0x3FB0] =	sst s2  }
0xb: {  	[smem:$0x3FB1] =	sst s3  }
0xc: {  	[smem:$0x3FB2] =	sst s4  }
0xd: {  	[smem:$0x3FB3] =	sst s5  }
0xe: {  	[smem:$0x3FB4] =	sst s6  }
0xf: {  	[smem:$0x3FB5] =	sst s7  }
0x10: {  	[smem:$0x3FB6] =	sst s8  }
0x11: {  	[smem:$0x3FB7] =	sst s9;
	s0 =	simm.s32 @!p0 $0x0  }
0x12: {  	s1 =	sld [smem:$0x3F9D];
	s0 =	simm.s32 @p0 $0x1  }
0x13: {  	[smem:$0x3FB8] =	sst s0;
	s0 =	simm.s32 @!p1 $0x0  }
0x14: {  	s2 =	sld [smem:$0x3F9C];
	s0 =	simm.s32 @p1 $0x1  }
0x15: {  	[smem:$0x3FB9] =	sst s0;
	s0 =	simm.s32 @!p2 $0x0  }
0x16: {  	s3 =	sld [smem:$0x3FDB];
	s0 =	simm.s32 @p2 $0x1  }
0x17: {  	s4 =	simm.s32 $0x1BF5;
	[smem:$0x3FBB] =	sst s0  }
0x18: {  	s0 =	sld [smem:$0x3F9E];
	_ =	swait.ge [sflag:s4], $0x0  }
0x19: {  	s7 =	sld [smem:$0x3F9F]  }
0x1a: {  	s8 =	sadd.s32 $0xFFFFE003, lr  }
0x1b: {  	s9 =	sadd.s32 $0xFFFFFEF7, lr;
	s5 =	simm.s32 $0xFFFFFFFF;
	p2 =	slt.u32 s8, $0xFFFFF086  }
0x1c: {  	p1 =	slt.u32 s9, $0xF7A;
	s5 =	simm.s32 @!p2 $0x0  }
0x1d: {  	s5 =	simm.s32 @p1 $0x1;
	p0 =	seq.s32 s7, s2  }
0x1e: {  	s7 =	smul.u32 @!p0 $0xF7A, s2;
	p2 =	seq.s32 @!p0 s5, $0x0  }
0x1f: {  	s9 =	smul.u32 $0xF7A, s1;
	s8 =	simm.s32 @!p0 $0x1BF5;
	p2 =	por !p2, p0  }
0x20: {  	[sflag:s8] =	ssyncset.s32 @!p0 $0xFFFFF086;
	s6 =	sadd.s32 @!p0 s3, s7;
	s7 =	simm.s32 @!p0 $0x108  }
0x21: {  	s3 =	sadd.s32 s3, s9;
	s6 =	sadd.s32 @!p0 $0x88, s6;
	s7 =	simm.s32 @p2 $0x1082  }
0x22: {  	[simem:s7], [sflag:s8] =	dma.local @!p0 [hbm:s6], $0xF7A  }
0x23: {  	s9 =	sor.u32 $0xD0000000, s2;
	s6 =	simm.s32 $0x108;
	_ =	swait.ge @!p0 [sflag:s8], $0x0  }
0x24: {  	s3 =	sadd.s32 $0x88, s3;
	s6 =	simm.s32 @!p1 $0x1082;
	[sflag:s4] =	ssyncset.s32 $0xFFFFF086  }
0x25: {  	[simem:s6], [sflag:s4] =	dma.local [hbm:s3], $0xF7A  }
0x26: {  	[smem:$0x3F9F] =	sst s1;
	(tag) =	ssettag s2;
	_ =	strace s9  }
0x27: {  	s1 =	sld [smem:$0x3FAF]  }
0x28: {  	s2 =	sld [smem:$0x3FB0]  }
0x29: {  	s4 =	sld [smem:$0x3FB2]  }
0x2a: {  	p0 =	seq.s32 s5, $0x0;
	s5 =	sld [smem:$0x3FB3]  }
0x2b: {  	s6 =	sld [smem:$0x3FB4]  }
0x2c: {  	s7 =	sld [smem:$0x3FB5]  }
0x2d: {  	s3 =	simm.s32 $0x108;
	s8 =	sld [smem:$0x3FB6]  }
0x2e: {  	s3 =	simm.s32 @!p0 $0x1082;
	s9 =	sld [smem:$0x3FB7]  }
0x2f: {  	lr =	sadd.s32 s0, s3;
	s0 =	sld [smem:$0x3FAE]  }
0x30: {  	s3 =	sld [smem:$0x3FB1]  }
0x31: {  	[smem:$0x3FBA] =	sst s10  }
0x32: {  	s10 =	sld [smem:$0x3FB8];
	_ =	sdelay $0x3  }
0x33: {  	p0 =	seq.s32 s10, $0x1;
	s10 =	sld [smem:$0x3FBA];
	_ =	sdelay $0x3  }
0x34: {  	[smem:$0x3FBA] =	sst s10  }
0x35: {  	s10 =	sld [smem:$0x3FB9];
	_ =	sdelay $0x3  }
0x36: {  	p1 =	seq.s32 s10, $0x1;
	s10 =	sld [smem:$0x3FBA];
	_ =	sdelay $0x3  }
0x37: {  	[smem:$0x3FBA] =	sst s10  }
0x38: {  	s10 =	sld [smem:$0x3FBB]  }
0x39: {  	_ = 	snop;
	(pc) =	sbr.ind lr, $3  }
0x3a: {  	_ = 	snop  }
0x3b: {  	_ = 	snop  }
0x3c: {  	p2 =	seq.s32 s10, $0x1;
	s10 =	sld [smem:$0x3FBA]  }
0x3d: {  	_ =	shalt  }
0x3e: {  	_ =	shalt  }
0x3f: {  	_ =	shalt  }
0x40: {  	_ =	shalt  }
0x41: {  	_ =	shalt  }
0x42: {  	_ =	shalt  }
0x43: {  	_ =	shalt  }
0x44: {  	_ =	shalt  }
0x45: {  	_ =	shalt  }
0x46: {  	_ =	shalt  }
0x47: {  	_ =	shalt  }
0x48: {  	_ =	shalt  }
0x49: {  	_ =	shalt  }
0x4a: {  	_ =	shalt  }
0x4b: {  	_ =	shalt  }
0x4c: {  	_ =	shalt  }
0x4d: {  	_ =	shalt  }
0x4e: {  	_ =	shalt  }
0x4f: {  	_ =	shalt  }
0x50: {  	_ =	shalt  }
0x51: {  	_ =	shalt  }
0x52: {  	_ =	shalt  }
0x53: {  	_ =	shalt  }
0x54: {  	_ =	shalt  }
0x55: {  	_ =	shalt  }
0x56: {  	_ =	shalt  }
0x57: {  	_ =	shalt  }
0x58: {  	_ =	shalt  }
0x59: {  	_ =	shalt  }
0x5a: {  	_ =	shalt  }
0x5b: {  	_ =	shalt  }
0x5c: {  	_ =	shalt  }
0x5d: {  	_ =	shalt  }
0x5e: {  	_ =	shalt  }
0x5f: {  	_ =	shalt  }
0x60: {  	_ =	shalt  }
0x61: {  	_ =	shalt  }
0x62: {  	_ =	shalt  }
0x63: {  	_ =	shalt  }
0x64: {  	_ =	shalt  }
0x65: {  	_ =	shalt  }
0x66: {  	_ =	shalt  }
0x67: {  	_ =	shalt  }
0x68: {  	_ =	shalt  }
0x69: {  	_ =	shalt  }
0x6a: {  	_ =	shalt  }
0x6b: {  	_ =	shalt  }
0x6c: {  	_ =	shalt  }
0x6d: {  	_ =	shalt  }
0x6e: {  	_ =	shalt  }
0x6f: {  	_ =	shalt  }
0x70: {  	_ =	shalt  }
0x71: {  	_ =	shalt  }
0x72: {  	_ =	shalt  }
0x73: {  	_ =	shalt  }
0x74: {  	_ =	shalt  }
0x75: {  	_ =	shalt  }
0x76: {  	_ =	shalt  }
0x77: {  	_ =	shalt  }
0x78: {  	_ =	shalt  }
0x79: {  	_ =	shalt  }
0x7a: {  	_ =	shalt  }
0x7b: {  	_ =	shalt  }
0x7c: {  	_ =	shalt  }
0x7d: {  	_ =	shalt  }
0x7e: {  	_ =	shalt  }
0x7f: {  	_ =	shalt  }
0x80: {  	_ =	shalt  }
0x81: {  	_ =	shalt  }
0x82: {  	_ =	shalt  }
0x83: {  	_ =	shalt  }
0x84: {  	_ =	shalt  }
0x85: {  	_ =	shalt  }
0x86: {  	_ =	shalt  }
0x87: {  	_ =	shalt  }
.Lfunc_end0:
.L_simem_size_0:
called_computation_lowered:
.L_overlay_start_0:
0x88: {  	s2 =	sld [smem:$0x3FD9]  }
0x89: {  	s3 =	sld [smem:$0x3FFE];
	_ =	sdelay $0x1  }
0x8a: {  	s1 =	srdreg.scid  }
0x8b: {  	s0 =	sand.u32 $0x1, s1  }
0x8c: {  	s17 =	sshll.u32 s0, $0xA;
	s2 =	sadd.s32 s3, s2  }
0x8d: {  	s2 =	sadd.s32 s2, s17  }
0x8e: {  	[smem:$0x3FC6] =	sst s2  }
0x8f: {  	_ = 	snop  }
0x90: {  	s2 =	sld [smem:$0x3FC9]  }
0x91: {  	s18 =	sld [smem:$0x3FC8];
	(tm) =	ssettm $0x1  }
0x92: {  	s4 =	sld [smem:$0x3FFB];
	_ =	sdelay $0x3  }
0x93: {  	_ =	strace s4  }
0x94: {  	s4 =	sld [smem:$0x3FFC];
	_ =	sdelay $0x3  }
0x95: {  	_ =	strace s4  }
0x96: {  	s4 =	sld [smem:$0x3FFD];
	_ =	sdelay $0x3  }
0x97: {  	_ =	strace s4  }
0x98: {  	_ =	strace $0x8FFFFFFF  }
0x99: {  	s19 =	sld [smem:$0x3FDB];
	_ =	sdelay $0x1  }
0x9a: {  	s5 =	simm.s32 $_scs_section_size  }
0x9b: {  	s6 =	simm.s32 $_size__tile_overlayer_lowered;
	s7 =	simm.s32 $_tile_overlayer_lowered  }
0x9c: {  	s22 =	simm.s32 $0x1BFF;
	s21 =	sshll.u32 s7, $0x1;
	s4 =	sadd.s32 s5, s19  }
0x9d: {  	s8 =	simm.s32 $0x0;
	s20 =	sshll.u32 s6, $0x1;
	s6 =	sadd.s32 s21, s4  }
0x9e: {  	[timem:s8], [sflag:s22] =	dma.local [hbm:s6], s20  }
0x9f: {  	_ =	swait.ge [sflag:s22], s20  }
0xa0: {  	s5 =	ssub.s32 $0x0, s20;
	[sflag:s22] =	ssyncset.done $0x0  }
0xa1: {  	[sflag:s22] =	ssyncadd.s32 s5;
	_ =	sdelay $0x1  }
0xa2: {  	s23 =	simm.s32 $0x1B8B  }
0xa3: {  	_ =	swait.ge [sflag:s23], $0x1  }
0xa4: {  	[sflag:s23] =	ssyncset.done $0x0  }
0xa5: {  	s25 =	simm.s32 $0x1B8E;
	s24 =	sld [smem:$0x3FFE];
	[sflag:s23] =	ssyncadd.s32 $0xFFFFFFFF  }
0xa6: {  	s26 =	simm.s32 $execute0_lowered;
	[smem:$0x3FD2] =	sst s25  }
0xa7: {  	s6 =	sshll.u32 s26, $0x1;
	_ =	strace $0x80000046;
	[dreg:$0x1] =	wrdreg $0xFFFFFFFF  }
0xa8: {  	s28 =	simm.s32 $_size_execute0_lowered;
	s4 =	sadd.s32 s4, s6;
	[dreg:$0x0] =	wrdreg $0x0  }
0xa9: {  	s6 =	sshll.u32 s28, $0x1;
	[dreg:$0x2] =	wrdreg s4  }
0xaa: {  	[dreg:$0x3] =	wrdreg s6  }
0xab: {  	[dreg:$0x4] =	wrdreg $0xC0  }
0xac: {  	_ =	task [dreg:s8], $0x5FFFF  }
0xad: {  	[dreg:$0x1] =	wrdreg $0xFFFFFFFF  }
0xae: {  	[dreg:$0x0] =	wrdreg $0x60  }
0xaf: {  	[dreg:$0x2] =	wrdreg s2  }
0xb0: {  	[dreg:$0x3] =	wrdreg s18  }
0xb1: {  	[dreg:$0x4] =	wrdreg s24  }
0xb2: {  	[dreg:$0x5] =	wrdreg $0x9  }
0xb3: {  	_ =	task.clear_ibuf [dreg:s8], $0x6FFFF;
	_ =	strace $0x90000046  }
0xb4: {  	s29 =	simm.s32 $0x9;
	_ =	strace $0x80000048  }
0xb5: {  	_ =	swait.ge [sflag:s29], $0x1  }
0xb6: {  	[sflag:s29] =	ssyncadd.s32 $0xFFFFFFFF  }
0xb7: {  	_ =	strace $0x90000048  }
0xb8: {  	_ =	sfence  }
0xb9: {  	s30 =	sld [smem:$0x0];
	_ =	sdelay $0x2  }
0xba: {  	s31 =	sshll.u32 s1, $0xD;
	s1 =	sshrl.u32 s1, $0x2  }
0xbb: {  	s3 =	sand.u32 $0x4000, s31;
	s1 =	sadd.s32 s1, s30  }
0xbc: {  	s0 =	sor.u32 s3, s0;
	s1 =	sshll.u32 s1, $0x11  }
0xbd: {  	s0 =	sor.u32 s1, s0  }
0xbe: {  	s0 =	sadd.s32 $0x8F2B, s0  }
0xbf: {  	[sflag:s0] =	ssyncadd.remote.s32 $0x1  }
0xc0: {  	_ =	sfence.sel $0xFFFF  }
0xc1: {  	[dreg:$0x0] =	wrdreg $0xFFFFFFFF;
	(pc) =	sbr.abs _section_cstart, $3  }
0xc2: {  	[dreg:$0x1] =	wrdreg $0xFFFFFFFF  }
0xc3: {  	_ =	task.clear_ibuf [dreg:s8], $0x2FFFF;
	_ =	strace $0x9FFFFFFF  }
0xc4: {  	(tm) =	ssettm $0x7FFFFFFF  }
0xc5: {  	_ =	shalt  }
tec
execute0_lowered:
.L_overlay_start_1:
0x0: {  	(tag) =	ssettag $0x1  }
0x1: {  	s2 =	srdreg.scid;
	s5 =	stileid.u32  }
0x2: {  	s4 =	sand.u32 $0x1, s2;
	s5 =	sshll.u32 s5, $0x1  }
0x3: {  	s0 =	rddreg [dreg:$0x0];
	s5 =	sor.u32 s4, s5  }
0x4: {  	s1 =	rddreg [dreg:$0x1];
	s6 =	smul.u32 $0xC000, s5  }
0x5: {  	s3 =	rddreg [dreg:$0x2];
	s2 =	simm.s32 $0x0;
	s5 =	smul.u32 $0x1800, s5  }
0x6: {  	s3 =	sadd.s32 $0x600, s3;
	[smem:$0x7FF] =	sst s2  }
0x7: {  	s4 =	ssub.s32 $0x2, s4;
	_ =	strace $0x80000047;
	s18 =	sadd.s32 s1, s5  }
0x8: {  	s7 =	sshrl.u32 s4, $0x1;
	s8 =	sadd.s32 s0, s5;
	[dreg:$0x4] =	wrdreg s18  }
0x9: {  	s20 =	sor.u32 $0x400, s5;
	s5 =	sadd.s32 s3, s5;
	[dreg:$0x5] =	wrdreg s8  }
0xa: {  	s4 =	ssub.s32 s4, s7;
	s9 =	sadd.s32 s1, s20;
	[dreg:$0xb] =	wrdreg s5  }
0xb: {  	s6 =	sshrl.u32 s6, $0x3;
	s21 =	sadd.s32 s0, s20;
	[dreg:$0x7] =	wrdreg s9  }
0xc: {  	s7 =	sadd.s32 s0, s6;
	s8 =	sadd.s32 s3, s20;
	[dreg:$0x8] =	wrdreg s21  }
0xd: {  	s22 =	sadd.s32 $0x800, s6;
	s19 =	sadd.s32 $0x80000, s7;
	[dreg:$0xe] =	wrdreg s8  }
0xe: {  	s10 =	sadd.s32 s1, s22;
	[dreg:$0x6] =	wrdreg s19  }
0xf: {  	s24 =	sadd.s32 $0xC00, s6;
	s23 =	sadd.s32 s0, s22;
	[dreg:$0x9] =	wrdreg s10  }
0x10: {  	s11 =	sadd.s32 s1, s24;
	[dreg:$0xa] =	wrdreg s23  }
0x11: {  	s26 =	sadd.s32 $0x1000, s6;
	s25 =	sadd.s32 s0, s24;
	[dreg:$0xc] =	wrdreg s11  }
0x12: {  	s12 =	sadd.s32 s1, s26;
	[dreg:$0xd] =	wrdreg s25  }
0x13: {  	s5 =	sadd.s32 s3, s6;
	s13 =	sadd.s32 s0, s26;
	[dreg:$0xf] =	wrdreg s12  }
0x14: {  	s6 =	sadd.s32 $0x1400, s6;
	s9 =	sadd.s32 s3, s22;
	[dreg:$0x10] =	wrdreg s13  }
0x15: {  	s1 =	sadd.s32 s1, s6;
	[dreg:$0x11] =	wrdreg s9  }
0x16: {  	s0 =	sadd.s32 s0, s6;
	[dreg:$0x12] =	wrdreg s1  }
0x17: {  	s14 =	sadd.s32 s3, s24;
	[dreg:$0x13] =	wrdreg s0  }
0x18: {  	s15 =	sadd.s32 $0x100000, s7;
	[dreg:$0x14] =	wrdreg s14  }
0x19: {  	s16 =	sadd.s32 $0x180000, s7;
	[dreg:$0x15] =	wrdreg s15  }
0x1a: {  	s17 =	sadd.s32 s3, s26;
	[dreg:$0x16] =	wrdreg s16  }
0x1b: {  	s18 =	sadd.s32 $0x100400, s7;
	[dreg:$0x17] =	wrdreg s17  }
0x1c: {  	s20 =	sadd.s32 $0x80400, s7;
	[dreg:$0x18] =	wrdreg s18  }
0x1d: {  	s21 =	sadd.s32 $0x80800, s7;
	[dreg:$0x1a] =	wrdreg s20  }
0x1e: {  	s22 =	sadd.s32 $0x100800, s7;
	[dreg:$0x1b] =	wrdreg s21  }
0x1f: {  	s24 =	sadd.s32 $0x180800, s7;
	[dreg:$0x1c] =	wrdreg s22  }
0x20: {  	s26 =	sadd.s32 $0x80C00, s7;
	[dreg:$0x1e] =	wrdreg s24  }
0x21: {  	s8 =	sadd.s32 $0x181000, s7;
	[smem:$0x7E7] =	sst s26  }
0x22: {  	s19 =	sadd.s32 $0x180400, s7;
	[smem:$0x7EB] =	sst s8  }
0x23: {  	s23 =	sadd.s32 s3, s6;
	[dreg:$0x19] =	wrdreg s19  }
0x24: {  	s25 =	sadd.s32 $0x100C00, s7;
	[dreg:$0x1d] =	wrdreg s23  }
0x25: {  	s1 =	sadd.s32 $0x180C00, s7;
	[dreg:$0x1f] =	wrdreg s25  }
0x26: {  	s3 =	sadd.s32 $0x81000, s7;
	[smem:$0x7E8] =	sst s1  }
0x27: {  	s6 =	sadd.s32 $0x101000, s7;
	[smem:$0x7E9] =	sst s3  }
0x28: {  	s9 =	sadd.s32 $0x101400, s7;
	[smem:$0x7EA] =	sst s6  }
0x29: {  	s10 =	sadd.s32 $0x81400, s7;
	[smem:$0x7EC] =	sst s9  }
0x2a: {  	s11 =	sadd.s32 $0x181400, s7;
	[smem:$0x7ED] =	sst s10  }
0x2b: {  	s12 =	sadd.s32 $0x30000, s5;
	[smem:$0x7EE] =	sst s11  }
0x2c: {  	s13 =	sadd.s32 $0x60000, s5;
	[smem:$0x7EF] =	sst s12  }
0x2d: {  	s14 =	sadd.s32 $0x90000, s5;
	[smem:$0x7F0] =	sst s13  }
0x2e: {  	s29 =	simm.s32 $0x6000;
	s15 =	sadd.s32 $0x30400, s5;
	[smem:$0x7F1] =	sst s14  }
0x2f: {  	s30 =	simm.s32 $0x8000;
	s16 =	sadd.s32 $0x60400, s5;
	[smem:$0x7F2] =	sst s15  }
0x30: {  	s31 =	simm.s32 $0xA000;
	s17 =	sadd.s32 $0x90400, s5;
	[smem:$0x7F3] =	sst s16  }
0x31: {  	s28 =	smax.u32 s4, $0x1;
	s18 =	sadd.s32 $0x30800, s5;
	[smem:$0x7F4] =	sst s17  }
0x32: {  	s4 =	simm.s32 $0x12000;
	s20 =	sadd.s32 $0x90800, s5;
	[smem:$0x7F5] =	sst s18  }
0x33: {  	s21 =	sadd.s32 $0x30C00, s5;
	s22 =	sadd.s32 $0x60C00, s5;
	[smem:$0x7F7] =	sst s20  }
0x34: {  	s24 =	sadd.s32 $0x31000, s5;
	s26 =	sadd.s32 $0x91000, s5;
	[smem:$0x7F8] =	sst s21  }
0x35: {  	s0 =	simm.s32 $0x10000;
	s7 =	simm.s32 $0x16000;
	[smem:$0x7F9] =	sst s22  }
0x36: {  	s8 =	simm.s32 $0x18000;
	s19 =	sadd.s32 $0x60800, s5;
	[smem:$0x7FB] =	sst s24  }
0x37: {  	s23 =	sadd.s32 $0x90C00, s5;
	s25 =	sadd.s32 $0x61000, s5;
	[smem:$0x7FD] =	sst s26  }
0x38: {  	s24 =	sadd.s32 $0x31400, s5;
	s26 =	sadd.s32 $0x91400, s5;
	s1 =	simm.s32 $0xC000  }
0x39: {  	s3 =	simm.s32 $0xE000;
	s6 =	simm.s32 $0x1A000;
	s9 =	simm.s32 $0x1C000  }
0x3a: {  	s10 =	simm.s32 $0x1;
	s11 =	simm.s32 $0x4;
	s12 =	simm.s32 $0x2  }
0x3b: {  	s13 =	simm.s32 $0x5;
	s14 =	simm.s32 $0x3;
	[smem:$0x7F6] =	sst s19  }
0x3c: {  	s15 =	simm.s32 $0x6;
	s16 =	simm.s32 $0x0;
	[smem:$0x7FA] =	sst s23  }
0x3d: {  	[smem:$0x7FC] =	sst s25;
	s25 =	sadd.s32 $0x61400, s5;
	s5 =	simm.s32 $0x14000  }
.LBB2_1:
0x3e: {  	s17 =	rddreg [dreg:$0x4]  }
0x3f: {  	[tilespmem:s2], [sflag:$0x1] =	stream.linear.gather [hbm4b:s17+s2], $0x2000, $0x38;
	[tilespmem:$0x1E000] =	vst v63  }
0x40: {  	s19 =	rddreg [dreg:$0x5]  }
0x41: {  	[tilespmem:s29], [sflag:$0x1] =	stream.linear.gather [hbm4b:s19+s2], $0x2000, $0x38;
	[tilespmem:$0x1E000] =	vst v63  }
0x42: {  	s20 =	rddreg [dreg:$0x6]  }
0x43: {  	[tilespmem:s30], [sflag:$0x1] =	stream.linear.gather [hbm4b:s20+s2], $0x2000, $0x38;
	[tilespmem:$0x1E000] =	vst v63  }
0x44: {  	s21 =	rddreg [dreg:$0x15]  }
0x45: {  	[tilespmem:s31], [sflag:$0x1] =	stream.linear.gather [hbm4b:s21+s2], $0x2000, $0x38;
	[tilespmem:$0x1E000] =	vst v63  }
0x46: {  	s22 =	rddreg [dreg:$0x16]  }
0x47: {  	[tilespmem:s1], [sflag:$0x1] =	stream.linear.gather [hbm4b:s22+s2], $0x2000, $0x38;
	[tilespmem:$0x1E000] =	vst v63  }
0x48: {  	s23 =	rddreg [dreg:$0x7];
	s18 =	simm.s32 $0x2000  }
0x49: {  	[tilespmem:s18], [sflag:$0x2] =	stream.linear.gather [hbm4b:s23+s2], $0x2000, $0x38;
	[tilespmem:$0x1E000] =	vst v63  }
0x4a: {  	s18 =	rddreg [dreg:$0x8]  }
0x4b: {  	[tilespmem:s3], [sflag:$0x2] =	stream.linear.gather [hbm4b:s18+s2], $0x2000, $0x38;
	[tilespmem:$0x1E000] =	vst v63  }
0x4c: {  	s19 =	rddreg [dreg:$0x1a]  }
0x4d: {  	[tilespmem:s0], [sflag:$0x2] =	stream.linear.gather [hbm4b:s19+s2], $0x2000, $0x38;
	[tilespmem:$0x1E000] =	vst v63  }
0x4e: {  	s20 =	rddreg [dreg:$0x18]  }
0x4f: {  	[tilespmem:s4], [sflag:$0x2] =	stream.linear.gather [hbm4b:s20+s2], $0x2000, $0x38;
	[tilespmem:$0x1E000] =	vst v63  }
0x50: {  	s21 =	rddreg [dreg:$0x19]  }
0x51: {  	[tilespmem:s5], [sflag:$0x2] =	stream.linear.gather [hbm4b:s21+s2], $0x2000, $0x38;
	[tilespmem:$0x1E000] =	vst v63  }
0x52: {  	s22 =	rddreg [dreg:$0x9];
	s23 =	simm.s32 $0x4000  }
0x53: {  	[tilespmem:s23], [sflag:$0x3] =	stream.linear.gather [hbm4b:s22+s2], $0x2000, $0x38;
	[tilespmem:$0x1E000] =	vst v63  }
0x54: {  	s18 =	rddreg [dreg:$0xa]  }
0x55: {  	[tilespmem:s7], [sflag:$0x3] =	stream.linear.gather [hbm4b:s18+s2], $0x2000, $0x38;
	[tilespmem:$0x1E000] =	vst v63  }
0x56: {  	s19 =	rddreg [dreg:$0x1b]  }
0x57: {  	[tilespmem:s8], [sflag:$0x3] =	stream.linear.gather [hbm4b:s19+s2], $0x2000, $0x38;
	[tilespmem:$0x1E000] =	vst v63  }
0x58: {  	s20 =	rddreg [dreg:$0x1c]  }
0x59: {  	[tilespmem:s6], [sflag:$0x3] =	stream.linear.gather [hbm4b:s20+s2], $0x2000, $0x38;
	[tilespmem:$0x1E000] =	vst v63  }
0x5a: {  	s21 =	rddreg [dreg:$0x1e]  }
0x5b: {  	[tilespmem:s9], [sflag:$0x3] =	stream.linear.gather [hbm4b:s21+s2], $0x2000, $0x38;
	[tilespmem:$0x1E000] =	vst v63  }
0x5c: {  	_ =	swait.ge [sflag:s10], $0x2000  }
0x5d: {  	[sflag:s10] =	ssyncset.done $0x0  }
0x5e: {  	[sflag:s10] =	ssyncadd.s32 $0xFFFFE000  }
0x5f: {  	_ =	swait.ge [sflag:s10], $0x2000  }
0x60: {  	[sflag:s10] =	ssyncset.done $0x0  }
0x61: {  	[sflag:s10] =	ssyncadd.s32 $0xFFFFE000  }
0x62: {  	_ =	swait.ge [sflag:s10], $0x2000  }
0x63: {  	[sflag:s10] =	ssyncset.done $0x0  }
0x64: {  	[sflag:s10] =	ssyncadd.s32 $0xFFFFE000  }
0x65: {  	_ =	swait.ge [sflag:s10], $0x2000  }
0x66: {  	[sflag:s10] =	ssyncset.done $0x0  }
0x67: {  	[sflag:s10] =	ssyncadd.s32 $0xFFFFE000  }
0x68: {  	s22 =	sand.u32 $0x1C00, s2;
	_ =	swait.ge [sflag:s10], $0x2000  }
0x69: {  	s23 =	sor.u32 s22, s2;
	[sflag:s10] =	ssyncset.done $0x0  }
0x6a: {  	s18 =	sor.u32 $0x70, s23;
	[sflag:s10] =	ssyncadd.s32 $0xFFFFE000  }
0x6b: {  	v0 =	vld [tilespmem:s18+$0x0]  }
0x6c: {  	v1 =	vld [tilespmem:s18+$0x6000];
	_ =	sdelay $0x1  }
0x6d: {  	s19 =	sand.u32 $0x380, s2  }
0x6e: {  	s17 =	sor.u32 s19, s22  }
0x6f: {  	v4 =	vld [tilespmem:s17+$0x0]  }
0x70: {  	v5 =	vld [tilespmem:s17+$0x6000];
	v1 =	vadd.f32 v1, v0  }
0x71: {  	v6 =	vld [tilespmem:s17+$0x8000]  }
0x72: {  	v7 =	vld [tilespmem:s17+$0xA000];
	[tilespmem:s18+$0x6000] =	vst v1  }
0x73: {  	v1 =	vld [tilespmem:s17+$0xC070]  }
0x74: {  	v2 =	vld [tilespmem:s17+$0x8070]  }
0x75: {  	v3 =	vld [tilespmem:s17+$0xA070]  }
0x76: {  	v8 =	vld [tilespmem:s17+$0xC000]  }
0x77: {  	v9 =	vld [tilespmem:s17+$0x10]  }
0x78: {  	v10 =	vld [tilespmem:s17+$0x6010];
	v1 =	vadd.f32 v1, v0  }
0x79: {  	v11 =	vld [tilespmem:s17+$0x8010];
	v2 =	vadd.f32 v2, v0  }
0x7a: {  	v63 =	vld [tilespmem:s17+$0x30];
	v0 =	vadd.f32 v3, v0;
	[tilespmem:s17+$0xC070] =	vst v1  }
0x7b: {  	v3 =	vld [tilespmem:s17+$0xC010];
	[tilespmem:s17+$0x8070] =	vst v2;
	v2 =	vadd.f32 v5, v4  }
0x7c: {  	v1 =	vld [tilespmem:s17+$0xA010];
	[tilespmem:s17+$0xA070] =	vst v0;
	v0 =	vadd.f32 v6, v4  }
0x7d: {  	v5 =	vld [tilespmem:s17+$0x20];
	[tilespmem:s17+$0x6000] =	vst v2;
	v2 =	vadd.f32 v7, v4  }
0x7e: {  	v6 =	vld [tilespmem:s17+$0x6020];
	[tilespmem:s17+$0x8000] =	vst v0;
	v0 =	vadd.f32 v8, v4  }
0x7f: {  	v4 =	vld [tilespmem:s17+$0x8020];
	[tilespmem:s17+$0xA000] =	vst v2;
	v2 =	vadd.f32 v10, v9  }
0x80: {  	v7 =	vld [tilespmem:s17+$0xA020];
	[tilespmem:s17+$0xC000] =	vst v0;
	v0 =	vadd.f32 v11, v9  }
0x81: {  	v8 =	vld [tilespmem:s17+$0xC020];
	v1 =	vadd.f32 v1, v9;
	[tilespmem:s17+$0x6010] =	vst v2  }
0x82: {  	[tilespmem:s17+$0x8010] =	vst v0;
	v0 =	vadd.f32 v3, v9;
	v2 =	vld [tilespmem:s17+$0x6030]  }
0x83: {  	v3 =	vld [tilespmem:s17+$0x8030];
	[tilespmem:s17+$0xA010] =	vst v1;
	v1 =	vadd.f32 v6, v5  }
0x84: {  	v6 =	vld [tilespmem:s17+$0xA030];
	[tilespmem:s17+$0xC010] =	vst v0;
	v0 =	vadd.f32 v4, v5  }
0x85: {  	[tilespmem:s17+$0x6020] =	vst v1;
	v1 =	vadd.f32 v7, v5;
	v7 =	vld [tilespmem:s17+$0xC030]  }
0x86: {  	v4 =	vld [tilespmem:s17+$0x6040];
	v5 =	vadd.f32 v8, v5;
	[tilespmem:s17+$0x8020] =	vst v0  }
0x87: {  	v0 =	vld [tilespmem:s17+$0x40];
	[tilespmem:s17+$0xA020] =	vst v1;
	v1 =	vadd.f32 v2, v63  }
0x88: {  	[tilespmem:s17+$0xC020] =	vst v5;
	v3 =	vadd.f32 v3, v63;
	v2 =	vld [tilespmem:s17+$0x8040]  }
0x89: {  	v6 =	vadd.f32 v6, v63;
	[tilespmem:s17+$0x6030] =	vst v1;
	v1 =	vld [tilespmem:s17+$0xA040]  }
0x8a: {  	s19 =	simm.s32 $0x400;
	s20 =	simm.s32 $0x0;
	s18 =	simm.s32 $0x0;
	[tilespmem:s17+$0x8030] =	vst v3;
	v3 =	vld [tilespmem:s17+$0xC040];
	v5 =	vadd.f32 v7, v63  }
.LBB2_2:
0x8b: {  	s21 =	sand.u32 $0x1C00, s19;
	[tilespmem:s17+$0xA030] =	vst v6;
	v6 =	vld [tilespmem:s17+$0x50];
	s20 =	sadd.s32 $0x10, s20  }
0x8c: {  	s18 =	sadd.s32 $0x8, s18;
	s22 =	sor.u32 s21, s20;
	[tilespmem:s17+$0xC030] =	vst v5;
	v4 =	vadd.f32 v4, v0;
	v5 =	vld [tilespmem:s17+$0x6050]  }
0x8d: {  	p0 =	slt.u32 s18, $0x1F8;
	s22 =	sor.u32 $0x70, s22;
	v2 =	vadd.f32 v2, v0;
	v7 =	vld [tilespmem:s17+$0x8050]  }
0x8e: {  	v8 =	vld [tilespmem:s22+$0x0];
	[tilespmem:s17+$0x6040] =	vst v4;
	v1 =	vadd.f32 v1, v0  }
0x8f: {  	v4 =	vld [tilespmem:s22+$0x6000];
	[tilespmem:s17+$0x8040] =	vst v2;
	v0 =	vadd.f32 v3, v0  }
0x90: {  	[tilespmem:s17+$0xA040] =	vst v1;
	v1 =	vld [tilespmem:s17+$0xA050]  }
0x91: {  	[tilespmem:s17+$0xC040] =	vst v0;
	v0 =	vadd.f32 v5, v6;
	v2 =	vld [tilespmem:s17+$0xC050]  }
0x92: {  	v3 =	vadd.f32 v7, v6;
	v5 =	vld [tilespmem:s17+$0x60]  }
0x93: {  	[tilespmem:s17+$0x6050] =	vst v0;
	v0 =	vld [tilespmem:s17+$0x6060]  }
0x94: {  	v4 =	vadd.f32 v4, v8;
	[tilespmem:s17+$0x8050] =	vst v3;
	v3 =	vld [tilespmem:s17+$0x8060]  }
0x95: {  	s23 =	sand.u32 $0x380, s20;
	v1 =	vadd.f32 v1, v6;
	v7 =	vld [tilespmem:s17+$0xA060]  }
0x96: {  	s21 =	sor.u32 s23, s21;
	[tilespmem:s22+$0x6000] =	vst v4;
	v2 =	vadd.f32 v2, v6;
	v4 =	vld [tilespmem:s17+$0xC060]  }
0x97: {  	v6 =	vld [tilespmem:s21+$0xC070];
	[tilespmem:s17+$0xA050] =	vst v1  }
0x98: {  	v1 =	vld [tilespmem:s21+$0x8070];
	[tilespmem:s17+$0xC050] =	vst v2;
	v0 =	vadd.f32 v0, v5  }
0x99: {  	v2 =	vld [tilespmem:s21+$0xA070];
	v3 =	vadd.f32 v3, v5  }
0x9a: {  	v9 =	vld [tilespmem:s21+$0x0];
	[tilespmem:s17+$0x6060] =	vst v0;
	v0 =	vadd.f32 v7, v5  }
0x9b: {  	v7 =	vld [tilespmem:s21+$0x6000];
	[tilespmem:s17+$0x8060] =	vst v3;
	v3 =	vadd.f32 v4, v5  }
0x9c: {  	v4 =	vld [tilespmem:s21+$0x8000];
	v5 =	vadd.f32 v6, v8;
	[tilespmem:s17+$0xA060] =	vst v0  }
0x9d: {  	v0 =	vld [tilespmem:s21+$0xA000];
	v1 =	vadd.f32 v1, v8;
	[tilespmem:s17+$0xC060] =	vst v3;
	s17 =	smov.u32 s21  }
0x9e: {  	v3 =	vld [tilespmem:s17+$0xC000];
	v2 =	vadd.f32 v2, v8;
	[tilespmem:s17+$0xC070] =	vst v5  }
0x9f: {  	v5 =	vld [tilespmem:s17+$0x10];
	[tilespmem:s17+$0x8070] =	vst v1  }
0xa0: {  	v1 =	vadd.f32 v7, v9;
	v6 =	vld [tilespmem:s17+$0x6010];
	[tilespmem:s17+$0xA070] =	vst v2  }
0xa1: {  	v2 =	vadd.f32 v4, v9;
	v4 =	vld [tilespmem:s17+$0x8010]  }
0xa2: {  	[tilespmem:s17+$0x6000] =	vst v1;
	v0 =	vadd.f32 v0, v9;
	v1 =	vld [tilespmem:s17+$0xA010]  }
0xa3: {  	[tilespmem:s17+$0x8000] =	vst v2;
	v2 =	vadd.f32 v3, v9;
	v3 =	vld [tilespmem:s17+$0xC010]  }
0xa4: {  	[tilespmem:s17+$0xA000] =	vst v0;
	v0 =	vld [tilespmem:s17+$0x20]  }
0xa5: {  	[tilespmem:s17+$0xC000] =	vst v2;
	v2 =	vadd.f32 v6, v5;
	v6 =	vld [tilespmem:s17+$0x6020]  }
0xa6: {  	v4 =	vadd.f32 v4, v5;
	v7 =	vld [tilespmem:s17+$0x8020]  }
0xa7: {  	[tilespmem:s17+$0x6010] =	vst v2;
	v1 =	vadd.f32 v1, v5;
	v2 =	vld [tilespmem:s17+$0xA020]  }
0xa8: {  	[tilespmem:s17+$0x8010] =	vst v4;
	v3 =	vadd.f32 v3, v5;
	v4 =	vld [tilespmem:s17+$0xC020]  }
0xa9: {  	[tilespmem:s17+$0xA010] =	vst v1;
	v5 =	vld [tilespmem:s17+$0x30]  }
0xaa: {  	[tilespmem:s17+$0xC010] =	vst v3;
	v1 =	vadd.f32 v6, v0;
	v3 =	vld [tilespmem:s17+$0x6030]  }
0xab: {  	v6 =	vadd.f32 v7, v0;
	v7 =	vld [tilespmem:s17+$0x8030]  }
0xac: {  	[tilespmem:s17+$0x6020] =	vst v1;
	v1 =	vadd.f32 v2, v0;
	v8 =	vld [tilespmem:s17+$0xA030]  }
0xad: {  	[tilespmem:s17+$0x8020] =	vst v6;
	v2 =	vadd.f32 v4, v0;
	v9 =	vld [tilespmem:s17+$0xC030]  }
.Ltmp0:
0xae: {  	[tilespmem:s17+$0xA020] =	vst v1;
	v0 =	vld [tilespmem:s17+$0x40];
	(pc) =	sbr.rel @p0 .LBB2_2-.Ltmp0, $4  }
0xaf: {  	[tilespmem:s17+$0xC020] =	vst v2;
	v1 =	vadd.f32 v3, v5;
	v4 =	vld [tilespmem:s17+$0x6040]  }
0xb0: {  	v3 =	vadd.f32 v7, v5;
	v2 =	vld [tilespmem:s17+$0x8040]  }
0xb1: {  	[tilespmem:s17+$0x6030] =	vst v1;
	v6 =	vadd.f32 v8, v5;
	v1 =	vld [tilespmem:s17+$0xA040]  }
0xb2: {  	s19 =	sadd.s32 $0x400, s19;
	[tilespmem:s17+$0x8030] =	vst v3;
	v5 =	vadd.f32 v9, v5;
	v3 =	vld [tilespmem:s17+$0xC040]  }
0xb3: {  	v7 =	vld [tilespmem:s17+$0x50]  }
0xb4: {  	v8 =	vld [tilespmem:s17+$0x6050]  }
0xb5: {  	v9 =	vld [tilespmem:s17+$0x8050]  }
0xb6: {  	[tilespmem:s17+$0xA030] =	vst v6;
	v6 =	vld [tilespmem:s17+$0xA050];
	v4 =	vadd.f32 v4, v0  }
0xb7: {  	[tilespmem:s17+$0xC030] =	vst v5;
	v5 =	vld [tilespmem:s17+$0xC050];
	v2 =	vadd.f32 v2, v0  }
0xb8: {  	[tilespmem:s17+$0x6040] =	vst v4;
	v1 =	vadd.f32 v1, v0;
	v4 =	vld [tilespmem:s17+$0x60]  }
0xb9: {  	[tilespmem:s17+$0x8040] =	vst v2;
	v0 =	vadd.f32 v3, v0;
	v2 =	vld [tilespmem:s17+$0x6060]  }
0xba: {  	v3 =	vld [tilespmem:s17+$0x8060];
	[tilespmem:s17+$0xA040] =	vst v1;
	v1 =	vadd.f32 v8, v7  }
0xbb: {  	v8 =	vld [tilespmem:s17+$0xA060];
	[tilespmem:s17+$0xC040] =	vst v0;
	v0 =	vadd.f32 v9, v7  }
0xbc: {  	[tilespmem:s17+$0x6050] =	vst v1;
	v1 =	vadd.f32 v6, v7;
	v6 =	vld [tilespmem:s17+$0xC060]  }
0xbd: {  	[tilespmem:s17+$0x8050] =	vst v0;
	v0 =	vadd.f32 v5, v7  }
0xbe: {  	[tilespmem:s17+$0xA050] =	vst v1;
	v1 =	vadd.f32 v2, v4  }
0xbf: {  	[tilespmem:s17+$0xC050] =	vst v0;
	v0 =	vadd.f32 v3, v4  }
0xc0: {  	[tilespmem:s17+$0x6060] =	vst v1;
	v1 =	vadd.f32 v8, v4  }
0xc1: {  	[tilespmem:s17+$0x8060] =	vst v0;
	v0 =	vadd.f32 v6, v4  }
0xc2: {  	[tilespmem:s17+$0xA060] =	vst v1  }
0xc3: {  	[tilespmem:s17+$0xC060] =	vst v0  }
0xc4: {  	s18 =	rddreg [dreg:$0xb]  }
0xc5: {  	s17 =	simm.s32 $0x0;
	s20 =	sld [smem:$0x7EF]  }
0xc6: {  	[hbm4b:s18+s17] =	stream.linear.scatter [tilespmem:s29], [sflag:$0x4], $0x2000, $0x38;
	[tilespmem:$0x1E000] =	vst v63  }
0xc7: {  	s21 =	sld [smem:$0x7F0]  }
0xc8: {  	[hbm4b:s20+s17] =	stream.linear.scatter [tilespmem:s30], [sflag:$0x4], $0x2000, $0x38;
	[tilespmem:$0x1E000] =	vst v63  }
0xc9: {  	s22 =	sld [smem:$0x7F1]  }
0xca: {  	[hbm4b:s21+s17] =	stream.linear.scatter [tilespmem:s31], [sflag:$0x4], $0x2000, $0x38;
	[tilespmem:$0x1E000] =	vst v63  }
0xcb: {  	_ = 	snop  }
0xcc: {  	[hbm4b:s22+s17] =	stream.linear.scatter [tilespmem:s1], [sflag:$0x4], $0x2000, $0x38;
	[tilespmem:$0x1E000] =	vst v63  }
0xcd: {  	_ =	swait.ge [sflag:s11], $0x2000  }
0xce: {  	[sflag:s11] =	ssyncset.done $0x0  }
0xcf: {  	[sflag:s11] =	ssyncadd.s32 $0xFFFFE000  }
0xd0: {  	_ =	swait.ge [sflag:s11], $0x2000  }
0xd1: {  	[sflag:s11] =	ssyncset.done $0x0  }
0xd2: {  	[sflag:s11] =	ssyncadd.s32 $0xFFFFE000  }
0xd3: {  	_ =	swait.ge [sflag:s11], $0x2000  }
0xd4: {  	[sflag:s11] =	ssyncset.done $0x0  }
0xd5: {  	[sflag:s11] =	ssyncadd.s32 $0xFFFFE000  }
0xd6: {  	_ =	swait.ge [sflag:s11], $0x2000  }
0xd7: {  	[sflag:s11] =	ssyncset.done $0x0;
	s23 =	rddreg [dreg:$0xc]  }
0xd8: {  	s19 =	rddreg [dreg:$0xd];
	[sflag:s11] =	ssyncadd.s32 $0xFFFFE000  }
0xd9: {  	[tilespmem:s17], [sflag:$0x1] =	stream.linear.gather [hbm4b:s23+s17], $0x2000, $0x38;
	[tilespmem:$0x1E000] =	vst v63  }
0xda: {  	s20 =	sld [smem:$0x7E7]  }
0xdb: {  	[tilespmem:s29], [sflag:$0x1] =	stream.linear.gather [hbm4b:s19+s17], $0x2000, $0x38;
	[tilespmem:$0x1E000] =	vst v63  }
0xdc: {  	s21 =	rddreg [dreg:$0x1f]  }
0xdd: {  	[tilespmem:s30], [sflag:$0x1] =	stream.linear.gather [hbm4b:s20+s17], $0x2000, $0x38;
	[tilespmem:$0x1E000] =	vst v63  }
0xde: {  	s22 =	sld [smem:$0x7E8]  }
0xdf: {  	[tilespmem:s31], [sflag:$0x1] =	stream.linear.gather [hbm4b:s21+s17], $0x2000, $0x38;
	[tilespmem:$0x1E000] =	vst v63  }
0xe0: {  	_ = 	snop  }
0xe1: {  	[tilespmem:s1], [sflag:$0x1] =	stream.linear.gather [hbm4b:s22+s17], $0x2000, $0x38;
	[tilespmem:$0x1E000] =	vst v63  }
0xe2: {  	_ =	swait.ge [sflag:s12], $0x2000  }
0xe3: {  	[sflag:s12] =	ssyncset.done $0x0  }
0xe4: {  	[sflag:s12] =	ssyncadd.s32 $0xFFFFE000  }
0xe5: {  	_ =	swait.ge [sflag:s12], $0x2000  }
0xe6: {  	[sflag:s12] =	ssyncset.done $0x0  }
0xe7: {  	[sflag:s12] =	ssyncadd.s32 $0xFFFFE000  }
0xe8: {  	_ =	swait.ge [sflag:s12], $0x2000  }
0xe9: {  	[sflag:s12] =	ssyncset.done $0x0  }
0xea: {  	[sflag:s12] =	ssyncadd.s32 $0xFFFFE000  }
0xeb: {  	_ =	swait.ge [sflag:s12], $0x2000  }
0xec: {  	[sflag:s12] =	ssyncset.done $0x0  }
0xed: {  	[sflag:s12] =	ssyncadd.s32 $0xFFFFE000  }
0xee: {  	s23 =	sand.u32 $0x1C00, s17;
	_ =	swait.ge [sflag:s12], $0x2000  }
0xef: {  	s19 =	sor.u32 s23, s17;
	[sflag:s12] =	ssyncset.done $0x0  }
0xf0: {  	s19 =	sor.u32 $0x70, s19;
	[sflag:s12] =	ssyncadd.s32 $0xFFFFE000  }
0xf1: {  	v0 =	vld [tilespmem:s19+$0x2000]  }
0xf2: {  	v1 =	vld [tilespmem:s19+$0xE000];
	_ =	sdelay $0x1  }
0xf3: {  	s20 =	sand.u32 $0x380, s17  }
0xf4: {  	s18 =	sor.u32 s20, s23  }
0xf5: {  	v4 =	vld [tilespmem:s18+$0x2000]  }
0xf6: {  	v5 =	vld [tilespmem:s18+$0xE000];
	v1 =	vadd.f32 v1, v0  }
0xf7: {  	v6 =	vld [tilespmem:s18+$0x10000]  }
0xf8: {  	v7 =	vld [tilespmem:s18+$0x12000];
	[tilespmem:s19+$0xE000] =	vst v1  }
0xf9: {  	v1 =	vld [tilespmem:s18+$0x14070]  }
0xfa: {  	v2 =	vld [tilespmem:s18+$0x10070]  }
0xfb: {  	v3 =	vld [tilespmem:s18+$0x12070]  }
0xfc: {  	v8 =	vld [tilespmem:s18+$0x14000]  }
0xfd: {  	v62 =	vld [tilespmem:s18+$0x2010]  }
0xfe: {  	v10 =	vld [tilespmem:s18+$0xE010];
	v1 =	vadd.f32 v1, v0  }
0xff: {  	v11 =	vld [tilespmem:s18+$0x10010];
	v2 =	vadd.f32 v2, v0  }
0x100: {  	v63 =	vld [tilespmem:s18+$0x2030];
	v0 =	vadd.f32 v3, v0;
	[tilespmem:s18+$0x14070] =	vst v1  }
0x101: {  	v3 =	vld [tilespmem:s18+$0x14010];
	[tilespmem:s18+$0x10070] =	vst v2;
	v2 =	vadd.f32 v5, v4  }
0x102: {  	v1 =	vld [tilespmem:s18+$0x12010];
	[tilespmem:s18+$0x12070] =	vst v0;
	v0 =	vadd.f32 v6, v4  }
0x103: {  	v5 =	vld [tilespmem:s18+$0x2020];
	[tilespmem:s18+$0xE000] =	vst v2;
	v2 =	vadd.f32 v7, v4  }
0x104: {  	v6 =	vld [tilespmem:s18+$0xE020];
	[tilespmem:s18+$0x10000] =	vst v0;
	v0 =	vadd.f32 v8, v4  }
0x105: {  	v4 =	vld [tilespmem:s18+$0x10020];
	[tilespmem:s18+$0x12000] =	vst v2;
	v2 =	vadd.f32 v10, v62  }
0x106: {  	v7 =	vld [tilespmem:s18+$0x12020];
	[tilespmem:s18+$0x14000] =	vst v0;
	v0 =	vadd.f32 v11, v62  }
0x107: {  	v8 =	vld [tilespmem:s18+$0x14020];
	v1 =	vadd.f32 v1, v62;
	[tilespmem:s18+$0xE010] =	vst v2  }
0x108: {  	[tilespmem:s18+$0x10010] =	vst v0;
	v0 =	vadd.f32 v3, v62;
	v2 =	vld [tilespmem:s18+$0xE030]  }
0x109: {  	v3 =	vld [tilespmem:s18+$0x10030];
	[tilespmem:s18+$0x12010] =	vst v1;
	v1 =	vadd.f32 v6, v5  }
0x10a: {  	v6 =	vld [tilespmem:s18+$0x12030];
	[tilespmem:s18+$0x14010] =	vst v0;
	v0 =	vadd.f32 v4, v5  }
0x10b: {  	[tilespmem:s18+$0xE020] =	vst v1;
	v1 =	vadd.f32 v7, v5;
	v7 =	vld [tilespmem:s18+$0x14030]  }
0x10c: {  	v4 =	vld [tilespmem:s18+$0xE040];
	v5 =	vadd.f32 v8, v5;
	[tilespmem:s18+$0x10020] =	vst v0  }
0x10d: {  	v0 =	vld [tilespmem:s18+$0x2040];
	[tilespmem:s18+$0x12020] =	vst v1;
	v1 =	vadd.f32 v2, v63  }
0x10e: {  	[tilespmem:s18+$0x14020] =	vst v5;
	v3 =	vadd.f32 v3, v63;
	v2 =	vld [tilespmem:s18+$0x10040]  }
0x10f: {  	v6 =	vadd.f32 v6, v63;
	[tilespmem:s18+$0xE030] =	vst v1;
	v1 =	vld [tilespmem:s18+$0x12040]  }
0x110: {  	s20 =	simm.s32 $0x400;
	s19 =	simm.s32 $0x0;
	[tilespmem:s18+$0x10030] =	vst v3;
	v3 =	vld [tilespmem:s18+$0x14040];
	v5 =	vadd.f32 v7, v63  }
.LBB2_4:
0x111: {  	s21 =	sand.u32 $0x1C00, s20;
	[tilespmem:s18+$0x12030] =	vst v6;
	v6 =	vld [tilespmem:s18+$0x2050];
	s17 =	sadd.s32 $0x10, s17  }
0x112: {  	s19 =	sadd.s32 $0x8, s19;
	s22 =	sor.u32 s21, s17;
	[tilespmem:s18+$0x14030] =	vst v5;
	v4 =	vadd.f32 v4, v0;
	v5 =	vld [tilespmem:s18+$0xE050]  }
0x113: {  	p0 =	slt.u32 s19, $0x1F8;
	s22 =	sor.u32 $0x70, s22;
	v2 =	vadd.f32 v2, v0;
	v7 =	vld [tilespmem:s18+$0x10050]  }
0x114: {  	v8 =	vld [tilespmem:s22+$0x2000];
	[tilespmem:s18+$0xE040] =	vst v4;
	v1 =	vadd.f32 v1, v0  }
0x115: {  	v4 =	vld [tilespmem:s22+$0xE000];
	[tilespmem:s18+$0x10040] =	vst v2;
	v0 =	vadd.f32 v3, v0  }
0x116: {  	[tilespmem:s18+$0x12040] =	vst v1;
	v1 =	vld [tilespmem:s18+$0x12050]  }
0x117: {  	[tilespmem:s18+$0x14040] =	vst v0;
	v0 =	vadd.f32 v5, v6;
	v2 =	vld [tilespmem:s18+$0x14050]  }
0x118: {  	v3 =	vadd.f32 v7, v6;
	v5 =	vld [tilespmem:s18+$0x2060]  }
0x119: {  	[tilespmem:s18+$0xE050] =	vst v0;
	v0 =	vld [tilespmem:s18+$0xE060]  }
0x11a: {  	v4 =	vadd.f32 v4, v8;
	[tilespmem:s18+$0x10050] =	vst v3;
	v3 =	vld [tilespmem:s18+$0x10060]  }
0x11b: {  	s23 =	sand.u32 $0x380, s17;
	v1 =	vadd.f32 v1, v6;
	v7 =	vld [tilespmem:s18+$0x12060]  }
0x11c: {  	s21 =	sor.u32 s23, s21;
	[tilespmem:s22+$0xE000] =	vst v4;
	v2 =	vadd.f32 v2, v6;
	v4 =	vld [tilespmem:s18+$0x14060]  }
0x11d: {  	v6 =	vld [tilespmem:s21+$0x14070];
	[tilespmem:s18+$0x12050] =	vst v1  }
0x11e: {  	v1 =	vld [tilespmem:s21+$0x10070];
	[tilespmem:s18+$0x14050] =	vst v2;
	v0 =	vadd.f32 v0, v5  }
0x11f: {  	v2 =	vld [tilespmem:s21+$0x12070];
	v3 =	vadd.f32 v3, v5  }
0x120: {  	v9 =	vld [tilespmem:s21+$0x2000];
	[tilespmem:s18+$0xE060] =	vst v0;
	v0 =	vadd.f32 v7, v5  }
0x121: {  	v7 =	vld [tilespmem:s21+$0xE000];
	[tilespmem:s18+$0x10060] =	vst v3;
	v3 =	vadd.f32 v4, v5  }
0x122: {  	v4 =	vld [tilespmem:s21+$0x10000];
	v5 =	vadd.f32 v6, v8;
	[tilespmem:s18+$0x12060] =	vst v0  }
0x123: {  	v0 =	vld [tilespmem:s21+$0x12000];
	v1 =	vadd.f32 v1, v8;
	[tilespmem:s18+$0x14060] =	vst v3;
	s18 =	smov.u32 s21  }
0x124: {  	v3 =	vld [tilespmem:s18+$0x14000];
	v2 =	vadd.f32 v2, v8;
	[tilespmem:s18+$0x14070] =	vst v5  }
0x125: {  	v5 =	vld [tilespmem:s18+$0x2010];
	[tilespmem:s18+$0x10070] =	vst v1  }
0x126: {  	v1 =	vadd.f32 v7, v9;
	v6 =	vld [tilespmem:s18+$0xE010];
	[tilespmem:s18+$0x12070] =	vst v2  }
0x127: {  	v2 =	vadd.f32 v4, v9;
	v4 =	vld [tilespmem:s18+$0x10010]  }
0x128: {  	[tilespmem:s18+$0xE000] =	vst v1;
	v0 =	vadd.f32 v0, v9;
	v1 =	vld [tilespmem:s18+$0x12010]  }
0x129: {  	[tilespmem:s18+$0x10000] =	vst v2;
	v2 =	vadd.f32 v3, v9;
	v3 =	vld [tilespmem:s18+$0x14010]  }
0x12a: {  	[tilespmem:s18+$0x12000] =	vst v0;
	v0 =	vld [tilespmem:s18+$0x2020]  }
0x12b: {  	[tilespmem:s18+$0x14000] =	vst v2;
	v2 =	vadd.f32 v6, v5;
	v6 =	vld [tilespmem:s18+$0xE020]  }
0x12c: {  	v4 =	vadd.f32 v4, v5;
	v7 =	vld [tilespmem:s18+$0x10020]  }
0x12d: {  	[tilespmem:s18+$0xE010] =	vst v2;
	v1 =	vadd.f32 v1, v5;
	v2 =	vld [tilespmem:s18+$0x12020]  }
0x12e: {  	[tilespmem:s18+$0x10010] =	vst v4;
	v3 =	vadd.f32 v3, v5;
	v4 =	vld [tilespmem:s18+$0x14020]  }
0x12f: {  	[tilespmem:s18+$0x12010] =	vst v1;
	v5 =	vld [tilespmem:s18+$0x2030]  }
0x130: {  	[tilespmem:s18+$0x14010] =	vst v3;
	v1 =	vadd.f32 v6, v0;
	v3 =	vld [tilespmem:s18+$0xE030]  }
0x131: {  	v6 =	vadd.f32 v7, v0;
	v7 =	vld [tilespmem:s18+$0x10030]  }
0x132: {  	[tilespmem:s18+$0xE020] =	vst v1;
	v1 =	vadd.f32 v2, v0;
	v8 =	vld [tilespmem:s18+$0x12030]  }
0x133: {  	[tilespmem:s18+$0x10020] =	vst v6;
	v2 =	vadd.f32 v4, v0;
	v9 =	vld [tilespmem:s18+$0x14030]  }
.Ltmp1:
0x134: {  	[tilespmem:s18+$0x12020] =	vst v1;
	v0 =	vld [tilespmem:s18+$0x2040];
	(pc) =	sbr.rel @p0 .LBB2_4-.Ltmp1, $4  }
0x135: {  	[tilespmem:s18+$0x14020] =	vst v2;
	v1 =	vadd.f32 v3, v5;
	v4 =	vld [tilespmem:s18+$0xE040]  }
0x136: {  	v3 =	vadd.f32 v7, v5;
	v2 =	vld [tilespmem:s18+$0x10040]  }
0x137: {  	[tilespmem:s18+$0xE030] =	vst v1;
	v6 =	vadd.f32 v8, v5;
	v1 =	vld [tilespmem:s18+$0x12040]  }
0x138: {  	s20 =	sadd.s32 $0x400, s20;
	[tilespmem:s18+$0x10030] =	vst v3;
	v5 =	vadd.f32 v9, v5;
	v3 =	vld [tilespmem:s18+$0x14040]  }
0x139: {  	v7 =	vld [tilespmem:s18+$0x2050]  }
0x13a: {  	v8 =	vld [tilespmem:s18+$0xE050]  }
0x13b: {  	v9 =	vld [tilespmem:s18+$0x10050]  }
0x13c: {  	[tilespmem:s18+$0x12030] =	vst v6;
	v6 =	vld [tilespmem:s18+$0x12050];
	v4 =	vadd.f32 v4, v0  }
0x13d: {  	[tilespmem:s18+$0x14030] =	vst v5;
	v5 =	vld [tilespmem:s18+$0x14050];
	v2 =	vadd.f32 v2, v0  }
0x13e: {  	[tilespmem:s18+$0xE040] =	vst v4;
	v1 =	vadd.f32 v1, v0;
	v4 =	vld [tilespmem:s18+$0x2060]  }
0x13f: {  	[tilespmem:s18+$0x10040] =	vst v2;
	v0 =	vadd.f32 v3, v0;
	v2 =	vld [tilespmem:s18+$0xE060]  }
0x140: {  	v3 =	vld [tilespmem:s18+$0x10060];
	[tilespmem:s18+$0x12040] =	vst v1;
	v1 =	vadd.f32 v8, v7  }
0x141: {  	v8 =	vld [tilespmem:s18+$0x12060];
	[tilespmem:s18+$0x14040] =	vst v0;
	v0 =	vadd.f32 v9, v7  }
0x142: {  	[tilespmem:s18+$0xE050] =	vst v1;
	v1 =	vadd.f32 v6, v7;
	v6 =	vld [tilespmem:s18+$0x14060]  }
0x143: {  	[tilespmem:s18+$0x10050] =	vst v0;
	v0 =	vadd.f32 v5, v7  }
0x144: {  	[tilespmem:s18+$0x12050] =	vst v1;
	v1 =	vadd.f32 v2, v4  }
0x145: {  	[tilespmem:s18+$0x14050] =	vst v0;
	v0 =	vadd.f32 v3, v4  }
0x146: {  	[tilespmem:s18+$0xE060] =	vst v1;
	v1 =	vadd.f32 v8, v4  }
0x147: {  	[tilespmem:s18+$0x10060] =	vst v0;
	v0 =	vadd.f32 v6, v4  }
0x148: {  	[tilespmem:s18+$0x12060] =	vst v1  }
0x149: {  	[tilespmem:s18+$0x14060] =	vst v0  }
0x14a: {  	s18 =	rddreg [dreg:$0xe]  }
0x14b: {  	s17 =	simm.s32 $0x0;
	s19 =	sld [smem:$0x7F2]  }
0x14c: {  	[hbm4b:s18+s17] =	stream.linear.scatter [tilespmem:s3], [sflag:$0x5], $0x2000, $0x38;
	[tilespmem:$0x1E000] =	vst v63  }
0x14d: {  	s20 =	sld [smem:$0x7F3]  }
0x14e: {  	[hbm4b:s19+s17] =	stream.linear.scatter [tilespmem:s0], [sflag:$0x5], $0x2000, $0x38;
	[tilespmem:$0x1E000] =	vst v63  }
0x14f: {  	s21 =	sld [smem:$0x7F4]  }
0x150: {  	[hbm4b:s20+s17] =	stream.linear.scatter [tilespmem:s4], [sflag:$0x5], $0x2000, $0x38;
	[tilespmem:$0x1E000] =	vst v63  }
0x151: {  	_ = 	snop  }
0x152: {  	[hbm4b:s21+s17] =	stream.linear.scatter [tilespmem:s5], [sflag:$0x5], $0x2000, $0x38;
	[tilespmem:$0x1E000] =	vst v63  }
0x153: {  	_ =	swait.ge [sflag:s13], $0x2000  }
0x154: {  	[sflag:s13] =	ssyncset.done $0x0  }
0x155: {  	[sflag:s13] =	ssyncadd.s32 $0xFFFFE000  }
0x156: {  	_ =	swait.ge [sflag:s13], $0x2000  }
0x157: {  	[sflag:s13] =	ssyncset.done $0x0  }
0x158: {  	[sflag:s13] =	ssyncadd.s32 $0xFFFFE000  }
0x159: {  	_ =	swait.ge [sflag:s13], $0x2000  }
0x15a: {  	[sflag:s13] =	ssyncset.done $0x0  }
0x15b: {  	[sflag:s13] =	ssyncadd.s32 $0xFFFFE000  }
0x15c: {  	_ =	swait.ge [sflag:s13], $0x2000  }
0x15d: {  	[sflag:s13] =	ssyncset.done $0x0;
	s22 =	rddreg [dreg:$0xf]  }
0x15e: {  	s19 =	simm.s32 $0x2000;
	s23 =	rddreg [dreg:$0x10];
	[sflag:s13] =	ssyncadd.s32 $0xFFFFE000  }
0x15f: {  	[tilespmem:s19], [sflag:$0x2] =	stream.linear.gather [hbm4b:s22+s17], $0x2000, $0x38;
	[tilespmem:$0x1E000] =	vst v63  }
0x160: {  	s19 =	sld [smem:$0x7E9]  }
0x161: {  	[tilespmem:s3], [sflag:$0x2] =	stream.linear.gather [hbm4b:s23+s17], $0x2000, $0x38;
	[tilespmem:$0x1E000] =	vst v63  }
0x162: {  	s20 =	sld [smem:$0x7EA]  }
0x163: {  	[tilespmem:s0], [sflag:$0x2] =	stream.linear.gather [hbm4b:s19+s17], $0x2000, $0x38;
	[tilespmem:$0x1E000] =	vst v63  }
0x164: {  	s21 =	sld [smem:$0x7EB]  }
0x165: {  	[tilespmem:s4], [sflag:$0x2] =	stream.linear.gather [hbm4b:s20+s17], $0x2000, $0x38;
	[tilespmem:$0x1E000] =	vst v63  }
0x166: {  	_ = 	snop  }
0x167: {  	[tilespmem:s5], [sflag:$0x2] =	stream.linear.gather [hbm4b:s21+s17], $0x2000, $0x38;
	[tilespmem:$0x1E000] =	vst v63  }
0x168: {  	_ =	swait.ge [sflag:s14], $0x2000  }
0x169: {  	[sflag:s14] =	ssyncset.done $0x0  }
0x16a: {  	[sflag:s14] =	ssyncadd.s32 $0xFFFFE000  }
0x16b: {  	_ =	swait.ge [sflag:s14], $0x2000  }
0x16c: {  	[sflag:s14] =	ssyncset.done $0x0  }
0x16d: {  	[sflag:s14] =	ssyncadd.s32 $0xFFFFE000  }
0x16e: {  	_ =	swait.ge [sflag:s14], $0x2000  }
0x16f: {  	[sflag:s14] =	ssyncset.done $0x0  }
0x170: {  	[sflag:s14] =	ssyncadd.s32 $0xFFFFE000  }
0x171: {  	_ =	swait.ge [sflag:s14], $0x2000  }
0x172: {  	[sflag:s14] =	ssyncset.done $0x0  }
0x173: {  	[sflag:s14] =	ssyncadd.s32 $0xFFFFE000  }
0x174: {  	s22 =	sand.u32 $0x1C00, s17;
	_ =	swait.ge [sflag:s14], $0x2000  }
0x175: {  	s23 =	sor.u32 s22, s17;
	[sflag:s14] =	ssyncset.done $0x0  }
0x176: {  	s19 =	sor.u32 $0x70, s23;
	[sflag:s14] =	ssyncadd.s32 $0xFFFFE000  }
0x177: {  	v0 =	vld [tilespmem:s19+$0x4000]  }
0x178: {  	v1 =	vld [tilespmem:s19+$0x16000];
	_ =	sdelay $0x1  }
0x179: {  	s20 =	sand.u32 $0x380, s17  }
0x17a: {  	s18 =	sor.u32 s20, s22  }
0x17b: {  	v4 =	vld [tilespmem:s18+$0x4000]  }
0x17c: {  	v5 =	vld [tilespmem:s18+$0x16000];
	v1 =	vadd.f32 v1, v0  }
0x17d: {  	v6 =	vld [tilespmem:s18+$0x18000]  }
0x17e: {  	v7 =	vld [tilespmem:s18+$0x1A000];
	[tilespmem:s19+$0x16000] =	vst v1  }
0x17f: {  	v1 =	vld [tilespmem:s18+$0x1C070]  }
0x180: {  	v2 =	vld [tilespmem:s18+$0x18070]  }
0x181: {  	v3 =	vld [tilespmem:s18+$0x1A070]  }
0x182: {  	v8 =	vld [tilespmem:s18+$0x1C000]  }
0x183: {  	v62 =	vld [tilespmem:s18+$0x4010]  }
0x184: {  	v10 =	vld [tilespmem:s18+$0x16010];
	v1 =	vadd.f32 v1, v0  }
0x185: {  	v11 =	vld [tilespmem:s18+$0x18010];
	v2 =	vadd.f32 v2, v0  }
0x186: {  	v63 =	vld [tilespmem:s18+$0x4030];
	v0 =	vadd.f32 v3, v0;
	[tilespmem:s18+$0x1C070] =	vst v1  }
0x187: {  	v3 =	vld [tilespmem:s18+$0x1C010];
	[tilespmem:s18+$0x18070] =	vst v2;
	v2 =	vadd.f32 v5, v4  }
0x188: {  	v1 =	vld [tilespmem:s18+$0x1A010];
	[tilespmem:s18+$0x1A070] =	vst v0;
	v0 =	vadd.f32 v6, v4  }
0x189: {  	v5 =	vld [tilespmem:s18+$0x4020];
	[tilespmem:s18+$0x16000] =	vst v2;
	v2 =	vadd.f32 v7, v4  }
0x18a: {  	v6 =	vld [tilespmem:s18+$0x16020];
	[tilespmem:s18+$0x18000] =	vst v0;
	v0 =	vadd.f32 v8, v4  }
0x18b: {  	v4 =	vld [tilespmem:s18+$0x18020];
	[tilespmem:s18+$0x1A000] =	vst v2;
	v2 =	vadd.f32 v10, v62  }
0x18c: {  	v7 =	vld [tilespmem:s18+$0x1A020];
	[tilespmem:s18+$0x1C000] =	vst v0;
	v0 =	vadd.f32 v11, v62  }
0x18d: {  	v8 =	vld [tilespmem:s18+$0x1C020];
	v1 =	vadd.f32 v1, v62;
	[tilespmem:s18+$0x16010] =	vst v2  }
0x18e: {  	[tilespmem:s18+$0x18010] =	vst v0;
	v0 =	vadd.f32 v3, v62;
	v2 =	vld [tilespmem:s18+$0x16030]  }
0x18f: {  	v3 =	vld [tilespmem:s18+$0x18030];
	[tilespmem:s18+$0x1A010] =	vst v1;
	v1 =	vadd.f32 v6, v5  }
0x190: {  	v6 =	vld [tilespmem:s18+$0x1A030];
	[tilespmem:s18+$0x1C010] =	vst v0;
	v0 =	vadd.f32 v4, v5  }
0x191: {  	[tilespmem:s18+$0x16020] =	vst v1;
	v1 =	vadd.f32 v7, v5;
	v7 =	vld [tilespmem:s18+$0x1C030]  }
0x192: {  	v4 =	vld [tilespmem:s18+$0x16040];
	v5 =	vadd.f32 v8, v5;
	[tilespmem:s18+$0x18020] =	vst v0  }
0x193: {  	v0 =	vld [tilespmem:s18+$0x4040];
	[tilespmem:s18+$0x1A020] =	vst v1;
	v1 =	vadd.f32 v2, v63  }
0x194: {  	[tilespmem:s18+$0x1C020] =	vst v5;
	v3 =	vadd.f32 v3, v63;
	v2 =	vld [tilespmem:s18+$0x18040]  }
0x195: {  	v6 =	vadd.f32 v6, v63;
	[tilespmem:s18+$0x16030] =	vst v1;
	v1 =	vld [tilespmem:s18+$0x1A040]  }
0x196: {  	s20 =	simm.s32 $0x400;
	s19 =	simm.s32 $0x0;
	[tilespmem:s18+$0x18030] =	vst v3;
	v3 =	vld [tilespmem:s18+$0x1C040];
	v5 =	vadd.f32 v7, v63  }
.LBB2_6:
0x197: {  	s21 =	sand.u32 $0x1C00, s20;
	[tilespmem:s18+$0x1A030] =	vst v6;
	v6 =	vld [tilespmem:s18+$0x4050];
	s17 =	sadd.s32 $0x10, s17  }
0x198: {  	s19 =	sadd.s32 $0x8, s19;
	s22 =	sor.u32 s21, s17;
	[tilespmem:s18+$0x1C030] =	vst v5;
	v4 =	vadd.f32 v4, v0;
	v5 =	vld [tilespmem:s18+$0x16050]  }
0x199: {  	p0 =	slt.u32 s19, $0x1F8;
	s22 =	sor.u32 $0x70, s22;
	v2 =	vadd.f32 v2, v0;
	v7 =	vld [tilespmem:s18+$0x18050]  }
0x19a: {  	v8 =	vld [tilespmem:s22+$0x4000];
	[tilespmem:s18+$0x16040] =	vst v4;
	v1 =	vadd.f32 v1, v0  }
0x19b: {  	v4 =	vld [tilespmem:s22+$0x16000];
	[tilespmem:s18+$0x18040] =	vst v2;
	v0 =	vadd.f32 v3, v0  }
0x19c: {  	[tilespmem:s18+$0x1A040] =	vst v1;
	v1 =	vld [tilespmem:s18+$0x1A050]  }
0x19d: {  	[tilespmem:s18+$0x1C040] =	vst v0;
	v0 =	vadd.f32 v5, v6;
	v2 =	vld [tilespmem:s18+$0x1C050]  }
0x19e: {  	v3 =	vadd.f32 v7, v6;
	v5 =	vld [tilespmem:s18+$0x4060]  }
0x19f: {  	[tilespmem:s18+$0x16050] =	vst v0;
	v0 =	vld [tilespmem:s18+$0x16060]  }
0x1a0: {  	v4 =	vadd.f32 v4, v8;
	[tilespmem:s18+$0x18050] =	vst v3;
	v3 =	vld [tilespmem:s18+$0x18060]  }
0x1a1: {  	s23 =	sand.u32 $0x380, s17;
	v1 =	vadd.f32 v1, v6;
	v7 =	vld [tilespmem:s18+$0x1A060]  }
0x1a2: {  	s21 =	sor.u32 s23, s21;
	[tilespmem:s22+$0x16000] =	vst v4;
	v2 =	vadd.f32 v2, v6;
	v4 =	vld [tilespmem:s18+$0x1C060]  }
0x1a3: {  	v6 =	vld [tilespmem:s21+$0x1C070];
	[tilespmem:s18+$0x1A050] =	vst v1  }
0x1a4: {  	v1 =	vld [tilespmem:s21+$0x18070];
	[tilespmem:s18+$0x1C050] =	vst v2;
	v0 =	vadd.f32 v0, v5  }
0x1a5: {  	v2 =	vld [tilespmem:s21+$0x1A070];
	v3 =	vadd.f32 v3, v5  }
0x1a6: {  	v9 =	vld [tilespmem:s21+$0x4000];
	[tilespmem:s18+$0x16060] =	vst v0;
	v0 =	vadd.f32 v7, v5  }
0x1a7: {  	v7 =	vld [tilespmem:s21+$0x16000];
	[tilespmem:s18+$0x18060] =	vst v3;
	v3 =	vadd.f32 v4, v5  }
0x1a8: {  	v4 =	vld [tilespmem:s21+$0x18000];
	v5 =	vadd.f32 v6, v8;
	[tilespmem:s18+$0x1A060] =	vst v0  }
0x1a9: {  	v0 =	vld [tilespmem:s21+$0x1A000];
	v1 =	vadd.f32 v1, v8;
	[tilespmem:s18+$0x1C060] =	vst v3;
	s18 =	smov.u32 s21  }
0x1aa: {  	v3 =	vld [tilespmem:s18+$0x1C000];
	v2 =	vadd.f32 v2, v8;
	[tilespmem:s18+$0x1C070] =	vst v5  }
0x1ab: {  	v5 =	vld [tilespmem:s18+$0x4010];
	[tilespmem:s18+$0x18070] =	vst v1  }
0x1ac: {  	v1 =	vadd.f32 v7, v9;
	v6 =	vld [tilespmem:s18+$0x16010];
	[tilespmem:s18+$0x1A070] =	vst v2  }
0x1ad: {  	v2 =	vadd.f32 v4, v9;
	v4 =	vld [tilespmem:s18+$0x18010]  }
0x1ae: {  	[tilespmem:s18+$0x16000] =	vst v1;
	v0 =	vadd.f32 v0, v9;
	v1 =	vld [tilespmem:s18+$0x1A010]  }
0x1af: {  	[tilespmem:s18+$0x18000] =	vst v2;
	v2 =	vadd.f32 v3, v9;
	v3 =	vld [tilespmem:s18+$0x1C010]  }
0x1b0: {  	[tilespmem:s18+$0x1A000] =	vst v0;
	v0 =	vld [tilespmem:s18+$0x4020]  }
0x1b1: {  	[tilespmem:s18+$0x1C000] =	vst v2;
	v2 =	vadd.f32 v6, v5;
	v6 =	vld [tilespmem:s18+$0x16020]  }
0x1b2: {  	v4 =	vadd.f32 v4, v5;
	v7 =	vld [tilespmem:s18+$0x18020]  }
0x1b3: {  	[tilespmem:s18+$0x16010] =	vst v2;
	v1 =	vadd.f32 v1, v5;
	v2 =	vld [tilespmem:s18+$0x1A020]  }
0x1b4: {  	[tilespmem:s18+$0x18010] =	vst v4;
	v3 =	vadd.f32 v3, v5;
	v4 =	vld [tilespmem:s18+$0x1C020]  }
0x1b5: {  	[tilespmem:s18+$0x1A010] =	vst v1;
	v5 =	vld [tilespmem:s18+$0x4030]  }
0x1b6: {  	[tilespmem:s18+$0x1C010] =	vst v3;
	v1 =	vadd.f32 v6, v0;
	v3 =	vld [tilespmem:s18+$0x16030]  }
0x1b7: {  	v6 =	vadd.f32 v7, v0;
	v7 =	vld [tilespmem:s18+$0x18030]  }
0x1b8: {  	[tilespmem:s18+$0x16020] =	vst v1;
	v1 =	vadd.f32 v2, v0;
	v8 =	vld [tilespmem:s18+$0x1A030]  }
0x1b9: {  	[tilespmem:s18+$0x18020] =	vst v6;
	v2 =	vadd.f32 v4, v0;
	v9 =	vld [tilespmem:s18+$0x1C030]  }
.Ltmp2:
0x1ba: {  	[tilespmem:s18+$0x1A020] =	vst v1;
	v0 =	vld [tilespmem:s18+$0x4040];
	(pc) =	sbr.rel @p0 .LBB2_6-.Ltmp2, $4  }
0x1bb: {  	[tilespmem:s18+$0x1C020] =	vst v2;
	v1 =	vadd.f32 v3, v5;
	v4 =	vld [tilespmem:s18+$0x16040]  }
0x1bc: {  	v3 =	vadd.f32 v7, v5;
	v2 =	vld [tilespmem:s18+$0x18040]  }
0x1bd: {  	[tilespmem:s18+$0x16030] =	vst v1;
	v6 =	vadd.f32 v8, v5;
	v1 =	vld [tilespmem:s18+$0x1A040]  }
0x1be: {  	s20 =	sadd.s32 $0x400, s20;
	[tilespmem:s18+$0x18030] =	vst v3;
	v5 =	vadd.f32 v9, v5;
	v3 =	vld [tilespmem:s18+$0x1C040]  }
0x1bf: {  	v7 =	vld [tilespmem:s18+$0x4050]  }
0x1c0: {  	v8 =	vld [tilespmem:s18+$0x16050]  }
0x1c1: {  	v9 =	vld [tilespmem:s18+$0x18050]  }
0x1c2: {  	[tilespmem:s18+$0x1A030] =	vst v6;
	v6 =	vld [tilespmem:s18+$0x1A050];
	v4 =	vadd.f32 v4, v0  }
0x1c3: {  	[tilespmem:s18+$0x1C030] =	vst v5;
	v5 =	vld [tilespmem:s18+$0x1C050];
	v2 =	vadd.f32 v2, v0  }
0x1c4: {  	[tilespmem:s18+$0x16040] =	vst v4;
	v1 =	vadd.f32 v1, v0;
	v4 =	vld [tilespmem:s18+$0x4060]  }
0x1c5: {  	[tilespmem:s18+$0x18040] =	vst v2;
	v0 =	vadd.f32 v3, v0;
	v2 =	vld [tilespmem:s18+$0x16060]  }
0x1c6: {  	v3 =	vld [tilespmem:s18+$0x18060];
	[tilespmem:s18+$0x1A040] =	vst v1;
	v1 =	vadd.f32 v8, v7  }
0x1c7: {  	v8 =	vld [tilespmem:s18+$0x1A060];
	[tilespmem:s18+$0x1C040] =	vst v0;
	v0 =	vadd.f32 v9, v7  }
0x1c8: {  	[tilespmem:s18+$0x16050] =	vst v1;
	v1 =	vadd.f32 v6, v7;
	v6 =	vld [tilespmem:s18+$0x1C060]  }
0x1c9: {  	[tilespmem:s18+$0x18050] =	vst v0;
	v0 =	vadd.f32 v5, v7  }
0x1ca: {  	[tilespmem:s18+$0x1A050] =	vst v1;
	v1 =	vadd.f32 v2, v4  }
0x1cb: {  	[tilespmem:s18+$0x1C050] =	vst v0;
	v0 =	vadd.f32 v3, v4  }
0x1cc: {  	[tilespmem:s18+$0x16060] =	vst v1;
	v1 =	vadd.f32 v8, v4  }
0x1cd: {  	[tilespmem:s18+$0x18060] =	vst v0;
	v0 =	vadd.f32 v6, v4  }
0x1ce: {  	[tilespmem:s18+$0x1A060] =	vst v1  }
0x1cf: {  	[tilespmem:s18+$0x1C060] =	vst v0  }
0x1d0: {  	s18 =	rddreg [dreg:$0x11]  }
0x1d1: {  	s17 =	simm.s32 $0x0;
	s19 =	sld [smem:$0x7F5]  }
0x1d2: {  	[hbm4b:s18+s17] =	stream.linear.scatter [tilespmem:s7], [sflag:$0x6], $0x2000, $0x38;
	[tilespmem:$0x1E000] =	vst v63  }
0x1d3: {  	s20 =	sld [smem:$0x7F6]  }
0x1d4: {  	[hbm4b:s19+s17] =	stream.linear.scatter [tilespmem:s8], [sflag:$0x6], $0x2000, $0x38;
	[tilespmem:$0x1E000] =	vst v63  }
0x1d5: {  	s21 =	sld [smem:$0x7F7]  }
0x1d6: {  	[hbm4b:s20+s17] =	stream.linear.scatter [tilespmem:s6], [sflag:$0x6], $0x2000, $0x38;
	[tilespmem:$0x1E000] =	vst v63  }
0x1d7: {  	_ = 	snop  }
0x1d8: {  	[hbm4b:s21+s17] =	stream.linear.scatter [tilespmem:s9], [sflag:$0x6], $0x2000, $0x38;
	[tilespmem:$0x1E000] =	vst v63  }
0x1d9: {  	_ =	swait.ge [sflag:s15], $0x2000  }
0x1da: {  	[sflag:s15] =	ssyncset.done $0x0  }
0x1db: {  	[sflag:s15] =	ssyncadd.s32 $0xFFFFE000  }
0x1dc: {  	_ =	swait.ge [sflag:s15], $0x2000  }
0x1dd: {  	[sflag:s15] =	ssyncset.done $0x0  }
0x1de: {  	[sflag:s15] =	ssyncadd.s32 $0xFFFFE000  }
0x1df: {  	_ =	swait.ge [sflag:s15], $0x2000  }
0x1e0: {  	[sflag:s15] =	ssyncset.done $0x0  }
0x1e1: {  	[sflag:s15] =	ssyncadd.s32 $0xFFFFE000  }
0x1e2: {  	_ =	swait.ge [sflag:s15], $0x2000  }
0x1e3: {  	[sflag:s15] =	ssyncset.done $0x0;
	s22 =	rddreg [dreg:$0x12]  }
0x1e4: {  	s19 =	simm.s32 $0x4000;
	s23 =	rddreg [dreg:$0x13];
	[sflag:s15] =	ssyncadd.s32 $0xFFFFE000  }
0x1e5: {  	[tilespmem:s19], [sflag:$0x3] =	stream.linear.gather [hbm4b:s22+s17], $0x2000, $0x38;
	[tilespmem:$0x1E000] =	vst v63  }
0x1e6: {  	s19 =	sld [smem:$0x7ED]  }
0x1e7: {  	[tilespmem:s7], [sflag:$0x3] =	stream.linear.gather [hbm4b:s23+s17], $0x2000, $0x38;
	[tilespmem:$0x1E000] =	vst v63  }
0x1e8: {  	s20 =	sld [smem:$0x7EC]  }
0x1e9: {  	[tilespmem:s8], [sflag:$0x3] =	stream.linear.gather [hbm4b:s19+s17], $0x2000, $0x38;
	[tilespmem:$0x1E000] =	vst v63  }
0x1ea: {  	s21 =	sld [smem:$0x7EE]  }
0x1eb: {  	[tilespmem:s6], [sflag:$0x3] =	stream.linear.gather [hbm4b:s20+s17], $0x2000, $0x38;
	[tilespmem:$0x1E000] =	vst v63  }
0x1ec: {  	_ = 	snop  }
0x1ed: {  	[tilespmem:s9], [sflag:$0x3] =	stream.linear.gather [hbm4b:s21+s17], $0x2000, $0x38;
	[tilespmem:$0x1E000] =	vst v63  }
0x1ee: {  	_ =	swait.ge [sflag:s10], $0x2000  }
0x1ef: {  	[sflag:s10] =	ssyncset.done $0x0  }
0x1f0: {  	[sflag:s10] =	ssyncadd.s32 $0xFFFFE000  }
0x1f1: {  	_ =	swait.ge [sflag:s10], $0x2000  }
0x1f2: {  	[sflag:s10] =	ssyncset.done $0x0  }
0x1f3: {  	[sflag:s10] =	ssyncadd.s32 $0xFFFFE000  }
0x1f4: {  	_ =	swait.ge [sflag:s10], $0x2000  }
0x1f5: {  	[sflag:s10] =	ssyncset.done $0x0  }
0x1f6: {  	[sflag:s10] =	ssyncadd.s32 $0xFFFFE000  }
0x1f7: {  	_ =	swait.ge [sflag:s10], $0x2000  }
0x1f8: {  	[sflag:s10] =	ssyncset.done $0x0  }
0x1f9: {  	[sflag:s10] =	ssyncadd.s32 $0xFFFFE000  }
0x1fa: {  	s22 =	sand.u32 $0x1C00, s17;
	_ =	swait.ge [sflag:s10], $0x2000  }
0x1fb: {  	s23 =	sor.u32 s22, s17;
	[sflag:s10] =	ssyncset.done $0x0  }
0x1fc: {  	s19 =	sor.u32 $0x70, s23;
	[sflag:s10] =	ssyncadd.s32 $0xFFFFE000  }
0x1fd: {  	v0 =	vld [tilespmem:s19+$0x0]  }
0x1fe: {  	v1 =	vld [tilespmem:s19+$0x6000];
	_ =	sdelay $0x1  }
0x1ff: {  	s20 =	sand.u32 $0x380, s17  }
0x200: {  	s18 =	sor.u32 s20, s22  }
0x201: {  	v4 =	vld [tilespmem:s18+$0x0]  }
0x202: {  	v5 =	vld [tilespmem:s18+$0x6000];
	v1 =	vadd.f32 v1, v0  }
0x203: {  	v6 =	vld [tilespmem:s18+$0x8000]  }
0x204: {  	v7 =	vld [tilespmem:s18+$0xA000];
	[tilespmem:s19+$0x6000] =	vst v1  }
0x205: {  	v1 =	vld [tilespmem:s18+$0xC070]  }
0x206: {  	v2 =	vld [tilespmem:s18+$0x8070]  }
0x207: {  	v3 =	vld [tilespmem:s18+$0xA070]  }
0x208: {  	v8 =	vld [tilespmem:s18+$0xC000]  }
0x209: {  	v62 =	vld [tilespmem:s18+$0x10]  }
0x20a: {  	v10 =	vld [tilespmem:s18+$0x6010];
	v1 =	vadd.f32 v1, v0  }
0x20b: {  	v11 =	vld [tilespmem:s18+$0x8010];
	v2 =	vadd.f32 v2, v0  }
0x20c: {  	v63 =	vld [tilespmem:s18+$0x30];
	v0 =	vadd.f32 v3, v0;
	[tilespmem:s18+$0xC070] =	vst v1  }
0x20d: {  	v3 =	vld [tilespmem:s18+$0xC010];
	[tilespmem:s18+$0x8070] =	vst v2;
	v2 =	vadd.f32 v5, v4  }
0x20e: {  	v1 =	vld [tilespmem:s18+$0xA010];
	[tilespmem:s18+$0xA070] =	vst v0;
	v0 =	vadd.f32 v6, v4  }
0x20f: {  	v5 =	vld [tilespmem:s18+$0x20];
	[tilespmem:s18+$0x6000] =	vst v2;
	v2 =	vadd.f32 v7, v4  }
0x210: {  	v6 =	vld [tilespmem:s18+$0x6020];
	[tilespmem:s18+$0x8000] =	vst v0;
	v0 =	vadd.f32 v8, v4  }
0x211: {  	v4 =	vld [tilespmem:s18+$0x8020];
	[tilespmem:s18+$0xA000] =	vst v2;
	v2 =	vadd.f32 v10, v62  }
0x212: {  	v7 =	vld [tilespmem:s18+$0xA020];
	[tilespmem:s18+$0xC000] =	vst v0;
	v0 =	vadd.f32 v11, v62  }
0x213: {  	v8 =	vld [tilespmem:s18+$0xC020];
	v1 =	vadd.f32 v1, v62;
	[tilespmem:s18+$0x6010] =	vst v2  }
0x214: {  	[tilespmem:s18+$0x8010] =	vst v0;
	v0 =	vadd.f32 v3, v62;
	v2 =	vld [tilespmem:s18+$0x6030]  }
0x215: {  	v3 =	vld [tilespmem:s18+$0x8030];
	[tilespmem:s18+$0xA010] =	vst v1;
	v1 =	vadd.f32 v6, v5  }
0x216: {  	v6 =	vld [tilespmem:s18+$0xA030];
	[tilespmem:s18+$0xC010] =	vst v0;
	v0 =	vadd.f32 v4, v5  }
0x217: {  	[tilespmem:s18+$0x6020] =	vst v1;
	v1 =	vadd.f32 v7, v5;
	v7 =	vld [tilespmem:s18+$0xC030]  }
0x218: {  	v4 =	vld [tilespmem:s18+$0x6040];
	v5 =	vadd.f32 v8, v5;
	[tilespmem:s18+$0x8020] =	vst v0  }
0x219: {  	v0 =	vld [tilespmem:s18+$0x40];
	[tilespmem:s18+$0xA020] =	vst v1;
	v1 =	vadd.f32 v2, v63  }
0x21a: {  	[tilespmem:s18+$0xC020] =	vst v5;
	v3 =	vadd.f32 v3, v63;
	v2 =	vld [tilespmem:s18+$0x8040]  }
0x21b: {  	v6 =	vadd.f32 v6, v63;
	[tilespmem:s18+$0x6030] =	vst v1;
	v1 =	vld [tilespmem:s18+$0xA040]  }
0x21c: {  	s20 =	simm.s32 $0x400;
	s19 =	simm.s32 $0x0;
	[tilespmem:s18+$0x8030] =	vst v3;
	v3 =	vld [tilespmem:s18+$0xC040];
	v5 =	vadd.f32 v7, v63  }
.LBB2_8:
0x21d: {  	s21 =	sand.u32 $0x1C00, s20;
	[tilespmem:s18+$0xA030] =	vst v6;
	v6 =	vld [tilespmem:s18+$0x50];
	s17 =	sadd.s32 $0x10, s17  }
0x21e: {  	s19 =	sadd.s32 $0x8, s19;
	s22 =	sor.u32 s21, s17;
	[tilespmem:s18+$0xC030] =	vst v5;
	v4 =	vadd.f32 v4, v0;
	v5 =	vld [tilespmem:s18+$0x6050]  }
0x21f: {  	p0 =	slt.u32 s19, $0x1F8;
	s22 =	sor.u32 $0x70, s22;
	v2 =	vadd.f32 v2, v0;
	v7 =	vld [tilespmem:s18+$0x8050]  }
0x220: {  	v8 =	vld [tilespmem:s22+$0x0];
	[tilespmem:s18+$0x6040] =	vst v4;
	v1 =	vadd.f32 v1, v0  }
0x221: {  	v4 =	vld [tilespmem:s22+$0x6000];
	[tilespmem:s18+$0x8040] =	vst v2;
	v0 =	vadd.f32 v3, v0  }
0x222: {  	[tilespmem:s18+$0xA040] =	vst v1;
	v1 =	vld [tilespmem:s18+$0xA050]  }
0x223: {  	[tilespmem:s18+$0xC040] =	vst v0;
	v0 =	vadd.f32 v5, v6;
	v2 =	vld [tilespmem:s18+$0xC050]  }
0x224: {  	v3 =	vadd.f32 v7, v6;
	v5 =	vld [tilespmem:s18+$0x60]  }
0x225: {  	[tilespmem:s18+$0x6050] =	vst v0;
	v0 =	vld [tilespmem:s18+$0x6060]  }
0x226: {  	v4 =	vadd.f32 v4, v8;
	[tilespmem:s18+$0x8050] =	vst v3;
	v3 =	vld [tilespmem:s18+$0x8060]  }
0x227: {  	s23 =	sand.u32 $0x380, s17;
	v1 =	vadd.f32 v1, v6;
	v7 =	vld [tilespmem:s18+$0xA060]  }
0x228: {  	s21 =	sor.u32 s23, s21;
	[tilespmem:s22+$0x6000] =	vst v4;
	v2 =	vadd.f32 v2, v6;
	v4 =	vld [tilespmem:s18+$0xC060]  }
0x229: {  	v6 =	vld [tilespmem:s21+$0xC070];
	[tilespmem:s18+$0xA050] =	vst v1  }
0x22a: {  	v1 =	vld [tilespmem:s21+$0x8070];
	[tilespmem:s18+$0xC050] =	vst v2;
	v0 =	vadd.f32 v0, v5  }
0x22b: {  	v2 =	vld [tilespmem:s21+$0xA070];
	v3 =	vadd.f32 v3, v5  }
0x22c: {  	v9 =	vld [tilespmem:s21+$0x0];
	[tilespmem:s18+$0x6060] =	vst v0;
	v0 =	vadd.f32 v7, v5  }
0x22d: {  	v7 =	vld [tilespmem:s21+$0x6000];
	[tilespmem:s18+$0x8060] =	vst v3;
	v3 =	vadd.f32 v4, v5  }
0x22e: {  	v4 =	vld [tilespmem:s21+$0x8000];
	v5 =	vadd.f32 v6, v8;
	[tilespmem:s18+$0xA060] =	vst v0  }
0x22f: {  	v0 =	vld [tilespmem:s21+$0xA000];
	v1 =	vadd.f32 v1, v8;
	[tilespmem:s18+$0xC060] =	vst v3;
	s18 =	smov.u32 s21  }
0x230: {  	v3 =	vld [tilespmem:s18+$0xC000];
	v2 =	vadd.f32 v2, v8;
	[tilespmem:s18+$0xC070] =	vst v5  }
0x231: {  	v5 =	vld [tilespmem:s18+$0x10];
	[tilespmem:s18+$0x8070] =	vst v1  }
0x232: {  	v1 =	vadd.f32 v7, v9;
	v6 =	vld [tilespmem:s18+$0x6010];
	[tilespmem:s18+$0xA070] =	vst v2  }
0x233: {  	v2 =	vadd.f32 v4, v9;
	v4 =	vld [tilespmem:s18+$0x8010]  }
0x234: {  	[tilespmem:s18+$0x6000] =	vst v1;
	v0 =	vadd.f32 v0, v9;
	v1 =	vld [tilespmem:s18+$0xA010]  }
0x235: {  	[tilespmem:s18+$0x8000] =	vst v2;
	v2 =	vadd.f32 v3, v9;
	v3 =	vld [tilespmem:s18+$0xC010]  }
0x236: {  	[tilespmem:s18+$0xA000] =	vst v0;
	v0 =	vld [tilespmem:s18+$0x20]  }
0x237: {  	[tilespmem:s18+$0xC000] =	vst v2;
	v2 =	vadd.f32 v6, v5;
	v6 =	vld [tilespmem:s18+$0x6020]  }
0x238: {  	v4 =	vadd.f32 v4, v5;
	v7 =	vld [tilespmem:s18+$0x8020]  }
0x239: {  	[tilespmem:s18+$0x6010] =	vst v2;
	v1 =	vadd.f32 v1, v5;
	v2 =	vld [tilespmem:s18+$0xA020]  }
0x23a: {  	[tilespmem:s18+$0x8010] =	vst v4;
	v3 =	vadd.f32 v3, v5;
	v4 =	vld [tilespmem:s18+$0xC020]  }
0x23b: {  	[tilespmem:s18+$0xA010] =	vst v1;
	v5 =	vld [tilespmem:s18+$0x30]  }
0x23c: {  	[tilespmem:s18+$0xC010] =	vst v3;
	v1 =	vadd.f32 v6, v0;
	v3 =	vld [tilespmem:s18+$0x6030]  }
0x23d: {  	v6 =	vadd.f32 v7, v0;
	v7 =	vld [tilespmem:s18+$0x8030]  }
0x23e: {  	[tilespmem:s18+$0x6020] =	vst v1;
	v1 =	vadd.f32 v2, v0;
	v8 =	vld [tilespmem:s18+$0xA030]  }
0x23f: {  	[tilespmem:s18+$0x8020] =	vst v6;
	v2 =	vadd.f32 v4, v0;
	v9 =	vld [tilespmem:s18+$0xC030]  }
.Ltmp3:
0x240: {  	[tilespmem:s18+$0xA020] =	vst v1;
	v0 =	vld [tilespmem:s18+$0x40];
	(pc) =	sbr.rel @p0 .LBB2_8-.Ltmp3, $4  }
0x241: {  	[tilespmem:s18+$0xC020] =	vst v2;
	v1 =	vadd.f32 v3, v5;
	v4 =	vld [tilespmem:s18+$0x6040]  }
0x242: {  	v3 =	vadd.f32 v7, v5;
	v2 =	vld [tilespmem:s18+$0x8040]  }
0x243: {  	[tilespmem:s18+$0x6030] =	vst v1;
	v6 =	vadd.f32 v8, v5;
	v1 =	vld [tilespmem:s18+$0xA040]  }
0x244: {  	s20 =	sadd.s32 $0x400, s20;
	[tilespmem:s18+$0x8030] =	vst v3;
	v5 =	vadd.f32 v9, v5;
	v3 =	vld [tilespmem:s18+$0xC040]  }
0x245: {  	v7 =	vld [tilespmem:s18+$0x50]  }
0x246: {  	v8 =	vld [tilespmem:s18+$0x6050]  }
0x247: {  	v9 =	vld [tilespmem:s18+$0x8050]  }
0x248: {  	[tilespmem:s18+$0xA030] =	vst v6;
	v6 =	vld [tilespmem:s18+$0xA050];
	v4 =	vadd.f32 v4, v0  }
0x249: {  	[tilespmem:s18+$0xC030] =	vst v5;
	v5 =	vld [tilespmem:s18+$0xC050];
	v2 =	vadd.f32 v2, v0  }
0x24a: {  	[tilespmem:s18+$0x6040] =	vst v4;
	v1 =	vadd.f32 v1, v0;
	v4 =	vld [tilespmem:s18+$0x60]  }
0x24b: {  	[tilespmem:s18+$0x8040] =	vst v2;
	v0 =	vadd.f32 v3, v0;
	v2 =	vld [tilespmem:s18+$0x6060]  }
0x24c: {  	v3 =	vld [tilespmem:s18+$0x8060];
	[tilespmem:s18+$0xA040] =	vst v1;
	v1 =	vadd.f32 v8, v7  }
0x24d: {  	v8 =	vld [tilespmem:s18+$0xA060];
	[tilespmem:s18+$0xC040] =	vst v0;
	v0 =	vadd.f32 v9, v7  }
0x24e: {  	[tilespmem:s18+$0x6050] =	vst v1;
	v1 =	vadd.f32 v6, v7;
	v6 =	vld [tilespmem:s18+$0xC060]  }
0x24f: {  	[tilespmem:s18+$0x8050] =	vst v0;
	v0 =	vadd.f32 v5, v7  }
0x250: {  	[tilespmem:s18+$0xA050] =	vst v1;
	v1 =	vadd.f32 v2, v4  }
0x251: {  	[tilespmem:s18+$0xC050] =	vst v0;
	v0 =	vadd.f32 v3, v4  }
0x252: {  	[tilespmem:s18+$0x6060] =	vst v1;
	v1 =	vadd.f32 v8, v4  }
0x253: {  	[tilespmem:s18+$0x8060] =	vst v0;
	v0 =	vadd.f32 v6, v4  }
0x254: {  	[tilespmem:s18+$0xA060] =	vst v1  }
0x255: {  	[tilespmem:s18+$0xC060] =	vst v0  }
0x256: {  	s17 =	rddreg [dreg:$0x14]  }
0x257: {  	s18 =	simm.s32 $0x0;
	s20 =	sld [smem:$0x7F8]  }
0x258: {  	[hbm4b:s17+s18] =	stream.linear.scatter [tilespmem:s29], [sflag:$0x4], $0x2000, $0x38;
	[tilespmem:$0x1E000] =	vst v63  }
0x259: {  	s21 =	sld [smem:$0x7F9]  }
0x25a: {  	[hbm4b:s20+s18] =	stream.linear.scatter [tilespmem:s30], [sflag:$0x4], $0x2000, $0x38;
	[tilespmem:$0x1E000] =	vst v63  }
0x25b: {  	s22 =	sld [smem:$0x7FA]  }
0x25c: {  	[hbm4b:s21+s18] =	stream.linear.scatter [tilespmem:s31], [sflag:$0x4], $0x2000, $0x38;
	[tilespmem:$0x1E000] =	vst v63  }
0x25d: {  	_ = 	snop  }
0x25e: {  	[hbm4b:s22+s18] =	stream.linear.scatter [tilespmem:s1], [sflag:$0x4], $0x2000, $0x38;
	[tilespmem:$0x1E000] =	vst v63  }
0x25f: {  	_ =	swait.ge [sflag:s12], $0x2000  }
0x260: {  	[sflag:s12] =	ssyncset.done $0x0  }
0x261: {  	[sflag:s12] =	ssyncadd.s32 $0xFFFFE000  }
0x262: {  	_ =	swait.ge [sflag:s12], $0x2000  }
0x263: {  	[sflag:s12] =	ssyncset.done $0x0  }
0x264: {  	[sflag:s12] =	ssyncadd.s32 $0xFFFFE000  }
0x265: {  	_ =	swait.ge [sflag:s12], $0x2000  }
0x266: {  	[sflag:s12] =	ssyncset.done $0x0  }
0x267: {  	[sflag:s12] =	ssyncadd.s32 $0xFFFFE000  }
0x268: {  	_ =	swait.ge [sflag:s12], $0x2000  }
0x269: {  	[sflag:s12] =	ssyncset.done $0x0  }
0x26a: {  	[sflag:s12] =	ssyncadd.s32 $0xFFFFE000  }
0x26b: {  	s23 =	sand.u32 $0x1C00, s18;
	_ =	swait.ge [sflag:s12], $0x2000  }
0x26c: {  	s19 =	sor.u32 s23, s18;
	[sflag:s12] =	ssyncset.done $0x0  }
0x26d: {  	s19 =	sor.u32 $0x70, s19;
	[sflag:s12] =	ssyncadd.s32 $0xFFFFE000  }
0x26e: {  	v0 =	vld [tilespmem:s19+$0x2000]  }
0x26f: {  	v1 =	vld [tilespmem:s19+$0xE000];
	_ =	sdelay $0x1  }
0x270: {  	s20 =	sand.u32 $0x380, s18  }
0x271: {  	s17 =	sor.u32 s20, s23  }
0x272: {  	v4 =	vld [tilespmem:s17+$0x2000]  }
0x273: {  	v5 =	vld [tilespmem:s17+$0xE000];
	v1 =	vadd.f32 v1, v0  }
0x274: {  	v6 =	vld [tilespmem:s17+$0x10000]  }
0x275: {  	v7 =	vld [tilespmem:s17+$0x12000];
	[tilespmem:s19+$0xE000] =	vst v1  }
0x276: {  	v1 =	vld [tilespmem:s17+$0x14070]  }
0x277: {  	v2 =	vld [tilespmem:s17+$0x10070]  }
0x278: {  	v3 =	vld [tilespmem:s17+$0x12070]  }
0x279: {  	v8 =	vld [tilespmem:s17+$0x14000]  }
0x27a: {  	v62 =	vld [tilespmem:s17+$0x2010]  }
0x27b: {  	v10 =	vld [tilespmem:s17+$0xE010];
	v1 =	vadd.f32 v1, v0  }
0x27c: {  	v11 =	vld [tilespmem:s17+$0x10010];
	v2 =	vadd.f32 v2, v0  }
0x27d: {  	v63 =	vld [tilespmem:s17+$0x2030];
	v0 =	vadd.f32 v3, v0;
	[tilespmem:s17+$0x14070] =	vst v1  }
0x27e: {  	v3 =	vld [tilespmem:s17+$0x14010];
	[tilespmem:s17+$0x10070] =	vst v2;
	v2 =	vadd.f32 v5, v4  }
0x27f: {  	v1 =	vld [tilespmem:s17+$0x12010];
	[tilespmem:s17+$0x12070] =	vst v0;
	v0 =	vadd.f32 v6, v4  }
0x280: {  	v5 =	vld [tilespmem:s17+$0x2020];
	[tilespmem:s17+$0xE000] =	vst v2;
	v2 =	vadd.f32 v7, v4  }
0x281: {  	v6 =	vld [tilespmem:s17+$0xE020];
	[tilespmem:s17+$0x10000] =	vst v0;
	v0 =	vadd.f32 v8, v4  }
0x282: {  	v4 =	vld [tilespmem:s17+$0x10020];
	[tilespmem:s17+$0x12000] =	vst v2;
	v2 =	vadd.f32 v10, v62  }
0x283: {  	v7 =	vld [tilespmem:s17+$0x12020];
	[tilespmem:s17+$0x14000] =	vst v0;
	v0 =	vadd.f32 v11, v62  }
0x284: {  	v8 =	vld [tilespmem:s17+$0x14020];
	v1 =	vadd.f32 v1, v62;
	[tilespmem:s17+$0xE010] =	vst v2  }
0x285: {  	[tilespmem:s17+$0x10010] =	vst v0;
	v0 =	vadd.f32 v3, v62;
	v2 =	vld [tilespmem:s17+$0xE030]  }
0x286: {  	v3 =	vld [tilespmem:s17+$0x10030];
	[tilespmem:s17+$0x12010] =	vst v1;
	v1 =	vadd.f32 v6, v5  }
0x287: {  	v6 =	vld [tilespmem:s17+$0x12030];
	[tilespmem:s17+$0x14010] =	vst v0;
	v0 =	vadd.f32 v4, v5  }
0x288: {  	[tilespmem:s17+$0xE020] =	vst v1;
	v1 =	vadd.f32 v7, v5;
	v7 =	vld [tilespmem:s17+$0x14030]  }
0x289: {  	v4 =	vld [tilespmem:s17+$0xE040];
	v5 =	vadd.f32 v8, v5;
	[tilespmem:s17+$0x10020] =	vst v0  }
0x28a: {  	v0 =	vld [tilespmem:s17+$0x2040];
	[tilespmem:s17+$0x12020] =	vst v1;
	v1 =	vadd.f32 v2, v63  }
0x28b: {  	[tilespmem:s17+$0x14020] =	vst v5;
	v3 =	vadd.f32 v3, v63;
	v2 =	vld [tilespmem:s17+$0x10040]  }
0x28c: {  	v6 =	vadd.f32 v6, v63;
	[tilespmem:s17+$0xE030] =	vst v1;
	v1 =	vld [tilespmem:s17+$0x12040]  }
0x28d: {  	s20 =	simm.s32 $0x400;
	s19 =	simm.s32 $0x0;
	[tilespmem:s17+$0x10030] =	vst v3;
	v3 =	vld [tilespmem:s17+$0x14040];
	v5 =	vadd.f32 v7, v63  }
.LBB2_10:
0x28e: {  	s21 =	sand.u32 $0x1C00, s20;
	[tilespmem:s17+$0x12030] =	vst v6;
	v6 =	vld [tilespmem:s17+$0x2050];
	s18 =	sadd.s32 $0x10, s18  }
0x28f: {  	s19 =	sadd.s32 $0x8, s19;
	s22 =	sor.u32 s21, s18;
	[tilespmem:s17+$0x14030] =	vst v5;
	v4 =	vadd.f32 v4, v0;
	v5 =	vld [tilespmem:s17+$0xE050]  }
0x290: {  	p0 =	slt.u32 s19, $0x1F8;
	s22 =	sor.u32 $0x70, s22;
	v2 =	vadd.f32 v2, v0;
	v7 =	vld [tilespmem:s17+$0x10050]  }
0x291: {  	v8 =	vld [tilespmem:s22+$0x2000];
	[tilespmem:s17+$0xE040] =	vst v4;
	v1 =	vadd.f32 v1, v0  }
0x292: {  	v4 =	vld [tilespmem:s22+$0xE000];
	[tilespmem:s17+$0x10040] =	vst v2;
	v0 =	vadd.f32 v3, v0  }
0x293: {  	[tilespmem:s17+$0x12040] =	vst v1;
	v1 =	vld [tilespmem:s17+$0x12050]  }
0x294: {  	[tilespmem:s17+$0x14040] =	vst v0;
	v0 =	vadd.f32 v5, v6;
	v2 =	vld [tilespmem:s17+$0x14050]  }
0x295: {  	v3 =	vadd.f32 v7, v6;
	v5 =	vld [tilespmem:s17+$0x2060]  }
0x296: {  	[tilespmem:s17+$0xE050] =	vst v0;
	v0 =	vld [tilespmem:s17+$0xE060]  }
0x297: {  	v4 =	vadd.f32 v4, v8;
	[tilespmem:s17+$0x10050] =	vst v3;
	v3 =	vld [tilespmem:s17+$0x10060]  }
0x298: {  	s23 =	sand.u32 $0x380, s18;
	v1 =	vadd.f32 v1, v6;
	v7 =	vld [tilespmem:s17+$0x12060]  }
0x299: {  	s21 =	sor.u32 s23, s21;
	[tilespmem:s22+$0xE000] =	vst v4;
	v2 =	vadd.f32 v2, v6;
	v4 =	vld [tilespmem:s17+$0x14060]  }
0x29a: {  	v6 =	vld [tilespmem:s21+$0x14070];
	[tilespmem:s17+$0x12050] =	vst v1  }
0x29b: {  	v1 =	vld [tilespmem:s21+$0x10070];
	[tilespmem:s17+$0x14050] =	vst v2;
	v0 =	vadd.f32 v0, v5  }
0x29c: {  	v2 =	vld [tilespmem:s21+$0x12070];
	v3 =	vadd.f32 v3, v5  }
0x29d: {  	v9 =	vld [tilespmem:s21+$0x2000];
	[tilespmem:s17+$0xE060] =	vst v0;
	v0 =	vadd.f32 v7, v5  }
0x29e: {  	v7 =	vld [tilespmem:s21+$0xE000];
	[tilespmem:s17+$0x10060] =	vst v3;
	v3 =	vadd.f32 v4, v5  }
0x29f: {  	v4 =	vld [tilespmem:s21+$0x10000];
	v5 =	vadd.f32 v6, v8;
	[tilespmem:s17+$0x12060] =	vst v0  }
0x2a0: {  	v0 =	vld [tilespmem:s21+$0x12000];
	v1 =	vadd.f32 v1, v8;
	[tilespmem:s17+$0x14060] =	vst v3;
	s17 =	smov.u32 s21  }
0x2a1: {  	v3 =	vld [tilespmem:s17+$0x14000];
	v2 =	vadd.f32 v2, v8;
	[tilespmem:s17+$0x14070] =	vst v5  }
0x2a2: {  	v5 =	vld [tilespmem:s17+$0x2010];
	[tilespmem:s17+$0x10070] =	vst v1  }
0x2a3: {  	v1 =	vadd.f32 v7, v9;
	v6 =	vld [tilespmem:s17+$0xE010];
	[tilespmem:s17+$0x12070] =	vst v2  }
0x2a4: {  	v2 =	vadd.f32 v4, v9;
	v4 =	vld [tilespmem:s17+$0x10010]  }
0x2a5: {  	[tilespmem:s17+$0xE000] =	vst v1;
	v0 =	vadd.f32 v0, v9;
	v1 =	vld [tilespmem:s17+$0x12010]  }
0x2a6: {  	[tilespmem:s17+$0x10000] =	vst v2;
	v2 =	vadd.f32 v3, v9;
	v3 =	vld [tilespmem:s17+$0x14010]  }
0x2a7: {  	[tilespmem:s17+$0x12000] =	vst v0;
	v0 =	vld [tilespmem:s17+$0x2020]  }
0x2a8: {  	[tilespmem:s17+$0x14000] =	vst v2;
	v2 =	vadd.f32 v6, v5;
	v6 =	vld [tilespmem:s17+$0xE020]  }
0x2a9: {  	v4 =	vadd.f32 v4, v5;
	v7 =	vld [tilespmem:s17+$0x10020]  }
0x2aa: {  	[tilespmem:s17+$0xE010] =	vst v2;
	v1 =	vadd.f32 v1, v5;
	v2 =	vld [tilespmem:s17+$0x12020]  }
0x2ab: {  	[tilespmem:s17+$0x10010] =	vst v4;
	v3 =	vadd.f32 v3, v5;
	v4 =	vld [tilespmem:s17+$0x14020]  }
0x2ac: {  	[tilespmem:s17+$0x12010] =	vst v1;
	v5 =	vld [tilespmem:s17+$0x2030]  }
0x2ad: {  	[tilespmem:s17+$0x14010] =	vst v3;
	v1 =	vadd.f32 v6, v0;
	v3 =	vld [tilespmem:s17+$0xE030]  }
0x2ae: {  	v6 =	vadd.f32 v7, v0;
	v7 =	vld [tilespmem:s17+$0x10030]  }
0x2af: {  	[tilespmem:s17+$0xE020] =	vst v1;
	v1 =	vadd.f32 v2, v0;
	v8 =	vld [tilespmem:s17+$0x12030]  }
0x2b0: {  	[tilespmem:s17+$0x10020] =	vst v6;
	v2 =	vadd.f32 v4, v0;
	v9 =	vld [tilespmem:s17+$0x14030]  }
.Ltmp4:
0x2b1: {  	[tilespmem:s17+$0x12020] =	vst v1;
	v0 =	vld [tilespmem:s17+$0x2040];
	(pc) =	sbr.rel @p0 .LBB2_10-.Ltmp4, $4  }
0x2b2: {  	[tilespmem:s17+$0x14020] =	vst v2;
	v1 =	vadd.f32 v3, v5;
	v4 =	vld [tilespmem:s17+$0xE040]  }
0x2b3: {  	v3 =	vadd.f32 v7, v5;
	v2 =	vld [tilespmem:s17+$0x10040]  }
0x2b4: {  	[tilespmem:s17+$0xE030] =	vst v1;
	v6 =	vadd.f32 v8, v5;
	v1 =	vld [tilespmem:s17+$0x12040]  }
0x2b5: {  	s20 =	sadd.s32 $0x400, s20;
	[tilespmem:s17+$0x10030] =	vst v3;
	v5 =	vadd.f32 v9, v5;
	v3 =	vld [tilespmem:s17+$0x14040]  }
0x2b6: {  	v7 =	vld [tilespmem:s17+$0x2050]  }
0x2b7: {  	v8 =	vld [tilespmem:s17+$0xE050]  }
0x2b8: {  	v9 =	vld [tilespmem:s17+$0x10050]  }
0x2b9: {  	[tilespmem:s17+$0x12030] =	vst v6;
	v6 =	vld [tilespmem:s17+$0x12050];
	v4 =	vadd.f32 v4, v0  }
0x2ba: {  	[tilespmem:s17+$0x14030] =	vst v5;
	v5 =	vld [tilespmem:s17+$0x14050];
	v2 =	vadd.f32 v2, v0  }
0x2bb: {  	[tilespmem:s17+$0xE040] =	vst v4;
	v1 =	vadd.f32 v1, v0;
	v4 =	vld [tilespmem:s17+$0x2060]  }
0x2bc: {  	[tilespmem:s17+$0x10040] =	vst v2;
	v0 =	vadd.f32 v3, v0;
	v2 =	vld [tilespmem:s17+$0xE060]  }
0x2bd: {  	v3 =	vld [tilespmem:s17+$0x10060];
	[tilespmem:s17+$0x12040] =	vst v1;
	v1 =	vadd.f32 v8, v7  }
0x2be: {  	v8 =	vld [tilespmem:s17+$0x12060];
	[tilespmem:s17+$0x14040] =	vst v0;
	v0 =	vadd.f32 v9, v7  }
0x2bf: {  	[tilespmem:s17+$0xE050] =	vst v1;
	v1 =	vadd.f32 v6, v7;
	v6 =	vld [tilespmem:s17+$0x14060]  }
0x2c0: {  	[tilespmem:s17+$0x10050] =	vst v0;
	v0 =	vadd.f32 v5, v7  }
0x2c1: {  	[tilespmem:s17+$0x12050] =	vst v1;
	v1 =	vadd.f32 v2, v4  }
0x2c2: {  	[tilespmem:s17+$0x14050] =	vst v0;
	v0 =	vadd.f32 v3, v4  }
0x2c3: {  	[tilespmem:s17+$0xE060] =	vst v1;
	v1 =	vadd.f32 v8, v4  }
0x2c4: {  	[tilespmem:s17+$0x10060] =	vst v0;
	v0 =	vadd.f32 v6, v4  }
0x2c5: {  	[tilespmem:s17+$0x12060] =	vst v1  }
0x2c6: {  	[tilespmem:s17+$0x14060] =	vst v0  }
0x2c7: {  	s17 =	rddreg [dreg:$0x17]  }
0x2c8: {  	s18 =	simm.s32 $0x0;
	s20 =	sld [smem:$0x7FB]  }
0x2c9: {  	[hbm4b:s17+s18] =	stream.linear.scatter [tilespmem:s3], [sflag:$0x5], $0x2000, $0x38;
	[tilespmem:$0x1E000] =	vst v63  }
0x2ca: {  	s21 =	sld [smem:$0x7FC]  }
0x2cb: {  	[hbm4b:s20+s18] =	stream.linear.scatter [tilespmem:s0], [sflag:$0x5], $0x2000, $0x38;
	[tilespmem:$0x1E000] =	vst v63  }
0x2cc: {  	s22 =	sld [smem:$0x7FD]  }
0x2cd: {  	[hbm4b:s21+s18] =	stream.linear.scatter [tilespmem:s4], [sflag:$0x5], $0x2000, $0x38;
	[tilespmem:$0x1E000] =	vst v63  }
0x2ce: {  	_ = 	snop  }
0x2cf: {  	[hbm4b:s22+s18] =	stream.linear.scatter [tilespmem:s5], [sflag:$0x5], $0x2000, $0x38;
	[tilespmem:$0x1E000] =	vst v63  }
0x2d0: {  	_ =	swait.ge [sflag:s14], $0x2000  }
0x2d1: {  	[sflag:s14] =	ssyncset.done $0x0  }
0x2d2: {  	[sflag:s14] =	ssyncadd.s32 $0xFFFFE000  }
0x2d3: {  	_ =	swait.ge [sflag:s14], $0x2000  }
0x2d4: {  	[sflag:s14] =	ssyncset.done $0x0  }
0x2d5: {  	[sflag:s14] =	ssyncadd.s32 $0xFFFFE000  }
0x2d6: {  	_ =	swait.ge [sflag:s14], $0x2000  }
0x2d7: {  	[sflag:s14] =	ssyncset.done $0x0  }
0x2d8: {  	[sflag:s14] =	ssyncadd.s32 $0xFFFFE000  }
0x2d9: {  	_ =	swait.ge [sflag:s14], $0x2000  }
0x2da: {  	[sflag:s14] =	ssyncset.done $0x0  }
0x2db: {  	[sflag:s14] =	ssyncadd.s32 $0xFFFFE000  }
0x2dc: {  	s23 =	sand.u32 $0x1C00, s18;
	_ =	swait.ge [sflag:s14], $0x2000  }
0x2dd: {  	s19 =	sor.u32 s23, s18;
	[sflag:s14] =	ssyncset.done $0x0  }
0x2de: {  	s19 =	sor.u32 $0x70, s19;
	[sflag:s14] =	ssyncadd.s32 $0xFFFFE000  }
0x2df: {  	v0 =	vld [tilespmem:s19+$0x4000]  }
0x2e0: {  	v1 =	vld [tilespmem:s19+$0x16000];
	_ =	sdelay $0x1  }
0x2e1: {  	s20 =	sand.u32 $0x380, s18  }
0x2e2: {  	s17 =	sor.u32 s20, s23  }
0x2e3: {  	v4 =	vld [tilespmem:s17+$0x4000]  }
0x2e4: {  	v5 =	vld [tilespmem:s17+$0x16000];
	v1 =	vadd.f32 v1, v0  }
0x2e5: {  	v6 =	vld [tilespmem:s17+$0x18000]  }
0x2e6: {  	v7 =	vld [tilespmem:s17+$0x1A000];
	[tilespmem:s19+$0x16000] =	vst v1  }
0x2e7: {  	v1 =	vld [tilespmem:s17+$0x1C070]  }
0x2e8: {  	v2 =	vld [tilespmem:s17+$0x18070]  }
0x2e9: {  	v3 =	vld [tilespmem:s17+$0x1A070]  }
0x2ea: {  	v8 =	vld [tilespmem:s17+$0x1C000]  }
0x2eb: {  	v62 =	vld [tilespmem:s17+$0x4010]  }
0x2ec: {  	v10 =	vld [tilespmem:s17+$0x16010];
	v1 =	vadd.f32 v1, v0  }
0x2ed: {  	v11 =	vld [tilespmem:s17+$0x18010];
	v2 =	vadd.f32 v2, v0  }
0x2ee: {  	v63 =	vld [tilespmem:s17+$0x4030];
	v0 =	vadd.f32 v3, v0;
	[tilespmem:s17+$0x1C070] =	vst v1  }
0x2ef: {  	v3 =	vld [tilespmem:s17+$0x1C010];
	[tilespmem:s17+$0x18070] =	vst v2;
	v2 =	vadd.f32 v5, v4  }
0x2f0: {  	v1 =	vld [tilespmem:s17+$0x1A010];
	[tilespmem:s17+$0x1A070] =	vst v0;
	v0 =	vadd.f32 v6, v4  }
0x2f1: {  	v5 =	vld [tilespmem:s17+$0x4020];
	[tilespmem:s17+$0x16000] =	vst v2;
	v2 =	vadd.f32 v7, v4  }
0x2f2: {  	v6 =	vld [tilespmem:s17+$0x16020];
	[tilespmem:s17+$0x18000] =	vst v0;
	v0 =	vadd.f32 v8, v4  }
0x2f3: {  	v4 =	vld [tilespmem:s17+$0x18020];
	[tilespmem:s17+$0x1A000] =	vst v2;
	v2 =	vadd.f32 v10, v62  }
0x2f4: {  	v7 =	vld [tilespmem:s17+$0x1A020];
	[tilespmem:s17+$0x1C000] =	vst v0;
	v0 =	vadd.f32 v11, v62  }
0x2f5: {  	v8 =	vld [tilespmem:s17+$0x1C020];
	v1 =	vadd.f32 v1, v62;
	[tilespmem:s17+$0x16010] =	vst v2  }
0x2f6: {  	[tilespmem:s17+$0x18010] =	vst v0;
	v0 =	vadd.f32 v3, v62;
	v2 =	vld [tilespmem:s17+$0x16030]  }
0x2f7: {  	v3 =	vld [tilespmem:s17+$0x18030];
	[tilespmem:s17+$0x1A010] =	vst v1;
	v1 =	vadd.f32 v6, v5  }
0x2f8: {  	v6 =	vld [tilespmem:s17+$0x1A030];
	[tilespmem:s17+$0x1C010] =	vst v0;
	v0 =	vadd.f32 v4, v5  }
0x2f9: {  	[tilespmem:s17+$0x16020] =	vst v1;
	v1 =	vadd.f32 v7, v5;
	v7 =	vld [tilespmem:s17+$0x1C030]  }
0x2fa: {  	v4 =	vld [tilespmem:s17+$0x16040];
	v5 =	vadd.f32 v8, v5;
	[tilespmem:s17+$0x18020] =	vst v0  }
0x2fb: {  	v0 =	vld [tilespmem:s17+$0x4040];
	[tilespmem:s17+$0x1A020] =	vst v1;
	v1 =	vadd.f32 v2, v63  }
0x2fc: {  	[tilespmem:s17+$0x1C020] =	vst v5;
	v3 =	vadd.f32 v3, v63;
	v2 =	vld [tilespmem:s17+$0x18040]  }
0x2fd: {  	v6 =	vadd.f32 v6, v63;
	[tilespmem:s17+$0x16030] =	vst v1;
	v1 =	vld [tilespmem:s17+$0x1A040]  }
0x2fe: {  	s20 =	simm.s32 $0x400;
	s19 =	simm.s32 $0x0;
	[tilespmem:s17+$0x18030] =	vst v3;
	v3 =	vld [tilespmem:s17+$0x1C040];
	v5 =	vadd.f32 v7, v63  }
.LBB2_12:
0x2ff: {  	s21 =	sand.u32 $0x1C00, s20;
	[tilespmem:s17+$0x1A030] =	vst v6;
	v6 =	vld [tilespmem:s17+$0x4050];
	s18 =	sadd.s32 $0x10, s18  }
0x300: {  	s19 =	sadd.s32 $0x8, s19;
	s22 =	sor.u32 s21, s18;
	[tilespmem:s17+$0x1C030] =	vst v5;
	v4 =	vadd.f32 v4, v0;
	v5 =	vld [tilespmem:s17+$0x16050]  }
0x301: {  	p0 =	slt.u32 s19, $0x1F8;
	s22 =	sor.u32 $0x70, s22;
	v2 =	vadd.f32 v2, v0;
	v7 =	vld [tilespmem:s17+$0x18050]  }
0x302: {  	v8 =	vld [tilespmem:s22+$0x4000];
	[tilespmem:s17+$0x16040] =	vst v4;
	v1 =	vadd.f32 v1, v0  }
0x303: {  	v4 =	vld [tilespmem:s22+$0x16000];
	[tilespmem:s17+$0x18040] =	vst v2;
	v0 =	vadd.f32 v3, v0  }
0x304: {  	[tilespmem:s17+$0x1A040] =	vst v1;
	v1 =	vld [tilespmem:s17+$0x1A050]  }
0x305: {  	[tilespmem:s17+$0x1C040] =	vst v0;
	v0 =	vadd.f32 v5, v6;
	v2 =	vld [tilespmem:s17+$0x1C050]  }
0x306: {  	v3 =	vadd.f32 v7, v6;
	v5 =	vld [tilespmem:s17+$0x4060]  }
0x307: {  	[tilespmem:s17+$0x16050] =	vst v0;
	v0 =	vld [tilespmem:s17+$0x16060]  }
0x308: {  	v4 =	vadd.f32 v4, v8;
	[tilespmem:s17+$0x18050] =	vst v3;
	v3 =	vld [tilespmem:s17+$0x18060]  }
0x309: {  	s23 =	sand.u32 $0x380, s18;
	v1 =	vadd.f32 v1, v6;
	v7 =	vld [tilespmem:s17+$0x1A060]  }
0x30a: {  	s21 =	sor.u32 s23, s21;
	[tilespmem:s22+$0x16000] =	vst v4;
	v2 =	vadd.f32 v2, v6;
	v4 =	vld [tilespmem:s17+$0x1C060]  }
0x30b: {  	v6 =	vld [tilespmem:s21+$0x1C070];
	[tilespmem:s17+$0x1A050] =	vst v1  }
0x30c: {  	v1 =	vld [tilespmem:s21+$0x18070];
	[tilespmem:s17+$0x1C050] =	vst v2;
	v0 =	vadd.f32 v0, v5  }
0x30d: {  	v2 =	vld [tilespmem:s21+$0x1A070];
	v3 =	vadd.f32 v3, v5  }
0x30e: {  	v9 =	vld [tilespmem:s21+$0x4000];
	[tilespmem:s17+$0x16060] =	vst v0;
	v0 =	vadd.f32 v7, v5  }
0x30f: {  	v7 =	vld [tilespmem:s21+$0x16000];
	[tilespmem:s17+$0x18060] =	vst v3;
	v3 =	vadd.f32 v4, v5  }
0x310: {  	v4 =	vld [tilespmem:s21+$0x18000];
	v5 =	vadd.f32 v6, v8;
	[tilespmem:s17+$0x1A060] =	vst v0  }
0x311: {  	v0 =	vld [tilespmem:s21+$0x1A000];
	v1 =	vadd.f32 v1, v8;
	[tilespmem:s17+$0x1C060] =	vst v3;
	s17 =	smov.u32 s21  }
0x312: {  	v3 =	vld [tilespmem:s17+$0x1C000];
	v2 =	vadd.f32 v2, v8;
	[tilespmem:s17+$0x1C070] =	vst v5  }
0x313: {  	v5 =	vld [tilespmem:s17+$0x4010];
	[tilespmem:s17+$0x18070] =	vst v1  }
0x314: {  	v1 =	vadd.f32 v7, v9;
	v6 =	vld [tilespmem:s17+$0x16010];
	[tilespmem:s17+$0x1A070] =	vst v2  }
0x315: {  	v2 =	vadd.f32 v4, v9;
	v4 =	vld [tilespmem:s17+$0x18010]  }
0x316: {  	[tilespmem:s17+$0x16000] =	vst v1;
	v0 =	vadd.f32 v0, v9;
	v1 =	vld [tilespmem:s17+$0x1A010]  }
0x317: {  	[tilespmem:s17+$0x18000] =	vst v2;
	v2 =	vadd.f32 v3, v9;
	v3 =	vld [tilespmem:s17+$0x1C010]  }
0x318: {  	[tilespmem:s17+$0x1A000] =	vst v0;
	v0 =	vld [tilespmem:s17+$0x4020]  }
0x319: {  	[tilespmem:s17+$0x1C000] =	vst v2;
	v2 =	vadd.f32 v6, v5;
	v6 =	vld [tilespmem:s17+$0x16020]  }
0x31a: {  	v4 =	vadd.f32 v4, v5;
	v7 =	vld [tilespmem:s17+$0x18020]  }
0x31b: {  	[tilespmem:s17+$0x16010] =	vst v2;
	v1 =	vadd.f32 v1, v5;
	v2 =	vld [tilespmem:s17+$0x1A020]  }
0x31c: {  	[tilespmem:s17+$0x18010] =	vst v4;
	v3 =	vadd.f32 v3, v5;
	v4 =	vld [tilespmem:s17+$0x1C020]  }
0x31d: {  	[tilespmem:s17+$0x1A010] =	vst v1;
	v5 =	vld [tilespmem:s17+$0x4030]  }
0x31e: {  	[tilespmem:s17+$0x1C010] =	vst v3;
	v1 =	vadd.f32 v6, v0;
	v3 =	vld [tilespmem:s17+$0x16030]  }
0x31f: {  	v6 =	vadd.f32 v7, v0;
	v7 =	vld [tilespmem:s17+$0x18030]  }
0x320: {  	[tilespmem:s17+$0x16020] =	vst v1;
	v1 =	vadd.f32 v2, v0;
	v8 =	vld [tilespmem:s17+$0x1A030]  }
0x321: {  	[tilespmem:s17+$0x18020] =	vst v6;
	v2 =	vadd.f32 v4, v0;
	v9 =	vld [tilespmem:s17+$0x1C030]  }
.Ltmp5:
0x322: {  	[tilespmem:s17+$0x1A020] =	vst v1;
	v0 =	vld [tilespmem:s17+$0x4040];
	(pc) =	sbr.rel @p0 .LBB2_12-.Ltmp5, $4  }
0x323: {  	[tilespmem:s17+$0x1C020] =	vst v2;
	v1 =	vadd.f32 v3, v5;
	v4 =	vld [tilespmem:s17+$0x16040]  }
0x324: {  	v3 =	vadd.f32 v7, v5;
	v2 =	vld [tilespmem:s17+$0x18040]  }
0x325: {  	[tilespmem:s17+$0x16030] =	vst v1;
	v6 =	vadd.f32 v8, v5;
	v1 =	vld [tilespmem:s17+$0x1A040]  }
0x326: {  	s20 =	sadd.s32 $0x400, s20;
	[tilespmem:s17+$0x18030] =	vst v3;
	v5 =	vadd.f32 v9, v5;
	v3 =	vld [tilespmem:s17+$0x1C040]  }
0x327: {  	v7 =	vld [tilespmem:s17+$0x4050]  }
0x328: {  	v8 =	vld [tilespmem:s17+$0x16050]  }
0x329: {  	v9 =	vld [tilespmem:s17+$0x18050]  }
0x32a: {  	[tilespmem:s17+$0x1A030] =	vst v6;
	v48 =	vld [tilespmem:s17+$0x1A050];
	v4 =	vadd.f32 v4, v0  }
0x32b: {  	v49 =	vld [tilespmem:s17+$0x1C050];
	[tilespmem:s17+$0x1C030] =	vst v5;
	v2 =	vadd.f32 v2, v0  }
0x32c: {  	v50 =	vld [tilespmem:s17+$0x4060];
	[tilespmem:s17+$0x16040] =	vst v4;
	v1 =	vadd.f32 v1, v0  }
0x32d: {  	v52 =	vld [tilespmem:s17+$0x16060];
	[tilespmem:s17+$0x18040] =	vst v2;
	v51 =	vadd.f32 v3, v0  }
0x32e: {  	v54 =	vld [tilespmem:s17+$0x18060];
	[tilespmem:s17+$0x1A040] =	vst v1;
	v53 =	vadd.f32 v8, v7  }
0x32f: {  	v56 =	vld [tilespmem:s17+$0x1A060];
	v55 =	vadd.f32 v9, v7;
	[tilespmem:s17+$0x1C040] =	vst v51  }
0x330: {  	v58 =	vld [tilespmem:s17+$0x1C060];
	v57 =	vadd.f32 v48, v7;
	[tilespmem:s17+$0x16050] =	vst v53  }
0x331: {  	v59 =	vadd.f32 v49, v7;
	[tilespmem:s17+$0x18050] =	vst v55  }
0x332: {  	v60 =	vadd.f32 v52, v50;
	[tilespmem:s17+$0x1A050] =	vst v57  }
0x333: {  	v61 =	vadd.f32 v54, v50;
	[tilespmem:s17+$0x1C050] =	vst v59  }
0x334: {  	v62 =	vadd.f32 v56, v50;
	[tilespmem:s17+$0x16060] =	vst v60  }
0x335: {  	v63 =	vadd.f32 v58, v50;
	[tilespmem:s17+$0x18060] =	vst v61  }
0x336: {  	[tilespmem:s17+$0x1A060] =	vst v62  }
0x337: {  	[tilespmem:s17+$0x1C060] =	vst v63  }
0x338: {  	s17 =	rddreg [dreg:$0x1d]  }
0x339: {  	[hbm4b:s17+s2] =	stream.linear.scatter [tilespmem:s7], [sflag:$0x6], $0x2000, $0x38;
	[tilespmem:$0x1E000] =	vst v63  }
0x33a: {  	_ = 	snop  }
0x33b: {  	[hbm4b:s24+s2] =	stream.linear.scatter [tilespmem:s8], [sflag:$0x6], $0x2000, $0x38;
	[tilespmem:$0x1E000] =	vst v63  }
0x33c: {  	_ = 	snop  }
0x33d: {  	[hbm4b:s25+s2] =	stream.linear.scatter [tilespmem:s6], [sflag:$0x6], $0x2000, $0x38;
	[tilespmem:$0x1E000] =	vst v63  }
0x33e: {  	_ = 	snop  }
0x33f: {  	[hbm4b:s26+s2] =	stream.linear.scatter [tilespmem:s9], [sflag:$0x6], $0x2000, $0x38;
	[tilespmem:$0x1E000] =	vst v63  }
0x340: {  	_ =	swait.ge [sflag:s13], $0x2000  }
0x341: {  	[sflag:s13] =	ssyncset.done $0x0  }
0x342: {  	[sflag:s13] =	ssyncadd.s32 $0xFFFFE000  }
0x343: {  	_ =	swait.ge [sflag:s13], $0x2000  }
0x344: {  	[sflag:s13] =	ssyncset.done $0x0  }
0x345: {  	[sflag:s13] =	ssyncadd.s32 $0xFFFFE000  }
0x346: {  	_ =	swait.ge [sflag:s13], $0x2000  }
0x347: {  	[sflag:s13] =	ssyncset.done $0x0  }
0x348: {  	[sflag:s13] =	ssyncadd.s32 $0xFFFFE000  }
0x349: {  	_ =	swait.ge [sflag:s13], $0x2000  }
0x34a: {  	[sflag:s13] =	ssyncset.done $0x0  }
0x34b: {  	[sflag:s13] =	ssyncadd.s32 $0xFFFFE000  }
0x34c: {  	_ =	swait.ge [sflag:s15], $0x2000  }
0x34d: {  	[sflag:s15] =	ssyncset.done $0x0  }
0x34e: {  	[sflag:s15] =	ssyncadd.s32 $0xFFFFE000  }
0x34f: {  	_ =	swait.ge [sflag:s15], $0x2000  }
0x350: {  	[sflag:s15] =	ssyncset.done $0x0  }
0x351: {  	s16 =	sadd.s32 $0x1, s16;
	[sflag:s15] =	ssyncadd.s32 $0xFFFFE000  }
0x352: {  	p0 =	sne.s32 s16, s28;
	_ =	swait.ge [sflag:s15], $0x2000  }
.Ltmp6:
0x353: {  	[sflag:s15] =	ssyncset.done $0x0;
	(pc) =	sbr.rel @p0 .LBB2_1-.Ltmp6, $4  }
0x354: {  	[sflag:s15] =	ssyncadd.s32 $0xFFFFE000  }
0x355: {  	_ =	swait.ge [sflag:s15], $0x2000  }
0x356: {  	[sflag:s15] =	ssyncset.done $0x0  }
0x357: {  	[sflag:s15] =	ssyncadd.s32 $0xFFFFE000  }
0x358: {  	_ =	sfence.sel $0x180000  }
0x359: {  	[bflag:$0x0] =	sbarrier.arrive $0xFFFF  }
0x35a: {  	_ =	strace $0x90000047  }
0x35b: {  	s0 =	stileid.u32;
	[bflag:$0x2] =	sbarrier.arrive $0xFFFF  }
0x35c: {  	p0 =	sne.s32 s0, $0x0;
	s0 =	rddreg [dreg:$0x3]  }
0x35d: {  	s0 =	sadd.s32 @!p0 $0x100000, s0  }
0x35e: {  	[sflag:s0] =	ssyncadd.tile.s32 @!p0 $0x1;
	_ =	shalt  }
.Lfunc_end2:
_tile_overlayer_lowered:
.L_overlay_start_2:
0x35f: {  	(tag) =	ssettag $0x2  }
0x360: {  	s0 =	rddreg [dreg:$0x0];
	s2 =	stileid.u32  }
0x361: {  	s1 =	rddreg [dreg:$0x1];
	p0 =	sne.s32 s2, $0x0  }
0x362: {  	s3 =	rddreg [dreg:$0x2];
	[bflag:$0x3] =	sbarrier.arrive $0xFFFF;
	s2 =	simm.s32 @!p0 $0x1C07  }
0x363: {  	[timem:s3], [sflag:s2] =	dma.local @!p0 [hbm:s0], s1  }
0x364: {  	s0 =	simm.s32 @!p0 $0x7  }
0x365: {  	_ =	swait.ge @!p0 [sflag:s0], s1  }
0x366: {  	s1 =	ssub.s32 @!p0 $0x0, s1;
	[sflag:s0] =	ssyncset.done @!p0 $0x0  }
0x367: {  	[sflag:s0] =	ssyncadd.s32 @!p0 s1  }
0x368: {  	[bflag:$0x3] =	sbarrier.arrive $0xFFFF  }
0x369: {  	_ =	shalt  }

</sc_bundles>
